<compile_context>
chip_gen: v7x
topology: tpu7x:2x2x1
jax: 0.10.2.dev20260603
libtpu: 0.0.44.dev20260713+nightly
codegen_flags: <defaults>
</compile_context>

<pallas_src>
import functools

import jax
import jax.numpy as jnp
from jax import lax
from jax.experimental import pallas as pl
from jax.experimental.pallas import tpu as pltpu
from jax.experimental.pallas import tpu_sc as plsc

N = 10000
E = 320000
DF = 128
DH = 128
DC = 40
DP = 48
NPAD = 10240
KCH = 10

NS = 16
CHUNK = 128
NCHUNK = 157
EPAD = NS * NCHUNK * CHUNK
ROWS_T = NPAD // NS
DEGW = 8

_mesh = plsc.VectorSubcoreMesh(core_axis_name="c", subcore_axis_name="s")
_sc_params = pltpu.CompilerParams(use_tc_tiling_on_sc=False)


def _coeffs(temp):
    kp1 = temp.shape[0]
    kc = kp1 - 1
    j = jnp.arange(kp1, dtype=jnp.float32)
    xj = jnp.cos((kc - j + 0.5) * jnp.pi / (kc + 1))
    i = jnp.arange(kp1, dtype=jnp.float32)
    tmat = jnp.cos(i[:, None] * jnp.arccos(xj)[None, :])
    return (2.0 / (kc + 1)) * (tmat @ jax.nn.relu(temp))


def _zero_my_slice(zer_v, acc_sh, sid, width_rows):
    full, rem = divmod(ROWS_T, width_rows)
    for j in range(full):
        pltpu.sync_copy(zer_v, acc_sh.at[pl.ds(sid * ROWS_T + j * width_rows,
                                               width_rows)])
    if rem:
        pltpu.sync_copy(zer_v.at[pl.ds(0, rem)],
                        acc_sh.at[pl.ds(sid * ROWS_T + full * width_rows, rem)])



@functools.partial(
    pl.kernel,
    out_type=jax.ShapeDtypeStruct((NPAD, DEGW), jnp.float32),
    mesh=_mesh,
    scratch_types=[
        pltpu.VMEM((NCHUNK, CHUNK), jnp.int32),
        pltpu.VMEM((CHUNK, DEGW), jnp.float32),
        pltpu.VMEM((CHUNK, DEGW), jnp.float32),
        pltpu.VMEM_SHARED((NPAD, DEGW), jnp.float32),
    ],
    compiler_params=_sc_params,
)
def _sc_degree(dst_hbm, ones_hbm, zeros_hbm, deg_hbm,
               dst_v, ones_v, zer_v, acc_sh):
    cid = lax.axis_index("c")
    sid = lax.axis_index("s")

    @pl.when(cid == 0)
    def _():
        pltpu.sync_copy(dst_hbm.at[sid], dst_v)
        pltpu.sync_copy(ones_hbm, ones_v)
        pltpu.sync_copy(zeros_hbm, zer_v)
        _zero_my_slice(zer_v, acc_sh, sid, CHUNK)
        plsc.subcore_barrier()

        def body(i, carry):
            pltpu.sync_copy(ones_v, acc_sh.at[dst_v.at[i]], add=True)
            return carry

        lax.fori_loop(0, NCHUNK, body, 0)
        plsc.subcore_barrier()
        pltpu.sync_copy(acc_sh.at[pl.ds(sid * ROWS_T, ROWS_T)],
                        deg_hbm.at[pl.ds(sid * ROWS_T, ROWS_T)])



@functools.partial(
    pl.kernel,
    out_type=jax.ShapeDtypeStruct((NPAD, DP), jnp.float32),
    mesh=_mesh,
    scratch_types=[
        pltpu.VMEM((NCHUNK, CHUNK), jnp.int32),
        pltpu.VMEM((NCHUNK, CHUNK), jnp.int32),
        pltpu.VMEM((CHUNK, DP), jnp.float32),
        pltpu.VMEM((CHUNK, DP), jnp.float32),
        pltpu.VMEM_SHARED((NPAD, DP), jnp.float32),
    ],
    compiler_params=_sc_params,
)
def _sc_round(src_hbm, dst_hbm, u_hbm, zeros_hbm, s_hbm,
              src_v, dst_v, rows_v, zer_v, s_sh):
    cid = lax.axis_index("c")
    sid = lax.axis_index("s")

    @pl.when(cid == 0)
    def _():
        pltpu.sync_copy(src_hbm.at[sid], src_v)
        pltpu.sync_copy(dst_hbm.at[sid], dst_v)
        pltpu.sync_copy(zeros_hbm, zer_v)
        _zero_my_slice(zer_v, s_sh, sid, CHUNK)
        plsc.subcore_barrier()

        def body(i, carry):
            pltpu.sync_copy(u_hbm.at[src_v.at[i]], rows_v)
            pltpu.sync_copy(rows_v, s_sh.at[dst_v.at[i]], add=True)
            return carry

        lax.fori_loop(0, NCHUNK, body, 0)
        plsc.subcore_barrier()
        pltpu.sync_copy(s_sh.at[pl.ds(sid * ROWS_T, ROWS_T)],
                        s_hbm.at[pl.ds(sid * ROWS_T, ROWS_T)])



_BR = 1024
_GRID = NPAD // _BR


def _row_spec(width):
    return pl.BlockSpec((_BR, width), lambda i: (i, 0))


def _full_spec(shape):
    return pl.BlockSpec(shape, lambda i: (0,) * len(shape))


def _smem_spec():
    return pl.BlockSpec(memory_space=pltpu.SMEM)


def _mlp_body(x_ref, w1_ref, b1_ref, w2_ref, b2_ref, deg_ref,
              h_ref, dinv_ref, u0_ref):
    hb = jnp.maximum(
        jnp.dot(x_ref[...], w1_ref[...], preferred_element_type=jnp.float32)
        + b1_ref[...], 0.0)
    hb = (jnp.dot(hb, w2_ref[...], preferred_element_type=jnp.float32)
          + b2_ref[...])
    deg = deg_ref[...][:, 0:1]
    dinv = jnp.where(deg > 0, lax.rsqrt(jnp.maximum(deg, 1e-12)), 0.0)
    dinv48 = dinv * jnp.ones((1, DP), jnp.float32)
    h_ref[...] = hb
    dinv_ref[...] = dinv48
    u0_ref[...] = hb * dinv48


def _tc_mlp(x, W1, b1, W2p, b2p, deg8):
    out_t = [jax.ShapeDtypeStruct((NPAD, DP), jnp.float32)] * 3
    return pl.pallas_call(
        _mlp_body,
        grid=(_GRID,),
        in_specs=[_row_spec(DF), _full_spec((DF, DH)), _full_spec((1, DH)),
                  _full_spec((DH, DP)), _full_spec((1, DP)), _row_spec(DEGW)],
        out_specs=[_row_spec(DP)] * 3,
        out_shape=out_t,
    )(x, W1, b1.reshape(1, DH), W2p, b2p.reshape(1, DP), deg8)


def _round1_body(s_ref, h_ref, dinv_ref, c_ref, tx_ref, out_ref, u_ref):
    tx1 = -dinv_ref[...] * s_ref[...]
    tx_ref[...] = tx1
    out_ref[...] = c_ref[0] * h_ref[...] + c_ref[1] * tx1
    u_ref[...] = dinv_ref[...] * tx1


def _tc_round1(s, h, dinv48, c01):
    out_t = [jax.ShapeDtypeStruct((NPAD, DP), jnp.float32)] * 3
    return pl.pallas_call(
        _round1_body,
        grid=(_GRID,),
        in_specs=[_row_spec(DP), _row_spec(DP), _row_spec(DP), _smem_spec()],
        out_specs=[_row_spec(DP)] * 3,
        out_shape=out_t,
    )(s, h, dinv48, c01)


def _roundk_body(s_ref, tx0_ref, acc_ref, dinv_ref, c_ref,
                 tx_ref, out_ref, u_ref):
    tx2 = -2.0 * dinv_ref[...] * s_ref[...] - tx0_ref[...]
    tx_ref[...] = tx2
    out_ref[...] = acc_ref[...] + c_ref[0] * tx2
    u_ref[...] = dinv_ref[...] * tx2


def _tc_roundk(s, tx0, acc, dinv48, ck):
    out_t = [jax.ShapeDtypeStruct((NPAD, DP), jnp.float32)] * 3
    return pl.pallas_call(
        _roundk_body,
        grid=(_GRID,),
        in_specs=[_row_spec(DP), _row_spec(DP), _row_spec(DP), _row_spec(DP),
                  _smem_spec()],
        out_specs=[_row_spec(DP)] * 3,
        out_shape=out_t,
    )(s, tx0, acc, dinv48, ck)



def kernel(x, edge_index, epoch, W1, b1, W2, b2, temp):
    del epoch
    coe = _coeffs(temp)
    xp = jnp.pad(x, ((0, NPAD - N), (0, 0)))

    src = edge_index[0].astype(jnp.int32)
    dst = edge_index[1].astype(jnp.int32)
    pad = EPAD - E
    src_t = jnp.concatenate([src, jnp.zeros((pad,), jnp.int32)]
                            ).reshape(NS, NCHUNK, CHUNK)
    dst_t = jnp.concatenate([dst, jnp.full((pad,), N, jnp.int32)]
                            ).reshape(NS, NCHUNK, CHUNK)

    ones_c = jnp.tile(
        jnp.eye(1, DEGW, dtype=jnp.float32), (CHUNK, 1))
    zeros8_c = jnp.zeros((CHUNK, DEGW), jnp.float32)
    zeros48_c = jnp.zeros((CHUNK, DP), jnp.float32)

    W2p = jnp.pad(W2, ((0, 0), (0, DP - DC)))
    b2p = jnp.pad(b2, (0, DP - DC))

    deg8 = _sc_degree(dst_t, ones_c, zeros8_c)
    h, dinv48, u = _tc_mlp(xp, W1, b1, W2p, b2p, deg8)

    s = _sc_round(src_t, dst_t, u, zeros48_c)
    c01 = jnp.stack([coe[0] / 2.0, coe[1]])
    tx1, out, u = _tc_round1(s, h, dinv48, c01)

    tx0 = h
    txprev = tx1
    for k in range(2, KCH + 1):
        s = _sc_round(src_t, dst_t, u, zeros48_c)
        txk, out, u = _tc_roundk(s, tx0, out, dinv48, coe[k].reshape(1))
        tx0, txprev = txprev, txk

    return out[:N, :DC]

# --- scband reference (transcript-rebuilt; emitter-appended) ---
"""Pipeline reference for scband-cheb-net-ii-65163243815286 (READ-ONLY COPY).

The authoritative reference and input builder live on the scoring server;
editing this copy changes nothing except your own understanding.
"""

import jax, jax.numpy as jnp
import numpy as np

N_NODES = 10000
N_EDGES = 320000
D_FEAT = 128
HIDDEN = 128
N_CLASSES = 40
K = 10


def setup_inputs(seed: int = 0) -> dict:
    key = jax.random.key(seed)
    k1, k2, k3, k4, k5, k6, k7 = jax.random.split(key, 7)
    x = jax.random.normal(k1, (N_NODES, D_FEAT), dtype=jnp.float32)
    edge_index = jax.random.randint(k2, (2, N_EDGES), 0, N_NODES, dtype=jnp.int64)
    W1 = jax.random.normal(k3, (D_FEAT, HIDDEN), dtype=jnp.float32) * (1.0 / np.sqrt(D_FEAT))
    b1 = jnp.zeros((HIDDEN,), dtype=jnp.float32)
    W2 = jax.random.normal(k4, (HIDDEN, N_CLASSES), dtype=jnp.float32) * (1.0 / np.sqrt(HIDDEN))
    b2 = jnp.zeros((N_CLASSES,), dtype=jnp.float32)
    temp = jnp.ones((K + 1,), dtype=jnp.float32)  # ChebNetII resets temp to 1.0
    epoch = 1
    return {"x": x, "edge_index": edge_index, "epoch": epoch,
            "W1": W1, "b1": b1, "W2": W2, "b2": b2, "temp": temp}


def _cheb_coefficients(temp):
    # Chebyshev interpolation at Chebyshev nodes x_j = cos((K - j + 0.5)*pi/(K+1))
    Kp1 = temp.shape[0]
    Kc = Kp1 - 1
    j = jnp.arange(Kp1, dtype=jnp.float32)
    xj = jnp.cos((Kc - j + 0.5) * jnp.pi / (Kc + 1))
    i = jnp.arange(Kp1, dtype=jnp.float32)
    # T_i(x_j) = cos(i * arccos(x_j)) since |x_j| < 1
    Tmat = jnp.cos(i[:, None] * jnp.arccos(xj)[None, :])
    coe = (2.0 / (Kc + 1)) * (Tmat @ jax.nn.relu(temp))
    return coe


def reference(x, edge_index, epoch, W1, b1, W2, b2, temp):
    # MLP part (dropout is identity in eval mode)
    h = jnp.maximum(x @ W1 + b1, 0.0)
    h = h @ W2 + b2

    # ChebnetII_prop: L_tilde = L_sym - I = -D^{-1/2} A D^{-1/2} (lambda_max=2)
    src = edge_index[0]
    dst = edge_index[1]
    N = x.shape[0]
    deg = jnp.zeros((N,), dtype=jnp.float32).at[dst].add(1.0)
    dinv = jnp.where(deg > 0, jax.lax.rsqrt(jnp.maximum(deg, 1e-12)), 0.0)
    norm = -(dinv[src] * dinv[dst])  # negative normalized adjacency weights

    def prop(z):
        return jnp.zeros_like(z).at[dst].add(norm[:, None] * z[src])

    coe = _cheb_coefficients(temp)
    Kc = temp.shape[0] - 1
    Tx0 = h
    Tx1 = prop(h)
    out = coe[0] / 2.0 * Tx0 + coe[1] * Tx1
    for k in range(2, Kc + 1):
        Tx2 = 2.0 * prop(Tx1) - Tx0
        out = out + coe[k] * Tx2
        Tx0, Tx1 = Tx1, Tx2
    return out

if __name__ == "__main__":
    import jax
    _d = setup_inputs()
    print(jax.jit(kernel)(*tuple(_d.values())))

</pallas_src>

<mosaic_0001>
#map = affine_map<(d0, d1) -> (0, 0, 0)>
#map1 = affine_map<(d0, d1) -> (0, 0)>
module attributes {stable_mosaic.version = 14 : i64} {
  func.func @_sc_round(%arg0: i32, %arg1: i32, %arg2: memref<16x157x128xi32, #tpu.memory_space<hbm>>, %arg3: memref<16x157x128xi32, #tpu.memory_space<hbm>>, %arg4: memref<10240x48xf32, #tpu.memory_space<hbm>>, %arg5: memref<128x48xf32, #tpu.memory_space<hbm>>, %arg6: memref<10240x48xf32, #tpu.memory_space<hbm>>, %arg7: memref<157x128xi32, #tpu.memory_space<vmem>>, %arg8: memref<157x128xi32, #tpu.memory_space<vmem>>, %arg9: memref<128x48xf32, #tpu.memory_space<vmem>>, %arg10: memref<128x48xf32, #tpu.memory_space<vmem>>, %arg11: memref<10240x48xf32, #tpu.memory_space<vmem_shared>>) attributes {dimension_semantics = [#tpu.dimension_semantics<core_parallel>, #tpu.dimension_semantics<subcore_parallel>], iteration_bounds = array<i64: 2, 16>, scalar_prefetch = 0 : i64, scratch_operands = 5 : i64, tpu.core_type = #tpu.core_type<sc_vector_subcore>, window_params = [{transform_indices = #map}, {transform_indices = #map}, {transform_indices = #map1}, {transform_indices = #map1}, {transform_indices = #map1}]} {
    %eq3A = arith.constant 0 : i32
    %eq3A_0 = arith.cmpi eq, %arg0, %eq3A : i32
    %convert_element_type3A = arith.extui %eq3A_0 : i1 to i32
    %cond3A = arith.constant 0 : i32
    %cond3A_1 = arith.cmpi ne, %convert_element_type3A, %cond3A : i32
    scf.if %cond3A_1 {
      "tpu.region"() ({
        %run_scoped3A = tpu.sem_alloc : memref<!tpu.dma_semaphore, #tpu.memory_space<semaphore_mem>>
        %dma_start3A = arith.constant 0 : i32
        %dma_start3A_30 = arith.constant 0 : i32
        %dma_start3A_31 = tpu.memref_slice %arg2[%arg1, %dma_start3A, %dma_start3A_30] : memref<16x157x128xi32, #tpu.memory_space<hbm>> -> memref<1x157x128xi32, #tpu.memory_space<hbm>>
        %dma_start3A_32 = tpu.memref_squeeze %dma_start3A_31 : memref<1x157x128xi32, #tpu.memory_space<hbm>> -> memref<157x128xi32, #tpu.memory_space<hbm>>
        %dma_start3A_33 = arith.constant 0 : i32
        %dma_start3A_34 = arith.constant 0 : i32
        %dma_start3A_35 = tpu.memref_slice %arg2[%arg1, %dma_start3A_33, %dma_start3A_34] : memref<16x157x128xi32, #tpu.memory_space<hbm>> -> memref<1x157x128xi32, #tpu.memory_space<hbm>>
        %dma_start3A_36 = tpu.memref_squeeze %dma_start3A_35 : memref<1x157x128xi32, #tpu.memory_space<hbm>> -> memref<157x128xi32, #tpu.memory_space<hbm>>
        tpu.enqueue_dma source(%dma_start3A_36 : memref<157x128xi32, #tpu.memory_space<hbm>>) target(%arg7 : memref<157x128xi32, #tpu.memory_space<vmem>>) target_semaphore(%run_scoped3A : memref<!tpu.dma_semaphore, #tpu.memory_space<semaphore_mem>>)
        %dma_wait3A = arith.constant 0 : i32
        %dma_wait3A_37 = arith.constant 0 : i32
        %dma_wait3A_38 = tpu.memref_slice %arg2[%arg1, %dma_wait3A, %dma_wait3A_37] : memref<16x157x128xi32, #tpu.memory_space<hbm>> -> memref<1x157x128xi32, #tpu.memory_space<hbm>>
        %dma_wait3A_39 = tpu.memref_squeeze %dma_wait3A_38 : memref<1x157x128xi32, #tpu.memory_space<hbm>> -> memref<157x128xi32, #tpu.memory_space<hbm>>
        %dma_wait3A_40 = arith.constant 0 : i32
        %dma_wait3A_41 = arith.constant 0 : i32
        %dma_wait3A_42 = tpu.memref_slice %arg2[%arg1, %dma_wait3A_40, %dma_wait3A_41] : memref<16x157x128xi32, #tpu.memory_space<hbm>> -> memref<1x157x128xi32, #tpu.memory_space<hbm>>
        %dma_wait3A_43 = tpu.memref_squeeze %dma_wait3A_42 : memref<1x157x128xi32, #tpu.memory_space<hbm>> -> memref<157x128xi32, #tpu.memory_space<hbm>>
        tpu.wait_dma2 semaphore(%run_scoped3A : memref<!tpu.dma_semaphore, #tpu.memory_space<semaphore_mem>>) src(%dma_wait3A_43 : memref<157x128xi32, #tpu.memory_space<hbm>>) dst(%arg7 : memref<157x128xi32, #tpu.memory_space<vmem>>)
        tpu.yield
      }) : () -> ()
      "tpu.region"() ({
        %run_scoped3A = tpu.sem_alloc : memref<!tpu.dma_semaphore, #tpu.memory_space<semaphore_mem>>
        %dma_start3A = arith.constant 0 : i32
        %dma_start3A_30 = arith.constant 0 : i32
        %dma_start3A_31 = tpu.memref_slice %arg3[%arg1, %dma_start3A, %dma_start3A_30] : memref<16x157x128xi32, #tpu.memory_space<hbm>> -> memref<1x157x128xi32, #tpu.memory_space<hbm>>
        %dma_start3A_32 = tpu.memref_squeeze %dma_start3A_31 : memref<1x157x128xi32, #tpu.memory_space<hbm>> -> memref<157x128xi32, #tpu.memory_space<hbm>>
        %dma_start3A_33 = arith.constant 0 : i32
        %dma_start3A_34 = arith.constant 0 : i32
        %dma_start3A_35 = tpu.memref_slice %arg3[%arg1, %dma_start3A_33, %dma_start3A_34] : memref<16x157x128xi32, #tpu.memory_space<hbm>> -> memref<1x157x128xi32, #tpu.memory_space<hbm>>
        %dma_start3A_36 = tpu.memref_squeeze %dma_start3A_35 : memref<1x157x128xi32, #tpu.memory_space<hbm>> -> memref<157x128xi32, #tpu.memory_space<hbm>>
        tpu.enqueue_dma source(%dma_start3A_36 : memref<157x128xi32, #tpu.memory_space<hbm>>) target(%arg8 : memref<157x128xi32, #tpu.memory_space<vmem>>) target_semaphore(%run_scoped3A : memref<!tpu.dma_semaphore, #tpu.memory_space<semaphore_mem>>)
        %dma_wait3A = arith.constant 0 : i32
        %dma_wait3A_37 = arith.constant 0 : i32
        %dma_wait3A_38 = tpu.memref_slice %arg3[%arg1, %dma_wait3A, %dma_wait3A_37] : memref<16x157x128xi32, #tpu.memory_space<hbm>> -> memref<1x157x128xi32, #tpu.memory_space<hbm>>
        %dma_wait3A_39 = tpu.memref_squeeze %dma_wait3A_38 : memref<1x157x128xi32, #tpu.memory_space<hbm>> -> memref<157x128xi32, #tpu.memory_space<hbm>>
        %dma_wait3A_40 = arith.constant 0 : i32
        %dma_wait3A_41 = arith.constant 0 : i32
        %dma_wait3A_42 = tpu.memref_slice %arg3[%arg1, %dma_wait3A_40, %dma_wait3A_41] : memref<16x157x128xi32, #tpu.memory_space<hbm>> -> memref<1x157x128xi32, #tpu.memory_space<hbm>>
        %dma_wait3A_43 = tpu.memref_squeeze %dma_wait3A_42 : memref<1x157x128xi32, #tpu.memory_space<hbm>> -> memref<157x128xi32, #tpu.memory_space<hbm>>
        tpu.wait_dma2 semaphore(%run_scoped3A : memref<!tpu.dma_semaphore, #tpu.memory_space<semaphore_mem>>) src(%dma_wait3A_43 : memref<157x128xi32, #tpu.memory_space<hbm>>) dst(%arg8 : memref<157x128xi32, #tpu.memory_space<vmem>>)
        tpu.yield
      }) : () -> ()
      "tpu.region"() ({
        %run_scoped3A = tpu.sem_alloc : memref<!tpu.dma_semaphore, #tpu.memory_space<semaphore_mem>>
        tpu.enqueue_dma source(%arg5 : memref<128x48xf32, #tpu.memory_space<hbm>>) target(%arg10 : memref<128x48xf32, #tpu.memory_space<vmem>>) target_semaphore(%run_scoped3A : memref<!tpu.dma_semaphore, #tpu.memory_space<semaphore_mem>>)
        tpu.wait_dma2 semaphore(%run_scoped3A : memref<!tpu.dma_semaphore, #tpu.memory_space<semaphore_mem>>) src(%arg5 : memref<128x48xf32, #tpu.memory_space<hbm>>) dst(%arg10 : memref<128x48xf32, #tpu.memory_space<vmem>>)
        tpu.yield
      }) : () -> ()
      %mul3A = arith.constant 640 : i32
      %mul3A_2 = arith.muli %arg1, %mul3A : i32
      %add3A = arith.constant 0 : i32
      %add3A_3 = arith.addi %mul3A_2, %add3A : i32
      "tpu.region"() ({
        %run_scoped3A = tpu.sem_alloc : memref<!tpu.dma_semaphore, #tpu.memory_space<semaphore_mem>>
        %dma_start3A = arith.constant 0 : i32
        %dma_start3A_30 = tpu.memref_slice %arg11[%add3A_3, %dma_start3A] : memref<10240x48xf32, #tpu.memory_space<vmem_shared>> -> memref<128x48xf32, #tpu.memory_space<vmem_shared>>
        %dma_start3A_31 = arith.constant 0 : i32
        %dma_start3A_32 = tpu.memref_slice %arg11[%add3A_3, %dma_start3A_31] : memref<10240x48xf32, #tpu.memory_space<vmem_shared>> -> memref<128x48xf32, #tpu.memory_space<vmem_shared>>
        tpu.enqueue_dma source(%arg10 : memref<128x48xf32, #tpu.memory_space<vmem>>) target(%dma_start3A_32 : memref<128x48xf32, #tpu.memory_space<vmem_shared>>) target_semaphore(%run_scoped3A : memref<!tpu.dma_semaphore, #tpu.memory_space<semaphore_mem>>)
        %dma_wait3A = arith.constant 0 : i32
        %dma_wait3A_33 = tpu.memref_slice %arg11[%add3A_3, %dma_wait3A] : memref<10240x48xf32, #tpu.memory_space<vmem_shared>> -> memref<128x48xf32, #tpu.memory_space<vmem_shared>>
        %dma_wait3A_34 = arith.constant 0 : i32
        %dma_wait3A_35 = tpu.memref_slice %arg11[%add3A_3, %dma_wait3A_34] : memref<10240x48xf32, #tpu.memory_space<vmem_shared>> -> memref<128x48xf32, #tpu.memory_space<vmem_shared>>
        tpu.wait_dma2 semaphore(%run_scoped3A : memref<!tpu.dma_semaphore, #tpu.memory_space<semaphore_mem>>) src(%arg10 : memref<128x48xf32, #tpu.memory_space<vmem>>) dst(%dma_wait3A_35 : memref<128x48xf32, #tpu.memory_space<vmem_shared>>)
        tpu.yield
      }) : () -> ()
      %mul3A_4 = arith.constant 640 : i32
      %mul3A_5 = arith.muli %arg1, %mul3A_4 : i32
      %add3A_6 = arith.constant 128 : i32
      %add3A_7 = arith.addi %mul3A_5, %add3A_6 : i32
      "tpu.region"() ({
        %run_scoped3A = tpu.sem_alloc : memref<!tpu.dma_semaphore, #tpu.memory_space<semaphore_mem>>
        %dma_start3A = arith.constant 0 : i32
        %dma_start3A_30 = tpu.memref_slice %arg11[%add3A_7, %dma_start3A] : memref<10240x48xf32, #tpu.memory_space<vmem_shared>> -> memref<128x48xf32, #tpu.memory_space<vmem_shared>>
        %dma_start3A_31 = arith.constant 0 : i32
        %dma_start3A_32 = tpu.memref_slice %arg11[%add3A_7, %dma_start3A_31] : memref<10240x48xf32, #tpu.memory_space<vmem_shared>> -> memref<128x48xf32, #tpu.memory_space<vmem_shared>>
        tpu.enqueue_dma source(%arg10 : memref<128x48xf32, #tpu.memory_space<vmem>>) target(%dma_start3A_32 : memref<128x48xf32, #tpu.memory_space<vmem_shared>>) target_semaphore(%run_scoped3A : memref<!tpu.dma_semaphore, #tpu.memory_space<semaphore_mem>>)
        %dma_wait3A = arith.constant 0 : i32
        %dma_wait3A_33 = tpu.memref_slice %arg11[%add3A_7, %dma_wait3A] : memref<10240x48xf32, #tpu.memory_space<vmem_shared>> -> memref<128x48xf32, #tpu.memory_space<vmem_shared>>
        %dma_wait3A_34 = arith.constant 0 : i32
        %dma_wait3A_35 = tpu.memref_slice %arg11[%add3A_7, %dma_wait3A_34] : memref<10240x48xf32, #tpu.memory_space<vmem_shared>> -> memref<128x48xf32, #tpu.memory_space<vmem_shared>>
        tpu.wait_dma2 semaphore(%run_scoped3A : memref<!tpu.dma_semaphore, #tpu.memory_space<semaphore_mem>>) src(%arg10 : memref<128x48xf32, #tpu.memory_space<vmem>>) dst(%dma_wait3A_35 : memref<128x48xf32, #tpu.memory_space<vmem_shared>>)
        tpu.yield
      }) : () -> ()
      %mul3A_8 = arith.constant 640 : i32
      %mul3A_9 = arith.muli %arg1, %mul3A_8 : i32
      %add3A_10 = arith.constant 256 : i32
      %add3A_11 = arith.addi %mul3A_9, %add3A_10 : i32
      "tpu.region"() ({
        %run_scoped3A = tpu.sem_alloc : memref<!tpu.dma_semaphore, #tpu.memory_space<semaphore_mem>>
        %dma_start3A = arith.constant 0 : i32
        %dma_start3A_30 = tpu.memref_slice %arg11[%add3A_11, %dma_start3A] : memref<10240x48xf32, #tpu.memory_space<vmem_shared>> -> memref<128x48xf32, #tpu.memory_space<vmem_shared>>
        %dma_start3A_31 = arith.constant 0 : i32
        %dma_start3A_32 = tpu.memref_slice %arg11[%add3A_11, %dma_start3A_31] : memref<10240x48xf32, #tpu.memory_space<vmem_shared>> -> memref<128x48xf32, #tpu.memory_space<vmem_shared>>
        tpu.enqueue_dma source(%arg10 : memref<128x48xf32, #tpu.memory_space<vmem>>) target(%dma_start3A_32 : memref<128x48xf32, #tpu.memory_space<vmem_shared>>) target_semaphore(%run_scoped3A : memref<!tpu.dma_semaphore, #tpu.memory_space<semaphore_mem>>)
        %dma_wait3A = arith.constant 0 : i32
        %dma_wait3A_33 = tpu.memref_slice %arg11[%add3A_11, %dma_wait3A] : memref<10240x48xf32, #tpu.memory_space<vmem_shared>> -> memref<128x48xf32, #tpu.memory_space<vmem_shared>>
        %dma_wait3A_34 = arith.constant 0 : i32
        %dma_wait3A_35 = tpu.memref_slice %arg11[%add3A_11, %dma_wait3A_34] : memref<10240x48xf32, #tpu.memory_space<vmem_shared>> -> memref<128x48xf32, #tpu.memory_space<vmem_shared>>
        tpu.wait_dma2 semaphore(%run_scoped3A : memref<!tpu.dma_semaphore, #tpu.memory_space<semaphore_mem>>) src(%arg10 : memref<128x48xf32, #tpu.memory_space<vmem>>) dst(%dma_wait3A_35 : memref<128x48xf32, #tpu.memory_space<vmem_shared>>)
        tpu.yield
      }) : () -> ()
      %mul3A_12 = arith.constant 640 : i32
      %mul3A_13 = arith.muli %arg1, %mul3A_12 : i32
      %add3A_14 = arith.constant 384 : i32
      %add3A_15 = arith.addi %mul3A_13, %add3A_14 : i32
      "tpu.region"() ({
        %run_scoped3A = tpu.sem_alloc : memref<!tpu.dma_semaphore, #tpu.memory_space<semaphore_mem>>
        %dma_start3A = arith.constant 0 : i32
        %dma_start3A_30 = tpu.memref_slice %arg11[%add3A_15, %dma_start3A] : memref<10240x48xf32, #tpu.memory_space<vmem_shared>> -> memref<128x48xf32, #tpu.memory_space<vmem_shared>>
        %dma_start3A_31 = arith.constant 0 : i32
        %dma_start3A_32 = tpu.memref_slice %arg11[%add3A_15, %dma_start3A_31] : memref<10240x48xf32, #tpu.memory_space<vmem_shared>> -> memref<128x48xf32, #tpu.memory_space<vmem_shared>>
        tpu.enqueue_dma source(%arg10 : memref<128x48xf32, #tpu.memory_space<vmem>>) target(%dma_start3A_32 : memref<128x48xf32, #tpu.memory_space<vmem_shared>>) target_semaphore(%run_scoped3A : memref<!tpu.dma_semaphore, #tpu.memory_space<semaphore_mem>>)
        %dma_wait3A = arith.constant 0 : i32
        %dma_wait3A_33 = tpu.memref_slice %arg11[%add3A_15, %dma_wait3A] : memref<10240x48xf32, #tpu.memory_space<vmem_shared>> -> memref<128x48xf32, #tpu.memory_space<vmem_shared>>
        %dma_wait3A_34 = arith.constant 0 : i32
        %dma_wait3A_35 = tpu.memref_slice %arg11[%add3A_15, %dma_wait3A_34] : memref<10240x48xf32, #tpu.memory_space<vmem_shared>> -> memref<128x48xf32, #tpu.memory_space<vmem_shared>>
        tpu.wait_dma2 semaphore(%run_scoped3A : memref<!tpu.dma_semaphore, #tpu.memory_space<semaphore_mem>>) src(%arg10 : memref<128x48xf32, #tpu.memory_space<vmem>>) dst(%dma_wait3A_35 : memref<128x48xf32, #tpu.memory_space<vmem_shared>>)
        tpu.yield
      }) : () -> ()
      %mul3A_16 = arith.constant 640 : i32
      %mul3A_17 = arith.muli %arg1, %mul3A_16 : i32
      %add3A_18 = arith.constant 512 : i32
      %add3A_19 = arith.addi %mul3A_17, %add3A_18 : i32
      "tpu.region"() ({
        %run_scoped3A = tpu.sem_alloc : memref<!tpu.dma_semaphore, #tpu.memory_space<semaphore_mem>>
        %dma_start3A = arith.constant 0 : i32
        %dma_start3A_30 = tpu.memref_slice %arg11[%add3A_19, %dma_start3A] : memref<10240x48xf32, #tpu.memory_space<vmem_shared>> -> memref<128x48xf32, #tpu.memory_space<vmem_shared>>
        %dma_start3A_31 = arith.constant 0 : i32
        %dma_start3A_32 = tpu.memref_slice %arg11[%add3A_19, %dma_start3A_31] : memref<10240x48xf32, #tpu.memory_space<vmem_shared>> -> memref<128x48xf32, #tpu.memory_space<vmem_shared>>
        tpu.enqueue_dma source(%arg10 : memref<128x48xf32, #tpu.memory_space<vmem>>) target(%dma_start3A_32 : memref<128x48xf32, #tpu.memory_space<vmem_shared>>) target_semaphore(%run_scoped3A : memref<!tpu.dma_semaphore, #tpu.memory_space<semaphore_mem>>)
        %dma_wait3A = arith.constant 0 : i32
        %dma_wait3A_33 = tpu.memref_slice %arg11[%add3A_19, %dma_wait3A] : memref<10240x48xf32, #tpu.memory_space<vmem_shared>> -> memref<128x48xf32, #tpu.memory_space<vmem_shared>>
        %dma_wait3A_34 = arith.constant 0 : i32
        %dma_wait3A_35 = tpu.memref_slice %arg11[%add3A_19, %dma_wait3A_34] : memref<10240x48xf32, #tpu.memory_space<vmem_shared>> -> memref<128x48xf32, #tpu.memory_space<vmem_shared>>
        tpu.wait_dma2 semaphore(%run_scoped3A : memref<!tpu.dma_semaphore, #tpu.memory_space<semaphore_mem>>) src(%arg10 : memref<128x48xf32, #tpu.memory_space<vmem>>) dst(%dma_wait3A_35 : memref<128x48xf32, #tpu.memory_space<vmem_shared>>)
        tpu.yield
      }) : () -> ()
      %barrier3A = arith.constant 0 : index
      tpu.barrier barrier_id(%barrier3A)
      %scan3A = arith.constant 0 : i32
      %scan3A_20 = arith.constant 0 : i32
      %scan3A_21 = arith.constant 157 : i32
      %scan3A_22 = arith.addi %scan3A_20, %scan3A_21 : i32
      %scan3A_23 = arith.constant 1 : i32
      scf.for %scan3A_30 = %scan3A_20 to %scan3A_22 step %scan3A_23  : i32 {
        "tpu.region"() ({
          %run_scoped3A = tpu.sem_alloc : memref<!tpu.dma_semaphore, #tpu.memory_space<semaphore_mem>>
          %dma_start3A = arith.constant 0 : i32
          %dma_start3A_31 = tpu.memref_slice %arg7[%scan3A_30, %dma_start3A] : memref<157x128xi32, #tpu.memory_space<vmem>> -> memref<1x128xi32, #tpu.memory_space<vmem>>
          %dma_start3A_32 = tpu.memref_squeeze %dma_start3A_31 : memref<1x128xi32, #tpu.memory_space<vmem>> -> memref<128xi32, #tpu.memory_space<vmem>>
          %dma_start3A_33 = arith.constant 0 : i32
          %dma_start3A_34 = arith.constant 0 : i32
          %dma_start3A_35 = tpu.memref_slice %arg4[%dma_start3A_33, %dma_start3A_34] : memref<10240x48xf32, #tpu.memory_space<hbm>> -> memref<10240x48xf32, #tpu.memory_space<hbm>>
          tpu.enqueue_indirect_dma source(%dma_start3A_35 : memref<10240x48xf32, #tpu.memory_space<hbm>>) target(%arg9 : memref<128x48xf32, #tpu.memory_space<vmem>>) offsets(%dma_start3A_32 : memref<128xi32, #tpu.memory_space<vmem>>) semaphore(%run_scoped3A : memref<!tpu.dma_semaphore, #tpu.memory_space<semaphore_mem>>)
          %dma_wait3A = arith.constant 0 : i32
          %dma_wait3A_36 = tpu.memref_slice %arg7[%scan3A_30, %dma_wait3A] : memref<157x128xi32, #tpu.memory_space<vmem>> -> memref<1x128xi32, #tpu.memory_space<vmem>>
          %dma_wait3A_37 = tpu.memref_squeeze %dma_wait3A_36 : memref<1x128xi32, #tpu.memory_space<vmem>> -> memref<128xi32, #tpu.memory_space<vmem>>
          %dma_wait3A_38 = arith.constant 0 : i32
          %dma_wait3A_39 = arith.constant 0 : i32
          %dma_wait3A_40 = tpu.memref_slice %arg4[%dma_wait3A_38, %dma_wait3A_39] : memref<10240x48xf32, #tpu.memory_space<hbm>> -> memref<10240x48xf32, #tpu.memory_space<hbm>>
          tpu.wait_indirect_dma semaphore(%run_scoped3A : memref<!tpu.dma_semaphore, #tpu.memory_space<semaphore_mem>>) src(%dma_wait3A_40 : memref<10240x48xf32, #tpu.memory_space<hbm>>) dst(%arg9 : memref<128x48xf32, #tpu.memory_space<vmem>>)
          tpu.yield
        }) : () -> ()
        "tpu.region"() ({
          %run_scoped3A = tpu.sem_alloc : memref<!tpu.dma_semaphore, #tpu.memory_space<semaphore_mem>>
          %dma_start3A = arith.constant 0 : i32
          %dma_start3A_31 = tpu.memref_slice %arg8[%scan3A_30, %dma_start3A] : memref<157x128xi32, #tpu.memory_space<vmem>> -> memref<1x128xi32, #tpu.memory_space<vmem>>
          %dma_start3A_32 = tpu.memref_squeeze %dma_start3A_31 : memref<1x128xi32, #tpu.memory_space<vmem>> -> memref<128xi32, #tpu.memory_space<vmem>>
          %dma_start3A_33 = arith.constant 0 : i32
          %dma_start3A_34 = arith.constant 0 : i32
          %dma_start3A_35 = tpu.memref_slice %arg11[%dma_start3A_33, %dma_start3A_34] : memref<10240x48xf32, #tpu.memory_space<vmem_shared>> -> memref<10240x48xf32, #tpu.memory_space<vmem_shared>>
          tpu.enqueue_indirect_dma source(%arg9 : memref<128x48xf32, #tpu.memory_space<vmem>>) target(%dma_start3A_35 : memref<10240x48xf32, #tpu.memory_space<vmem_shared>>) offsets(%dma_start3A_32 : memref<128xi32, #tpu.memory_space<vmem>>) semaphore(%run_scoped3A : memref<!tpu.dma_semaphore, #tpu.memory_space<semaphore_mem>>) {add = true}
          %dma_wait3A = arith.constant 0 : i32
          %dma_wait3A_36 = tpu.memref_slice %arg8[%scan3A_30, %dma_wait3A] : memref<157x128xi32, #tpu.memory_space<vmem>> -> memref<1x128xi32, #tpu.memory_space<vmem>>
          %dma_wait3A_37 = tpu.memref_squeeze %dma_wait3A_36 : memref<1x128xi32, #tpu.memory_space<vmem>> -> memref<128xi32, #tpu.memory_space<vmem>>
          %dma_wait3A_38 = arith.constant 0 : i32
          %dma_wait3A_39 = arith.constant 0 : i32
          %dma_wait3A_40 = tpu.memref_slice %arg11[%dma_wait3A_38, %dma_wait3A_39] : memref<10240x48xf32, #tpu.memory_space<vmem_shared>> -> memref<10240x48xf32, #tpu.memory_space<vmem_shared>>
          tpu.wait_indirect_dma semaphore(%run_scoped3A : memref<!tpu.dma_semaphore, #tpu.memory_space<semaphore_mem>>) src(%arg9 : memref<128x48xf32, #tpu.memory_space<vmem>>) dst(%dma_wait3A_40 : memref<10240x48xf32, #tpu.memory_space<vmem_shared>>)
          tpu.yield
        }) : () -> ()
      }
      %scan3A_24 = arith.constant 157 : i32
      %barrier3A_25 = arith.constant 0 : index
      tpu.barrier barrier_id(%barrier3A_25)
      %mul3A_26 = arith.constant 640 : i32
      %mul3A_27 = arith.muli %arg1, %mul3A_26 : i32
      %mul3A_28 = arith.constant 640 : i32
      %mul3A_29 = arith.muli %arg1, %mul3A_28 : i32
      "tpu.region"() ({
        %run_scoped3A = tpu.sem_alloc : memref<!tpu.dma_semaphore, #tpu.memory_space<semaphore_mem>>
        %dma_start3A = arith.constant 0 : i32
        %dma_start3A_30 = tpu.memref_slice %arg6[%mul3A_29, %dma_start3A] : memref<10240x48xf32, #tpu.memory_space<hbm>> -> memref<640x48xf32, #tpu.memory_space<hbm>>
        %dma_start3A_31 = arith.constant 0 : i32
        %dma_start3A_32 = tpu.memref_slice %arg11[%mul3A_27, %dma_start3A_31] : memref<10240x48xf32, #tpu.memory_space<vmem_shared>> -> memref<640x48xf32, #tpu.memory_space<vmem_shared>>
        tpu.enqueue_dma source(%dma_start3A_32 : memref<640x48xf32, #tpu.memory_space<vmem_shared>>) target(%dma_start3A_30 : memref<640x48xf32, #tpu.memory_space<hbm>>) target_semaphore(%run_scoped3A : memref<!tpu.dma_semaphore, #tpu.memory_space<semaphore_mem>>)
        %dma_wait3A = arith.constant 0 : i32
        %dma_wait3A_33 = tpu.memref_slice %arg6[%mul3A_29, %dma_wait3A] : memref<10240x48xf32, #tpu.memory_space<hbm>> -> memref<640x48xf32, #tpu.memory_space<hbm>>
        %dma_wait3A_34 = arith.constant 0 : i32
        %dma_wait3A_35 = tpu.memref_slice %arg11[%mul3A_27, %dma_wait3A_34] : memref<10240x48xf32, #tpu.memory_space<vmem_shared>> -> memref<640x48xf32, #tpu.memory_space<vmem_shared>>
        tpu.wait_dma2 semaphore(%run_scoped3A : memref<!tpu.dma_semaphore, #tpu.memory_space<semaphore_mem>>) src(%dma_wait3A_35 : memref<640x48xf32, #tpu.memory_space<vmem_shared>>) dst(%dma_wait3A_33 : memref<640x48xf32, #tpu.memory_space<hbm>>)
        tpu.yield
      }) : () -> ()
    } else {
    }
    return
  }
}

#map = affine_map<(d0, d1) -> (0, 0, 0)>
#map1 = affine_map<(d0, d1) -> (0, 0)>
module attributes {stable_mosaic.version = 14 : i64} {
  func.func @_sc_degree(%arg0: i32, %arg1: i32, %arg2: memref<16x157x128xi32, #tpu.memory_space<hbm>>, %arg3: memref<128x8xf32, #tpu.memory_space<hbm>>, %arg4: memref<128x8xf32, #tpu.memory_space<hbm>>, %arg5: memref<10240x8xf32, #tpu.memory_space<hbm>>, %arg6: memref<157x128xi32, #tpu.memory_space<vmem>>, %arg7: memref<128x8xf32, #tpu.memory_space<vmem>>, %arg8: memref<128x8xf32, #tpu.memory_space<vmem>>, %arg9: memref<10240x8xf32, #tpu.memory_space<vmem_shared>>) attributes {dimension_semantics = [#tpu.dimension_semantics<core_parallel>, #tpu.dimension_semantics<subcore_parallel>], iteration_bounds = array<i64: 2, 16>, scalar_prefetch = 0 : i64, scratch_operands = 4 : i64, tpu.core_type = #tpu.core_type<sc_vector_subcore>, window_params = [{transform_indices = #map}, {transform_indices = #map1}, {transform_indices = #map1}, {transform_indices = #map1}]} {
    %eq3A = arith.constant 0 : i32
    %eq3A_0 = arith.cmpi eq, %arg0, %eq3A : i32
    %convert_element_type3A = arith.extui %eq3A_0 : i1 to i32
    %cond3A = arith.constant 0 : i32
    %cond3A_1 = arith.cmpi ne, %convert_element_type3A, %cond3A : i32
    scf.if %cond3A_1 {
      "tpu.region"() ({
        %run_scoped3A = tpu.sem_alloc : memref<!tpu.dma_semaphore, #tpu.memory_space<semaphore_mem>>
        %dma_start3A = arith.constant 0 : i32
        %dma_start3A_30 = arith.constant 0 : i32
        %dma_start3A_31 = tpu.memref_slice %arg2[%arg1, %dma_start3A, %dma_start3A_30] : memref<16x157x128xi32, #tpu.memory_space<hbm>> -> memref<1x157x128xi32, #tpu.memory_space<hbm>>
        %dma_start3A_32 = tpu.memref_squeeze %dma_start3A_31 : memref<1x157x128xi32, #tpu.memory_space<hbm>> -> memref<157x128xi32, #tpu.memory_space<hbm>>
        %dma_start3A_33 = arith.constant 0 : i32
        %dma_start3A_34 = arith.constant 0 : i32
        %dma_start3A_35 = tpu.memref_slice %arg2[%arg1, %dma_start3A_33, %dma_start3A_34] : memref<16x157x128xi32, #tpu.memory_space<hbm>> -> memref<1x157x128xi32, #tpu.memory_space<hbm>>
        %dma_start3A_36 = tpu.memref_squeeze %dma_start3A_35 : memref<1x157x128xi32, #tpu.memory_space<hbm>> -> memref<157x128xi32, #tpu.memory_space<hbm>>
        tpu.enqueue_dma source(%dma_start3A_36 : memref<157x128xi32, #tpu.memory_space<hbm>>) target(%arg6 : memref<157x128xi32, #tpu.memory_space<vmem>>) target_semaphore(%run_scoped3A : memref<!tpu.dma_semaphore, #tpu.memory_space<semaphore_mem>>)
        %dma_wait3A = arith.constant 0 : i32
        %dma_wait3A_37 = arith.constant 0 : i32
        %dma_wait3A_38 = tpu.memref_slice %arg2[%arg1, %dma_wait3A, %dma_wait3A_37] : memref<16x157x128xi32, #tpu.memory_space<hbm>> -> memref<1x157x128xi32, #tpu.memory_space<hbm>>
        %dma_wait3A_39 = tpu.memref_squeeze %dma_wait3A_38 : memref<1x157x128xi32, #tpu.memory_space<hbm>> -> memref<157x128xi32, #tpu.memory_space<hbm>>
        %dma_wait3A_40 = arith.constant 0 : i32
        %dma_wait3A_41 = arith.constant 0 : i32
        %dma_wait3A_42 = tpu.memref_slice %arg2[%arg1, %dma_wait3A_40, %dma_wait3A_41] : memref<16x157x128xi32, #tpu.memory_space<hbm>> -> memref<1x157x128xi32, #tpu.memory_space<hbm>>
        %dma_wait3A_43 = tpu.memref_squeeze %dma_wait3A_42 : memref<1x157x128xi32, #tpu.memory_space<hbm>> -> memref<157x128xi32, #tpu.memory_space<hbm>>
        tpu.wait_dma2 semaphore(%run_scoped3A : memref<!tpu.dma_semaphore, #tpu.memory_space<semaphore_mem>>) src(%dma_wait3A_43 : memref<157x128xi32, #tpu.memory_space<hbm>>) dst(%arg6 : memref<157x128xi32, #tpu.memory_space<vmem>>)
        tpu.yield
      }) : () -> ()
      "tpu.region"() ({
        %run_scoped3A = tpu.sem_alloc : memref<!tpu.dma_semaphore, #tpu.memory_space<semaphore_mem>>
        tpu.enqueue_dma source(%arg3 : memref<128x8xf32, #tpu.memory_space<hbm>>) target(%arg7 : memref<128x8xf32, #tpu.memory_space<vmem>>) target_semaphore(%run_scoped3A : memref<!tpu.dma_semaphore, #tpu.memory_space<semaphore_mem>>)
        tpu.wait_dma2 semaphore(%run_scoped3A : memref<!tpu.dma_semaphore, #tpu.memory_space<semaphore_mem>>) src(%arg3 : memref<128x8xf32, #tpu.memory_space<hbm>>) dst(%arg7 : memref<128x8xf32, #tpu.memory_space<vmem>>)
        tpu.yield
      }) : () -> ()
      "tpu.region"() ({
        %run_scoped3A = tpu.sem_alloc : memref<!tpu.dma_semaphore, #tpu.memory_space<semaphore_mem>>
        tpu.enqueue_dma source(%arg4 : memref<128x8xf32, #tpu.memory_space<hbm>>) target(%arg8 : memref<128x8xf32, #tpu.memory_space<vmem>>) target_semaphore(%run_scoped3A : memref<!tpu.dma_semaphore, #tpu.memory_space<semaphore_mem>>)
        tpu.wait_dma2 semaphore(%run_scoped3A : memref<!tpu.dma_semaphore, #tpu.memory_space<semaphore_mem>>) src(%arg4 : memref<128x8xf32, #tpu.memory_space<hbm>>) dst(%arg8 : memref<128x8xf32, #tpu.memory_space<vmem>>)
        tpu.yield
      }) : () -> ()
      %mul3A = arith.constant 640 : i32
      %mul3A_2 = arith.muli %arg1, %mul3A : i32
      %add3A = arith.constant 0 : i32
      %add3A_3 = arith.addi %mul3A_2, %add3A : i32
      "tpu.region"() ({
        %run_scoped3A = tpu.sem_alloc : memref<!tpu.dma_semaphore, #tpu.memory_space<semaphore_mem>>
        %dma_start3A = arith.constant 0 : i32
        %dma_start3A_30 = tpu.memref_slice %arg9[%add3A_3, %dma_start3A] : memref<10240x8xf32, #tpu.memory_space<vmem_shared>> -> memref<128x8xf32, #tpu.memory_space<vmem_shared>>
        %dma_start3A_31 = arith.constant 0 : i32
        %dma_start3A_32 = tpu.memref_slice %arg9[%add3A_3, %dma_start3A_31] : memref<10240x8xf32, #tpu.memory_space<vmem_shared>> -> memref<128x8xf32, #tpu.memory_space<vmem_shared>>
        tpu.enqueue_dma source(%arg8 : memref<128x8xf32, #tpu.memory_space<vmem>>) target(%dma_start3A_32 : memref<128x8xf32, #tpu.memory_space<vmem_shared>>) target_semaphore(%run_scoped3A : memref<!tpu.dma_semaphore, #tpu.memory_space<semaphore_mem>>)
        %dma_wait3A = arith.constant 0 : i32
        %dma_wait3A_33 = tpu.memref_slice %arg9[%add3A_3, %dma_wait3A] : memref<10240x8xf32, #tpu.memory_space<vmem_shared>> -> memref<128x8xf32, #tpu.memory_space<vmem_shared>>
        %dma_wait3A_34 = arith.constant 0 : i32
        %dma_wait3A_35 = tpu.memref_slice %arg9[%add3A_3, %dma_wait3A_34] : memref<10240x8xf32, #tpu.memory_space<vmem_shared>> -> memref<128x8xf32, #tpu.memory_space<vmem_shared>>
        tpu.wait_dma2 semaphore(%run_scoped3A : memref<!tpu.dma_semaphore, #tpu.memory_space<semaphore_mem>>) src(%arg8 : memref<128x8xf32, #tpu.memory_space<vmem>>) dst(%dma_wait3A_35 : memref<128x8xf32, #tpu.memory_space<vmem_shared>>)
        tpu.yield
      }) : () -> ()
      %mul3A_4 = arith.constant 640 : i32
      %mul3A_5 = arith.muli %arg1, %mul3A_4 : i32
      %add3A_6 = arith.constant 128 : i32
      %add3A_7 = arith.addi %mul3A_5, %add3A_6 : i32
      "tpu.region"() ({
        %run_scoped3A = tpu.sem_alloc : memref<!tpu.dma_semaphore, #tpu.memory_space<semaphore_mem>>
        %dma_start3A = arith.constant 0 : i32
        %dma_start3A_30 = tpu.memref_slice %arg9[%add3A_7, %dma_start3A] : memref<10240x8xf32, #tpu.memory_space<vmem_shared>> -> memref<128x8xf32, #tpu.memory_space<vmem_shared>>
        %dma_start3A_31 = arith.constant 0 : i32
        %dma_start3A_32 = tpu.memref_slice %arg9[%add3A_7, %dma_start3A_31] : memref<10240x8xf32, #tpu.memory_space<vmem_shared>> -> memref<128x8xf32, #tpu.memory_space<vmem_shared>>
        tpu.enqueue_dma source(%arg8 : memref<128x8xf32, #tpu.memory_space<vmem>>) target(%dma_start3A_32 : memref<128x8xf32, #tpu.memory_space<vmem_shared>>) target_semaphore(%run_scoped3A : memref<!tpu.dma_semaphore, #tpu.memory_space<semaphore_mem>>)
        %dma_wait3A = arith.constant 0 : i32
        %dma_wait3A_33 = tpu.memref_slice %arg9[%add3A_7, %dma_wait3A] : memref<10240x8xf32, #tpu.memory_space<vmem_shared>> -> memref<128x8xf32, #tpu.memory_space<vmem_shared>>
        %dma_wait3A_34 = arith.constant 0 : i32
        %dma_wait3A_35 = tpu.memref_slice %arg9[%add3A_7, %dma_wait3A_34] : memref<10240x8xf32, #tpu.memory_space<vmem_shared>> -> memref<128x8xf32, #tpu.memory_space<vmem_shared>>
        tpu.wait_dma2 semaphore(%run_scoped3A : memref<!tpu.dma_semaphore, #tpu.memory_space<semaphore_mem>>) src(%arg8 : memref<128x8xf32, #tpu.memory_space<vmem>>) dst(%dma_wait3A_35 : memref<128x8xf32, #tpu.memory_space<vmem_shared>>)
        tpu.yield
      }) : () -> ()
      %mul3A_8 = arith.constant 640 : i32
      %mul3A_9 = arith.muli %arg1, %mul3A_8 : i32
      %add3A_10 = arith.constant 256 : i32
      %add3A_11 = arith.addi %mul3A_9, %add3A_10 : i32
      "tpu.region"() ({
        %run_scoped3A = tpu.sem_alloc : memref<!tpu.dma_semaphore, #tpu.memory_space<semaphore_mem>>
        %dma_start3A = arith.constant 0 : i32
        %dma_start3A_30 = tpu.memref_slice %arg9[%add3A_11, %dma_start3A] : memref<10240x8xf32, #tpu.memory_space<vmem_shared>> -> memref<128x8xf32, #tpu.memory_space<vmem_shared>>
        %dma_start3A_31 = arith.constant 0 : i32
        %dma_start3A_32 = tpu.memref_slice %arg9[%add3A_11, %dma_start3A_31] : memref<10240x8xf32, #tpu.memory_space<vmem_shared>> -> memref<128x8xf32, #tpu.memory_space<vmem_shared>>
        tpu.enqueue_dma source(%arg8 : memref<128x8xf32, #tpu.memory_space<vmem>>) target(%dma_start3A_32 : memref<128x8xf32, #tpu.memory_space<vmem_shared>>) target_semaphore(%run_scoped3A : memref<!tpu.dma_semaphore, #tpu.memory_space<semaphore_mem>>)
        %dma_wait3A = arith.constant 0 : i32
        %dma_wait3A_33 = tpu.memref_slice %arg9[%add3A_11, %dma_wait3A] : memref<10240x8xf32, #tpu.memory_space<vmem_shared>> -> memref<128x8xf32, #tpu.memory_space<vmem_shared>>
        %dma_wait3A_34 = arith.constant 0 : i32
        %dma_wait3A_35 = tpu.memref_slice %arg9[%add3A_11, %dma_wait3A_34] : memref<10240x8xf32, #tpu.memory_space<vmem_shared>> -> memref<128x8xf32, #tpu.memory_space<vmem_shared>>
        tpu.wait_dma2 semaphore(%run_scoped3A : memref<!tpu.dma_semaphore, #tpu.memory_space<semaphore_mem>>) src(%arg8 : memref<128x8xf32, #tpu.memory_space<vmem>>) dst(%dma_wait3A_35 : memref<128x8xf32, #tpu.memory_space<vmem_shared>>)
        tpu.yield
      }) : () -> ()
      %mul3A_12 = arith.constant 640 : i32
      %mul3A_13 = arith.muli %arg1, %mul3A_12 : i32
      %add3A_14 = arith.constant 384 : i32
      %add3A_15 = arith.addi %mul3A_13, %add3A_14 : i32
      "tpu.region"() ({
        %run_scoped3A = tpu.sem_alloc : memref<!tpu.dma_semaphore, #tpu.memory_space<semaphore_mem>>
        %dma_start3A = arith.constant 0 : i32
        %dma_start3A_30 = tpu.memref_slice %arg9[%add3A_15, %dma_start3A] : memref<10240x8xf32, #tpu.memory_space<vmem_shared>> -> memref<128x8xf32, #tpu.memory_space<vmem_shared>>
        %dma_start3A_31 = arith.constant 0 : i32
        %dma_start3A_32 = tpu.memref_slice %arg9[%add3A_15, %dma_start3A_31] : memref<10240x8xf32, #tpu.memory_space<vmem_shared>> -> memref<128x8xf32, #tpu.memory_space<vmem_shared>>
        tpu.enqueue_dma source(%arg8 : memref<128x8xf32, #tpu.memory_space<vmem>>) target(%dma_start3A_32 : memref<128x8xf32, #tpu.memory_space<vmem_shared>>) target_semaphore(%run_scoped3A : memref<!tpu.dma_semaphore, #tpu.memory_space<semaphore_mem>>)
        %dma_wait3A = arith.constant 0 : i32
        %dma_wait3A_33 = tpu.memref_slice %arg9[%add3A_15, %dma_wait3A] : memref<10240x8xf32, #tpu.memory_space<vmem_shared>> -> memref<128x8xf32, #tpu.memory_space<vmem_shared>>
        %dma_wait3A_34 = arith.constant 0 : i32
        %dma_wait3A_35 = tpu.memref_slice %arg9[%add3A_15, %dma_wait3A_34] : memref<10240x8xf32, #tpu.memory_space<vmem_shared>> -> memref<128x8xf32, #tpu.memory_space<vmem_shared>>
        tpu.wait_dma2 semaphore(%run_scoped3A : memref<!tpu.dma_semaphore, #tpu.memory_space<semaphore_mem>>) src(%arg8 : memref<128x8xf32, #tpu.memory_space<vmem>>) dst(%dma_wait3A_35 : memref<128x8xf32, #tpu.memory_space<vmem_shared>>)
        tpu.yield
      }) : () -> ()
      %mul3A_16 = arith.constant 640 : i32
      %mul3A_17 = arith.muli %arg1, %mul3A_16 : i32
      %add3A_18 = arith.constant 512 : i32
      %add3A_19 = arith.addi %mul3A_17, %add3A_18 : i32
      "tpu.region"() ({
        %run_scoped3A = tpu.sem_alloc : memref<!tpu.dma_semaphore, #tpu.memory_space<semaphore_mem>>
        %dma_start3A = arith.constant 0 : i32
        %dma_start3A_30 = tpu.memref_slice %arg9[%add3A_19, %dma_start3A] : memref<10240x8xf32, #tpu.memory_space<vmem_shared>> -> memref<128x8xf32, #tpu.memory_space<vmem_shared>>
        %dma_start3A_31 = arith.constant 0 : i32
        %dma_start3A_32 = tpu.memref_slice %arg9[%add3A_19, %dma_start3A_31] : memref<10240x8xf32, #tpu.memory_space<vmem_shared>> -> memref<128x8xf32, #tpu.memory_space<vmem_shared>>
        tpu.enqueue_dma source(%arg8 : memref<128x8xf32, #tpu.memory_space<vmem>>) target(%dma_start3A_32 : memref<128x8xf32, #tpu.memory_space<vmem_shared>>) target_semaphore(%run_scoped3A : memref<!tpu.dma_semaphore, #tpu.memory_space<semaphore_mem>>)
        %dma_wait3A = arith.constant 0 : i32
        %dma_wait3A_33 = tpu.memref_slice %arg9[%add3A_19, %dma_wait3A] : memref<10240x8xf32, #tpu.memory_space<vmem_shared>> -> memref<128x8xf32, #tpu.memory_space<vmem_shared>>
        %dma_wait3A_34 = arith.constant 0 : i32
        %dma_wait3A_35 = tpu.memref_slice %arg9[%add3A_19, %dma_wait3A_34] : memref<10240x8xf32, #tpu.memory_space<vmem_shared>> -> memref<128x8xf32, #tpu.memory_space<vmem_shared>>
        tpu.wait_dma2 semaphore(%run_scoped3A : memref<!tpu.dma_semaphore, #tpu.memory_space<semaphore_mem>>) src(%arg8 : memref<128x8xf32, #tpu.memory_space<vmem>>) dst(%dma_wait3A_35 : memref<128x8xf32, #tpu.memory_space<vmem_shared>>)
        tpu.yield
      }) : () -> ()
      %barrier3A = arith.constant 0 : index
      tpu.barrier barrier_id(%barrier3A)
      %scan3A = arith.constant 0 : i32
      %scan3A_20 = arith.constant 0 : i32
      %scan3A_21 = arith.constant 157 : i32
      %scan3A_22 = arith.addi %scan3A_20, %scan3A_21 : i32
      %scan3A_23 = arith.constant 1 : i32
      scf.for %scan3A_30 = %scan3A_20 to %scan3A_22 step %scan3A_23  : i32 {
        "tpu.region"() ({
          %run_scoped3A = tpu.sem_alloc : memref<!tpu.dma_semaphore, #tpu.memory_space<semaphore_mem>>
          %dma_start3A = arith.constant 0 : i32
          %dma_start3A_31 = tpu.memref_slice %arg6[%scan3A_30, %dma_start3A] : memref<157x128xi32, #tpu.memory_space<vmem>> -> memref<1x128xi32, #tpu.memory_space<vmem>>
          %dma_start3A_32 = tpu.memref_squeeze %dma_start3A_31 : memref<1x128xi32, #tpu.memory_space<vmem>> -> memref<128xi32, #tpu.memory_space<vmem>>
          %dma_start3A_33 = arith.constant 0 : i32
          %dma_start3A_34 = arith.constant 0 : i32
          %dma_start3A_35 = tpu.memref_slice %arg9[%dma_start3A_33, %dma_start3A_34] : memref<10240x8xf32, #tpu.memory_space<vmem_shared>> -> memref<10240x8xf32, #tpu.memory_space<vmem_shared>>
          tpu.enqueue_indirect_dma source(%arg7 : memref<128x8xf32, #tpu.memory_space<vmem>>) target(%dma_start3A_35 : memref<10240x8xf32, #tpu.memory_space<vmem_shared>>) offsets(%dma_start3A_32 : memref<128xi32, #tpu.memory_space<vmem>>) semaphore(%run_scoped3A : memref<!tpu.dma_semaphore, #tpu.memory_space<semaphore_mem>>) {add = true}
          %dma_wait3A = arith.constant 0 : i32
          %dma_wait3A_36 = tpu.memref_slice %arg6[%scan3A_30, %dma_wait3A] : memref<157x128xi32, #tpu.memory_space<vmem>> -> memref<1x128xi32, #tpu.memory_space<vmem>>
          %dma_wait3A_37 = tpu.memref_squeeze %dma_wait3A_36 : memref<1x128xi32, #tpu.memory_space<vmem>> -> memref<128xi32, #tpu.memory_space<vmem>>
          %dma_wait3A_38 = arith.constant 0 : i32
          %dma_wait3A_39 = arith.constant 0 : i32
          %dma_wait3A_40 = tpu.memref_slice %arg9[%dma_wait3A_38, %dma_wait3A_39] : memref<10240x8xf32, #tpu.memory_space<vmem_shared>> -> memref<10240x8xf32, #tpu.memory_space<vmem_shared>>
          tpu.wait_indirect_dma semaphore(%run_scoped3A : memref<!tpu.dma_semaphore, #tpu.memory_space<semaphore_mem>>) src(%arg7 : memref<128x8xf32, #tpu.memory_space<vmem>>) dst(%dma_wait3A_40 : memref<10240x8xf32, #tpu.memory_space<vmem_shared>>)
          tpu.yield
        }) : () -> ()
      }
      %scan3A_24 = arith.constant 157 : i32
      %barrier3A_25 = arith.constant 0 : index
      tpu.barrier barrier_id(%barrier3A_25)
      %mul3A_26 = arith.constant 640 : i32
      %mul3A_27 = arith.muli %arg1, %mul3A_26 : i32
      %mul3A_28 = arith.constant 640 : i32
      %mul3A_29 = arith.muli %arg1, %mul3A_28 : i32
      "tpu.region"() ({
        %run_scoped3A = tpu.sem_alloc : memref<!tpu.dma_semaphore, #tpu.memory_space<semaphore_mem>>
        %dma_start3A = arith.constant 0 : i32
        %dma_start3A_30 = tpu.memref_slice %arg5[%mul3A_29, %dma_start3A] : memref<10240x8xf32, #tpu.memory_space<hbm>> -> memref<640x8xf32, #tpu.memory_space<hbm>>
        %dma_start3A_31 = arith.constant 0 : i32
        %dma_start3A_32 = tpu.memref_slice %arg9[%mul3A_27, %dma_start3A_31] : memref<10240x8xf32, #tpu.memory_space<vmem_shared>> -> memref<640x8xf32, #tpu.memory_space<vmem_shared>>
        tpu.enqueue_dma source(%dma_start3A_32 : memref<640x8xf32, #tpu.memory_space<vmem_shared>>) target(%dma_start3A_30 : memref<640x8xf32, #tpu.memory_space<hbm>>) target_semaphore(%run_scoped3A : memref<!tpu.dma_semaphore, #tpu.memory_space<semaphore_mem>>)
        %dma_wait3A = arith.constant 0 : i32
        %dma_wait3A_33 = tpu.memref_slice %arg5[%mul3A_29, %dma_wait3A] : memref<10240x8xf32, #tpu.memory_space<hbm>> -> memref<640x8xf32, #tpu.memory_space<hbm>>
        %dma_wait3A_34 = arith.constant 0 : i32
        %dma_wait3A_35 = tpu.memref_slice %arg9[%mul3A_27, %dma_wait3A_34] : memref<10240x8xf32, #tpu.memory_space<vmem_shared>> -> memref<640x8xf32, #tpu.memory_space<vmem_shared>>
        tpu.wait_dma2 semaphore(%run_scoped3A : memref<!tpu.dma_semaphore, #tpu.memory_space<semaphore_mem>>) src(%dma_wait3A_35 : memref<640x8xf32, #tpu.memory_space<vmem_shared>>) dst(%dma_wait3A_33 : memref<640x8xf32, #tpu.memory_space<hbm>>)
        tpu.yield
      }) : () -> ()
    } else {
    }
    return
  }
}

#map = affine_map<(d0, d1) -> (0, 0, 0)>
#map1 = affine_map<(d0, d1) -> (0, 0)>
module attributes {stable_mosaic.version = 14 : i64} {
  func.func @_sc_round(%arg0: i32, %arg1: i32, %arg2: memref<16x157x128xi32, #tpu.memory_space<hbm>>, %arg3: memref<16x157x128xi32, #tpu.memory_space<hbm>>, %arg4: memref<10240x48xf32, #tpu.memory_space<hbm>>, %arg5: memref<128x48xf32, #tpu.memory_space<hbm>>, %arg6: memref<10240x48xf32, #tpu.memory_space<hbm>>, %arg7: memref<157x128xi32, #tpu.memory_space<vmem>>, %arg8: memref<157x128xi32, #tpu.memory_space<vmem>>, %arg9: memref<128x48xf32, #tpu.memory_space<vmem>>, %arg10: memref<128x48xf32, #tpu.memory_space<vmem>>, %arg11: memref<10240x48xf32, #tpu.memory_space<vmem_shared>>) attributes {dimension_semantics = [#tpu.dimension_semantics<core_parallel>, #tpu.dimension_semantics<subcore_parallel>], iteration_bounds = array<i64: 2, 16>, scalar_prefetch = 0 : i64, scratch_operands = 5 : i64, tpu.core_type = #tpu.core_type<sc_vector_subcore>, window_params = [{transform_indices = #map}, {transform_indices = #map}, {transform_indices = #map1}, {transform_indices = #map1}, {transform_indices = #map1}]} {
    %eq3A = arith.constant 0 : i32
    %eq3A_0 = arith.cmpi eq, %arg0, %eq3A : i32
    %convert_element_type3A = arith.extui %eq3A_0 : i1 to i32
    %cond3A = arith.constant 0 : i32
    %cond3A_1 = arith.cmpi ne, %convert_element_type3A, %cond3A : i32
    scf.if %cond3A_1 {
      "tpu.region"() ({
        %run_scoped3A = tpu.sem_alloc : memref<!tpu.dma_semaphore, #tpu.memory_space<semaphore_mem>>
        %dma_start3A = arith.constant 0 : i32
        %dma_start3A_30 = arith.constant 0 : i32
        %dma_start3A_31 = tpu.memref_slice %arg2[%arg1, %dma_start3A, %dma_start3A_30] : memref<16x157x128xi32, #tpu.memory_space<hbm>> -> memref<1x157x128xi32, #tpu.memory_space<hbm>>
        %dma_start3A_32 = tpu.memref_squeeze %dma_start3A_31 : memref<1x157x128xi32, #tpu.memory_space<hbm>> -> memref<157x128xi32, #tpu.memory_space<hbm>>
        %dma_start3A_33 = arith.constant 0 : i32
        %dma_start3A_34 = arith.constant 0 : i32
        %dma_start3A_35 = tpu.memref_slice %arg2[%arg1, %dma_start3A_33, %dma_start3A_34] : memref<16x157x128xi32, #tpu.memory_space<hbm>> -> memref<1x157x128xi32, #tpu.memory_space<hbm>>
        %dma_start3A_36 = tpu.memref_squeeze %dma_start3A_35 : memref<1x157x128xi32, #tpu.memory_space<hbm>> -> memref<157x128xi32, #tpu.memory_space<hbm>>
        tpu.enqueue_dma source(%dma_start3A_36 : memref<157x128xi32, #tpu.memory_space<hbm>>) target(%arg7 : memref<157x128xi32, #tpu.memory_space<vmem>>) target_semaphore(%run_scoped3A : memref<!tpu.dma_semaphore, #tpu.memory_space<semaphore_mem>>)
        %dma_wait3A = arith.constant 0 : i32
        %dma_wait3A_37 = arith.constant 0 : i32
        %dma_wait3A_38 = tpu.memref_slice %arg2[%arg1, %dma_wait3A, %dma_wait3A_37] : memref<16x157x128xi32, #tpu.memory_space<hbm>> -> memref<1x157x128xi32, #tpu.memory_space<hbm>>
        %dma_wait3A_39 = tpu.memref_squeeze %dma_wait3A_38 : memref<1x157x128xi32, #tpu.memory_space<hbm>> -> memref<157x128xi32, #tpu.memory_space<hbm>>
        %dma_wait3A_40 = arith.constant 0 : i32
        %dma_wait3A_41 = arith.constant 0 : i32
        %dma_wait3A_42 = tpu.memref_slice %arg2[%arg1, %dma_wait3A_40, %dma_wait3A_41] : memref<16x157x128xi32, #tpu.memory_space<hbm>> -> memref<1x157x128xi32, #tpu.memory_space<hbm>>
        %dma_wait3A_43 = tpu.memref_squeeze %dma_wait3A_42 : memref<1x157x128xi32, #tpu.memory_space<hbm>> -> memref<157x128xi32, #tpu.memory_space<hbm>>
        tpu.wait_dma2 semaphore(%run_scoped3A : memref<!tpu.dma_semaphore, #tpu.memory_space<semaphore_mem>>) src(%dma_wait3A_43 : memref<157x128xi32, #tpu.memory_space<hbm>>) dst(%arg7 : memref<157x128xi32, #tpu.memory_space<vmem>>)
        tpu.yield
      }) : () -> ()
      "tpu.region"() ({
        %run_scoped3A = tpu.sem_alloc : memref<!tpu.dma_semaphore, #tpu.memory_space<semaphore_mem>>
        %dma_start3A = arith.constant 0 : i32
        %dma_start3A_30 = arith.constant 0 : i32
        %dma_start3A_31 = tpu.memref_slice %arg3[%arg1, %dma_start3A, %dma_start3A_30] : memref<16x157x128xi32, #tpu.memory_space<hbm>> -> memref<1x157x128xi32, #tpu.memory_space<hbm>>
        %dma_start3A_32 = tpu.memref_squeeze %dma_start3A_31 : memref<1x157x128xi32, #tpu.memory_space<hbm>> -> memref<157x128xi32, #tpu.memory_space<hbm>>
        %dma_start3A_33 = arith.constant 0 : i32
        %dma_start3A_34 = arith.constant 0 : i32
        %dma_start3A_35 = tpu.memref_slice %arg3[%arg1, %dma_start3A_33, %dma_start3A_34] : memref<16x157x128xi32, #tpu.memory_space<hbm>> -> memref<1x157x128xi32, #tpu.memory_space<hbm>>
        %dma_start3A_36 = tpu.memref_squeeze %dma_start3A_35 : memref<1x157x128xi32, #tpu.memory_space<hbm>> -> memref<157x128xi32, #tpu.memory_space<hbm>>
        tpu.enqueue_dma source(%dma_start3A_36 : memref<157x128xi32, #tpu.memory_space<hbm>>) target(%arg8 : memref<157x128xi32, #tpu.memory_space<vmem>>) target_semaphore(%run_scoped3A : memref<!tpu.dma_semaphore, #tpu.memory_space<semaphore_mem>>)
        %dma_wait3A = arith.constant 0 : i32
        %dma_wait3A_37 = arith.constant 0 : i32
        %dma_wait3A_38 = tpu.memref_slice %arg3[%arg1, %dma_wait3A, %dma_wait3A_37] : memref<16x157x128xi32, #tpu.memory_space<hbm>> -> memref<1x157x128xi32, #tpu.memory_space<hbm>>
        %dma_wait3A_39 = tpu.memref_squeeze %dma_wait3A_38 : memref<1x157x128xi32, #tpu.memory_space<hbm>> -> memref<157x128xi32, #tpu.memory_space<hbm>>
        %dma_wait3A_40 = arith.constant 0 : i32
        %dma_wait3A_41 = arith.constant 0 : i32
        %dma_wait3A_42 = tpu.memref_slice %arg3[%arg1, %dma_wait3A_40, %dma_wait3A_41] : memref<16x157x128xi32, #tpu.memory_space<hbm>> -> memref<1x157x128xi32, #tpu.memory_space<hbm>>
        %dma_wait3A_43 = tpu.memref_squeeze %dma_wait3A_42 : memref<1x157x128xi32, #tpu.memory_space<hbm>> -> memref<157x128xi32, #tpu.memory_space<hbm>>
        tpu.wait_dma2 semaphore(%run_scoped3A : memref<!tpu.dma_semaphore, #tpu.memory_space<semaphore_mem>>) src(%dma_wait3A_43 : memref<157x128xi32, #tpu.memory_space<hbm>>) dst(%arg8 : memref<157x128xi32, #tpu.memory_space<vmem>>)
        tpu.yield
      }) : () -> ()
      "tpu.region"() ({
        %run_scoped3A = tpu.sem_alloc : memref<!tpu.dma_semaphore, #tpu.memory_space<semaphore_mem>>
        tpu.enqueue_dma source(%arg5 : memref<128x48xf32, #tpu.memory_space<hbm>>) target(%arg10 : memref<128x48xf32, #tpu.memory_space<vmem>>) target_semaphore(%run_scoped3A : memref<!tpu.dma_semaphore, #tpu.memory_space<semaphore_mem>>)
        tpu.wait_dma2 semaphore(%run_scoped3A : memref<!tpu.dma_semaphore, #tpu.memory_space<semaphore_mem>>) src(%arg5 : memref<128x48xf32, #tpu.memory_space<hbm>>) dst(%arg10 : memref<128x48xf32, #tpu.memory_space<vmem>>)
        tpu.yield
      }) : () -> ()
      %mul3A = arith.constant 640 : i32
      %mul3A_2 = arith.muli %arg1, %mul3A : i32
      %add3A = arith.constant 0 : i32
      %add3A_3 = arith.addi %mul3A_2, %add3A : i32
      "tpu.region"() ({
        %run_scoped3A = tpu.sem_alloc : memref<!tpu.dma_semaphore, #tpu.memory_space<semaphore_mem>>
        %dma_start3A = arith.constant 0 : i32
        %dma_start3A_30 = tpu.memref_slice %arg11[%add3A_3, %dma_start3A] : memref<10240x48xf32, #tpu.memory_space<vmem_shared>> -> memref<128x48xf32, #tpu.memory_space<vmem_shared>>
        %dma_start3A_31 = arith.constant 0 : i32
        %dma_start3A_32 = tpu.memref_slice %arg11[%add3A_3, %dma_start3A_31] : memref<10240x48xf32, #tpu.memory_space<vmem_shared>> -> memref<128x48xf32, #tpu.memory_space<vmem_shared>>
        tpu.enqueue_dma source(%arg10 : memref<128x48xf32, #tpu.memory_space<vmem>>) target(%dma_start3A_32 : memref<128x48xf32, #tpu.memory_space<vmem_shared>>) target_semaphore(%run_scoped3A : memref<!tpu.dma_semaphore, #tpu.memory_space<semaphore_mem>>)
        %dma_wait3A = arith.constant 0 : i32
        %dma_wait3A_33 = tpu.memref_slice %arg11[%add3A_3, %dma_wait3A] : memref<10240x48xf32, #tpu.memory_space<vmem_shared>> -> memref<128x48xf32, #tpu.memory_space<vmem_shared>>
        %dma_wait3A_34 = arith.constant 0 : i32
        %dma_wait3A_35 = tpu.memref_slice %arg11[%add3A_3, %dma_wait3A_34] : memref<10240x48xf32, #tpu.memory_space<vmem_shared>> -> memref<128x48xf32, #tpu.memory_space<vmem_shared>>
        tpu.wait_dma2 semaphore(%run_scoped3A : memref<!tpu.dma_semaphore, #tpu.memory_space<semaphore_mem>>) src(%arg10 : memref<128x48xf32, #tpu.memory_space<vmem>>) dst(%dma_wait3A_35 : memref<128x48xf32, #tpu.memory_space<vmem_shared>>)
        tpu.yield
      }) : () -> ()
      %mul3A_4 = arith.constant 640 : i32
      %mul3A_5 = arith.muli %arg1, %mul3A_4 : i32
      %add3A_6 = arith.constant 128 : i32
      %add3A_7 = arith.addi %mul3A_5, %add3A_6 : i32
      "tpu.region"() ({
        %run_scoped3A = tpu.sem_alloc : memref<!tpu.dma_semaphore, #tpu.memory_space<semaphore_mem>>
        %dma_start3A = arith.constant 0 : i32
        %dma_start3A_30 = tpu.memref_slice %arg11[%add3A_7, %dma_start3A] : memref<10240x48xf32, #tpu.memory_space<vmem_shared>> -> memref<128x48xf32, #tpu.memory_space<vmem_shared>>
        %dma_start3A_31 = arith.constant 0 : i32
        %dma_start3A_32 = tpu.memref_slice %arg11[%add3A_7, %dma_start3A_31] : memref<10240x48xf32, #tpu.memory_space<vmem_shared>> -> memref<128x48xf32, #tpu.memory_space<vmem_shared>>
        tpu.enqueue_dma source(%arg10 : memref<128x48xf32, #tpu.memory_space<vmem>>) target(%dma_start3A_32 : memref<128x48xf32, #tpu.memory_space<vmem_shared>>) target_semaphore(%run_scoped3A : memref<!tpu.dma_semaphore, #tpu.memory_space<semaphore_mem>>)
        %dma_wait3A = arith.constant 0 : i32
        %dma_wait3A_33 = tpu.memref_slice %arg11[%add3A_7, %dma_wait3A] : memref<10240x48xf32, #tpu.memory_space<vmem_shared>> -> memref<128x48xf32, #tpu.memory_space<vmem_shared>>
        %dma_wait3A_34 = arith.constant 0 : i32
        %dma_wait3A_35 = tpu.memref_slice %arg11[%add3A_7, %dma_wait3A_34] : memref<10240x48xf32, #tpu.memory_space<vmem_shared>> -> memref<128x48xf32, #tpu.memory_space<vmem_shared>>
        tpu.wait_dma2 semaphore(%run_scoped3A : memref<!tpu.dma_semaphore, #tpu.memory_space<semaphore_mem>>) src(%arg10 : memref<128x48xf32, #tpu.memory_space<vmem>>) dst(%dma_wait3A_35 : memref<128x48xf32, #tpu.memory_space<vmem_shared>>)
        tpu.yield
      }) : () -> ()
      %mul3A_8 = arith.constant 640 : i32
      %mul3A_9 = arith.muli %arg1, %mul3A_8 : i32
      %add3A_10 = arith.constant 256 : i32
      %add3A_11 = arith.addi %mul3A_9, %add3A_10 : i32
      "tpu.region"() ({
        %run_scoped3A = tpu.sem_alloc : memref<!tpu.dma_semaphore, #tpu.memory_space<semaphore_mem>>
        %dma_start3A = arith.constant 0 : i32
        %dma_start3A_30 = tpu.memref_slice %arg11[%add3A_11, %dma_start3A] : memref<10240x48xf32, #tpu.memory_space<vmem_shared>> -> memref<128x48xf32, #tpu.memory_space<vmem_shared>>
        %dma_start3A_31 = arith.constant 0 : i32
        %dma_start3A_32 = tpu.memref_slice %arg11[%add3A_11, %dma_start3A_31] : memref<10240x48xf32, #tpu.memory_space<vmem_shared>> -> memref<128x48xf32, #tpu.memory_space<vmem_shared>>
        tpu.enqueue_dma source(%arg10 : memref<128x48xf32, #tpu.memory_space<vmem>>) target(%dma_start3A_32 : memref<128x48xf32, #tpu.memory_space<vmem_shared>>) target_semaphore(%run_scoped3A : memref<!tpu.dma_semaphore, #tpu.memory_space<semaphore_mem>>)
        %dma_wait3A = arith.constant 0 : i32
        %dma_wait3A_33 = tpu.memref_slice %arg11[%add3A_11, %dma_wait3A] : memref<10240x48xf32, #tpu.memory_space<vmem_shared>> -> memref<128x48xf32, #tpu.memory_space<vmem_shared>>
        %dma_wait3A_34 = arith.constant 0 : i32
        %dma_wait3A_35 = tpu.memref_slice %arg11[%add3A_11, %dma_wait3A_34] : memref<10240x48xf32, #tpu.memory_space<vmem_shared>> -> memref<128x48xf32, #tpu.memory_space<vmem_shared>>
        tpu.wait_dma2 semaphore(%run_scoped3A : memref<!tpu.dma_semaphore, #tpu.memory_space<semaphore_mem>>) src(%arg10 : memref<128x48xf32, #tpu.memory_space<vmem>>) dst(%dma_wait3A_35 : memref<128x48xf32, #tpu.memory_space<vmem_shared>>)
        tpu.yield
      }) : () -> ()
      %mul3A_12 = arith.constant 640 : i32
      %mul3A_13 = arith.muli %arg1, %mul3A_12 : i32
      %add3A_14 = arith.constant 384 : i32
      %add3A_15 = arith.addi %mul3A_13, %add3A_14 : i32
      "tpu.region"() ({
        %run_scoped3A = tpu.sem_alloc : memref<!tpu.dma_semaphore, #tpu.memory_space<semaphore_mem>>
        %dma_start3A = arith.constant 0 : i32
        %dma_start3A_30 = tpu.memref_slice %arg11[%add3A_15, %dma_start3A] : memref<10240x48xf32, #tpu.memory_space<vmem_shared>> -> memref<128x48xf32, #tpu.memory_space<vmem_shared>>
        %dma_start3A_31 = arith.constant 0 : i32
        %dma_start3A_32 = tpu.memref_slice %arg11[%add3A_15, %dma_start3A_31] : memref<10240x48xf32, #tpu.memory_space<vmem_shared>> -> memref<128x48xf32, #tpu.memory_space<vmem_shared>>
        tpu.enqueue_dma source(%arg10 : memref<128x48xf32, #tpu.memory_space<vmem>>) target(%dma_start3A_32 : memref<128x48xf32, #tpu.memory_space<vmem_shared>>) target_semaphore(%run_scoped3A : memref<!tpu.dma_semaphore, #tpu.memory_space<semaphore_mem>>)
        %dma_wait3A = arith.constant 0 : i32
        %dma_wait3A_33 = tpu.memref_slice %arg11[%add3A_15, %dma_wait3A] : memref<10240x48xf32, #tpu.memory_space<vmem_shared>> -> memref<128x48xf32, #tpu.memory_space<vmem_shared>>
        %dma_wait3A_34 = arith.constant 0 : i32
        %dma_wait3A_35 = tpu.memref_slice %arg11[%add3A_15, %dma_wait3A_34] : memref<10240x48xf32, #tpu.memory_space<vmem_shared>> -> memref<128x48xf32, #tpu.memory_space<vmem_shared>>
        tpu.wait_dma2 semaphore(%run_scoped3A : memref<!tpu.dma_semaphore, #tpu.memory_space<semaphore_mem>>) src(%arg10 : memref<128x48xf32, #tpu.memory_space<vmem>>) dst(%dma_wait3A_35 : memref<128x48xf32, #tpu.memory_space<vmem_shared>>)
        tpu.yield
      }) : () -> ()
      %mul3A_16 = arith.constant 640 : i32
      %mul3A_17 = arith.muli %arg1, %mul3A_16 : i32
      %add3A_18 = arith.constant 512 : i32
      %add3A_19 = arith.addi %mul3A_17, %add3A_18 : i32
      "tpu.region"() ({
        %run_scoped3A = tpu.sem_alloc : memref<!tpu.dma_semaphore, #tpu.memory_space<semaphore_mem>>
        %dma_start3A = arith.constant 0 : i32
        %dma_start3A_30 = tpu.memref_slice %arg11[%add3A_19, %dma_start3A] : memref<10240x48xf32, #tpu.memory_space<vmem_shared>> -> memref<128x48xf32, #tpu.memory_space<vmem_shared>>
        %dma_start3A_31 = arith.constant 0 : i32
        %dma_start3A_32 = tpu.memref_slice %arg11[%add3A_19, %dma_start3A_31] : memref<10240x48xf32, #tpu.memory_space<vmem_shared>> -> memref<128x48xf32, #tpu.memory_space<vmem_shared>>
        tpu.enqueue_dma source(%arg10 : memref<128x48xf32, #tpu.memory_space<vmem>>) target(%dma_start3A_32 : memref<128x48xf32, #tpu.memory_space<vmem_shared>>) target_semaphore(%run_scoped3A : memref<!tpu.dma_semaphore, #tpu.memory_space<semaphore_mem>>)
        %dma_wait3A = arith.constant 0 : i32
        %dma_wait3A_33 = tpu.memref_slice %arg11[%add3A_19, %dma_wait3A] : memref<10240x48xf32, #tpu.memory_space<vmem_shared>> -> memref<128x48xf32, #tpu.memory_space<vmem_shared>>
        %dma_wait3A_34 = arith.constant 0 : i32
        %dma_wait3A_35 = tpu.memref_slice %arg11[%add3A_19, %dma_wait3A_34] : memref<10240x48xf32, #tpu.memory_space<vmem_shared>> -> memref<128x48xf32, #tpu.memory_space<vmem_shared>>
        tpu.wait_dma2 semaphore(%run_scoped3A : memref<!tpu.dma_semaphore, #tpu.memory_space<semaphore_mem>>) src(%arg10 : memref<128x48xf32, #tpu.memory_space<vmem>>) dst(%dma_wait3A_35 : memref<128x48xf32, #tpu.memory_space<vmem_shared>>)
        tpu.yield
      }) : () -> ()
      %barrier3A = arith.constant 0 : index
      tpu.barrier barrier_id(%barrier3A)
      %scan3A = arith.constant 0 : i32
      %scan3A_20 = arith.constant 0 : i32
      %scan3A_21 = arith.constant 157 : i32
      %scan3A_22 = arith.addi %scan3A_20, %scan3A_21 : i32
      %scan3A_23 = arith.constant 1 : i32
      scf.for %scan3A_30 = %scan3A_20 to %scan3A_22 step %scan3A_23  : i32 {
        "tpu.region"() ({
          %run_scoped3A = tpu.sem_alloc : memref<!tpu.dma_semaphore, #tpu.memory_space<semaphore_mem>>
          %dma_start3A = arith.constant 0 : i32
          %dma_start3A_31 = tpu.memref_slice %arg7[%scan3A_30, %dma_start3A] : memref<157x128xi32, #tpu.memory_space<vmem>> -> memref<1x128xi32, #tpu.memory_space<vmem>>
          %dma_start3A_32 = tpu.memref_squeeze %dma_start3A_31 : memref<1x128xi32, #tpu.memory_space<vmem>> -> memref<128xi32, #tpu.memory_space<vmem>>
          %dma_start3A_33 = arith.constant 0 : i32
          %dma_start3A_34 = arith.constant 0 : i32
          %dma_start3A_35 = tpu.memref_slice %arg4[%dma_start3A_33, %dma_start3A_34] : memref<10240x48xf32, #tpu.memory_space<hbm>> -> memref<10240x48xf32, #tpu.memory_space<hbm>>
          tpu.enqueue_indirect_dma source(%dma_start3A_35 : memref<10240x48xf32, #tpu.memory_space<hbm>>) target(%arg9 : memref<128x48xf32, #tpu.memory_space<vmem>>) offsets(%dma_start3A_32 : memref<128xi32, #tpu.memory_space<vmem>>) semaphore(%run_scoped3A : memref<!tpu.dma_semaphore, #tpu.memory_space<semaphore_mem>>)
          %dma_wait3A = arith.constant 0 : i32
          %dma_wait3A_36 = tpu.memref_slice %arg7[%scan3A_30, %dma_wait3A] : memref<157x128xi32, #tpu.memory_space<vmem>> -> memref<1x128xi32, #tpu.memory_space<vmem>>
          %dma_wait3A_37 = tpu.memref_squeeze %dma_wait3A_36 : memref<1x128xi32, #tpu.memory_space<vmem>> -> memref<128xi32, #tpu.memory_space<vmem>>
          %dma_wait3A_38 = arith.constant 0 : i32
          %dma_wait3A_39 = arith.constant 0 : i32
          %dma_wait3A_40 = tpu.memref_slice %arg4[%dma_wait3A_38, %dma_wait3A_39] : memref<10240x48xf32, #tpu.memory_space<hbm>> -> memref<10240x48xf32, #tpu.memory_space<hbm>>
          tpu.wait_indirect_dma semaphore(%run_scoped3A : memref<!tpu.dma_semaphore, #tpu.memory_space<semaphore_mem>>) src(%dma_wait3A_40 : memref<10240x48xf32, #tpu.memory_space<hbm>>) dst(%arg9 : memref<128x48xf32, #tpu.memory_space<vmem>>)
          tpu.yield
        }) : () -> ()
        "tpu.region"() ({
          %run_scoped3A = tpu.sem_alloc : memref<!tpu.dma_semaphore, #tpu.memory_space<semaphore_mem>>
          %dma_start3A = arith.constant 0 : i32
          %dma_start3A_31 = tpu.memref_slice %arg8[%scan3A_30, %dma_start3A] : memref<157x128xi32, #tpu.memory_space<vmem>> -> memref<1x128xi32, #tpu.memory_space<vmem>>
          %dma_start3A_32 = tpu.memref_squeeze %dma_start3A_31 : memref<1x128xi32, #tpu.memory_space<vmem>> -> memref<128xi32, #tpu.memory_space<vmem>>
          %dma_start3A_33 = arith.constant 0 : i32
          %dma_start3A_34 = arith.constant 0 : i32
          %dma_start3A_35 = tpu.memref_slice %arg11[%dma_start3A_33, %dma_start3A_34] : memref<10240x48xf32, #tpu.memory_space<vmem_shared>> -> memref<10240x48xf32, #tpu.memory_space<vmem_shared>>
          tpu.enqueue_indirect_dma source(%arg9 : memref<128x48xf32, #tpu.memory_space<vmem>>) target(%dma_start3A_35 : memref<10240x48xf32, #tpu.memory_space<vmem_shared>>) offsets(%dma_start3A_32 : memref<128xi32, #tpu.memory_space<vmem>>) semaphore(%run_scoped3A : memref<!tpu.dma_semaphore, #tpu.memory_space<semaphore_mem>>) {add = true}
          %dma_wait3A = arith.constant 0 : i32
          %dma_wait3A_36 = tpu.memref_slice %arg8[%scan3A_30, %dma_wait3A] : memref<157x128xi32, #tpu.memory_space<vmem>> -> memref<1x128xi32, #tpu.memory_space<vmem>>
          %dma_wait3A_37 = tpu.memref_squeeze %dma_wait3A_36 : memref<1x128xi32, #tpu.memory_space<vmem>> -> memref<128xi32, #tpu.memory_space<vmem>>
          %dma_wait3A_38 = arith.constant 0 : i32
          %dma_wait3A_39 = arith.constant 0 : i32
          %dma_wait3A_40 = tpu.memref_slice %arg11[%dma_wait3A_38, %dma_wait3A_39] : memref<10240x48xf32, #tpu.memory_space<vmem_shared>> -> memref<10240x48xf32, #tpu.memory_space<vmem_shared>>
          tpu.wait_indirect_dma semaphore(%run_scoped3A : memref<!tpu.dma_semaphore, #tpu.memory_space<semaphore_mem>>) src(%arg9 : memref<128x48xf32, #tpu.memory_space<vmem>>) dst(%dma_wait3A_40 : memref<10240x48xf32, #tpu.memory_space<vmem_shared>>)
          tpu.yield
        }) : () -> ()
      }
      %scan3A_24 = arith.constant 157 : i32
      %barrier3A_25 = arith.constant 0 : index
      tpu.barrier barrier_id(%barrier3A_25)
      %mul3A_26 = arith.constant 640 : i32
      %mul3A_27 = arith.muli %arg1, %mul3A_26 : i32
      %mul3A_28 = arith.constant 640 : i32
      %mul3A_29 = arith.muli %arg1, %mul3A_28 : i32
      "tpu.region"() ({
        %run_scoped3A = tpu.sem_alloc : memref<!tpu.dma_semaphore, #tpu.memory_space<semaphore_mem>>
        %dma_start3A = arith.constant 0 : i32
        %dma_start3A_30 = tpu.memref_slice %arg6[%mul3A_29, %dma_start3A] : memref<10240x48xf32, #tpu.memory_space<hbm>> -> memref<640x48xf32, #tpu.memory_space<hbm>>
        %dma_start3A_31 = arith.constant 0 : i32
        %dma_start3A_32 = tpu.memref_slice %arg11[%mul3A_27, %dma_start3A_31] : memref<10240x48xf32, #tpu.memory_space<vmem_shared>> -> memref<640x48xf32, #tpu.memory_space<vmem_shared>>
        tpu.enqueue_dma source(%dma_start3A_32 : memref<640x48xf32, #tpu.memory_space<vmem_shared>>) target(%dma_start3A_30 : memref<640x48xf32, #tpu.memory_space<hbm>>) target_semaphore(%run_scoped3A : memref<!tpu.dma_semaphore, #tpu.memory_space<semaphore_mem>>)
        %dma_wait3A = arith.constant 0 : i32
        %dma_wait3A_33 = tpu.memref_slice %arg6[%mul3A_29, %dma_wait3A] : memref<10240x48xf32, #tpu.memory_space<hbm>> -> memref<640x48xf32, #tpu.memory_space<hbm>>
        %dma_wait3A_34 = arith.constant 0 : i32
        %dma_wait3A_35 = tpu.memref_slice %arg11[%mul3A_27, %dma_wait3A_34] : memref<10240x48xf32, #tpu.memory_space<vmem_shared>> -> memref<640x48xf32, #tpu.memory_space<vmem_shared>>
        tpu.wait_dma2 semaphore(%run_scoped3A : memref<!tpu.dma_semaphore, #tpu.memory_space<semaphore_mem>>) src(%dma_wait3A_35 : memref<640x48xf32, #tpu.memory_space<vmem_shared>>) dst(%dma_wait3A_33 : memref<640x48xf32, #tpu.memory_space<hbm>>)
        tpu.yield
      }) : () -> ()
    } else {
    }
    return
  }
}

#map = affine_map<(d0, d1) -> (0, 0, 0)>
#map1 = affine_map<(d0, d1) -> (0, 0)>
module attributes {stable_mosaic.version = 14 : i64} {
  func.func @_sc_round(%arg0: i32, %arg1: i32, %arg2: memref<16x157x128xi32, #tpu.memory_space<hbm>>, %arg3: memref<16x157x128xi32, #tpu.memory_space<hbm>>, %arg4: memref<10240x48xf32, #tpu.memory_space<hbm>>, %arg5: memref<128x48xf32, #tpu.memory_space<hbm>>, %arg6: memref<10240x48xf32, #tpu.memory_space<hbm>>, %arg7: memref<157x128xi32, #tpu.memory_space<vmem>>, %arg8: memref<157x128xi32, #tpu.memory_space<vmem>>, %arg9: memref<128x48xf32, #tpu.memory_space<vmem>>, %arg10: memref<128x48xf32, #tpu.memory_space<vmem>>, %arg11: memref<10240x48xf32, #tpu.memory_space<vmem_shared>>) attributes {dimension_semantics = [#tpu.dimension_semantics<core_parallel>, #tpu.dimension_semantics<subcore_parallel>], iteration_bounds = array<i64: 2, 16>, scalar_prefetch = 0 : i64, scratch_operands = 5 : i64, tpu.core_type = #tpu.core_type<sc_vector_subcore>, window_params = [{transform_indices = #map}, {transform_indices = #map}, {transform_indices = #map1}, {transform_indices = #map1}, {transform_indices = #map1}]} {
    %eq3A = arith.constant 0 : i32
    %eq3A_0 = arith.cmpi eq, %arg0, %eq3A : i32
    %convert_element_type3A = arith.extui %eq3A_0 : i1 to i32
    %cond3A = arith.constant 0 : i32
    %cond3A_1 = arith.cmpi ne, %convert_element_type3A, %cond3A : i32
    scf.if %cond3A_1 {
      "tpu.region"() ({
        %run_scoped3A = tpu.sem_alloc : memref<!tpu.dma_semaphore, #tpu.memory_space<semaphore_mem>>
        %dma_start3A = arith.constant 0 : i32
        %dma_start3A_30 = arith.constant 0 : i32
        %dma_start3A_31 = tpu.memref_slice %arg2[%arg1, %dma_start3A, %dma_start3A_30] : memref<16x157x128xi32, #tpu.memory_space<hbm>> -> memref<1x157x128xi32, #tpu.memory_space<hbm>>
        %dma_start3A_32 = tpu.memref_squeeze %dma_start3A_31 : memref<1x157x128xi32, #tpu.memory_space<hbm>> -> memref<157x128xi32, #tpu.memory_space<hbm>>
        %dma_start3A_33 = arith.constant 0 : i32
        %dma_start3A_34 = arith.constant 0 : i32
        %dma_start3A_35 = tpu.memref_slice %arg2[%arg1, %dma_start3A_33, %dma_start3A_34] : memref<16x157x128xi32, #tpu.memory_space<hbm>> -> memref<1x157x128xi32, #tpu.memory_space<hbm>>
        %dma_start3A_36 = tpu.memref_squeeze %dma_start3A_35 : memref<1x157x128xi32, #tpu.memory_space<hbm>> -> memref<157x128xi32, #tpu.memory_space<hbm>>
        tpu.enqueue_dma source(%dma_start3A_36 : memref<157x128xi32, #tpu.memory_space<hbm>>) target(%arg7 : memref<157x128xi32, #tpu.memory_space<vmem>>) target_semaphore(%run_scoped3A : memref<!tpu.dma_semaphore, #tpu.memory_space<semaphore_mem>>)
        %dma_wait3A = arith.constant 0 : i32
        %dma_wait3A_37 = arith.constant 0 : i32
        %dma_wait3A_38 = tpu.memref_slice %arg2[%arg1, %dma_wait3A, %dma_wait3A_37] : memref<16x157x128xi32, #tpu.memory_space<hbm>> -> memref<1x157x128xi32, #tpu.memory_space<hbm>>
        %dma_wait3A_39 = tpu.memref_squeeze %dma_wait3A_38 : memref<1x157x128xi32, #tpu.memory_space<hbm>> -> memref<157x128xi32, #tpu.memory_space<hbm>>
        %dma_wait3A_40 = arith.constant 0 : i32
        %dma_wait3A_41 = arith.constant 0 : i32
        %dma_wait3A_42 = tpu.memref_slice %arg2[%arg1, %dma_wait3A_40, %dma_wait3A_41] : memref<16x157x128xi32, #tpu.memory_space<hbm>> -> memref<1x157x128xi32, #tpu.memory_space<hbm>>
        %dma_wait3A_43 = tpu.memref_squeeze %dma_wait3A_42 : memref<1x157x128xi32, #tpu.memory_space<hbm>> -> memref<157x128xi32, #tpu.memory_space<hbm>>
        tpu.wait_dma2 semaphore(%run_scoped3A : memref<!tpu.dma_semaphore, #tpu.memory_space<semaphore_mem>>) src(%dma_wait3A_43 : memref<157x128xi32, #tpu.memory_space<hbm>>) dst(%arg7 : memref<157x128xi32, #tpu.memory_space<vmem>>)
        tpu.yield
      }) : () -> ()
      "tpu.region"() ({
        %run_scoped3A = tpu.sem_alloc : memref<!tpu.dma_semaphore, #tpu.memory_space<semaphore_mem>>
        %dma_start3A = arith.constant 0 : i32
        %dma_start3A_30 = arith.constant 0 : i32
        %dma_start3A_31 = tpu.memref_slice %arg3[%arg1, %dma_start3A, %dma_start3A_30] : memref<16x157x128xi32, #tpu.memory_space<hbm>> -> memref<1x157x128xi32, #tpu.memory_space<hbm>>
        %dma_start3A_32 = tpu.memref_squeeze %dma_start3A_31 : memref<1x157x128xi32, #tpu.memory_space<hbm>> -> memref<157x128xi32, #tpu.memory_space<hbm>>
        %dma_start3A_33 = arith.constant 0 : i32
        %dma_start3A_34 = arith.constant 0 : i32
        %dma_start3A_35 = tpu.memref_slice %arg3[%arg1, %dma_start3A_33, %dma_start3A_34] : memref<16x157x128xi32, #tpu.memory_space<hbm>> -> memref<1x157x128xi32, #tpu.memory_space<hbm>>
        %dma_start3A_36 = tpu.memref_squeeze %dma_start3A_35 : memref<1x157x128xi32, #tpu.memory_space<hbm>> -> memref<157x128xi32, #tpu.memory_space<hbm>>
        tpu.enqueue_dma source(%dma_start3A_36 : memref<157x128xi32, #tpu.memory_space<hbm>>) target(%arg8 : memref<157x128xi32, #tpu.memory_space<vmem>>) target_semaphore(%run_scoped3A : memref<!tpu.dma_semaphore, #tpu.memory_space<semaphore_mem>>)
        %dma_wait3A = arith.constant 0 : i32
        %dma_wait3A_37 = arith.constant 0 : i32
        %dma_wait3A_38 = tpu.memref_slice %arg3[%arg1, %dma_wait3A, %dma_wait3A_37] : memref<16x157x128xi32, #tpu.memory_space<hbm>> -> memref<1x157x128xi32, #tpu.memory_space<hbm>>
        %dma_wait3A_39 = tpu.memref_squeeze %dma_wait3A_38 : memref<1x157x128xi32, #tpu.memory_space<hbm>> -> memref<157x128xi32, #tpu.memory_space<hbm>>
        %dma_wait3A_40 = arith.constant 0 : i32
        %dma_wait3A_41 = arith.constant 0 : i32
        %dma_wait3A_42 = tpu.memref_slice %arg3[%arg1, %dma_wait3A_40, %dma_wait3A_41] : memref<16x157x128xi32, #tpu.memory_space<hbm>> -> memref<1x157x128xi32, #tpu.memory_space<hbm>>
        %dma_wait3A_43 = tpu.memref_squeeze %dma_wait3A_42 : memref<1x157x128xi32, #tpu.memory_space<hbm>> -> memref<157x128xi32, #tpu.memory_space<hbm>>
        tpu.wait_dma2 semaphore(%run_scoped3A : memref<!tpu.dma_semaphore, #tpu.memory_space<semaphore_mem>>) src(%dma_wait3A_43 : memref<157x128xi32, #tpu.memory_space<hbm>>) dst(%arg8 : memref<157x128xi32, #tpu.memory_space<vmem>>)
        tpu.yield
      }) : () -> ()
      "tpu.region"() ({
        %run_scoped3A = tpu.sem_alloc : memref<!tpu.dma_semaphore, #tpu.memory_space<semaphore_mem>>
        tpu.enqueue_dma source(%arg5 : memref<128x48xf32, #tpu.memory_space<hbm>>) target(%arg10 : memref<128x48xf32, #tpu.memory_space<vmem>>) target_semaphore(%run_scoped3A : memref<!tpu.dma_semaphore, #tpu.memory_space<semaphore_mem>>)
        tpu.wait_dma2 semaphore(%run_scoped3A : memref<!tpu.dma_semaphore, #tpu.memory_space<semaphore_mem>>) src(%arg5 : memref<128x48xf32, #tpu.memory_space<hbm>>) dst(%arg10 : memref<128x48xf32, #tpu.memory_space<vmem>>)
        tpu.yield
      }) : () -> ()
      %mul3A = arith.constant 640 : i32
      %mul3A_2 = arith.muli %arg1, %mul3A : i32
      %add3A = arith.constant 0 : i32
      %add3A_3 = arith.addi %mul3A_2, %add3A : i32
      "tpu.region"() ({
        %run_scoped3A = tpu.sem_alloc : memref<!tpu.dma_semaphore, #tpu.memory_space<semaphore_mem>>
        %dma_start3A = arith.constant 0 : i32
        %dma_start3A_30 = tpu.memref_slice %arg11[%add3A_3, %dma_start3A] : memref<10240x48xf32, #tpu.memory_space<vmem_shared>> -> memref<128x48xf32, #tpu.memory_space<vmem_shared>>
        %dma_start3A_31 = arith.constant 0 : i32
        %dma_start3A_32 = tpu.memref_slice %arg11[%add3A_3, %dma_start3A_31] : memref<10240x48xf32, #tpu.memory_space<vmem_shared>> -> memref<128x48xf32, #tpu.memory_space<vmem_shared>>
        tpu.enqueue_dma source(%arg10 : memref<128x48xf32, #tpu.memory_space<vmem>>) target(%dma_start3A_32 : memref<128x48xf32, #tpu.memory_space<vmem_shared>>) target_semaphore(%run_scoped3A : memref<!tpu.dma_semaphore, #tpu.memory_space<semaphore_mem>>)
        %dma_wait3A = arith.constant 0 : i32
        %dma_wait3A_33 = tpu.memref_slice %arg11[%add3A_3, %dma_wait3A] : memref<10240x48xf32, #tpu.memory_space<vmem_shared>> -> memref<128x48xf32, #tpu.memory_space<vmem_shared>>
        %dma_wait3A_34 = arith.constant 0 : i32
        %dma_wait3A_35 = tpu.memref_slice %arg11[%add3A_3, %dma_wait3A_34] : memref<10240x48xf32, #tpu.memory_space<vmem_shared>> -> memref<128x48xf32, #tpu.memory_space<vmem_shared>>
        tpu.wait_dma2 semaphore(%run_scoped3A : memref<!tpu.dma_semaphore, #tpu.memory_space<semaphore_mem>>) src(%arg10 : memref<128x48xf32, #tpu.memory_space<vmem>>) dst(%dma_wait3A_35 : memref<128x48xf32, #tpu.memory_space<vmem_shared>>)
        tpu.yield
      }) : () -> ()
      %mul3A_4 = arith.constant 640 : i32
      %mul3A_5 = arith.muli %arg1, %mul3A_4 : i32
      %add3A_6 = arith.constant 128 : i32
      %add3A_7 = arith.addi %mul3A_5, %add3A_6 : i32
      "tpu.region"() ({
        %run_scoped3A = tpu.sem_alloc : memref<!tpu.dma_semaphore, #tpu.memory_space<semaphore_mem>>
        %dma_start3A = arith.constant 0 : i32
        %dma_start3A_30 = tpu.memref_slice %arg11[%add3A_7, %dma_start3A] : memref<10240x48xf32, #tpu.memory_space<vmem_shared>> -> memref<128x48xf32, #tpu.memory_space<vmem_shared>>
        %dma_start3A_31 = arith.constant 0 : i32
        %dma_start3A_32 = tpu.memref_slice %arg11[%add3A_7, %dma_start3A_31] : memref<10240x48xf32, #tpu.memory_space<vmem_shared>> -> memref<128x48xf32, #tpu.memory_space<vmem_shared>>
        tpu.enqueue_dma source(%arg10 : memref<128x48xf32, #tpu.memory_space<vmem>>) target(%dma_start3A_32 : memref<128x48xf32, #tpu.memory_space<vmem_shared>>) target_semaphore(%run_scoped3A : memref<!tpu.dma_semaphore, #tpu.memory_space<semaphore_mem>>)
        %dma_wait3A = arith.constant 0 : i32
        %dma_wait3A_33 = tpu.memref_slice %arg11[%add3A_7, %dma_wait3A] : memref<10240x48xf32, #tpu.memory_space<vmem_shared>> -> memref<128x48xf32, #tpu.memory_space<vmem_shared>>
        %dma_wait3A_34 = arith.constant 0 : i32
        %dma_wait3A_35 = tpu.memref_slice %arg11[%add3A_7, %dma_wait3A_34] : memref<10240x48xf32, #tpu.memory_space<vmem_shared>> -> memref<128x48xf32, #tpu.memory_space<vmem_shared>>
        tpu.wait_dma2 semaphore(%run_scoped3A : memref<!tpu.dma_semaphore, #tpu.memory_space<semaphore_mem>>) src(%arg10 : memref<128x48xf32, #tpu.memory_space<vmem>>) dst(%dma_wait3A_35 : memref<128x48xf32, #tpu.memory_space<vmem_shared>>)
        tpu.yield
      }) : () -> ()
      %mul3A_8 = arith.constant 640 : i32
      %mul3A_9 = arith.muli %arg1, %mul3A_8 : i32
      %add3A_10 = arith.constant 256 : i32
      %add3A_11 = arith.addi %mul3A_9, %add3A_10 : i32
      "tpu.region"() ({
        %run_scoped3A = tpu.sem_alloc : memref<!tpu.dma_semaphore, #tpu.memory_space<semaphore_mem>>
        %dma_start3A = arith.constant 0 : i32
        %dma_start3A_30 = tpu.memref_slice %arg11[%add3A_11, %dma_start3A] : memref<10240x48xf32, #tpu.memory_space<vmem_shared>> -> memref<128x48xf32, #tpu.memory_space<vmem_shared>>
        %dma_start3A_31 = arith.constant 0 : i32
        %dma_start3A_32 = tpu.memref_slice %arg11[%add3A_11, %dma_start3A_31] : memref<10240x48xf32, #tpu.memory_space<vmem_shared>> -> memref<128x48xf32, #tpu.memory_space<vmem_shared>>
        tpu.enqueue_dma source(%arg10 : memref<128x48xf32, #tpu.memory_space<vmem>>) target(%dma_start3A_32 : memref<128x48xf32, #tpu.memory_space<vmem_shared>>) target_semaphore(%run_scoped3A : memref<!tpu.dma_semaphore, #tpu.memory_space<semaphore_mem>>)
        %dma_wait3A = arith.constant 0 : i32
        %dma_wait3A_33 = tpu.memref_slice %arg11[%add3A_11, %dma_wait3A] : memref<10240x48xf32, #tpu.memory_space<vmem_shared>> -> memref<128x48xf32, #tpu.memory_space<vmem_shared>>
        %dma_wait3A_34 = arith.constant 0 : i32
        %dma_wait3A_35 = tpu.memref_slice %arg11[%add3A_11, %dma_wait3A_34] : memref<10240x48xf32, #tpu.memory_space<vmem_shared>> -> memref<128x48xf32, #tpu.memory_space<vmem_shared>>
        tpu.wait_dma2 semaphore(%run_scoped3A : memref<!tpu.dma_semaphore, #tpu.memory_space<semaphore_mem>>) src(%arg10 : memref<128x48xf32, #tpu.memory_space<vmem>>) dst(%dma_wait3A_35 : memref<128x48xf32, #tpu.memory_space<vmem_shared>>)
        tpu.yield
      }) : () -> ()
      %mul3A_12 = arith.constant 640 : i32
      %mul3A_13 = arith.muli %arg1, %mul3A_12 : i32
      %add3A_14 = arith.constant 384 : i32
      %add3A_15 = arith.addi %mul3A_13, %add3A_14 : i32
      "tpu.region"() ({
        %run_scoped3A = tpu.sem_alloc : memref<!tpu.dma_semaphore, #tpu.memory_space<semaphore_mem>>
        %dma_start3A = arith.constant 0 : i32
        %dma_start3A_30 = tpu.memref_slice %arg11[%add3A_15, %dma_start3A] : memref<10240x48xf32, #tpu.memory_space<vmem_shared>> -> memref<128x48xf32, #tpu.memory_space<vmem_shared>>
        %dma_start3A_31 = arith.constant 0 : i32
        %dma_start3A_32 = tpu.memref_slice %arg11[%add3A_15, %dma_start3A_31] : memref<10240x48xf32, #tpu.memory_space<vmem_shared>> -> memref<128x48xf32, #tpu.memory_space<vmem_shared>>
        tpu.enqueue_dma source(%arg10 : memref<128x48xf32, #tpu.memory_space<vmem>>) target(%dma_start3A_32 : memref<128x48xf32, #tpu.memory_space<vmem_shared>>) target_semaphore(%run_scoped3A : memref<!tpu.dma_semaphore, #tpu.memory_space<semaphore_mem>>)
        %dma_wait3A = arith.constant 0 : i32
        %dma_wait3A_33 = tpu.memref_slice %arg11[%add3A_15, %dma_wait3A] : memref<10240x48xf32, #tpu.memory_space<vmem_shared>> -> memref<128x48xf32, #tpu.memory_space<vmem_shared>>
        %dma_wait3A_34 = arith.constant 0 : i32
        %dma_wait3A_35 = tpu.memref_slice %arg11[%add3A_15, %dma_wait3A_34] : memref<10240x48xf32, #tpu.memory_space<vmem_shared>> -> memref<128x48xf32, #tpu.memory_space<vmem_shared>>
        tpu.wait_dma2 semaphore(%run_scoped3A : memref<!tpu.dma_semaphore, #tpu.memory_space<semaphore_mem>>) src(%arg10 : memref<128x48xf32, #tpu.memory_space<vmem>>) dst(%dma_wait3A_35 : memref<128x48xf32, #tpu.memory_space<vmem_shared>>)
        tpu.yield
      }) : () -> ()
      %mul3A_16 = arith.constant 640 : i32
      %mul3A_17 = arith.muli %arg1, %mul3A_16 : i32
      %add3A_18 = arith.constant 512 : i32
      %add3A_19 = arith.addi %mul3A_17, %add3A_18 : i32
      "tpu.region"() ({
        %run_scoped3A = tpu.sem_alloc : memref<!tpu.dma_semaphore, #tpu.memory_space<semaphore_mem>>
        %dma_start3A = arith.constant 0 : i32
        %dma_start3A_30 = tpu.memref_slice %arg11[%add3A_19, %dma_start3A] : memref<10240x48xf32, #tpu.memory_space<vmem_shared>> -> memref<128x48xf32, #tpu.memory_space<vmem_shared>>
        %dma_start3A_31 = arith.constant 0 : i32
        %dma_start3A_32 = tpu.memref_slice %arg11[%add3A_19, %dma_start3A_31] : memref<10240x48xf32, #tpu.memory_space<vmem_shared>> -> memref<128x48xf32, #tpu.memory_space<vmem_shared>>
        tpu.enqueue_dma source(%arg10 : memref<128x48xf32, #tpu.memory_space<vmem>>) target(%dma_start3A_32 : memref<128x48xf32, #tpu.memory_space<vmem_shared>>) target_semaphore(%run_scoped3A : memref<!tpu.dma_semaphore, #tpu.memory_space<semaphore_mem>>)
        %dma_wait3A = arith.constant 0 : i32
        %dma_wait3A_33 = tpu.memref_slice %arg11[%add3A_19, %dma_wait3A] : memref<10240x48xf32, #tpu.memory_space<vmem_shared>> -> memref<128x48xf32, #tpu.memory_space<vmem_shared>>
        %dma_wait3A_34 = arith.constant 0 : i32
        %dma_wait3A_35 = tpu.memref_slice %arg11[%add3A_19, %dma_wait3A_34] : memref<10240x48xf32, #tpu.memory_space<vmem_shared>> -> memref<128x48xf32, #tpu.memory_space<vmem_shared>>
        tpu.wait_dma2 semaphore(%run_scoped3A : memref<!tpu.dma_semaphore, #tpu.memory_space<semaphore_mem>>) src(%arg10 : memref<128x48xf32, #tpu.memory_space<vmem>>) dst(%dma_wait3A_35 : memref<128x48xf32, #tpu.memory_space<vmem_shared>>)
        tpu.yield
      }) : () -> ()
      %barrier3A = arith.constant 0 : index
      tpu.barrier barrier_id(%barrier3A)
      %scan3A = arith.constant 0 : i32
      %scan3A_20 = arith.constant 0 : i32
      %scan3A_21 = arith.constant 157 : i32
      %scan3A_22 = arith.addi %scan3A_20, %scan3A_21 : i32
      %scan3A_23 = arith.constant 1 : i32
      scf.for %scan3A_30 = %scan3A_20 to %scan3A_22 step %scan3A_23  : i32 {
        "tpu.region"() ({
          %run_scoped3A = tpu.sem_alloc : memref<!tpu.dma_semaphore, #tpu.memory_space<semaphore_mem>>
          %dma_start3A = arith.constant 0 : i32
          %dma_start3A_31 = tpu.memref_slice %arg7[%scan3A_30, %dma_start3A] : memref<157x128xi32, #tpu.memory_space<vmem>> -> memref<1x128xi32, #tpu.memory_space<vmem>>
          %dma_start3A_32 = tpu.memref_squeeze %dma_start3A_31 : memref<1x128xi32, #tpu.memory_space<vmem>> -> memref<128xi32, #tpu.memory_space<vmem>>
          %dma_start3A_33 = arith.constant 0 : i32
          %dma_start3A_34 = arith.constant 0 : i32
          %dma_start3A_35 = tpu.memref_slice %arg4[%dma_start3A_33, %dma_start3A_34] : memref<10240x48xf32, #tpu.memory_space<hbm>> -> memref<10240x48xf32, #tpu.memory_space<hbm>>
          tpu.enqueue_indirect_dma source(%dma_start3A_35 : memref<10240x48xf32, #tpu.memory_space<hbm>>) target(%arg9 : memref<128x48xf32, #tpu.memory_space<vmem>>) offsets(%dma_start3A_32 : memref<128xi32, #tpu.memory_space<vmem>>) semaphore(%run_scoped3A : memref<!tpu.dma_semaphore, #tpu.memory_space<semaphore_mem>>)
          %dma_wait3A = arith.constant 0 : i32
          %dma_wait3A_36 = tpu.memref_slice %arg7[%scan3A_30, %dma_wait3A] : memref<157x128xi32, #tpu.memory_space<vmem>> -> memref<1x128xi32, #tpu.memory_space<vmem>>
          %dma_wait3A_37 = tpu.memref_squeeze %dma_wait3A_36 : memref<1x128xi32, #tpu.memory_space<vmem>> -> memref<128xi32, #tpu.memory_space<vmem>>
          %dma_wait3A_38 = arith.constant 0 : i32
          %dma_wait3A_39 = arith.constant 0 : i32
          %dma_wait3A_40 = tpu.memref_slice %arg4[%dma_wait3A_38, %dma_wait3A_39] : memref<10240x48xf32, #tpu.memory_space<hbm>> -> memref<10240x48xf32, #tpu.memory_space<hbm>>
          tpu.wait_indirect_dma semaphore(%run_scoped3A : memref<!tpu.dma_semaphore, #tpu.memory_space<semaphore_mem>>) src(%dma_wait3A_40 : memref<10240x48xf32, #tpu.memory_space<hbm>>) dst(%arg9 : memref<128x48xf32, #tpu.memory_space<vmem>>)
          tpu.yield
        }) : () -> ()
        "tpu.region"() ({
          %run_scoped3A = tpu.sem_alloc : memref<!tpu.dma_semaphore, #tpu.memory_space<semaphore_mem>>
          %dma_start3A = arith.constant 0 : i32
          %dma_start3A_31 = tpu.memref_slice %arg8[%scan3A_30, %dma_start3A] : memref<157x128xi32, #tpu.memory_space<vmem>> -> memref<1x128xi32, #tpu.memory_space<vmem>>
          %dma_start3A_32 = tpu.memref_squeeze %dma_start3A_31 : memref<1x128xi32, #tpu.memory_space<vmem>> -> memref<128xi32, #tpu.memory_space<vmem>>
          %dma_start3A_33 = arith.constant 0 : i32
          %dma_start3A_34 = arith.constant 0 : i32
          %dma_start3A_35 = tpu.memref_slice %arg11[%dma_start3A_33, %dma_start3A_34] : memref<10240x48xf32, #tpu.memory_space<vmem_shared>> -> memref<10240x48xf32, #tpu.memory_space<vmem_shared>>
          tpu.enqueue_indirect_dma source(%arg9 : memref<128x48xf32, #tpu.memory_space<vmem>>) target(%dma_start3A_35 : memref<10240x48xf32, #tpu.memory_space<vmem_shared>>) offsets(%dma_start3A_32 : memref<128xi32, #tpu.memory_space<vmem>>) semaphore(%run_scoped3A : memref<!tpu.dma_semaphore, #tpu.memory_space<semaphore_mem>>) {add = true}
          %dma_wait3A = arith.constant 0 : i32
          %dma_wait3A_36 = tpu.memref_slice %arg8[%scan3A_30, %dma_wait3A] : memref<157x128xi32, #tpu.memory_space<vmem>> -> memref<1x128xi32, #tpu.memory_space<vmem>>
          %dma_wait3A_37 = tpu.memref_squeeze %dma_wait3A_36 : memref<1x128xi32, #tpu.memory_space<vmem>> -> memref<128xi32, #tpu.memory_space<vmem>>
          %dma_wait3A_38 = arith.constant 0 : i32
          %dma_wait3A_39 = arith.constant 0 : i32
          %dma_wait3A_40 = tpu.memref_slice %arg11[%dma_wait3A_38, %dma_wait3A_39] : memref<10240x48xf32, #tpu.memory_space<vmem_shared>> -> memref<10240x48xf32, #tpu.memory_space<vmem_shared>>
          tpu.wait_indirect_dma semaphore(%run_scoped3A : memref<!tpu.dma_semaphore, #tpu.memory_space<semaphore_mem>>) src(%arg9 : memref<128x48xf32, #tpu.memory_space<vmem>>) dst(%dma_wait3A_40 : memref<10240x48xf32, #tpu.memory_space<vmem_shared>>)
          tpu.yield
        }) : () -> ()
      }
      %scan3A_24 = arith.constant 157 : i32
      %barrier3A_25 = arith.constant 0 : index
      tpu.barrier barrier_id(%barrier3A_25)
      %mul3A_26 = arith.constant 640 : i32
      %mul3A_27 = arith.muli %arg1, %mul3A_26 : i32
      %mul3A_28 = arith.constant 640 : i32
      %mul3A_29 = arith.muli %arg1, %mul3A_28 : i32
      "tpu.region"() ({
        %run_scoped3A = tpu.sem_alloc : memref<!tpu.dma_semaphore, #tpu.memory_space<semaphore_mem>>
        %dma_start3A = arith.constant 0 : i32
        %dma_start3A_30 = tpu.memref_slice %arg6[%mul3A_29, %dma_start3A] : memref<10240x48xf32, #tpu.memory_space<hbm>> -> memref<640x48xf32, #tpu.memory_space<hbm>>
        %dma_start3A_31 = arith.constant 0 : i32
        %dma_start3A_32 = tpu.memref_slice %arg11[%mul3A_27, %dma_start3A_31] : memref<10240x48xf32, #tpu.memory_space<vmem_shared>> -> memref<640x48xf32, #tpu.memory_space<vmem_shared>>
        tpu.enqueue_dma source(%dma_start3A_32 : memref<640x48xf32, #tpu.memory_space<vmem_shared>>) target(%dma_start3A_30 : memref<640x48xf32, #tpu.memory_space<hbm>>) target_semaphore(%run_scoped3A : memref<!tpu.dma_semaphore, #tpu.memory_space<semaphore_mem>>)
        %dma_wait3A = arith.constant 0 : i32
        %dma_wait3A_33 = tpu.memref_slice %arg6[%mul3A_29, %dma_wait3A] : memref<10240x48xf32, #tpu.memory_space<hbm>> -> memref<640x48xf32, #tpu.memory_space<hbm>>
        %dma_wait3A_34 = arith.constant 0 : i32
        %dma_wait3A_35 = tpu.memref_slice %arg11[%mul3A_27, %dma_wait3A_34] : memref<10240x48xf32, #tpu.memory_space<vmem_shared>> -> memref<640x48xf32, #tpu.memory_space<vmem_shared>>
        tpu.wait_dma2 semaphore(%run_scoped3A : memref<!tpu.dma_semaphore, #tpu.memory_space<semaphore_mem>>) src(%dma_wait3A_35 : memref<640x48xf32, #tpu.memory_space<vmem_shared>>) dst(%dma_wait3A_33 : memref<640x48xf32, #tpu.memory_space<hbm>>)
        tpu.yield
      }) : () -> ()
    } else {
    }
    return
  }
}

#map = affine_map<(d0, d1) -> (0, 0, 0)>
#map1 = affine_map<(d0, d1) -> (0, 0)>
module attributes {stable_mosaic.version = 14 : i64} {
  func.func @_sc_round(%arg0: i32, %arg1: i32, %arg2: memref<16x157x128xi32, #tpu.memory_space<hbm>>, %arg3: memref<16x157x128xi32, #tpu.memory_space<hbm>>, %arg4: memref<10240x48xf32, #tpu.memory_space<hbm>>, %arg5: memref<128x48xf32, #tpu.memory_space<hbm>>, %arg6: memref<10240x48xf32, #tpu.memory_space<hbm>>, %arg7: memref<157x128xi32, #tpu.memory_space<vmem>>, %arg8: memref<157x128xi32, #tpu.memory_space<vmem>>, %arg9: memref<128x48xf32, #tpu.memory_space<vmem>>, %arg10: memref<128x48xf32, #tpu.memory_space<vmem>>, %arg11: memref<10240x48xf32, #tpu.memory_space<vmem_shared>>) attributes {dimension_semantics = [#tpu.dimension_semantics<core_parallel>, #tpu.dimension_semantics<subcore_parallel>], iteration_bounds = array<i64: 2, 16>, scalar_prefetch = 0 : i64, scratch_operands = 5 : i64, tpu.core_type = #tpu.core_type<sc_vector_subcore>, window_params = [{transform_indices = #map}, {transform_indices = #map}, {transform_indices = #map1}, {transform_indices = #map1}, {transform_indices = #map1}]} {
    %eq3A = arith.constant 0 : i32
    %eq3A_0 = arith.cmpi eq, %arg0, %eq3A : i32
    %convert_element_type3A = arith.extui %eq3A_0 : i1 to i32
    %cond3A = arith.constant 0 : i32
    %cond3A_1 = arith.cmpi ne, %convert_element_type3A, %cond3A : i32
    scf.if %cond3A_1 {
      "tpu.region"() ({
        %run_scoped3A = tpu.sem_alloc : memref<!tpu.dma_semaphore, #tpu.memory_space<semaphore_mem>>
        %dma_start3A = arith.constant 0 : i32
        %dma_start3A_30 = arith.constant 0 : i32
        %dma_start3A_31 = tpu.memref_slice %arg2[%arg1, %dma_start3A, %dma_start3A_30] : memref<16x157x128xi32, #tpu.memory_space<hbm>> -> memref<1x157x128xi32, #tpu.memory_space<hbm>>
        %dma_start3A_32 = tpu.memref_squeeze %dma_start3A_31 : memref<1x157x128xi32, #tpu.memory_space<hbm>> -> memref<157x128xi32, #tpu.memory_space<hbm>>
        %dma_start3A_33 = arith.constant 0 : i32
        %dma_start3A_34 = arith.constant 0 : i32
        %dma_start3A_35 = tpu.memref_slice %arg2[%arg1, %dma_start3A_33, %dma_start3A_34] : memref<16x157x128xi32, #tpu.memory_space<hbm>> -> memref<1x157x128xi32, #tpu.memory_space<hbm>>
        %dma_start3A_36 = tpu.memref_squeeze %dma_start3A_35 : memref<1x157x128xi32, #tpu.memory_space<hbm>> -> memref<157x128xi32, #tpu.memory_space<hbm>>
        tpu.enqueue_dma source(%dma_start3A_36 : memref<157x128xi32, #tpu.memory_space<hbm>>) target(%arg7 : memref<157x128xi32, #tpu.memory_space<vmem>>) target_semaphore(%run_scoped3A : memref<!tpu.dma_semaphore, #tpu.memory_space<semaphore_mem>>)
        %dma_wait3A = arith.constant 0 : i32
        %dma_wait3A_37 = arith.constant 0 : i32
        %dma_wait3A_38 = tpu.memref_slice %arg2[%arg1, %dma_wait3A, %dma_wait3A_37] : memref<16x157x128xi32, #tpu.memory_space<hbm>> -> memref<1x157x128xi32, #tpu.memory_space<hbm>>
        %dma_wait3A_39 = tpu.memref_squeeze %dma_wait3A_38 : memref<1x157x128xi32, #tpu.memory_space<hbm>> -> memref<157x128xi32, #tpu.memory_space<hbm>>
        %dma_wait3A_40 = arith.constant 0 : i32
        %dma_wait3A_41 = arith.constant 0 : i32
        %dma_wait3A_42 = tpu.memref_slice %arg2[%arg1, %dma_wait3A_40, %dma_wait3A_41] : memref<16x157x128xi32, #tpu.memory_space<hbm>> -> memref<1x157x128xi32, #tpu.memory_space<hbm>>
        %dma_wait3A_43 = tpu.memref_squeeze %dma_wait3A_42 : memref<1x157x128xi32, #tpu.memory_space<hbm>> -> memref<157x128xi32, #tpu.memory_space<hbm>>
        tpu.wait_dma2 semaphore(%run_scoped3A : memref<!tpu.dma_semaphore, #tpu.memory_space<semaphore_mem>>) src(%dma_wait3A_43 : memref<157x128xi32, #tpu.memory_space<hbm>>) dst(%arg7 : memref<157x128xi32, #tpu.memory_space<vmem>>)
        tpu.yield
      }) : () -> ()
      "tpu.region"() ({
        %run_scoped3A = tpu.sem_alloc : memref<!tpu.dma_semaphore, #tpu.memory_space<semaphore_mem>>
        %dma_start3A = arith.constant 0 : i32
        %dma_start3A_30 = arith.constant 0 : i32
        %dma_start3A_31 = tpu.memref_slice %arg3[%arg1, %dma_start3A, %dma_start3A_30] : memref<16x157x128xi32, #tpu.memory_space<hbm>> -> memref<1x157x128xi32, #tpu.memory_space<hbm>>
        %dma_start3A_32 = tpu.memref_squeeze %dma_start3A_31 : memref<1x157x128xi32, #tpu.memory_space<hbm>> -> memref<157x128xi32, #tpu.memory_space<hbm>>
        %dma_start3A_33 = arith.constant 0 : i32
        %dma_start3A_34 = arith.constant 0 : i32
        %dma_start3A_35 = tpu.memref_slice %arg3[%arg1, %dma_start3A_33, %dma_start3A_34] : memref<16x157x128xi32, #tpu.memory_space<hbm>> -> memref<1x157x128xi32, #tpu.memory_space<hbm>>
        %dma_start3A_36 = tpu.memref_squeeze %dma_start3A_35 : memref<1x157x128xi32, #tpu.memory_space<hbm>> -> memref<157x128xi32, #tpu.memory_space<hbm>>
        tpu.enqueue_dma source(%dma_start3A_36 : memref<157x128xi32, #tpu.memory_space<hbm>>) target(%arg8 : memref<157x128xi32, #tpu.memory_space<vmem>>) target_semaphore(%run_scoped3A : memref<!tpu.dma_semaphore, #tpu.memory_space<semaphore_mem>>)
        %dma_wait3A = arith.constant 0 : i32
        %dma_wait3A_37 = arith.constant 0 : i32
        %dma_wait3A_38 = tpu.memref_slice %arg3[%arg1, %dma_wait3A, %dma_wait3A_37] : memref<16x157x128xi32, #tpu.memory_space<hbm>> -> memref<1x157x128xi32, #tpu.memory_space<hbm>>
        %dma_wait3A_39 = tpu.memref_squeeze %dma_wait3A_38 : memref<1x157x128xi32, #tpu.memory_space<hbm>> -> memref<157x128xi32, #tpu.memory_space<hbm>>
        %dma_wait3A_40 = arith.constant 0 : i32
        %dma_wait3A_41 = arith.constant 0 : i32
        %dma_wait3A_42 = tpu.memref_slice %arg3[%arg1, %dma_wait3A_40, %dma_wait3A_41] : memref<16x157x128xi32, #tpu.memory_space<hbm>> -> memref<1x157x128xi32, #tpu.memory_space<hbm>>
        %dma_wait3A_43 = tpu.memref_squeeze %dma_wait3A_42 : memref<1x157x128xi32, #tpu.memory_space<hbm>> -> memref<157x128xi32, #tpu.memory_space<hbm>>
        tpu.wait_dma2 semaphore(%run_scoped3A : memref<!tpu.dma_semaphore, #tpu.memory_space<semaphore_mem>>) src(%dma_wait3A_43 : memref<157x128xi32, #tpu.memory_space<hbm>>) dst(%arg8 : memref<157x128xi32, #tpu.memory_space<vmem>>)
        tpu.yield
      }) : () -> ()
      "tpu.region"() ({
        %run_scoped3A = tpu.sem_alloc : memref<!tpu.dma_semaphore, #tpu.memory_space<semaphore_mem>>
        tpu.enqueue_dma source(%arg5 : memref<128x48xf32, #tpu.memory_space<hbm>>) target(%arg10 : memref<128x48xf32, #tpu.memory_space<vmem>>) target_semaphore(%run_scoped3A : memref<!tpu.dma_semaphore, #tpu.memory_space<semaphore_mem>>)
        tpu.wait_dma2 semaphore(%run_scoped3A : memref<!tpu.dma_semaphore, #tpu.memory_space<semaphore_mem>>) src(%arg5 : memref<128x48xf32, #tpu.memory_space<hbm>>) dst(%arg10 : memref<128x48xf32, #tpu.memory_space<vmem>>)
        tpu.yield
      }) : () -> ()
      %mul3A = arith.constant 640 : i32
      %mul3A_2 = arith.muli %arg1, %mul3A : i32
      %add3A = arith.constant 0 : i32
      %add3A_3 = arith.addi %mul3A_2, %add3A : i32
      "tpu.region"() ({
        %run_scoped3A = tpu.sem_alloc : memref<!tpu.dma_semaphore, #tpu.memory_space<semaphore_mem>>
        %dma_start3A = arith.constant 0 : i32
        %dma_start3A_30 = tpu.memref_slice %arg11[%add3A_3, %dma_start3A] : memref<10240x48xf32, #tpu.memory_space<vmem_shared>> -> memref<128x48xf32, #tpu.memory_space<vmem_shared>>
        %dma_start3A_31 = arith.constant 0 : i32
        %dma_start3A_32 = tpu.memref_slice %arg11[%add3A_3, %dma_start3A_31] : memref<10240x48xf32, #tpu.memory_space<vmem_shared>> -> memref<128x48xf32, #tpu.memory_space<vmem_shared>>
        tpu.enqueue_dma source(%arg10 : memref<128x48xf32, #tpu.memory_space<vmem>>) target(%dma_start3A_32 : memref<128x48xf32, #tpu.memory_space<vmem_shared>>) target_semaphore(%run_scoped3A : memref<!tpu.dma_semaphore, #tpu.memory_space<semaphore_mem>>)
        %dma_wait3A = arith.constant 0 : i32
        %dma_wait3A_33 = tpu.memref_slice %arg11[%add3A_3, %dma_wait3A] : memref<10240x48xf32, #tpu.memory_space<vmem_shared>> -> memref<128x48xf32, #tpu.memory_space<vmem_shared>>
        %dma_wait3A_34 = arith.constant 0 : i32
        %dma_wait3A_35 = tpu.memref_slice %arg11[%add3A_3, %dma_wait3A_34] : memref<10240x48xf32, #tpu.memory_space<vmem_shared>> -> memref<128x48xf32, #tpu.memory_space<vmem_shared>>
        tpu.wait_dma2 semaphore(%run_scoped3A : memref<!tpu.dma_semaphore, #tpu.memory_space<semaphore_mem>>) src(%arg10 : memref<128x48xf32, #tpu.memory_space<vmem>>) dst(%dma_wait3A_35 : memref<128x48xf32, #tpu.memory_space<vmem_shared>>)
        tpu.yield
      }) : () -> ()
      %mul3A_4 = arith.constant 640 : i32
      %mul3A_5 = arith.muli %arg1, %mul3A_4 : i32
      %add3A_6 = arith.constant 128 : i32
      %add3A_7 = arith.addi %mul3A_5, %add3A_6 : i32
      "tpu.region"() ({
        %run_scoped3A = tpu.sem_alloc : memref<!tpu.dma_semaphore, #tpu.memory_space<semaphore_mem>>
        %dma_start3A = arith.constant 0 : i32
        %dma_start3A_30 = tpu.memref_slice %arg11[%add3A_7, %dma_start3A] : memref<10240x48xf32, #tpu.memory_space<vmem_shared>> -> memref<128x48xf32, #tpu.memory_space<vmem_shared>>
        %dma_start3A_31 = arith.constant 0 : i32
        %dma_start3A_32 = tpu.memref_slice %arg11[%add3A_7, %dma_start3A_31] : memref<10240x48xf32, #tpu.memory_space<vmem_shared>> -> memref<128x48xf32, #tpu.memory_space<vmem_shared>>
        tpu.enqueue_dma source(%arg10 : memref<128x48xf32, #tpu.memory_space<vmem>>) target(%dma_start3A_32 : memref<128x48xf32, #tpu.memory_space<vmem_shared>>) target_semaphore(%run_scoped3A : memref<!tpu.dma_semaphore, #tpu.memory_space<semaphore_mem>>)
        %dma_wait3A = arith.constant 0 : i32
        %dma_wait3A_33 = tpu.memref_slice %arg11[%add3A_7, %dma_wait3A] : memref<10240x48xf32, #tpu.memory_space<vmem_shared>> -> memref<128x48xf32, #tpu.memory_space<vmem_shared>>
        %dma_wait3A_34 = arith.constant 0 : i32
        %dma_wait3A_35 = tpu.memref_slice %arg11[%add3A_7, %dma_wait3A_34] : memref<10240x48xf32, #tpu.memory_space<vmem_shared>> -> memref<128x48xf32, #tpu.memory_space<vmem_shared>>
        tpu.wait_dma2 semaphore(%run_scoped3A : memref<!tpu.dma_semaphore, #tpu.memory_space<semaphore_mem>>) src(%arg10 : memref<128x48xf32, #tpu.memory_space<vmem>>) dst(%dma_wait3A_35 : memref<128x48xf32, #tpu.memory_space<vmem_shared>>)
        tpu.yield
      }) : () -> ()
      %mul3A_8 = arith.constant 640 : i32
      %mul3A_9 = arith.muli %arg1, %mul3A_8 : i32
      %add3A_10 = arith.constant 256 : i32
      %add3A_11 = arith.addi %mul3A_9, %add3A_10 : i32
      "tpu.region"() ({
        %run_scoped3A = tpu.sem_alloc : memref<!tpu.dma_semaphore, #tpu.memory_space<semaphore_mem>>
        %dma_start3A = arith.constant 0 : i32
        %dma_start3A_30 = tpu.memref_slice %arg11[%add3A_11, %dma_start3A] : memref<10240x48xf32, #tpu.memory_space<vmem_shared>> -> memref<128x48xf32, #tpu.memory_space<vmem_shared>>
        %dma_start3A_31 = arith.constant 0 : i32
        %dma_start3A_32 = tpu.memref_slice %arg11[%add3A_11, %dma_start3A_31] : memref<10240x48xf32, #tpu.memory_space<vmem_shared>> -> memref<128x48xf32, #tpu.memory_space<vmem_shared>>
        tpu.enqueue_dma source(%arg10 : memref<128x48xf32, #tpu.memory_space<vmem>>) target(%dma_start3A_32 : memref<128x48xf32, #tpu.memory_space<vmem_shared>>) target_semaphore(%run_scoped3A : memref<!tpu.dma_semaphore, #tpu.memory_space<semaphore_mem>>)
        %dma_wait3A = arith.constant 0 : i32
        %dma_wait3A_33 = tpu.memref_slice %arg11[%add3A_11, %dma_wait3A] : memref<10240x48xf32, #tpu.memory_space<vmem_shared>> -> memref<128x48xf32, #tpu.memory_space<vmem_shared>>
        %dma_wait3A_34 = arith.constant 0 : i32
        %dma_wait3A_35 = tpu.memref_slice %arg11[%add3A_11, %dma_wait3A_34] : memref<10240x48xf32, #tpu.memory_space<vmem_shared>> -> memref<128x48xf32, #tpu.memory_space<vmem_shared>>
        tpu.wait_dma2 semaphore(%run_scoped3A : memref<!tpu.dma_semaphore, #tpu.memory_space<semaphore_mem>>) src(%arg10 : memref<128x48xf32, #tpu.memory_space<vmem>>) dst(%dma_wait3A_35 : memref<128x48xf32, #tpu.memory_space<vmem_shared>>)
        tpu.yield
      }) : () -> ()
      %mul3A_12 = arith.constant 640 : i32
      %mul3A_13 = arith.muli %arg1, %mul3A_12 : i32
      %add3A_14 = arith.constant 384 : i32
      %add3A_15 = arith.addi %mul3A_13, %add3A_14 : i32
      "tpu.region"() ({
        %run_scoped3A = tpu.sem_alloc : memref<!tpu.dma_semaphore, #tpu.memory_space<semaphore_mem>>
        %dma_start3A = arith.constant 0 : i32
        %dma_start3A_30 = tpu.memref_slice %arg11[%add3A_15, %dma_start3A] : memref<10240x48xf32, #tpu.memory_space<vmem_shared>> -> memref<128x48xf32, #tpu.memory_space<vmem_shared>>
        %dma_start3A_31 = arith.constant 0 : i32
        %dma_start3A_32 = tpu.memref_slice %arg11[%add3A_15, %dma_start3A_31] : memref<10240x48xf32, #tpu.memory_space<vmem_shared>> -> memref<128x48xf32, #tpu.memory_space<vmem_shared>>
        tpu.enqueue_dma source(%arg10 : memref<128x48xf32, #tpu.memory_space<vmem>>) target(%dma_start3A_32 : memref<128x48xf32, #tpu.memory_space<vmem_shared>>) target_semaphore(%run_scoped3A : memref<!tpu.dma_semaphore, #tpu.memory_space<semaphore_mem>>)
        %dma_wait3A = arith.constant 0 : i32
        %dma_wait3A_33 = tpu.memref_slice %arg11[%add3A_15, %dma_wait3A] : memref<10240x48xf32, #tpu.memory_space<vmem_shared>> -> memref<128x48xf32, #tpu.memory_space<vmem_shared>>
        %dma_wait3A_34 = arith.constant 0 : i32
        %dma_wait3A_35 = tpu.memref_slice %arg11[%add3A_15, %dma_wait3A_34] : memref<10240x48xf32, #tpu.memory_space<vmem_shared>> -> memref<128x48xf32, #tpu.memory_space<vmem_shared>>
        tpu.wait_dma2 semaphore(%run_scoped3A : memref<!tpu.dma_semaphore, #tpu.memory_space<semaphore_mem>>) src(%arg10 : memref<128x48xf32, #tpu.memory_space<vmem>>) dst(%dma_wait3A_35 : memref<128x48xf32, #tpu.memory_space<vmem_shared>>)
        tpu.yield
      }) : () -> ()
      %mul3A_16 = arith.constant 640 : i32
      %mul3A_17 = arith.muli %arg1, %mul3A_16 : i32
      %add3A_18 = arith.constant 512 : i32
      %add3A_19 = arith.addi %mul3A_17, %add3A_18 : i32
      "tpu.region"() ({
        %run_scoped3A = tpu.sem_alloc : memref<!tpu.dma_semaphore, #tpu.memory_space<semaphore_mem>>
        %dma_start3A = arith.constant 0 : i32
        %dma_start3A_30 = tpu.memref_slice %arg11[%add3A_19, %dma_start3A] : memref<10240x48xf32, #tpu.memory_space<vmem_shared>> -> memref<128x48xf32, #tpu.memory_space<vmem_shared>>
        %dma_start3A_31 = arith.constant 0 : i32
        %dma_start3A_32 = tpu.memref_slice %arg11[%add3A_19, %dma_start3A_31] : memref<10240x48xf32, #tpu.memory_space<vmem_shared>> -> memref<128x48xf32, #tpu.memory_space<vmem_shared>>
        tpu.enqueue_dma source(%arg10 : memref<128x48xf32, #tpu.memory_space<vmem>>) target(%dma_start3A_32 : memref<128x48xf32, #tpu.memory_space<vmem_shared>>) target_semaphore(%run_scoped3A : memref<!tpu.dma_semaphore, #tpu.memory_space<semaphore_mem>>)
        %dma_wait3A = arith.constant 0 : i32
        %dma_wait3A_33 = tpu.memref_slice %arg11[%add3A_19, %dma_wait3A] : memref<10240x48xf32, #tpu.memory_space<vmem_shared>> -> memref<128x48xf32, #tpu.memory_space<vmem_shared>>
        %dma_wait3A_34 = arith.constant 0 : i32
        %dma_wait3A_35 = tpu.memref_slice %arg11[%add3A_19, %dma_wait3A_34] : memref<10240x48xf32, #tpu.memory_space<vmem_shared>> -> memref<128x48xf32, #tpu.memory_space<vmem_shared>>
        tpu.wait_dma2 semaphore(%run_scoped3A : memref<!tpu.dma_semaphore, #tpu.memory_space<semaphore_mem>>) src(%arg10 : memref<128x48xf32, #tpu.memory_space<vmem>>) dst(%dma_wait3A_35 : memref<128x48xf32, #tpu.memory_space<vmem_shared>>)
        tpu.yield
      }) : () -> ()
      %barrier3A = arith.constant 0 : index
      tpu.barrier barrier_id(%barrier3A)
      %scan3A = arith.constant 0 : i32
      %scan3A_20 = arith.constant 0 : i32
      %scan3A_21 = arith.constant 157 : i32
      %scan3A_22 = arith.addi %scan3A_20, %scan3A_21 : i32
      %scan3A_23 = arith.constant 1 : i32
      scf.for %scan3A_30 = %scan3A_20 to %scan3A_22 step %scan3A_23  : i32 {
        "tpu.region"() ({
          %run_scoped3A = tpu.sem_alloc : memref<!tpu.dma_semaphore, #tpu.memory_space<semaphore_mem>>
          %dma_start3A = arith.constant 0 : i32
          %dma_start3A_31 = tpu.memref_slice %arg7[%scan3A_30, %dma_start3A] : memref<157x128xi32, #tpu.memory_space<vmem>> -> memref<1x128xi32, #tpu.memory_space<vmem>>
          %dma_start3A_32 = tpu.memref_squeeze %dma_start3A_31 : memref<1x128xi32, #tpu.memory_space<vmem>> -> memref<128xi32, #tpu.memory_space<vmem>>
          %dma_start3A_33 = arith.constant 0 : i32
          %dma_start3A_34 = arith.constant 0 : i32
          %dma_start3A_35 = tpu.memref_slice %arg4[%dma_start3A_33, %dma_start3A_34] : memref<10240x48xf32, #tpu.memory_space<hbm>> -> memref<10240x48xf32, #tpu.memory_space<hbm>>
          tpu.enqueue_indirect_dma source(%dma_start3A_35 : memref<10240x48xf32, #tpu.memory_space<hbm>>) target(%arg9 : memref<128x48xf32, #tpu.memory_space<vmem>>) offsets(%dma_start3A_32 : memref<128xi32, #tpu.memory_space<vmem>>) semaphore(%run_scoped3A : memref<!tpu.dma_semaphore, #tpu.memory_space<semaphore_mem>>)
          %dma_wait3A = arith.constant 0 : i32
          %dma_wait3A_36 = tpu.memref_slice %arg7[%scan3A_30, %dma_wait3A] : memref<157x128xi32, #tpu.memory_space<vmem>> -> memref<1x128xi32, #tpu.memory_space<vmem>>
          %dma_wait3A_37 = tpu.memref_squeeze %dma_wait3A_36 : memref<1x128xi32, #tpu.memory_space<vmem>> -> memref<128xi32, #tpu.memory_space<vmem>>
          %dma_wait3A_38 = arith.constant 0 : i32
          %dma_wait3A_39 = arith.constant 0 : i32
          %dma_wait3A_40 = tpu.memref_slice %arg4[%dma_wait3A_38, %dma_wait3A_39] : memref<10240x48xf32, #tpu.memory_space<hbm>> -> memref<10240x48xf32, #tpu.memory_space<hbm>>
          tpu.wait_indirect_dma semaphore(%run_scoped3A : memref<!tpu.dma_semaphore, #tpu.memory_space<semaphore_mem>>) src(%dma_wait3A_40 : memref<10240x48xf32, #tpu.memory_space<hbm>>) dst(%arg9 : memref<128x48xf32, #tpu.memory_space<vmem>>)
          tpu.yield
        }) : () -> ()
        "tpu.region"() ({
          %run_scoped3A = tpu.sem_alloc : memref<!tpu.dma_semaphore, #tpu.memory_space<semaphore_mem>>
          %dma_start3A = arith.constant 0 : i32
          %dma_start3A_31 = tpu.memref_slice %arg8[%scan3A_30, %dma_start3A] : memref<157x128xi32, #tpu.memory_space<vmem>> -> memref<1x128xi32, #tpu.memory_space<vmem>>
          %dma_start3A_32 = tpu.memref_squeeze %dma_start3A_31 : memref<1x128xi32, #tpu.memory_space<vmem>> -> memref<128xi32, #tpu.memory_space<vmem>>
          %dma_start3A_33 = arith.constant 0 : i32
          %dma_start3A_34 = arith.constant 0 : i32
          %dma_start3A_35 = tpu.memref_slice %arg11[%dma_start3A_33, %dma_start3A_34] : memref<10240x48xf32, #tpu.memory_space<vmem_shared>> -> memref<10240x48xf32, #tpu.memory_space<vmem_shared>>
          tpu.enqueue_indirect_dma source(%arg9 : memref<128x48xf32, #tpu.memory_space<vmem>>) target(%dma_start3A_35 : memref<10240x48xf32, #tpu.memory_space<vmem_shared>>) offsets(%dma_start3A_32 : memref<128xi32, #tpu.memory_space<vmem>>) semaphore(%run_scoped3A : memref<!tpu.dma_semaphore, #tpu.memory_space<semaphore_mem>>) {add = true}
          %dma_wait3A = arith.constant 0 : i32
          %dma_wait3A_36 = tpu.memref_slice %arg8[%scan3A_30, %dma_wait3A] : memref<157x128xi32, #tpu.memory_space<vmem>> -> memref<1x128xi32, #tpu.memory_space<vmem>>
          %dma_wait3A_37 = tpu.memref_squeeze %dma_wait3A_36 : memref<1x128xi32, #tpu.memory_space<vmem>> -> memref<128xi32, #tpu.memory_space<vmem>>
          %dma_wait3A_38 = arith.constant 0 : i32
          %dma_wait3A_39 = arith.constant 0 : i32
          %dma_wait3A_40 = tpu.memref_slice %arg11[%dma_wait3A_38, %dma_wait3A_39] : memref<10240x48xf32, #tpu.memory_space<vmem_shared>> -> memref<10240x48xf32, #tpu.memory_space<vmem_shared>>
          tpu.wait_indirect_dma semaphore(%run_scoped3A : memref<!tpu.dma_semaphore, #tpu.memory_space<semaphore_mem>>) src(%arg9 : memref<128x48xf32, #tpu.memory_space<vmem>>) dst(%dma_wait3A_40 : memref<10240x48xf32, #tpu.memory_space<vmem_shared>>)
          tpu.yield
        }) : () -> ()
      }
      %scan3A_24 = arith.constant 157 : i32
      %barrier3A_25 = arith.constant 0 : index
      tpu.barrier barrier_id(%barrier3A_25)
      %mul3A_26 = arith.constant 640 : i32
      %mul3A_27 = arith.muli %arg1, %mul3A_26 : i32
      %mul3A_28 = arith.constant 640 : i32
      %mul3A_29 = arith.muli %arg1, %mul3A_28 : i32
      "tpu.region"() ({
        %run_scoped3A = tpu.sem_alloc : memref<!tpu.dma_semaphore, #tpu.memory_space<semaphore_mem>>
        %dma_start3A = arith.constant 0 : i32
        %dma_start3A_30 = tpu.memref_slice %arg6[%mul3A_29, %dma_start3A] : memref<10240x48xf32, #tpu.memory_space<hbm>> -> memref<640x48xf32, #tpu.memory_space<hbm>>
        %dma_start3A_31 = arith.constant 0 : i32
        %dma_start3A_32 = tpu.memref_slice %arg11[%mul3A_27, %dma_start3A_31] : memref<10240x48xf32, #tpu.memory_space<vmem_shared>> -> memref<640x48xf32, #tpu.memory_space<vmem_shared>>
        tpu.enqueue_dma source(%dma_start3A_32 : memref<640x48xf32, #tpu.memory_space<vmem_shared>>) target(%dma_start3A_30 : memref<640x48xf32, #tpu.memory_space<hbm>>) target_semaphore(%run_scoped3A : memref<!tpu.dma_semaphore, #tpu.memory_space<semaphore_mem>>)
        %dma_wait3A = arith.constant 0 : i32
        %dma_wait3A_33 = tpu.memref_slice %arg6[%mul3A_29, %dma_wait3A] : memref<10240x48xf32, #tpu.memory_space<hbm>> -> memref<640x48xf32, #tpu.memory_space<hbm>>
        %dma_wait3A_34 = arith.constant 0 : i32
        %dma_wait3A_35 = tpu.memref_slice %arg11[%mul3A_27, %dma_wait3A_34] : memref<10240x48xf32, #tpu.memory_space<vmem_shared>> -> memref<640x48xf32, #tpu.memory_space<vmem_shared>>
        tpu.wait_dma2 semaphore(%run_scoped3A : memref<!tpu.dma_semaphore, #tpu.memory_space<semaphore_mem>>) src(%dma_wait3A_35 : memref<640x48xf32, #tpu.memory_space<vmem_shared>>) dst(%dma_wait3A_33 : memref<640x48xf32, #tpu.memory_space<hbm>>)
        tpu.yield
      }) : () -> ()
    } else {
    }
    return
  }
}

#map = affine_map<(d0, d1) -> (0, 0, 0)>
#map1 = affine_map<(d0, d1) -> (0, 0)>
module attributes {stable_mosaic.version = 14 : i64} {
  func.func @_sc_round(%arg0: i32, %arg1: i32, %arg2: memref<16x157x128xi32, #tpu.memory_space<hbm>>, %arg3: memref<16x157x128xi32, #tpu.memory_space<hbm>>, %arg4: memref<10240x48xf32, #tpu.memory_space<hbm>>, %arg5: memref<128x48xf32, #tpu.memory_space<hbm>>, %arg6: memref<10240x48xf32, #tpu.memory_space<hbm>>, %arg7: memref<157x128xi32, #tpu.memory_space<vmem>>, %arg8: memref<157x128xi32, #tpu.memory_space<vmem>>, %arg9: memref<128x48xf32, #tpu.memory_space<vmem>>, %arg10: memref<128x48xf32, #tpu.memory_space<vmem>>, %arg11: memref<10240x48xf32, #tpu.memory_space<vmem_shared>>) attributes {dimension_semantics = [#tpu.dimension_semantics<core_parallel>, #tpu.dimension_semantics<subcore_parallel>], iteration_bounds = array<i64: 2, 16>, scalar_prefetch = 0 : i64, scratch_operands = 5 : i64, tpu.core_type = #tpu.core_type<sc_vector_subcore>, window_params = [{transform_indices = #map}, {transform_indices = #map}, {transform_indices = #map1}, {transform_indices = #map1}, {transform_indices = #map1}]} {
    %eq3A = arith.constant 0 : i32
    %eq3A_0 = arith.cmpi eq, %arg0, %eq3A : i32
    %convert_element_type3A = arith.extui %eq3A_0 : i1 to i32
    %cond3A = arith.constant 0 : i32
    %cond3A_1 = arith.cmpi ne, %convert_element_type3A, %cond3A : i32
    scf.if %cond3A_1 {
      "tpu.region"() ({
        %run_scoped3A = tpu.sem_alloc : memref<!tpu.dma_semaphore, #tpu.memory_space<semaphore_mem>>
        %dma_start3A = arith.constant 0 : i32
        %dma_start3A_30 = arith.constant 0 : i32
        %dma_start3A_31 = tpu.memref_slice %arg2[%arg1, %dma_start3A, %dma_start3A_30] : memref<16x157x128xi32, #tpu.memory_space<hbm>> -> memref<1x157x128xi32, #tpu.memory_space<hbm>>
        %dma_start3A_32 = tpu.memref_squeeze %dma_start3A_31 : memref<1x157x128xi32, #tpu.memory_space<hbm>> -> memref<157x128xi32, #tpu.memory_space<hbm>>
        %dma_start3A_33 = arith.constant 0 : i32
        %dma_start3A_34 = arith.constant 0 : i32
        %dma_start3A_35 = tpu.memref_slice %arg2[%arg1, %dma_start3A_33, %dma_start3A_34] : memref<16x157x128xi32, #tpu.memory_space<hbm>> -> memref<1x157x128xi32, #tpu.memory_space<hbm>>
        %dma_start3A_36 = tpu.memref_squeeze %dma_start3A_35 : memref<1x157x128xi32, #tpu.memory_space<hbm>> -> memref<157x128xi32, #tpu.memory_space<hbm>>
        tpu.enqueue_dma source(%dma_start3A_36 : memref<157x128xi32, #tpu.memory_space<hbm>>) target(%arg7 : memref<157x128xi32, #tpu.memory_space<vmem>>) target_semaphore(%run_scoped3A : memref<!tpu.dma_semaphore, #tpu.memory_space<semaphore_mem>>)
        %dma_wait3A = arith.constant 0 : i32
        %dma_wait3A_37 = arith.constant 0 : i32
        %dma_wait3A_38 = tpu.memref_slice %arg2[%arg1, %dma_wait3A, %dma_wait3A_37] : memref<16x157x128xi32, #tpu.memory_space<hbm>> -> memref<1x157x128xi32, #tpu.memory_space<hbm>>
        %dma_wait3A_39 = tpu.memref_squeeze %dma_wait3A_38 : memref<1x157x128xi32, #tpu.memory_space<hbm>> -> memref<157x128xi32, #tpu.memory_space<hbm>>
        %dma_wait3A_40 = arith.constant 0 : i32
        %dma_wait3A_41 = arith.constant 0 : i32
        %dma_wait3A_42 = tpu.memref_slice %arg2[%arg1, %dma_wait3A_40, %dma_wait3A_41] : memref<16x157x128xi32, #tpu.memory_space<hbm>> -> memref<1x157x128xi32, #tpu.memory_space<hbm>>
        %dma_wait3A_43 = tpu.memref_squeeze %dma_wait3A_42 : memref<1x157x128xi32, #tpu.memory_space<hbm>> -> memref<157x128xi32, #tpu.memory_space<hbm>>
        tpu.wait_dma2 semaphore(%run_scoped3A : memref<!tpu.dma_semaphore, #tpu.memory_space<semaphore_mem>>) src(%dma_wait3A_43 : memref<157x128xi32, #tpu.memory_space<hbm>>) dst(%arg7 : memref<157x128xi32, #tpu.memory_space<vmem>>)
        tpu.yield
      }) : () -> ()
      "tpu.region"() ({
        %run_scoped3A = tpu.sem_alloc : memref<!tpu.dma_semaphore, #tpu.memory_space<semaphore_mem>>
        %dma_start3A = arith.constant 0 : i32
        %dma_start3A_30 = arith.constant 0 : i32
        %dma_start3A_31 = tpu.memref_slice %arg3[%arg1, %dma_start3A, %dma_start3A_30] : memref<16x157x128xi32, #tpu.memory_space<hbm>> -> memref<1x157x128xi32, #tpu.memory_space<hbm>>
        %dma_start3A_32 = tpu.memref_squeeze %dma_start3A_31 : memref<1x157x128xi32, #tpu.memory_space<hbm>> -> memref<157x128xi32, #tpu.memory_space<hbm>>
        %dma_start3A_33 = arith.constant 0 : i32
        %dma_start3A_34 = arith.constant 0 : i32
        %dma_start3A_35 = tpu.memref_slice %arg3[%arg1, %dma_start3A_33, %dma_start3A_34] : memref<16x157x128xi32, #tpu.memory_space<hbm>> -> memref<1x157x128xi32, #tpu.memory_space<hbm>>
        %dma_start3A_36 = tpu.memref_squeeze %dma_start3A_35 : memref<1x157x128xi32, #tpu.memory_space<hbm>> -> memref<157x128xi32, #tpu.memory_space<hbm>>
        tpu.enqueue_dma source(%dma_start3A_36 : memref<157x128xi32, #tpu.memory_space<hbm>>) target(%arg8 : memref<157x128xi32, #tpu.memory_space<vmem>>) target_semaphore(%run_scoped3A : memref<!tpu.dma_semaphore, #tpu.memory_space<semaphore_mem>>)
        %dma_wait3A = arith.constant 0 : i32
        %dma_wait3A_37 = arith.constant 0 : i32
        %dma_wait3A_38 = tpu.memref_slice %arg3[%arg1, %dma_wait3A, %dma_wait3A_37] : memref<16x157x128xi32, #tpu.memory_space<hbm>> -> memref<1x157x128xi32, #tpu.memory_space<hbm>>
        %dma_wait3A_39 = tpu.memref_squeeze %dma_wait3A_38 : memref<1x157x128xi32, #tpu.memory_space<hbm>> -> memref<157x128xi32, #tpu.memory_space<hbm>>
        %dma_wait3A_40 = arith.constant 0 : i32
        %dma_wait3A_41 = arith.constant 0 : i32
        %dma_wait3A_42 = tpu.memref_slice %arg3[%arg1, %dma_wait3A_40, %dma_wait3A_41] : memref<16x157x128xi32, #tpu.memory_space<hbm>> -> memref<1x157x128xi32, #tpu.memory_space<hbm>>
        %dma_wait3A_43 = tpu.memref_squeeze %dma_wait3A_42 : memref<1x157x128xi32, #tpu.memory_space<hbm>> -> memref<157x128xi32, #tpu.memory_space<hbm>>
        tpu.wait_dma2 semaphore(%run_scoped3A : memref<!tpu.dma_semaphore, #tpu.memory_space<semaphore_mem>>) src(%dma_wait3A_43 : memref<157x128xi32, #tpu.memory_space<hbm>>) dst(%arg8 : memref<157x128xi32, #tpu.memory_space<vmem>>)
        tpu.yield
      }) : () -> ()
      "tpu.region"() ({
        %run_scoped3A = tpu.sem_alloc : memref<!tpu.dma_semaphore, #tpu.memory_space<semaphore_mem>>
        tpu.enqueue_dma source(%arg5 : memref<128x48xf32, #tpu.memory_space<hbm>>) target(%arg10 : memref<128x48xf32, #tpu.memory_space<vmem>>) target_semaphore(%run_scoped3A : memref<!tpu.dma_semaphore, #tpu.memory_space<semaphore_mem>>)
        tpu.wait_dma2 semaphore(%run_scoped3A : memref<!tpu.dma_semaphore, #tpu.memory_space<semaphore_mem>>) src(%arg5 : memref<128x48xf32, #tpu.memory_space<hbm>>) dst(%arg10 : memref<128x48xf32, #tpu.memory_space<vmem>>)
        tpu.yield
      }) : () -> ()
      %mul3A = arith.constant 640 : i32
      %mul3A_2 = arith.muli %arg1, %mul3A : i32
      %add3A = arith.constant 0 : i32
      %add3A_3 = arith.addi %mul3A_2, %add3A : i32
      "tpu.region"() ({
        %run_scoped3A = tpu.sem_alloc : memref<!tpu.dma_semaphore, #tpu.memory_space<semaphore_mem>>
        %dma_start3A = arith.constant 0 : i32
        %dma_start3A_30 = tpu.memref_slice %arg11[%add3A_3, %dma_start3A] : memref<10240x48xf32, #tpu.memory_space<vmem_shared>> -> memref<128x48xf32, #tpu.memory_space<vmem_shared>>
        %dma_start3A_31 = arith.constant 0 : i32
        %dma_start3A_32 = tpu.memref_slice %arg11[%add3A_3, %dma_start3A_31] : memref<10240x48xf32, #tpu.memory_space<vmem_shared>> -> memref<128x48xf32, #tpu.memory_space<vmem_shared>>
        tpu.enqueue_dma source(%arg10 : memref<128x48xf32, #tpu.memory_space<vmem>>) target(%dma_start3A_32 : memref<128x48xf32, #tpu.memory_space<vmem_shared>>) target_semaphore(%run_scoped3A : memref<!tpu.dma_semaphore, #tpu.memory_space<semaphore_mem>>)
        %dma_wait3A = arith.constant 0 : i32
        %dma_wait3A_33 = tpu.memref_slice %arg11[%add3A_3, %dma_wait3A] : memref<10240x48xf32, #tpu.memory_space<vmem_shared>> -> memref<128x48xf32, #tpu.memory_space<vmem_shared>>
        %dma_wait3A_34 = arith.constant 0 : i32
        %dma_wait3A_35 = tpu.memref_slice %arg11[%add3A_3, %dma_wait3A_34] : memref<10240x48xf32, #tpu.memory_space<vmem_shared>> -> memref<128x48xf32, #tpu.memory_space<vmem_shared>>
        tpu.wait_dma2 semaphore(%run_scoped3A : memref<!tpu.dma_semaphore, #tpu.memory_space<semaphore_mem>>) src(%arg10 : memref<128x48xf32, #tpu.memory_space<vmem>>) dst(%dma_wait3A_35 : memref<128x48xf32, #tpu.memory_space<vmem_shared>>)
        tpu.yield
      }) : () -> ()
      %mul3A_4 = arith.constant 640 : i32
      %mul3A_5 = arith.muli %arg1, %mul3A_4 : i32
      %add3A_6 = arith.constant 128 : i32
      %add3A_7 = arith.addi %mul3A_5, %add3A_6 : i32
      "tpu.region"() ({
        %run_scoped3A = tpu.sem_alloc : memref<!tpu.dma_semaphore, #tpu.memory_space<semaphore_mem>>
        %dma_start3A = arith.constant 0 : i32
        %dma_start3A_30 = tpu.memref_slice %arg11[%add3A_7, %dma_start3A] : memref<10240x48xf32, #tpu.memory_space<vmem_shared>> -> memref<128x48xf32, #tpu.memory_space<vmem_shared>>
        %dma_start3A_31 = arith.constant 0 : i32
        %dma_start3A_32 = tpu.memref_slice %arg11[%add3A_7, %dma_start3A_31] : memref<10240x48xf32, #tpu.memory_space<vmem_shared>> -> memref<128x48xf32, #tpu.memory_space<vmem_shared>>
        tpu.enqueue_dma source(%arg10 : memref<128x48xf32, #tpu.memory_space<vmem>>) target(%dma_start3A_32 : memref<128x48xf32, #tpu.memory_space<vmem_shared>>) target_semaphore(%run_scoped3A : memref<!tpu.dma_semaphore, #tpu.memory_space<semaphore_mem>>)
        %dma_wait3A = arith.constant 0 : i32
        %dma_wait3A_33 = tpu.memref_slice %arg11[%add3A_7, %dma_wait3A] : memref<10240x48xf32, #tpu.memory_space<vmem_shared>> -> memref<128x48xf32, #tpu.memory_space<vmem_shared>>
        %dma_wait3A_34 = arith.constant 0 : i32
        %dma_wait3A_35 = tpu.memref_slice %arg11[%add3A_7, %dma_wait3A_34] : memref<10240x48xf32, #tpu.memory_space<vmem_shared>> -> memref<128x48xf32, #tpu.memory_space<vmem_shared>>
        tpu.wait_dma2 semaphore(%run_scoped3A : memref<!tpu.dma_semaphore, #tpu.memory_space<semaphore_mem>>) src(%arg10 : memref<128x48xf32, #tpu.memory_space<vmem>>) dst(%dma_wait3A_35 : memref<128x48xf32, #tpu.memory_space<vmem_shared>>)
        tpu.yield
      }) : () -> ()
      %mul3A_8 = arith.constant 640 : i32
      %mul3A_9 = arith.muli %arg1, %mul3A_8 : i32
      %add3A_10 = arith.constant 256 : i32
      %add3A_11 = arith.addi %mul3A_9, %add3A_10 : i32
      "tpu.region"() ({
        %run_scoped3A = tpu.sem_alloc : memref<!tpu.dma_semaphore, #tpu.memory_space<semaphore_mem>>
        %dma_start3A = arith.constant 0 : i32
        %dma_start3A_30 = tpu.memref_slice %arg11[%add3A_11, %dma_start3A] : memref<10240x48xf32, #tpu.memory_space<vmem_shared>> -> memref<128x48xf32, #tpu.memory_space<vmem_shared>>
        %dma_start3A_31 = arith.constant 0 : i32
        %dma_start3A_32 = tpu.memref_slice %arg11[%add3A_11, %dma_start3A_31] : memref<10240x48xf32, #tpu.memory_space<vmem_shared>> -> memref<128x48xf32, #tpu.memory_space<vmem_shared>>
        tpu.enqueue_dma source(%arg10 : memref<128x48xf32, #tpu.memory_space<vmem>>) target(%dma_start3A_32 : memref<128x48xf32, #tpu.memory_space<vmem_shared>>) target_semaphore(%run_scoped3A : memref<!tpu.dma_semaphore, #tpu.memory_space<semaphore_mem>>)
        %dma_wait3A = arith.constant 0 : i32
        %dma_wait3A_33 = tpu.memref_slice %arg11[%add3A_11, %dma_wait3A] : memref<10240x48xf32, #tpu.memory_space<vmem_shared>> -> memref<128x48xf32, #tpu.memory_space<vmem_shared>>
        %dma_wait3A_34 = arith.constant 0 : i32
        %dma_wait3A_35 = tpu.memref_slice %arg11[%add3A_11, %dma_wait3A_34] : memref<10240x48xf32, #tpu.memory_space<vmem_shared>> -> memref<128x48xf32, #tpu.memory_space<vmem_shared>>
        tpu.wait_dma2 semaphore(%run_scoped3A : memref<!tpu.dma_semaphore, #tpu.memory_space<semaphore_mem>>) src(%arg10 : memref<128x48xf32, #tpu.memory_space<vmem>>) dst(%dma_wait3A_35 : memref<128x48xf32, #tpu.memory_space<vmem_shared>>)
        tpu.yield
      }) : () -> ()
      %mul3A_12 = arith.constant 640 : i32
      %mul3A_13 = arith.muli %arg1, %mul3A_12 : i32
      %add3A_14 = arith.constant 384 : i32
      %add3A_15 = arith.addi %mul3A_13, %add3A_14 : i32
      "tpu.region"() ({
        %run_scoped3A = tpu.sem_alloc : memref<!tpu.dma_semaphore, #tpu.memory_space<semaphore_mem>>
        %dma_start3A = arith.constant 0 : i32
        %dma_start3A_30 = tpu.memref_slice %arg11[%add3A_15, %dma_start3A] : memref<10240x48xf32, #tpu.memory_space<vmem_shared>> -> memref<128x48xf32, #tpu.memory_space<vmem_shared>>
        %dma_start3A_31 = arith.constant 0 : i32
        %dma_start3A_32 = tpu.memref_slice %arg11[%add3A_15, %dma_start3A_31] : memref<10240x48xf32, #tpu.memory_space<vmem_shared>> -> memref<128x48xf32, #tpu.memory_space<vmem_shared>>
        tpu.enqueue_dma source(%arg10 : memref<128x48xf32, #tpu.memory_space<vmem>>) target(%dma_start3A_32 : memref<128x48xf32, #tpu.memory_space<vmem_shared>>) target_semaphore(%run_scoped3A : memref<!tpu.dma_semaphore, #tpu.memory_space<semaphore_mem>>)
        %dma_wait3A = arith.constant 0 : i32
        %dma_wait3A_33 = tpu.memref_slice %arg11[%add3A_15, %dma_wait3A] : memref<10240x48xf32, #tpu.memory_space<vmem_shared>> -> memref<128x48xf32, #tpu.memory_space<vmem_shared>>
        %dma_wait3A_34 = arith.constant 0 : i32
        %dma_wait3A_35 = tpu.memref_slice %arg11[%add3A_15, %dma_wait3A_34] : memref<10240x48xf32, #tpu.memory_space<vmem_shared>> -> memref<128x48xf32, #tpu.memory_space<vmem_shared>>
        tpu.wait_dma2 semaphore(%run_scoped3A : memref<!tpu.dma_semaphore, #tpu.memory_space<semaphore_mem>>) src(%arg10 : memref<128x48xf32, #tpu.memory_space<vmem>>) dst(%dma_wait3A_35 : memref<128x48xf32, #tpu.memory_space<vmem_shared>>)
        tpu.yield
      }) : () -> ()
      %mul3A_16 = arith.constant 640 : i32
      %mul3A_17 = arith.muli %arg1, %mul3A_16 : i32
      %add3A_18 = arith.constant 512 : i32
      %add3A_19 = arith.addi %mul3A_17, %add3A_18 : i32
      "tpu.region"() ({
        %run_scoped3A = tpu.sem_alloc : memref<!tpu.dma_semaphore, #tpu.memory_space<semaphore_mem>>
        %dma_start3A = arith.constant 0 : i32
        %dma_start3A_30 = tpu.memref_slice %arg11[%add3A_19, %dma_start3A] : memref<10240x48xf32, #tpu.memory_space<vmem_shared>> -> memref<128x48xf32, #tpu.memory_space<vmem_shared>>
        %dma_start3A_31 = arith.constant 0 : i32
        %dma_start3A_32 = tpu.memref_slice %arg11[%add3A_19, %dma_start3A_31] : memref<10240x48xf32, #tpu.memory_space<vmem_shared>> -> memref<128x48xf32, #tpu.memory_space<vmem_shared>>
        tpu.enqueue_dma source(%arg10 : memref<128x48xf32, #tpu.memory_space<vmem>>) target(%dma_start3A_32 : memref<128x48xf32, #tpu.memory_space<vmem_shared>>) target_semaphore(%run_scoped3A : memref<!tpu.dma_semaphore, #tpu.memory_space<semaphore_mem>>)
        %dma_wait3A = arith.constant 0 : i32
        %dma_wait3A_33 = tpu.memref_slice %arg11[%add3A_19, %dma_wait3A] : memref<10240x48xf32, #tpu.memory_space<vmem_shared>> -> memref<128x48xf32, #tpu.memory_space<vmem_shared>>
        %dma_wait3A_34 = arith.constant 0 : i32
        %dma_wait3A_35 = tpu.memref_slice %arg11[%add3A_19, %dma_wait3A_34] : memref<10240x48xf32, #tpu.memory_space<vmem_shared>> -> memref<128x48xf32, #tpu.memory_space<vmem_shared>>
        tpu.wait_dma2 semaphore(%run_scoped3A : memref<!tpu.dma_semaphore, #tpu.memory_space<semaphore_mem>>) src(%arg10 : memref<128x48xf32, #tpu.memory_space<vmem>>) dst(%dma_wait3A_35 : memref<128x48xf32, #tpu.memory_space<vmem_shared>>)
        tpu.yield
      }) : () -> ()
      %barrier3A = arith.constant 0 : index
      tpu.barrier barrier_id(%barrier3A)
      %scan3A = arith.constant 0 : i32
      %scan3A_20 = arith.constant 0 : i32
      %scan3A_21 = arith.constant 157 : i32
      %scan3A_22 = arith.addi %scan3A_20, %scan3A_21 : i32
      %scan3A_23 = arith.constant 1 : i32
      scf.for %scan3A_30 = %scan3A_20 to %scan3A_22 step %scan3A_23  : i32 {
        "tpu.region"() ({
          %run_scoped3A = tpu.sem_alloc : memref<!tpu.dma_semaphore, #tpu.memory_space<semaphore_mem>>
          %dma_start3A = arith.constant 0 : i32
          %dma_start3A_31 = tpu.memref_slice %arg7[%scan3A_30, %dma_start3A] : memref<157x128xi32, #tpu.memory_space<vmem>> -> memref<1x128xi32, #tpu.memory_space<vmem>>
          %dma_start3A_32 = tpu.memref_squeeze %dma_start3A_31 : memref<1x128xi32, #tpu.memory_space<vmem>> -> memref<128xi32, #tpu.memory_space<vmem>>
          %dma_start3A_33 = arith.constant 0 : i32
          %dma_start3A_34 = arith.constant 0 : i32
          %dma_start3A_35 = tpu.memref_slice %arg4[%dma_start3A_33, %dma_start3A_34] : memref<10240x48xf32, #tpu.memory_space<hbm>> -> memref<10240x48xf32, #tpu.memory_space<hbm>>
          tpu.enqueue_indirect_dma source(%dma_start3A_35 : memref<10240x48xf32, #tpu.memory_space<hbm>>) target(%arg9 : memref<128x48xf32, #tpu.memory_space<vmem>>) offsets(%dma_start3A_32 : memref<128xi32, #tpu.memory_space<vmem>>) semaphore(%run_scoped3A : memref<!tpu.dma_semaphore, #tpu.memory_space<semaphore_mem>>)
          %dma_wait3A = arith.constant 0 : i32
          %dma_wait3A_36 = tpu.memref_slice %arg7[%scan3A_30, %dma_wait3A] : memref<157x128xi32, #tpu.memory_space<vmem>> -> memref<1x128xi32, #tpu.memory_space<vmem>>
          %dma_wait3A_37 = tpu.memref_squeeze %dma_wait3A_36 : memref<1x128xi32, #tpu.memory_space<vmem>> -> memref<128xi32, #tpu.memory_space<vmem>>
          %dma_wait3A_38 = arith.constant 0 : i32
          %dma_wait3A_39 = arith.constant 0 : i32
          %dma_wait3A_40 = tpu.memref_slice %arg4[%dma_wait3A_38, %dma_wait3A_39] : memref<10240x48xf32, #tpu.memory_space<hbm>> -> memref<10240x48xf32, #tpu.memory_space<hbm>>
          tpu.wait_indirect_dma semaphore(%run_scoped3A : memref<!tpu.dma_semaphore, #tpu.memory_space<semaphore_mem>>) src(%dma_wait3A_40 : memref<10240x48xf32, #tpu.memory_space<hbm>>) dst(%arg9 : memref<128x48xf32, #tpu.memory_space<vmem>>)
          tpu.yield
        }) : () -> ()
        "tpu.region"() ({
          %run_scoped3A = tpu.sem_alloc : memref<!tpu.dma_semaphore, #tpu.memory_space<semaphore_mem>>
          %dma_start3A = arith.constant 0 : i32
          %dma_start3A_31 = tpu.memref_slice %arg8[%scan3A_30, %dma_start3A] : memref<157x128xi32, #tpu.memory_space<vmem>> -> memref<1x128xi32, #tpu.memory_space<vmem>>
          %dma_start3A_32 = tpu.memref_squeeze %dma_start3A_31 : memref<1x128xi32, #tpu.memory_space<vmem>> -> memref<128xi32, #tpu.memory_space<vmem>>
          %dma_start3A_33 = arith.constant 0 : i32
          %dma_start3A_34 = arith.constant 0 : i32
          %dma_start3A_35 = tpu.memref_slice %arg11[%dma_start3A_33, %dma_start3A_34] : memref<10240x48xf32, #tpu.memory_space<vmem_shared>> -> memref<10240x48xf32, #tpu.memory_space<vmem_shared>>
          tpu.enqueue_indirect_dma source(%arg9 : memref<128x48xf32, #tpu.memory_space<vmem>>) target(%dma_start3A_35 : memref<10240x48xf32, #tpu.memory_space<vmem_shared>>) offsets(%dma_start3A_32 : memref<128xi32, #tpu.memory_space<vmem>>) semaphore(%run_scoped3A : memref<!tpu.dma_semaphore, #tpu.memory_space<semaphore_mem>>) {add = true}
          %dma_wait3A = arith.constant 0 : i32
          %dma_wait3A_36 = tpu.memref_slice %arg8[%scan3A_30, %dma_wait3A] : memref<157x128xi32, #tpu.memory_space<vmem>> -> memref<1x128xi32, #tpu.memory_space<vmem>>
          %dma_wait3A_37 = tpu.memref_squeeze %dma_wait3A_36 : memref<1x128xi32, #tpu.memory_space<vmem>> -> memref<128xi32, #tpu.memory_space<vmem>>
          %dma_wait3A_38 = arith.constant 0 : i32
          %dma_wait3A_39 = arith.constant 0 : i32
          %dma_wait3A_40 = tpu.memref_slice %arg11[%dma_wait3A_38, %dma_wait3A_39] : memref<10240x48xf32, #tpu.memory_space<vmem_shared>> -> memref<10240x48xf32, #tpu.memory_space<vmem_shared>>
          tpu.wait_indirect_dma semaphore(%run_scoped3A : memref<!tpu.dma_semaphore, #tpu.memory_space<semaphore_mem>>) src(%arg9 : memref<128x48xf32, #tpu.memory_space<vmem>>) dst(%dma_wait3A_40 : memref<10240x48xf32, #tpu.memory_space<vmem_shared>>)
          tpu.yield
        }) : () -> ()
      }
      %scan3A_24 = arith.constant 157 : i32
      %barrier3A_25 = arith.constant 0 : index
      tpu.barrier barrier_id(%barrier3A_25)
      %mul3A_26 = arith.constant 640 : i32
      %mul3A_27 = arith.muli %arg1, %mul3A_26 : i32
      %mul3A_28 = arith.constant 640 : i32
      %mul3A_29 = arith.muli %arg1, %mul3A_28 : i32
      "tpu.region"() ({
        %run_scoped3A = tpu.sem_alloc : memref<!tpu.dma_semaphore, #tpu.memory_space<semaphore_mem>>
        %dma_start3A = arith.constant 0 : i32
        %dma_start3A_30 = tpu.memref_slice %arg6[%mul3A_29, %dma_start3A] : memref<10240x48xf32, #tpu.memory_space<hbm>> -> memref<640x48xf32, #tpu.memory_space<hbm>>
        %dma_start3A_31 = arith.constant 0 : i32
        %dma_start3A_32 = tpu.memref_slice %arg11[%mul3A_27, %dma_start3A_31] : memref<10240x48xf32, #tpu.memory_space<vmem_shared>> -> memref<640x48xf32, #tpu.memory_space<vmem_shared>>
        tpu.enqueue_dma source(%dma_start3A_32 : memref<640x48xf32, #tpu.memory_space<vmem_shared>>) target(%dma_start3A_30 : memref<640x48xf32, #tpu.memory_space<hbm>>) target_semaphore(%run_scoped3A : memref<!tpu.dma_semaphore, #tpu.memory_space<semaphore_mem>>)
        %dma_wait3A = arith.constant 0 : i32
        %dma_wait3A_33 = tpu.memref_slice %arg6[%mul3A_29, %dma_wait3A] : memref<10240x48xf32, #tpu.memory_space<hbm>> -> memref<640x48xf32, #tpu.memory_space<hbm>>
        %dma_wait3A_34 = arith.constant 0 : i32
        %dma_wait3A_35 = tpu.memref_slice %arg11[%mul3A_27, %dma_wait3A_34] : memref<10240x48xf32, #tpu.memory_space<vmem_shared>> -> memref<640x48xf32, #tpu.memory_space<vmem_shared>>
        tpu.wait_dma2 semaphore(%run_scoped3A : memref<!tpu.dma_semaphore, #tpu.memory_space<semaphore_mem>>) src(%dma_wait3A_35 : memref<640x48xf32, #tpu.memory_space<vmem_shared>>) dst(%dma_wait3A_33 : memref<640x48xf32, #tpu.memory_space<hbm>>)
        tpu.yield
      }) : () -> ()
    } else {
    }
    return
  }
}

#map = affine_map<(d0, d1) -> (0, 0, 0)>
#map1 = affine_map<(d0, d1) -> (0, 0)>
module attributes {stable_mosaic.version = 14 : i64} {
  func.func @_sc_round(%arg0: i32, %arg1: i32, %arg2: memref<16x157x128xi32, #tpu.memory_space<hbm>>, %arg3: memref<16x157x128xi32, #tpu.memory_space<hbm>>, %arg4: memref<10240x48xf32, #tpu.memory_space<hbm>>, %arg5: memref<128x48xf32, #tpu.memory_space<hbm>>, %arg6: memref<10240x48xf32, #tpu.memory_space<hbm>>, %arg7: memref<157x128xi32, #tpu.memory_space<vmem>>, %arg8: memref<157x128xi32, #tpu.memory_space<vmem>>, %arg9: memref<128x48xf32, #tpu.memory_space<vmem>>, %arg10: memref<128x48xf32, #tpu.memory_space<vmem>>, %arg11: memref<10240x48xf32, #tpu.memory_space<vmem_shared>>) attributes {dimension_semantics = [#tpu.dimension_semantics<core_parallel>, #tpu.dimension_semantics<subcore_parallel>], iteration_bounds = array<i64: 2, 16>, scalar_prefetch = 0 : i64, scratch_operands = 5 : i64, tpu.core_type = #tpu.core_type<sc_vector_subcore>, window_params = [{transform_indices = #map}, {transform_indices = #map}, {transform_indices = #map1}, {transform_indices = #map1}, {transform_indices = #map1}]} {
    %eq3A = arith.constant 0 : i32
    %eq3A_0 = arith.cmpi eq, %arg0, %eq3A : i32
    %convert_element_type3A = arith.extui %eq3A_0 : i1 to i32
    %cond3A = arith.constant 0 : i32
    %cond3A_1 = arith.cmpi ne, %convert_element_type3A, %cond3A : i32
    scf.if %cond3A_1 {
      "tpu.region"() ({
        %run_scoped3A = tpu.sem_alloc : memref<!tpu.dma_semaphore, #tpu.memory_space<semaphore_mem>>
        %dma_start3A = arith.constant 0 : i32
        %dma_start3A_30 = arith.constant 0 : i32
        %dma_start3A_31 = tpu.memref_slice %arg2[%arg1, %dma_start3A, %dma_start3A_30] : memref<16x157x128xi32, #tpu.memory_space<hbm>> -> memref<1x157x128xi32, #tpu.memory_space<hbm>>
        %dma_start3A_32 = tpu.memref_squeeze %dma_start3A_31 : memref<1x157x128xi32, #tpu.memory_space<hbm>> -> memref<157x128xi32, #tpu.memory_space<hbm>>
        %dma_start3A_33 = arith.constant 0 : i32
        %dma_start3A_34 = arith.constant 0 : i32
        %dma_start3A_35 = tpu.memref_slice %arg2[%arg1, %dma_start3A_33, %dma_start3A_34] : memref<16x157x128xi32, #tpu.memory_space<hbm>> -> memref<1x157x128xi32, #tpu.memory_space<hbm>>
        %dma_start3A_36 = tpu.memref_squeeze %dma_start3A_35 : memref<1x157x128xi32, #tpu.memory_space<hbm>> -> memref<157x128xi32, #tpu.memory_space<hbm>>
        tpu.enqueue_dma source(%dma_start3A_36 : memref<157x128xi32, #tpu.memory_space<hbm>>) target(%arg7 : memref<157x128xi32, #tpu.memory_space<vmem>>) target_semaphore(%run_scoped3A : memref<!tpu.dma_semaphore, #tpu.memory_space<semaphore_mem>>)
        %dma_wait3A = arith.constant 0 : i32
        %dma_wait3A_37 = arith.constant 0 : i32
        %dma_wait3A_38 = tpu.memref_slice %arg2[%arg1, %dma_wait3A, %dma_wait3A_37] : memref<16x157x128xi32, #tpu.memory_space<hbm>> -> memref<1x157x128xi32, #tpu.memory_space<hbm>>
        %dma_wait3A_39 = tpu.memref_squeeze %dma_wait3A_38 : memref<1x157x128xi32, #tpu.memory_space<hbm>> -> memref<157x128xi32, #tpu.memory_space<hbm>>
        %dma_wait3A_40 = arith.constant 0 : i32
        %dma_wait3A_41 = arith.constant 0 : i32
        %dma_wait3A_42 = tpu.memref_slice %arg2[%arg1, %dma_wait3A_40, %dma_wait3A_41] : memref<16x157x128xi32, #tpu.memory_space<hbm>> -> memref<1x157x128xi32, #tpu.memory_space<hbm>>
        %dma_wait3A_43 = tpu.memref_squeeze %dma_wait3A_42 : memref<1x157x128xi32, #tpu.memory_space<hbm>> -> memref<157x128xi32, #tpu.memory_space<hbm>>
        tpu.wait_dma2 semaphore(%run_scoped3A : memref<!tpu.dma_semaphore, #tpu.memory_space<semaphore_mem>>) src(%dma_wait3A_43 : memref<157x128xi32, #tpu.memory_space<hbm>>) dst(%arg7 : memref<157x128xi32, #tpu.memory_space<vmem>>)
        tpu.yield
      }) : () -> ()
      "tpu.region"() ({
        %run_scoped3A = tpu.sem_alloc : memref<!tpu.dma_semaphore, #tpu.memory_space<semaphore_mem>>
        %dma_start3A = arith.constant 0 : i32
        %dma_start3A_30 = arith.constant 0 : i32
        %dma_start3A_31 = tpu.memref_slice %arg3[%arg1, %dma_start3A, %dma_start3A_30] : memref<16x157x128xi32, #tpu.memory_space<hbm>> -> memref<1x157x128xi32, #tpu.memory_space<hbm>>
        %dma_start3A_32 = tpu.memref_squeeze %dma_start3A_31 : memref<1x157x128xi32, #tpu.memory_space<hbm>> -> memref<157x128xi32, #tpu.memory_space<hbm>>
        %dma_start3A_33 = arith.constant 0 : i32
        %dma_start3A_34 = arith.constant 0 : i32
        %dma_start3A_35 = tpu.memref_slice %arg3[%arg1, %dma_start3A_33, %dma_start3A_34] : memref<16x157x128xi32, #tpu.memory_space<hbm>> -> memref<1x157x128xi32, #tpu.memory_space<hbm>>
        %dma_start3A_36 = tpu.memref_squeeze %dma_start3A_35 : memref<1x157x128xi32, #tpu.memory_space<hbm>> -> memref<157x128xi32, #tpu.memory_space<hbm>>
        tpu.enqueue_dma source(%dma_start3A_36 : memref<157x128xi32, #tpu.memory_space<hbm>>) target(%arg8 : memref<157x128xi32, #tpu.memory_space<vmem>>) target_semaphore(%run_scoped3A : memref<!tpu.dma_semaphore, #tpu.memory_space<semaphore_mem>>)
        %dma_wait3A = arith.constant 0 : i32
        %dma_wait3A_37 = arith.constant 0 : i32
        %dma_wait3A_38 = tpu.memref_slice %arg3[%arg1, %dma_wait3A, %dma_wait3A_37] : memref<16x157x128xi32, #tpu.memory_space<hbm>> -> memref<1x157x128xi32, #tpu.memory_space<hbm>>
        %dma_wait3A_39 = tpu.memref_squeeze %dma_wait3A_38 : memref<1x157x128xi32, #tpu.memory_space<hbm>> -> memref<157x128xi32, #tpu.memory_space<hbm>>
        %dma_wait3A_40 = arith.constant 0 : i32
        %dma_wait3A_41 = arith.constant 0 : i32
        %dma_wait3A_42 = tpu.memref_slice %arg3[%arg1, %dma_wait3A_40, %dma_wait3A_41] : memref<16x157x128xi32, #tpu.memory_space<hbm>> -> memref<1x157x128xi32, #tpu.memory_space<hbm>>
        %dma_wait3A_43 = tpu.memref_squeeze %dma_wait3A_42 : memref<1x157x128xi32, #tpu.memory_space<hbm>> -> memref<157x128xi32, #tpu.memory_space<hbm>>
        tpu.wait_dma2 semaphore(%run_scoped3A : memref<!tpu.dma_semaphore, #tpu.memory_space<semaphore_mem>>) src(%dma_wait3A_43 : memref<157x128xi32, #tpu.memory_space<hbm>>) dst(%arg8 : memref<157x128xi32, #tpu.memory_space<vmem>>)
        tpu.yield
      }) : () -> ()
      "tpu.region"() ({
        %run_scoped3A = tpu.sem_alloc : memref<!tpu.dma_semaphore, #tpu.memory_space<semaphore_mem>>
        tpu.enqueue_dma source(%arg5 : memref<128x48xf32, #tpu.memory_space<hbm>>) target(%arg10 : memref<128x48xf32, #tpu.memory_space<vmem>>) target_semaphore(%run_scoped3A : memref<!tpu.dma_semaphore, #tpu.memory_space<semaphore_mem>>)
        tpu.wait_dma2 semaphore(%run_scoped3A : memref<!tpu.dma_semaphore, #tpu.memory_space<semaphore_mem>>) src(%arg5 : memref<128x48xf32, #tpu.memory_space<hbm>>) dst(%arg10 : memref<128x48xf32, #tpu.memory_space<vmem>>)
        tpu.yield
      }) : () -> ()
      %mul3A = arith.constant 640 : i32
      %mul3A_2 = arith.muli %arg1, %mul3A : i32
      %add3A = arith.constant 0 : i32
      %add3A_3 = arith.addi %mul3A_2, %add3A : i32
      "tpu.region"() ({
        %run_scoped3A = tpu.sem_alloc : memref<!tpu.dma_semaphore, #tpu.memory_space<semaphore_mem>>
        %dma_start3A = arith.constant 0 : i32
        %dma_start3A_30 = tpu.memref_slice %arg11[%add3A_3, %dma_start3A] : memref<10240x48xf32, #tpu.memory_space<vmem_shared>> -> memref<128x48xf32, #tpu.memory_space<vmem_shared>>
        %dma_start3A_31 = arith.constant 0 : i32
        %dma_start3A_32 = tpu.memref_slice %arg11[%add3A_3, %dma_start3A_31] : memref<10240x48xf32, #tpu.memory_space<vmem_shared>> -> memref<128x48xf32, #tpu.memory_space<vmem_shared>>
        tpu.enqueue_dma source(%arg10 : memref<128x48xf32, #tpu.memory_space<vmem>>) target(%dma_start3A_32 : memref<128x48xf32, #tpu.memory_space<vmem_shared>>) target_semaphore(%run_scoped3A : memref<!tpu.dma_semaphore, #tpu.memory_space<semaphore_mem>>)
        %dma_wait3A = arith.constant 0 : i32
        %dma_wait3A_33 = tpu.memref_slice %arg11[%add3A_3, %dma_wait3A] : memref<10240x48xf32, #tpu.memory_space<vmem_shared>> -> memref<128x48xf32, #tpu.memory_space<vmem_shared>>
        %dma_wait3A_34 = arith.constant 0 : i32
        %dma_wait3A_35 = tpu.memref_slice %arg11[%add3A_3, %dma_wait3A_34] : memref<10240x48xf32, #tpu.memory_space<vmem_shared>> -> memref<128x48xf32, #tpu.memory_space<vmem_shared>>
        tpu.wait_dma2 semaphore(%run_scoped3A : memref<!tpu.dma_semaphore, #tpu.memory_space<semaphore_mem>>) src(%arg10 : memref<128x48xf32, #tpu.memory_space<vmem>>) dst(%dma_wait3A_35 : memref<128x48xf32, #tpu.memory_space<vmem_shared>>)
        tpu.yield
      }) : () -> ()
      %mul3A_4 = arith.constant 640 : i32
      %mul3A_5 = arith.muli %arg1, %mul3A_4 : i32
      %add3A_6 = arith.constant 128 : i32
      %add3A_7 = arith.addi %mul3A_5, %add3A_6 : i32
      "tpu.region"() ({
        %run_scoped3A = tpu.sem_alloc : memref<!tpu.dma_semaphore, #tpu.memory_space<semaphore_mem>>
        %dma_start3A = arith.constant 0 : i32
        %dma_start3A_30 = tpu.memref_slice %arg11[%add3A_7, %dma_start3A] : memref<10240x48xf32, #tpu.memory_space<vmem_shared>> -> memref<128x48xf32, #tpu.memory_space<vmem_shared>>
        %dma_start3A_31 = arith.constant 0 : i32
        %dma_start3A_32 = tpu.memref_slice %arg11[%add3A_7, %dma_start3A_31] : memref<10240x48xf32, #tpu.memory_space<vmem_shared>> -> memref<128x48xf32, #tpu.memory_space<vmem_shared>>
        tpu.enqueue_dma source(%arg10 : memref<128x48xf32, #tpu.memory_space<vmem>>) target(%dma_start3A_32 : memref<128x48xf32, #tpu.memory_space<vmem_shared>>) target_semaphore(%run_scoped3A : memref<!tpu.dma_semaphore, #tpu.memory_space<semaphore_mem>>)
        %dma_wait3A = arith.constant 0 : i32
        %dma_wait3A_33 = tpu.memref_slice %arg11[%add3A_7, %dma_wait3A] : memref<10240x48xf32, #tpu.memory_space<vmem_shared>> -> memref<128x48xf32, #tpu.memory_space<vmem_shared>>
        %dma_wait3A_34 = arith.constant 0 : i32
        %dma_wait3A_35 = tpu.memref_slice %arg11[%add3A_7, %dma_wait3A_34] : memref<10240x48xf32, #tpu.memory_space<vmem_shared>> -> memref<128x48xf32, #tpu.memory_space<vmem_shared>>
        tpu.wait_dma2 semaphore(%run_scoped3A : memref<!tpu.dma_semaphore, #tpu.memory_space<semaphore_mem>>) src(%arg10 : memref<128x48xf32, #tpu.memory_space<vmem>>) dst(%dma_wait3A_35 : memref<128x48xf32, #tpu.memory_space<vmem_shared>>)
        tpu.yield
      }) : () -> ()
      %mul3A_8 = arith.constant 640 : i32
      %mul3A_9 = arith.muli %arg1, %mul3A_8 : i32
      %add3A_10 = arith.constant 256 : i32
      %add3A_11 = arith.addi %mul3A_9, %add3A_10 : i32
      "tpu.region"() ({
        %run_scoped3A = tpu.sem_alloc : memref<!tpu.dma_semaphore, #tpu.memory_space<semaphore_mem>>
        %dma_start3A = arith.constant 0 : i32
        %dma_start3A_30 = tpu.memref_slice %arg11[%add3A_11, %dma_start3A] : memref<10240x48xf32, #tpu.memory_space<vmem_shared>> -> memref<128x48xf32, #tpu.memory_space<vmem_shared>>
        %dma_start3A_31 = arith.constant 0 : i32
        %dma_start3A_32 = tpu.memref_slice %arg11[%add3A_11, %dma_start3A_31] : memref<10240x48xf32, #tpu.memory_space<vmem_shared>> -> memref<128x48xf32, #tpu.memory_space<vmem_shared>>
        tpu.enqueue_dma source(%arg10 : memref<128x48xf32, #tpu.memory_space<vmem>>) target(%dma_start3A_32 : memref<128x48xf32, #tpu.memory_space<vmem_shared>>) target_semaphore(%run_scoped3A : memref<!tpu.dma_semaphore, #tpu.memory_space<semaphore_mem>>)
        %dma_wait3A = arith.constant 0 : i32
        %dma_wait3A_33 = tpu.memref_slice %arg11[%add3A_11, %dma_wait3A] : memref<10240x48xf32, #tpu.memory_space<vmem_shared>> -> memref<128x48xf32, #tpu.memory_space<vmem_shared>>
        %dma_wait3A_34 = arith.constant 0 : i32
        %dma_wait3A_35 = tpu.memref_slice %arg11[%add3A_11, %dma_wait3A_34] : memref<10240x48xf32, #tpu.memory_space<vmem_shared>> -> memref<128x48xf32, #tpu.memory_space<vmem_shared>>
        tpu.wait_dma2 semaphore(%run_scoped3A : memref<!tpu.dma_semaphore, #tpu.memory_space<semaphore_mem>>) src(%arg10 : memref<128x48xf32, #tpu.memory_space<vmem>>) dst(%dma_wait3A_35 : memref<128x48xf32, #tpu.memory_space<vmem_shared>>)
        tpu.yield
      }) : () -> ()
      %mul3A_12 = arith.constant 640 : i32
      %mul3A_13 = arith.muli %arg1, %mul3A_12 : i32
      %add3A_14 = arith.constant 384 : i32
      %add3A_15 = arith.addi %mul3A_13, %add3A_14 : i32
      "tpu.region"() ({
        %run_scoped3A = tpu.sem_alloc : memref<!tpu.dma_semaphore, #tpu.memory_space<semaphore_mem>>
        %dma_start3A = arith.constant 0 : i32
        %dma_start3A_30 = tpu.memref_slice %arg11[%add3A_15, %dma_start3A] : memref<10240x48xf32, #tpu.memory_space<vmem_shared>> -> memref<128x48xf32, #tpu.memory_space<vmem_shared>>
        %dma_start3A_31 = arith.constant 0 : i32
        %dma_start3A_32 = tpu.memref_slice %arg11[%add3A_15, %dma_start3A_31] : memref<10240x48xf32, #tpu.memory_space<vmem_shared>> -> memref<128x48xf32, #tpu.memory_space<vmem_shared>>
        tpu.enqueue_dma source(%arg10 : memref<128x48xf32, #tpu.memory_space<vmem>>) target(%dma_start3A_32 : memref<128x48xf32, #tpu.memory_space<vmem_shared>>) target_semaphore(%run_scoped3A : memref<!tpu.dma_semaphore, #tpu.memory_space<semaphore_mem>>)
        %dma_wait3A = arith.constant 0 : i32
        %dma_wait3A_33 = tpu.memref_slice %arg11[%add3A_15, %dma_wait3A] : memref<10240x48xf32, #tpu.memory_space<vmem_shared>> -> memref<128x48xf32, #tpu.memory_space<vmem_shared>>
        %dma_wait3A_34 = arith.constant 0 : i32
        %dma_wait3A_35 = tpu.memref_slice %arg11[%add3A_15, %dma_wait3A_34] : memref<10240x48xf32, #tpu.memory_space<vmem_shared>> -> memref<128x48xf32, #tpu.memory_space<vmem_shared>>
        tpu.wait_dma2 semaphore(%run_scoped3A : memref<!tpu.dma_semaphore, #tpu.memory_space<semaphore_mem>>) src(%arg10 : memref<128x48xf32, #tpu.memory_space<vmem>>) dst(%dma_wait3A_35 : memref<128x48xf32, #tpu.memory_space<vmem_shared>>)
        tpu.yield
      }) : () -> ()
      %mul3A_16 = arith.constant 640 : i32
      %mul3A_17 = arith.muli %arg1, %mul3A_16 : i32
      %add3A_18 = arith.constant 512 : i32
      %add3A_19 = arith.addi %mul3A_17, %add3A_18 : i32
      "tpu.region"() ({
        %run_scoped3A = tpu.sem_alloc : memref<!tpu.dma_semaphore, #tpu.memory_space<semaphore_mem>>
        %dma_start3A = arith.constant 0 : i32
        %dma_start3A_30 = tpu.memref_slice %arg11[%add3A_19, %dma_start3A] : memref<10240x48xf32, #tpu.memory_space<vmem_shared>> -> memref<128x48xf32, #tpu.memory_space<vmem_shared>>
        %dma_start3A_31 = arith.constant 0 : i32
        %dma_start3A_32 = tpu.memref_slice %arg11[%add3A_19, %dma_start3A_31] : memref<10240x48xf32, #tpu.memory_space<vmem_shared>> -> memref<128x48xf32, #tpu.memory_space<vmem_shared>>
        tpu.enqueue_dma source(%arg10 : memref<128x48xf32, #tpu.memory_space<vmem>>) target(%dma_start3A_32 : memref<128x48xf32, #tpu.memory_space<vmem_shared>>) target_semaphore(%run_scoped3A : memref<!tpu.dma_semaphore, #tpu.memory_space<semaphore_mem>>)
        %dma_wait3A = arith.constant 0 : i32
        %dma_wait3A_33 = tpu.memref_slice %arg11[%add3A_19, %dma_wait3A] : memref<10240x48xf32, #tpu.memory_space<vmem_shared>> -> memref<128x48xf32, #tpu.memory_space<vmem_shared>>
        %dma_wait3A_34 = arith.constant 0 : i32
        %dma_wait3A_35 = tpu.memref_slice %arg11[%add3A_19, %dma_wait3A_34] : memref<10240x48xf32, #tpu.memory_space<vmem_shared>> -> memref<128x48xf32, #tpu.memory_space<vmem_shared>>
        tpu.wait_dma2 semaphore(%run_scoped3A : memref<!tpu.dma_semaphore, #tpu.memory_space<semaphore_mem>>) src(%arg10 : memref<128x48xf32, #tpu.memory_space<vmem>>) dst(%dma_wait3A_35 : memref<128x48xf32, #tpu.memory_space<vmem_shared>>)
        tpu.yield
      }) : () -> ()
      %barrier3A = arith.constant 0 : index
      tpu.barrier barrier_id(%barrier3A)
      %scan3A = arith.constant 0 : i32
      %scan3A_20 = arith.constant 0 : i32
      %scan3A_21 = arith.constant 157 : i32
      %scan3A_22 = arith.addi %scan3A_20, %scan3A_21 : i32
      %scan3A_23 = arith.constant 1 : i32
      scf.for %scan3A_30 = %scan3A_20 to %scan3A_22 step %scan3A_23  : i32 {
        "tpu.region"() ({
          %run_scoped3A = tpu.sem_alloc : memref<!tpu.dma_semaphore, #tpu.memory_space<semaphore_mem>>
          %dma_start3A = arith.constant 0 : i32
          %dma_start3A_31 = tpu.memref_slice %arg7[%scan3A_30, %dma_start3A] : memref<157x128xi32, #tpu.memory_space<vmem>> -> memref<1x128xi32, #tpu.memory_space<vmem>>
          %dma_start3A_32 = tpu.memref_squeeze %dma_start3A_31 : memref<1x128xi32, #tpu.memory_space<vmem>> -> memref<128xi32, #tpu.memory_space<vmem>>
          %dma_start3A_33 = arith.constant 0 : i32
          %dma_start3A_34 = arith.constant 0 : i32
          %dma_start3A_35 = tpu.memref_slice %arg4[%dma_start3A_33, %dma_start3A_34] : memref<10240x48xf32, #tpu.memory_space<hbm>> -> memref<10240x48xf32, #tpu.memory_space<hbm>>
          tpu.enqueue_indirect_dma source(%dma_start3A_35 : memref<10240x48xf32, #tpu.memory_space<hbm>>) target(%arg9 : memref<128x48xf32, #tpu.memory_space<vmem>>) offsets(%dma_start3A_32 : memref<128xi32, #tpu.memory_space<vmem>>) semaphore(%run_scoped3A : memref<!tpu.dma_semaphore, #tpu.memory_space<semaphore_mem>>)
          %dma_wait3A = arith.constant 0 : i32
          %dma_wait3A_36 = tpu.memref_slice %arg7[%scan3A_30, %dma_wait3A] : memref<157x128xi32, #tpu.memory_space<vmem>> -> memref<1x128xi32, #tpu.memory_space<vmem>>
          %dma_wait3A_37 = tpu.memref_squeeze %dma_wait3A_36 : memref<1x128xi32, #tpu.memory_space<vmem>> -> memref<128xi32, #tpu.memory_space<vmem>>
          %dma_wait3A_38 = arith.constant 0 : i32
          %dma_wait3A_39 = arith.constant 0 : i32
          %dma_wait3A_40 = tpu.memref_slice %arg4[%dma_wait3A_38, %dma_wait3A_39] : memref<10240x48xf32, #tpu.memory_space<hbm>> -> memref<10240x48xf32, #tpu.memory_space<hbm>>
          tpu.wait_indirect_dma semaphore(%run_scoped3A : memref<!tpu.dma_semaphore, #tpu.memory_space<semaphore_mem>>) src(%dma_wait3A_40 : memref<10240x48xf32, #tpu.memory_space<hbm>>) dst(%arg9 : memref<128x48xf32, #tpu.memory_space<vmem>>)
          tpu.yield
        }) : () -> ()
        "tpu.region"() ({
          %run_scoped3A = tpu.sem_alloc : memref<!tpu.dma_semaphore, #tpu.memory_space<semaphore_mem>>
          %dma_start3A = arith.constant 0 : i32
          %dma_start3A_31 = tpu.memref_slice %arg8[%scan3A_30, %dma_start3A] : memref<157x128xi32, #tpu.memory_space<vmem>> -> memref<1x128xi32, #tpu.memory_space<vmem>>
          %dma_start3A_32 = tpu.memref_squeeze %dma_start3A_31 : memref<1x128xi32, #tpu.memory_space<vmem>> -> memref<128xi32, #tpu.memory_space<vmem>>
          %dma_start3A_33 = arith.constant 0 : i32
          %dma_start3A_34 = arith.constant 0 : i32
          %dma_start3A_35 = tpu.memref_slice %arg11[%dma_start3A_33, %dma_start3A_34] : memref<10240x48xf32, #tpu.memory_space<vmem_shared>> -> memref<10240x48xf32, #tpu.memory_space<vmem_shared>>
          tpu.enqueue_indirect_dma source(%arg9 : memref<128x48xf32, #tpu.memory_space<vmem>>) target(%dma_start3A_35 : memref<10240x48xf32, #tpu.memory_space<vmem_shared>>) offsets(%dma_start3A_32 : memref<128xi32, #tpu.memory_space<vmem>>) semaphore(%run_scoped3A : memref<!tpu.dma_semaphore, #tpu.memory_space<semaphore_mem>>) {add = true}
          %dma_wait3A = arith.constant 0 : i32
          %dma_wait3A_36 = tpu.memref_slice %arg8[%scan3A_30, %dma_wait3A] : memref<157x128xi32, #tpu.memory_space<vmem>> -> memref<1x128xi32, #tpu.memory_space<vmem>>
          %dma_wait3A_37 = tpu.memref_squeeze %dma_wait3A_36 : memref<1x128xi32, #tpu.memory_space<vmem>> -> memref<128xi32, #tpu.memory_space<vmem>>
          %dma_wait3A_38 = arith.constant 0 : i32
          %dma_wait3A_39 = arith.constant 0 : i32
          %dma_wait3A_40 = tpu.memref_slice %arg11[%dma_wait3A_38, %dma_wait3A_39] : memref<10240x48xf32, #tpu.memory_space<vmem_shared>> -> memref<10240x48xf32, #tpu.memory_space<vmem_shared>>
          tpu.wait_indirect_dma semaphore(%run_scoped3A : memref<!tpu.dma_semaphore, #tpu.memory_space<semaphore_mem>>) src(%arg9 : memref<128x48xf32, #tpu.memory_space<vmem>>) dst(%dma_wait3A_40 : memref<10240x48xf32, #tpu.memory_space<vmem_shared>>)
          tpu.yield
        }) : () -> ()
      }
      %scan3A_24 = arith.constant 157 : i32
      %barrier3A_25 = arith.constant 0 : index
      tpu.barrier barrier_id(%barrier3A_25)
      %mul3A_26 = arith.constant 640 : i32
      %mul3A_27 = arith.muli %arg1, %mul3A_26 : i32
      %mul3A_28 = arith.constant 640 : i32
      %mul3A_29 = arith.muli %arg1, %mul3A_28 : i32
      "tpu.region"() ({
        %run_scoped3A = tpu.sem_alloc : memref<!tpu.dma_semaphore, #tpu.memory_space<semaphore_mem>>
        %dma_start3A = arith.constant 0 : i32
        %dma_start3A_30 = tpu.memref_slice %arg6[%mul3A_29, %dma_start3A] : memref<10240x48xf32, #tpu.memory_space<hbm>> -> memref<640x48xf32, #tpu.memory_space<hbm>>
        %dma_start3A_31 = arith.constant 0 : i32
        %dma_start3A_32 = tpu.memref_slice %arg11[%mul3A_27, %dma_start3A_31] : memref<10240x48xf32, #tpu.memory_space<vmem_shared>> -> memref<640x48xf32, #tpu.memory_space<vmem_shared>>
        tpu.enqueue_dma source(%dma_start3A_32 : memref<640x48xf32, #tpu.memory_space<vmem_shared>>) target(%dma_start3A_30 : memref<640x48xf32, #tpu.memory_space<hbm>>) target_semaphore(%run_scoped3A : memref<!tpu.dma_semaphore, #tpu.memory_space<semaphore_mem>>)
        %dma_wait3A = arith.constant 0 : i32
        %dma_wait3A_33 = tpu.memref_slice %arg6[%mul3A_29, %dma_wait3A] : memref<10240x48xf32, #tpu.memory_space<hbm>> -> memref<640x48xf32, #tpu.memory_space<hbm>>
        %dma_wait3A_34 = arith.constant 0 : i32
        %dma_wait3A_35 = tpu.memref_slice %arg11[%mul3A_27, %dma_wait3A_34] : memref<10240x48xf32, #tpu.memory_space<vmem_shared>> -> memref<640x48xf32, #tpu.memory_space<vmem_shared>>
        tpu.wait_dma2 semaphore(%run_scoped3A : memref<!tpu.dma_semaphore, #tpu.memory_space<semaphore_mem>>) src(%dma_wait3A_35 : memref<640x48xf32, #tpu.memory_space<vmem_shared>>) dst(%dma_wait3A_33 : memref<640x48xf32, #tpu.memory_space<hbm>>)
        tpu.yield
      }) : () -> ()
    } else {
    }
    return
  }
}

#map = affine_map<(d0, d1) -> (0, 0, 0)>
#map1 = affine_map<(d0, d1) -> (0, 0)>
module attributes {stable_mosaic.version = 14 : i64} {
  func.func @_sc_round(%arg0: i32, %arg1: i32, %arg2: memref<16x157x128xi32, #tpu.memory_space<hbm>>, %arg3: memref<16x157x128xi32, #tpu.memory_space<hbm>>, %arg4: memref<10240x48xf32, #tpu.memory_space<hbm>>, %arg5: memref<128x48xf32, #tpu.memory_space<hbm>>, %arg6: memref<10240x48xf32, #tpu.memory_space<hbm>>, %arg7: memref<157x128xi32, #tpu.memory_space<vmem>>, %arg8: memref<157x128xi32, #tpu.memory_space<vmem>>, %arg9: memref<128x48xf32, #tpu.memory_space<vmem>>, %arg10: memref<128x48xf32, #tpu.memory_space<vmem>>, %arg11: memref<10240x48xf32, #tpu.memory_space<vmem_shared>>) attributes {dimension_semantics = [#tpu.dimension_semantics<core_parallel>, #tpu.dimension_semantics<subcore_parallel>], iteration_bounds = array<i64: 2, 16>, scalar_prefetch = 0 : i64, scratch_operands = 5 : i64, tpu.core_type = #tpu.core_type<sc_vector_subcore>, window_params = [{transform_indices = #map}, {transform_indices = #map}, {transform_indices = #map1}, {transform_indices = #map1}, {transform_indices = #map1}]} {
    %eq3A = arith.constant 0 : i32
    %eq3A_0 = arith.cmpi eq, %arg0, %eq3A : i32
    %convert_element_type3A = arith.extui %eq3A_0 : i1 to i32
    %cond3A = arith.constant 0 : i32
    %cond3A_1 = arith.cmpi ne, %convert_element_type3A, %cond3A : i32
    scf.if %cond3A_1 {
      "tpu.region"() ({
        %run_scoped3A = tpu.sem_alloc : memref<!tpu.dma_semaphore, #tpu.memory_space<semaphore_mem>>
        %dma_start3A = arith.constant 0 : i32
        %dma_start3A_30 = arith.constant 0 : i32
        %dma_start3A_31 = tpu.memref_slice %arg2[%arg1, %dma_start3A, %dma_start3A_30] : memref<16x157x128xi32, #tpu.memory_space<hbm>> -> memref<1x157x128xi32, #tpu.memory_space<hbm>>
        %dma_start3A_32 = tpu.memref_squeeze %dma_start3A_31 : memref<1x157x128xi32, #tpu.memory_space<hbm>> -> memref<157x128xi32, #tpu.memory_space<hbm>>
        %dma_start3A_33 = arith.constant 0 : i32
        %dma_start3A_34 = arith.constant 0 : i32
        %dma_start3A_35 = tpu.memref_slice %arg2[%arg1, %dma_start3A_33, %dma_start3A_34] : memref<16x157x128xi32, #tpu.memory_space<hbm>> -> memref<1x157x128xi32, #tpu.memory_space<hbm>>
        %dma_start3A_36 = tpu.memref_squeeze %dma_start3A_35 : memref<1x157x128xi32, #tpu.memory_space<hbm>> -> memref<157x128xi32, #tpu.memory_space<hbm>>
        tpu.enqueue_dma source(%dma_start3A_36 : memref<157x128xi32, #tpu.memory_space<hbm>>) target(%arg7 : memref<157x128xi32, #tpu.memory_space<vmem>>) target_semaphore(%run_scoped3A : memref<!tpu.dma_semaphore, #tpu.memory_space<semaphore_mem>>)
        %dma_wait3A = arith.constant 0 : i32
        %dma_wait3A_37 = arith.constant 0 : i32
        %dma_wait3A_38 = tpu.memref_slice %arg2[%arg1, %dma_wait3A, %dma_wait3A_37] : memref<16x157x128xi32, #tpu.memory_space<hbm>> -> memref<1x157x128xi32, #tpu.memory_space<hbm>>
        %dma_wait3A_39 = tpu.memref_squeeze %dma_wait3A_38 : memref<1x157x128xi32, #tpu.memory_space<hbm>> -> memref<157x128xi32, #tpu.memory_space<hbm>>
        %dma_wait3A_40 = arith.constant 0 : i32
        %dma_wait3A_41 = arith.constant 0 : i32
        %dma_wait3A_42 = tpu.memref_slice %arg2[%arg1, %dma_wait3A_40, %dma_wait3A_41] : memref<16x157x128xi32, #tpu.memory_space<hbm>> -> memref<1x157x128xi32, #tpu.memory_space<hbm>>
        %dma_wait3A_43 = tpu.memref_squeeze %dma_wait3A_42 : memref<1x157x128xi32, #tpu.memory_space<hbm>> -> memref<157x128xi32, #tpu.memory_space<hbm>>
        tpu.wait_dma2 semaphore(%run_scoped3A : memref<!tpu.dma_semaphore, #tpu.memory_space<semaphore_mem>>) src(%dma_wait3A_43 : memref<157x128xi32, #tpu.memory_space<hbm>>) dst(%arg7 : memref<157x128xi32, #tpu.memory_space<vmem>>)
        tpu.yield
      }) : () -> ()
      "tpu.region"() ({
        %run_scoped3A = tpu.sem_alloc : memref<!tpu.dma_semaphore, #tpu.memory_space<semaphore_mem>>
        %dma_start3A = arith.constant 0 : i32
        %dma_start3A_30 = arith.constant 0 : i32
        %dma_start3A_31 = tpu.memref_slice %arg3[%arg1, %dma_start3A, %dma_start3A_30] : memref<16x157x128xi32, #tpu.memory_space<hbm>> -> memref<1x157x128xi32, #tpu.memory_space<hbm>>
        %dma_start3A_32 = tpu.memref_squeeze %dma_start3A_31 : memref<1x157x128xi32, #tpu.memory_space<hbm>> -> memref<157x128xi32, #tpu.memory_space<hbm>>
        %dma_start3A_33 = arith.constant 0 : i32
        %dma_start3A_34 = arith.constant 0 : i32
        %dma_start3A_35 = tpu.memref_slice %arg3[%arg1, %dma_start3A_33, %dma_start3A_34] : memref<16x157x128xi32, #tpu.memory_space<hbm>> -> memref<1x157x128xi32, #tpu.memory_space<hbm>>
        %dma_start3A_36 = tpu.memref_squeeze %dma_start3A_35 : memref<1x157x128xi32, #tpu.memory_space<hbm>> -> memref<157x128xi32, #tpu.memory_space<hbm>>
        tpu.enqueue_dma source(%dma_start3A_36 : memref<157x128xi32, #tpu.memory_space<hbm>>) target(%arg8 : memref<157x128xi32, #tpu.memory_space<vmem>>) target_semaphore(%run_scoped3A : memref<!tpu.dma_semaphore, #tpu.memory_space<semaphore_mem>>)
        %dma_wait3A = arith.constant 0 : i32
        %dma_wait3A_37 = arith.constant 0 : i32
        %dma_wait3A_38 = tpu.memref_slice %arg3[%arg1, %dma_wait3A, %dma_wait3A_37] : memref<16x157x128xi32, #tpu.memory_space<hbm>> -> memref<1x157x128xi32, #tpu.memory_space<hbm>>
        %dma_wait3A_39 = tpu.memref_squeeze %dma_wait3A_38 : memref<1x157x128xi32, #tpu.memory_space<hbm>> -> memref<157x128xi32, #tpu.memory_space<hbm>>
        %dma_wait3A_40 = arith.constant 0 : i32
        %dma_wait3A_41 = arith.constant 0 : i32
        %dma_wait3A_42 = tpu.memref_slice %arg3[%arg1, %dma_wait3A_40, %dma_wait3A_41] : memref<16x157x128xi32, #tpu.memory_space<hbm>> -> memref<1x157x128xi32, #tpu.memory_space<hbm>>
        %dma_wait3A_43 = tpu.memref_squeeze %dma_wait3A_42 : memref<1x157x128xi32, #tpu.memory_space<hbm>> -> memref<157x128xi32, #tpu.memory_space<hbm>>
        tpu.wait_dma2 semaphore(%run_scoped3A : memref<!tpu.dma_semaphore, #tpu.memory_space<semaphore_mem>>) src(%dma_wait3A_43 : memref<157x128xi32, #tpu.memory_space<hbm>>) dst(%arg8 : memref<157x128xi32, #tpu.memory_space<vmem>>)
        tpu.yield
      }) : () -> ()
      "tpu.region"() ({
        %run_scoped3A = tpu.sem_alloc : memref<!tpu.dma_semaphore, #tpu.memory_space<semaphore_mem>>
        tpu.enqueue_dma source(%arg5 : memref<128x48xf32, #tpu.memory_space<hbm>>) target(%arg10 : memref<128x48xf32, #tpu.memory_space<vmem>>) target_semaphore(%run_scoped3A : memref<!tpu.dma_semaphore, #tpu.memory_space<semaphore_mem>>)
        tpu.wait_dma2 semaphore(%run_scoped3A : memref<!tpu.dma_semaphore, #tpu.memory_space<semaphore_mem>>) src(%arg5 : memref<128x48xf32, #tpu.memory_space<hbm>>) dst(%arg10 : memref<128x48xf32, #tpu.memory_space<vmem>>)
        tpu.yield
      }) : () -> ()
      %mul3A = arith.constant 640 : i32
      %mul3A_2 = arith.muli %arg1, %mul3A : i32
      %add3A = arith.constant 0 : i32
      %add3A_3 = arith.addi %mul3A_2, %add3A : i32
      "tpu.region"() ({
        %run_scoped3A = tpu.sem_alloc : memref<!tpu.dma_semaphore, #tpu.memory_space<semaphore_mem>>
        %dma_start3A = arith.constant 0 : i32
        %dma_start3A_30 = tpu.memref_slice %arg11[%add3A_3, %dma_start3A] : memref<10240x48xf32, #tpu.memory_space<vmem_shared>> -> memref<128x48xf32, #tpu.memory_space<vmem_shared>>
        %dma_start3A_31 = arith.constant 0 : i32
        %dma_start3A_32 = tpu.memref_slice %arg11[%add3A_3, %dma_start3A_31] : memref<10240x48xf32, #tpu.memory_space<vmem_shared>> -> memref<128x48xf32, #tpu.memory_space<vmem_shared>>
        tpu.enqueue_dma source(%arg10 : memref<128x48xf32, #tpu.memory_space<vmem>>) target(%dma_start3A_32 : memref<128x48xf32, #tpu.memory_space<vmem_shared>>) target_semaphore(%run_scoped3A : memref<!tpu.dma_semaphore, #tpu.memory_space<semaphore_mem>>)
        %dma_wait3A = arith.constant 0 : i32
        %dma_wait3A_33 = tpu.memref_slice %arg11[%add3A_3, %dma_wait3A] : memref<10240x48xf32, #tpu.memory_space<vmem_shared>> -> memref<128x48xf32, #tpu.memory_space<vmem_shared>>
        %dma_wait3A_34 = arith.constant 0 : i32
        %dma_wait3A_35 = tpu.memref_slice %arg11[%add3A_3, %dma_wait3A_34] : memref<10240x48xf32, #tpu.memory_space<vmem_shared>> -> memref<128x48xf32, #tpu.memory_space<vmem_shared>>
        tpu.wait_dma2 semaphore(%run_scoped3A : memref<!tpu.dma_semaphore, #tpu.memory_space<semaphore_mem>>) src(%arg10 : memref<128x48xf32, #tpu.memory_space<vmem>>) dst(%dma_wait3A_35 : memref<128x48xf32, #tpu.memory_space<vmem_shared>>)
        tpu.yield
      }) : () -> ()
      %mul3A_4 = arith.constant 640 : i32
      %mul3A_5 = arith.muli %arg1, %mul3A_4 : i32
      %add3A_6 = arith.constant 128 : i32
      %add3A_7 = arith.addi %mul3A_5, %add3A_6 : i32
      "tpu.region"() ({
        %run_scoped3A = tpu.sem_alloc : memref<!tpu.dma_semaphore, #tpu.memory_space<semaphore_mem>>
        %dma_start3A = arith.constant 0 : i32
        %dma_start3A_30 = tpu.memref_slice %arg11[%add3A_7, %dma_start3A] : memref<10240x48xf32, #tpu.memory_space<vmem_shared>> -> memref<128x48xf32, #tpu.memory_space<vmem_shared>>
        %dma_start3A_31 = arith.constant 0 : i32
        %dma_start3A_32 = tpu.memref_slice %arg11[%add3A_7, %dma_start3A_31] : memref<10240x48xf32, #tpu.memory_space<vmem_shared>> -> memref<128x48xf32, #tpu.memory_space<vmem_shared>>
        tpu.enqueue_dma source(%arg10 : memref<128x48xf32, #tpu.memory_space<vmem>>) target(%dma_start3A_32 : memref<128x48xf32, #tpu.memory_space<vmem_shared>>) target_semaphore(%run_scoped3A : memref<!tpu.dma_semaphore, #tpu.memory_space<semaphore_mem>>)
        %dma_wait3A = arith.constant 0 : i32
        %dma_wait3A_33 = tpu.memref_slice %arg11[%add3A_7, %dma_wait3A] : memref<10240x48xf32, #tpu.memory_space<vmem_shared>> -> memref<128x48xf32, #tpu.memory_space<vmem_shared>>
        %dma_wait3A_34 = arith.constant 0 : i32
        %dma_wait3A_35 = tpu.memref_slice %arg11[%add3A_7, %dma_wait3A_34] : memref<10240x48xf32, #tpu.memory_space<vmem_shared>> -> memref<128x48xf32, #tpu.memory_space<vmem_shared>>
        tpu.wait_dma2 semaphore(%run_scoped3A : memref<!tpu.dma_semaphore, #tpu.memory_space<semaphore_mem>>) src(%arg10 : memref<128x48xf32, #tpu.memory_space<vmem>>) dst(%dma_wait3A_35 : memref<128x48xf32, #tpu.memory_space<vmem_shared>>)
        tpu.yield
      }) : () -> ()
      %mul3A_8 = arith.constant 640 : i32
      %mul3A_9 = arith.muli %arg1, %mul3A_8 : i32
      %add3A_10 = arith.constant 256 : i32
      %add3A_11 = arith.addi %mul3A_9, %add3A_10 : i32
      "tpu.region"() ({
        %run_scoped3A = tpu.sem_alloc : memref<!tpu.dma_semaphore, #tpu.memory_space<semaphore_mem>>
        %dma_start3A = arith.constant 0 : i32
        %dma_start3A_30 = tpu.memref_slice %arg11[%add3A_11, %dma_start3A] : memref<10240x48xf32, #tpu.memory_space<vmem_shared>> -> memref<128x48xf32, #tpu.memory_space<vmem_shared>>
        %dma_start3A_31 = arith.constant 0 : i32
        %dma_start3A_32 = tpu.memref_slice %arg11[%add3A_11, %dma_start3A_31] : memref<10240x48xf32, #tpu.memory_space<vmem_shared>> -> memref<128x48xf32, #tpu.memory_space<vmem_shared>>
        tpu.enqueue_dma source(%arg10 : memref<128x48xf32, #tpu.memory_space<vmem>>) target(%dma_start3A_32 : memref<128x48xf32, #tpu.memory_space<vmem_shared>>) target_semaphore(%run_scoped3A : memref<!tpu.dma_semaphore, #tpu.memory_space<semaphore_mem>>)
        %dma_wait3A = arith.constant 0 : i32
        %dma_wait3A_33 = tpu.memref_slice %arg11[%add3A_11, %dma_wait3A] : memref<10240x48xf32, #tpu.memory_space<vmem_shared>> -> memref<128x48xf32, #tpu.memory_space<vmem_shared>>
        %dma_wait3A_34 = arith.constant 0 : i32
        %dma_wait3A_35 = tpu.memref_slice %arg11[%add3A_11, %dma_wait3A_34] : memref<10240x48xf32, #tpu.memory_space<vmem_shared>> -> memref<128x48xf32, #tpu.memory_space<vmem_shared>>
        tpu.wait_dma2 semaphore(%run_scoped3A : memref<!tpu.dma_semaphore, #tpu.memory_space<semaphore_mem>>) src(%arg10 : memref<128x48xf32, #tpu.memory_space<vmem>>) dst(%dma_wait3A_35 : memref<128x48xf32, #tpu.memory_space<vmem_shared>>)
        tpu.yield
      }) : () -> ()
      %mul3A_12 = arith.constant 640 : i32
      %mul3A_13 = arith.muli %arg1, %mul3A_12 : i32
      %add3A_14 = arith.constant 384 : i32
      %add3A_15 = arith.addi %mul3A_13, %add3A_14 : i32
      "tpu.region"() ({
        %run_scoped3A = tpu.sem_alloc : memref<!tpu.dma_semaphore, #tpu.memory_space<semaphore_mem>>
        %dma_start3A = arith.constant 0 : i32
        %dma_start3A_30 = tpu.memref_slice %arg11[%add3A_15, %dma_start3A] : memref<10240x48xf32, #tpu.memory_space<vmem_shared>> -> memref<128x48xf32, #tpu.memory_space<vmem_shared>>
        %dma_start3A_31 = arith.constant 0 : i32
        %dma_start3A_32 = tpu.memref_slice %arg11[%add3A_15, %dma_start3A_31] : memref<10240x48xf32, #tpu.memory_space<vmem_shared>> -> memref<128x48xf32, #tpu.memory_space<vmem_shared>>
        tpu.enqueue_dma source(%arg10 : memref<128x48xf32, #tpu.memory_space<vmem>>) target(%dma_start3A_32 : memref<128x48xf32, #tpu.memory_space<vmem_shared>>) target_semaphore(%run_scoped3A : memref<!tpu.dma_semaphore, #tpu.memory_space<semaphore_mem>>)
        %dma_wait3A = arith.constant 0 : i32
        %dma_wait3A_33 = tpu.memref_slice %arg11[%add3A_15, %dma_wait3A] : memref<10240x48xf32, #tpu.memory_space<vmem_shared>> -> memref<128x48xf32, #tpu.memory_space<vmem_shared>>
        %dma_wait3A_34 = arith.constant 0 : i32
        %dma_wait3A_35 = tpu.memref_slice %arg11[%add3A_15, %dma_wait3A_34] : memref<10240x48xf32, #tpu.memory_space<vmem_shared>> -> memref<128x48xf32, #tpu.memory_space<vmem_shared>>
        tpu.wait_dma2 semaphore(%run_scoped3A : memref<!tpu.dma_semaphore, #tpu.memory_space<semaphore_mem>>) src(%arg10 : memref<128x48xf32, #tpu.memory_space<vmem>>) dst(%dma_wait3A_35 : memref<128x48xf32, #tpu.memory_space<vmem_shared>>)
        tpu.yield
      }) : () -> ()
      %mul3A_16 = arith.constant 640 : i32
      %mul3A_17 = arith.muli %arg1, %mul3A_16 : i32
      %add3A_18 = arith.constant 512 : i32
      %add3A_19 = arith.addi %mul3A_17, %add3A_18 : i32
      "tpu.region"() ({
        %run_scoped3A = tpu.sem_alloc : memref<!tpu.dma_semaphore, #tpu.memory_space<semaphore_mem>>
        %dma_start3A = arith.constant 0 : i32
        %dma_start3A_30 = tpu.memref_slice %arg11[%add3A_19, %dma_start3A] : memref<10240x48xf32, #tpu.memory_space<vmem_shared>> -> memref<128x48xf32, #tpu.memory_space<vmem_shared>>
        %dma_start3A_31 = arith.constant 0 : i32
        %dma_start3A_32 = tpu.memref_slice %arg11[%add3A_19, %dma_start3A_31] : memref<10240x48xf32, #tpu.memory_space<vmem_shared>> -> memref<128x48xf32, #tpu.memory_space<vmem_shared>>
        tpu.enqueue_dma source(%arg10 : memref<128x48xf32, #tpu.memory_space<vmem>>) target(%dma_start3A_32 : memref<128x48xf32, #tpu.memory_space<vmem_shared>>) target_semaphore(%run_scoped3A : memref<!tpu.dma_semaphore, #tpu.memory_space<semaphore_mem>>)
        %dma_wait3A = arith.constant 0 : i32
        %dma_wait3A_33 = tpu.memref_slice %arg11[%add3A_19, %dma_wait3A] : memref<10240x48xf32, #tpu.memory_space<vmem_shared>> -> memref<128x48xf32, #tpu.memory_space<vmem_shared>>
        %dma_wait3A_34 = arith.constant 0 : i32
        %dma_wait3A_35 = tpu.memref_slice %arg11[%add3A_19, %dma_wait3A_34] : memref<10240x48xf32, #tpu.memory_space<vmem_shared>> -> memref<128x48xf32, #tpu.memory_space<vmem_shared>>
        tpu.wait_dma2 semaphore(%run_scoped3A : memref<!tpu.dma_semaphore, #tpu.memory_space<semaphore_mem>>) src(%arg10 : memref<128x48xf32, #tpu.memory_space<vmem>>) dst(%dma_wait3A_35 : memref<128x48xf32, #tpu.memory_space<vmem_shared>>)
        tpu.yield
      }) : () -> ()
      %barrier3A = arith.constant 0 : index
      tpu.barrier barrier_id(%barrier3A)
      %scan3A = arith.constant 0 : i32
      %scan3A_20 = arith.constant 0 : i32
      %scan3A_21 = arith.constant 157 : i32
      %scan3A_22 = arith.addi %scan3A_20, %scan3A_21 : i32
      %scan3A_23 = arith.constant 1 : i32
      scf.for %scan3A_30 = %scan3A_20 to %scan3A_22 step %scan3A_23  : i32 {
        "tpu.region"() ({
          %run_scoped3A = tpu.sem_alloc : memref<!tpu.dma_semaphore, #tpu.memory_space<semaphore_mem>>
          %dma_start3A = arith.constant 0 : i32
          %dma_start3A_31 = tpu.memref_slice %arg7[%scan3A_30, %dma_start3A] : memref<157x128xi32, #tpu.memory_space<vmem>> -> memref<1x128xi32, #tpu.memory_space<vmem>>
          %dma_start3A_32 = tpu.memref_squeeze %dma_start3A_31 : memref<1x128xi32, #tpu.memory_space<vmem>> -> memref<128xi32, #tpu.memory_space<vmem>>
          %dma_start3A_33 = arith.constant 0 : i32
          %dma_start3A_34 = arith.constant 0 : i32
          %dma_start3A_35 = tpu.memref_slice %arg4[%dma_start3A_33, %dma_start3A_34] : memref<10240x48xf32, #tpu.memory_space<hbm>> -> memref<10240x48xf32, #tpu.memory_space<hbm>>
          tpu.enqueue_indirect_dma source(%dma_start3A_35 : memref<10240x48xf32, #tpu.memory_space<hbm>>) target(%arg9 : memref<128x48xf32, #tpu.memory_space<vmem>>) offsets(%dma_start3A_32 : memref<128xi32, #tpu.memory_space<vmem>>) semaphore(%run_scoped3A : memref<!tpu.dma_semaphore, #tpu.memory_space<semaphore_mem>>)
          %dma_wait3A = arith.constant 0 : i32
          %dma_wait3A_36 = tpu.memref_slice %arg7[%scan3A_30, %dma_wait3A] : memref<157x128xi32, #tpu.memory_space<vmem>> -> memref<1x128xi32, #tpu.memory_space<vmem>>
          %dma_wait3A_37 = tpu.memref_squeeze %dma_wait3A_36 : memref<1x128xi32, #tpu.memory_space<vmem>> -> memref<128xi32, #tpu.memory_space<vmem>>
          %dma_wait3A_38 = arith.constant 0 : i32
          %dma_wait3A_39 = arith.constant 0 : i32
          %dma_wait3A_40 = tpu.memref_slice %arg4[%dma_wait3A_38, %dma_wait3A_39] : memref<10240x48xf32, #tpu.memory_space<hbm>> -> memref<10240x48xf32, #tpu.memory_space<hbm>>
          tpu.wait_indirect_dma semaphore(%run_scoped3A : memref<!tpu.dma_semaphore, #tpu.memory_space<semaphore_mem>>) src(%dma_wait3A_40 : memref<10240x48xf32, #tpu.memory_space<hbm>>) dst(%arg9 : memref<128x48xf32, #tpu.memory_space<vmem>>)
          tpu.yield
        }) : () -> ()
        "tpu.region"() ({
          %run_scoped3A = tpu.sem_alloc : memref<!tpu.dma_semaphore, #tpu.memory_space<semaphore_mem>>
          %dma_start3A = arith.constant 0 : i32
          %dma_start3A_31 = tpu.memref_slice %arg8[%scan3A_30, %dma_start3A] : memref<157x128xi32, #tpu.memory_space<vmem>> -> memref<1x128xi32, #tpu.memory_space<vmem>>
          %dma_start3A_32 = tpu.memref_squeeze %dma_start3A_31 : memref<1x128xi32, #tpu.memory_space<vmem>> -> memref<128xi32, #tpu.memory_space<vmem>>
          %dma_start3A_33 = arith.constant 0 : i32
          %dma_start3A_34 = arith.constant 0 : i32
          %dma_start3A_35 = tpu.memref_slice %arg11[%dma_start3A_33, %dma_start3A_34] : memref<10240x48xf32, #tpu.memory_space<vmem_shared>> -> memref<10240x48xf32, #tpu.memory_space<vmem_shared>>
          tpu.enqueue_indirect_dma source(%arg9 : memref<128x48xf32, #tpu.memory_space<vmem>>) target(%dma_start3A_35 : memref<10240x48xf32, #tpu.memory_space<vmem_shared>>) offsets(%dma_start3A_32 : memref<128xi32, #tpu.memory_space<vmem>>) semaphore(%run_scoped3A : memref<!tpu.dma_semaphore, #tpu.memory_space<semaphore_mem>>) {add = true}
          %dma_wait3A = arith.constant 0 : i32
          %dma_wait3A_36 = tpu.memref_slice %arg8[%scan3A_30, %dma_wait3A] : memref<157x128xi32, #tpu.memory_space<vmem>> -> memref<1x128xi32, #tpu.memory_space<vmem>>
          %dma_wait3A_37 = tpu.memref_squeeze %dma_wait3A_36 : memref<1x128xi32, #tpu.memory_space<vmem>> -> memref<128xi32, #tpu.memory_space<vmem>>
          %dma_wait3A_38 = arith.constant 0 : i32
          %dma_wait3A_39 = arith.constant 0 : i32
          %dma_wait3A_40 = tpu.memref_slice %arg11[%dma_wait3A_38, %dma_wait3A_39] : memref<10240x48xf32, #tpu.memory_space<vmem_shared>> -> memref<10240x48xf32, #tpu.memory_space<vmem_shared>>
          tpu.wait_indirect_dma semaphore(%run_scoped3A : memref<!tpu.dma_semaphore, #tpu.memory_space<semaphore_mem>>) src(%arg9 : memref<128x48xf32, #tpu.memory_space<vmem>>) dst(%dma_wait3A_40 : memref<10240x48xf32, #tpu.memory_space<vmem_shared>>)
          tpu.yield
        }) : () -> ()
      }
      %scan3A_24 = arith.constant 157 : i32
      %barrier3A_25 = arith.constant 0 : index
      tpu.barrier barrier_id(%barrier3A_25)
      %mul3A_26 = arith.constant 640 : i32
      %mul3A_27 = arith.muli %arg1, %mul3A_26 : i32
      %mul3A_28 = arith.constant 640 : i32
      %mul3A_29 = arith.muli %arg1, %mul3A_28 : i32
      "tpu.region"() ({
        %run_scoped3A = tpu.sem_alloc : memref<!tpu.dma_semaphore, #tpu.memory_space<semaphore_mem>>
        %dma_start3A = arith.constant 0 : i32
        %dma_start3A_30 = tpu.memref_slice %arg6[%mul3A_29, %dma_start3A] : memref<10240x48xf32, #tpu.memory_space<hbm>> -> memref<640x48xf32, #tpu.memory_space<hbm>>
        %dma_start3A_31 = arith.constant 0 : i32
        %dma_start3A_32 = tpu.memref_slice %arg11[%mul3A_27, %dma_start3A_31] : memref<10240x48xf32, #tpu.memory_space<vmem_shared>> -> memref<640x48xf32, #tpu.memory_space<vmem_shared>>
        tpu.enqueue_dma source(%dma_start3A_32 : memref<640x48xf32, #tpu.memory_space<vmem_shared>>) target(%dma_start3A_30 : memref<640x48xf32, #tpu.memory_space<hbm>>) target_semaphore(%run_scoped3A : memref<!tpu.dma_semaphore, #tpu.memory_space<semaphore_mem>>)
        %dma_wait3A = arith.constant 0 : i32
        %dma_wait3A_33 = tpu.memref_slice %arg6[%mul3A_29, %dma_wait3A] : memref<10240x48xf32, #tpu.memory_space<hbm>> -> memref<640x48xf32, #tpu.memory_space<hbm>>
        %dma_wait3A_34 = arith.constant 0 : i32
        %dma_wait3A_35 = tpu.memref_slice %arg11[%mul3A_27, %dma_wait3A_34] : memref<10240x48xf32, #tpu.memory_space<vmem_shared>> -> memref<640x48xf32, #tpu.memory_space<vmem_shared>>
        tpu.wait_dma2 semaphore(%run_scoped3A : memref<!tpu.dma_semaphore, #tpu.memory_space<semaphore_mem>>) src(%dma_wait3A_35 : memref<640x48xf32, #tpu.memory_space<vmem_shared>>) dst(%dma_wait3A_33 : memref<640x48xf32, #tpu.memory_space<hbm>>)
        tpu.yield
      }) : () -> ()
    } else {
    }
    return
  }
}

#map = affine_map<(d0, d1) -> (0, 0, 0)>
#map1 = affine_map<(d0, d1) -> (0, 0)>
module attributes {stable_mosaic.version = 14 : i64} {
  func.func @_sc_round(%arg0: i32, %arg1: i32, %arg2: memref<16x157x128xi32, #tpu.memory_space<hbm>>, %arg3: memref<16x157x128xi32, #tpu.memory_space<hbm>>, %arg4: memref<10240x48xf32, #tpu.memory_space<hbm>>, %arg5: memref<128x48xf32, #tpu.memory_space<hbm>>, %arg6: memref<10240x48xf32, #tpu.memory_space<hbm>>, %arg7: memref<157x128xi32, #tpu.memory_space<vmem>>, %arg8: memref<157x128xi32, #tpu.memory_space<vmem>>, %arg9: memref<128x48xf32, #tpu.memory_space<vmem>>, %arg10: memref<128x48xf32, #tpu.memory_space<vmem>>, %arg11: memref<10240x48xf32, #tpu.memory_space<vmem_shared>>) attributes {dimension_semantics = [#tpu.dimension_semantics<core_parallel>, #tpu.dimension_semantics<subcore_parallel>], iteration_bounds = array<i64: 2, 16>, scalar_prefetch = 0 : i64, scratch_operands = 5 : i64, tpu.core_type = #tpu.core_type<sc_vector_subcore>, window_params = [{transform_indices = #map}, {transform_indices = #map}, {transform_indices = #map1}, {transform_indices = #map1}, {transform_indices = #map1}]} {
    %eq3A = arith.constant 0 : i32
    %eq3A_0 = arith.cmpi eq, %arg0, %eq3A : i32
    %convert_element_type3A = arith.extui %eq3A_0 : i1 to i32
    %cond3A = arith.constant 0 : i32
    %cond3A_1 = arith.cmpi ne, %convert_element_type3A, %cond3A : i32
    scf.if %cond3A_1 {
      "tpu.region"() ({
        %run_scoped3A = tpu.sem_alloc : memref<!tpu.dma_semaphore, #tpu.memory_space<semaphore_mem>>
        %dma_start3A = arith.constant 0 : i32
        %dma_start3A_30 = arith.constant 0 : i32
        %dma_start3A_31 = tpu.memref_slice %arg2[%arg1, %dma_start3A, %dma_start3A_30] : memref<16x157x128xi32, #tpu.memory_space<hbm>> -> memref<1x157x128xi32, #tpu.memory_space<hbm>>
        %dma_start3A_32 = tpu.memref_squeeze %dma_start3A_31 : memref<1x157x128xi32, #tpu.memory_space<hbm>> -> memref<157x128xi32, #tpu.memory_space<hbm>>
        %dma_start3A_33 = arith.constant 0 : i32
        %dma_start3A_34 = arith.constant 0 : i32
        %dma_start3A_35 = tpu.memref_slice %arg2[%arg1, %dma_start3A_33, %dma_start3A_34] : memref<16x157x128xi32, #tpu.memory_space<hbm>> -> memref<1x157x128xi32, #tpu.memory_space<hbm>>
        %dma_start3A_36 = tpu.memref_squeeze %dma_start3A_35 : memref<1x157x128xi32, #tpu.memory_space<hbm>> -> memref<157x128xi32, #tpu.memory_space<hbm>>
        tpu.enqueue_dma source(%dma_start3A_36 : memref<157x128xi32, #tpu.memory_space<hbm>>) target(%arg7 : memref<157x128xi32, #tpu.memory_space<vmem>>) target_semaphore(%run_scoped3A : memref<!tpu.dma_semaphore, #tpu.memory_space<semaphore_mem>>)
        %dma_wait3A = arith.constant 0 : i32
        %dma_wait3A_37 = arith.constant 0 : i32
        %dma_wait3A_38 = tpu.memref_slice %arg2[%arg1, %dma_wait3A, %dma_wait3A_37] : memref<16x157x128xi32, #tpu.memory_space<hbm>> -> memref<1x157x128xi32, #tpu.memory_space<hbm>>
        %dma_wait3A_39 = tpu.memref_squeeze %dma_wait3A_38 : memref<1x157x128xi32, #tpu.memory_space<hbm>> -> memref<157x128xi32, #tpu.memory_space<hbm>>
        %dma_wait3A_40 = arith.constant 0 : i32
        %dma_wait3A_41 = arith.constant 0 : i32
        %dma_wait3A_42 = tpu.memref_slice %arg2[%arg1, %dma_wait3A_40, %dma_wait3A_41] : memref<16x157x128xi32, #tpu.memory_space<hbm>> -> memref<1x157x128xi32, #tpu.memory_space<hbm>>
        %dma_wait3A_43 = tpu.memref_squeeze %dma_wait3A_42 : memref<1x157x128xi32, #tpu.memory_space<hbm>> -> memref<157x128xi32, #tpu.memory_space<hbm>>
        tpu.wait_dma2 semaphore(%run_scoped3A : memref<!tpu.dma_semaphore, #tpu.memory_space<semaphore_mem>>) src(%dma_wait3A_43 : memref<157x128xi32, #tpu.memory_space<hbm>>) dst(%arg7 : memref<157x128xi32, #tpu.memory_space<vmem>>)
        tpu.yield
      }) : () -> ()
      "tpu.region"() ({
        %run_scoped3A = tpu.sem_alloc : memref<!tpu.dma_semaphore, #tpu.memory_space<semaphore_mem>>
        %dma_start3A = arith.constant 0 : i32
        %dma_start3A_30 = arith.constant 0 : i32
        %dma_start3A_31 = tpu.memref_slice %arg3[%arg1, %dma_start3A, %dma_start3A_30] : memref<16x157x128xi32, #tpu.memory_space<hbm>> -> memref<1x157x128xi32, #tpu.memory_space<hbm>>
        %dma_start3A_32 = tpu.memref_squeeze %dma_start3A_31 : memref<1x157x128xi32, #tpu.memory_space<hbm>> -> memref<157x128xi32, #tpu.memory_space<hbm>>
        %dma_start3A_33 = arith.constant 0 : i32
        %dma_start3A_34 = arith.constant 0 : i32
        %dma_start3A_35 = tpu.memref_slice %arg3[%arg1, %dma_start3A_33, %dma_start3A_34] : memref<16x157x128xi32, #tpu.memory_space<hbm>> -> memref<1x157x128xi32, #tpu.memory_space<hbm>>
        %dma_start3A_36 = tpu.memref_squeeze %dma_start3A_35 : memref<1x157x128xi32, #tpu.memory_space<hbm>> -> memref<157x128xi32, #tpu.memory_space<hbm>>
        tpu.enqueue_dma source(%dma_start3A_36 : memref<157x128xi32, #tpu.memory_space<hbm>>) target(%arg8 : memref<157x128xi32, #tpu.memory_space<vmem>>) target_semaphore(%run_scoped3A : memref<!tpu.dma_semaphore, #tpu.memory_space<semaphore_mem>>)
        %dma_wait3A = arith.constant 0 : i32
        %dma_wait3A_37 = arith.constant 0 : i32
        %dma_wait3A_38 = tpu.memref_slice %arg3[%arg1, %dma_wait3A, %dma_wait3A_37] : memref<16x157x128xi32, #tpu.memory_space<hbm>> -> memref<1x157x128xi32, #tpu.memory_space<hbm>>
        %dma_wait3A_39 = tpu.memref_squeeze %dma_wait3A_38 : memref<1x157x128xi32, #tpu.memory_space<hbm>> -> memref<157x128xi32, #tpu.memory_space<hbm>>
        %dma_wait3A_40 = arith.constant 0 : i32
        %dma_wait3A_41 = arith.constant 0 : i32
        %dma_wait3A_42 = tpu.memref_slice %arg3[%arg1, %dma_wait3A_40, %dma_wait3A_41] : memref<16x157x128xi32, #tpu.memory_space<hbm>> -> memref<1x157x128xi32, #tpu.memory_space<hbm>>
        %dma_wait3A_43 = tpu.memref_squeeze %dma_wait3A_42 : memref<1x157x128xi32, #tpu.memory_space<hbm>> -> memref<157x128xi32, #tpu.memory_space<hbm>>
        tpu.wait_dma2 semaphore(%run_scoped3A : memref<!tpu.dma_semaphore, #tpu.memory_space<semaphore_mem>>) src(%dma_wait3A_43 : memref<157x128xi32, #tpu.memory_space<hbm>>) dst(%arg8 : memref<157x128xi32, #tpu.memory_space<vmem>>)
        tpu.yield
      }) : () -> ()
      "tpu.region"() ({
        %run_scoped3A = tpu.sem_alloc : memref<!tpu.dma_semaphore, #tpu.memory_space<semaphore_mem>>
        tpu.enqueue_dma source(%arg5 : memref<128x48xf32, #tpu.memory_space<hbm>>) target(%arg10 : memref<128x48xf32, #tpu.memory_space<vmem>>) target_semaphore(%run_scoped3A : memref<!tpu.dma_semaphore, #tpu.memory_space<semaphore_mem>>)
        tpu.wait_dma2 semaphore(%run_scoped3A : memref<!tpu.dma_semaphore, #tpu.memory_space<semaphore_mem>>) src(%arg5 : memref<128x48xf32, #tpu.memory_space<hbm>>) dst(%arg10 : memref<128x48xf32, #tpu.memory_space<vmem>>)
        tpu.yield
      }) : () -> ()
      %mul3A = arith.constant 640 : i32
      %mul3A_2 = arith.muli %arg1, %mul3A : i32
      %add3A = arith.constant 0 : i32
      %add3A_3 = arith.addi %mul3A_2, %add3A : i32
      "tpu.region"() ({
        %run_scoped3A = tpu.sem_alloc : memref<!tpu.dma_semaphore, #tpu.memory_space<semaphore_mem>>
        %dma_start3A = arith.constant 0 : i32
        %dma_start3A_30 = tpu.memref_slice %arg11[%add3A_3, %dma_start3A] : memref<10240x48xf32, #tpu.memory_space<vmem_shared>> -> memref<128x48xf32, #tpu.memory_space<vmem_shared>>
        %dma_start3A_31 = arith.constant 0 : i32
        %dma_start3A_32 = tpu.memref_slice %arg11[%add3A_3, %dma_start3A_31] : memref<10240x48xf32, #tpu.memory_space<vmem_shared>> -> memref<128x48xf32, #tpu.memory_space<vmem_shared>>
        tpu.enqueue_dma source(%arg10 : memref<128x48xf32, #tpu.memory_space<vmem>>) target(%dma_start3A_32 : memref<128x48xf32, #tpu.memory_space<vmem_shared>>) target_semaphore(%run_scoped3A : memref<!tpu.dma_semaphore, #tpu.memory_space<semaphore_mem>>)
        %dma_wait3A = arith.constant 0 : i32
        %dma_wait3A_33 = tpu.memref_slice %arg11[%add3A_3, %dma_wait3A] : memref<10240x48xf32, #tpu.memory_space<vmem_shared>> -> memref<128x48xf32, #tpu.memory_space<vmem_shared>>
        %dma_wait3A_34 = arith.constant 0 : i32
        %dma_wait3A_35 = tpu.memref_slice %arg11[%add3A_3, %dma_wait3A_34] : memref<10240x48xf32, #tpu.memory_space<vmem_shared>> -> memref<128x48xf32, #tpu.memory_space<vmem_shared>>
        tpu.wait_dma2 semaphore(%run_scoped3A : memref<!tpu.dma_semaphore, #tpu.memory_space<semaphore_mem>>) src(%arg10 : memref<128x48xf32, #tpu.memory_space<vmem>>) dst(%dma_wait3A_35 : memref<128x48xf32, #tpu.memory_space<vmem_shared>>)
        tpu.yield
      }) : () -> ()
      %mul3A_4 = arith.constant 640 : i32
      %mul3A_5 = arith.muli %arg1, %mul3A_4 : i32
      %add3A_6 = arith.constant 128 : i32
      %add3A_7 = arith.addi %mul3A_5, %add3A_6 : i32
      "tpu.region"() ({
        %run_scoped3A = tpu.sem_alloc : memref<!tpu.dma_semaphore, #tpu.memory_space<semaphore_mem>>
        %dma_start3A = arith.constant 0 : i32
        %dma_start3A_30 = tpu.memref_slice %arg11[%add3A_7, %dma_start3A] : memref<10240x48xf32, #tpu.memory_space<vmem_shared>> -> memref<128x48xf32, #tpu.memory_space<vmem_shared>>
        %dma_start3A_31 = arith.constant 0 : i32
        %dma_start3A_32 = tpu.memref_slice %arg11[%add3A_7, %dma_start3A_31] : memref<10240x48xf32, #tpu.memory_space<vmem_shared>> -> memref<128x48xf32, #tpu.memory_space<vmem_shared>>
        tpu.enqueue_dma source(%arg10 : memref<128x48xf32, #tpu.memory_space<vmem>>) target(%dma_start3A_32 : memref<128x48xf32, #tpu.memory_space<vmem_shared>>) target_semaphore(%run_scoped3A : memref<!tpu.dma_semaphore, #tpu.memory_space<semaphore_mem>>)
        %dma_wait3A = arith.constant 0 : i32
        %dma_wait3A_33 = tpu.memref_slice %arg11[%add3A_7, %dma_wait3A] : memref<10240x48xf32, #tpu.memory_space<vmem_shared>> -> memref<128x48xf32, #tpu.memory_space<vmem_shared>>
        %dma_wait3A_34 = arith.constant 0 : i32
        %dma_wait3A_35 = tpu.memref_slice %arg11[%add3A_7, %dma_wait3A_34] : memref<10240x48xf32, #tpu.memory_space<vmem_shared>> -> memref<128x48xf32, #tpu.memory_space<vmem_shared>>
        tpu.wait_dma2 semaphore(%run_scoped3A : memref<!tpu.dma_semaphore, #tpu.memory_space<semaphore_mem>>) src(%arg10 : memref<128x48xf32, #tpu.memory_space<vmem>>) dst(%dma_wait3A_35 : memref<128x48xf32, #tpu.memory_space<vmem_shared>>)
        tpu.yield
      }) : () -> ()
      %mul3A_8 = arith.constant 640 : i32
      %mul3A_9 = arith.muli %arg1, %mul3A_8 : i32
      %add3A_10 = arith.constant 256 : i32
      %add3A_11 = arith.addi %mul3A_9, %add3A_10 : i32
      "tpu.region"() ({
        %run_scoped3A = tpu.sem_alloc : memref<!tpu.dma_semaphore, #tpu.memory_space<semaphore_mem>>
        %dma_start3A = arith.constant 0 : i32
        %dma_start3A_30 = tpu.memref_slice %arg11[%add3A_11, %dma_start3A] : memref<10240x48xf32, #tpu.memory_space<vmem_shared>> -> memref<128x48xf32, #tpu.memory_space<vmem_shared>>
        %dma_start3A_31 = arith.constant 0 : i32
        %dma_start3A_32 = tpu.memref_slice %arg11[%add3A_11, %dma_start3A_31] : memref<10240x48xf32, #tpu.memory_space<vmem_shared>> -> memref<128x48xf32, #tpu.memory_space<vmem_shared>>
        tpu.enqueue_dma source(%arg10 : memref<128x48xf32, #tpu.memory_space<vmem>>) target(%dma_start3A_32 : memref<128x48xf32, #tpu.memory_space<vmem_shared>>) target_semaphore(%run_scoped3A : memref<!tpu.dma_semaphore, #tpu.memory_space<semaphore_mem>>)
        %dma_wait3A = arith.constant 0 : i32
        %dma_wait3A_33 = tpu.memref_slice %arg11[%add3A_11, %dma_wait3A] : memref<10240x48xf32, #tpu.memory_space<vmem_shared>> -> memref<128x48xf32, #tpu.memory_space<vmem_shared>>
        %dma_wait3A_34 = arith.constant 0 : i32
        %dma_wait3A_35 = tpu.memref_slice %arg11[%add3A_11, %dma_wait3A_34] : memref<10240x48xf32, #tpu.memory_space<vmem_shared>> -> memref<128x48xf32, #tpu.memory_space<vmem_shared>>
        tpu.wait_dma2 semaphore(%run_scoped3A : memref<!tpu.dma_semaphore, #tpu.memory_space<semaphore_mem>>) src(%arg10 : memref<128x48xf32, #tpu.memory_space<vmem>>) dst(%dma_wait3A_35 : memref<128x48xf32, #tpu.memory_space<vmem_shared>>)
        tpu.yield
      }) : () -> ()
      %mul3A_12 = arith.constant 640 : i32
      %mul3A_13 = arith.muli %arg1, %mul3A_12 : i32
      %add3A_14 = arith.constant 384 : i32
      %add3A_15 = arith.addi %mul3A_13, %add3A_14 : i32
      "tpu.region"() ({
        %run_scoped3A = tpu.sem_alloc : memref<!tpu.dma_semaphore, #tpu.memory_space<semaphore_mem>>
        %dma_start3A = arith.constant 0 : i32
        %dma_start3A_30 = tpu.memref_slice %arg11[%add3A_15, %dma_start3A] : memref<10240x48xf32, #tpu.memory_space<vmem_shared>> -> memref<128x48xf32, #tpu.memory_space<vmem_shared>>
        %dma_start3A_31 = arith.constant 0 : i32
        %dma_start3A_32 = tpu.memref_slice %arg11[%add3A_15, %dma_start3A_31] : memref<10240x48xf32, #tpu.memory_space<vmem_shared>> -> memref<128x48xf32, #tpu.memory_space<vmem_shared>>
        tpu.enqueue_dma source(%arg10 : memref<128x48xf32, #tpu.memory_space<vmem>>) target(%dma_start3A_32 : memref<128x48xf32, #tpu.memory_space<vmem_shared>>) target_semaphore(%run_scoped3A : memref<!tpu.dma_semaphore, #tpu.memory_space<semaphore_mem>>)
        %dma_wait3A = arith.constant 0 : i32
        %dma_wait3A_33 = tpu.memref_slice %arg11[%add3A_15, %dma_wait3A] : memref<10240x48xf32, #tpu.memory_space<vmem_shared>> -> memref<128x48xf32, #tpu.memory_space<vmem_shared>>
        %dma_wait3A_34 = arith.constant 0 : i32
        %dma_wait3A_35 = tpu.memref_slice %arg11[%add3A_15, %dma_wait3A_34] : memref<10240x48xf32, #tpu.memory_space<vmem_shared>> -> memref<128x48xf32, #tpu.memory_space<vmem_shared>>
        tpu.wait_dma2 semaphore(%run_scoped3A : memref<!tpu.dma_semaphore, #tpu.memory_space<semaphore_mem>>) src(%arg10 : memref<128x48xf32, #tpu.memory_space<vmem>>) dst(%dma_wait3A_35 : memref<128x48xf32, #tpu.memory_space<vmem_shared>>)
        tpu.yield
      }) : () -> ()
      %mul3A_16 = arith.constant 640 : i32
      %mul3A_17 = arith.muli %arg1, %mul3A_16 : i32
      %add3A_18 = arith.constant 512 : i32
      %add3A_19 = arith.addi %mul3A_17, %add3A_18 : i32
      "tpu.region"() ({
        %run_scoped3A = tpu.sem_alloc : memref<!tpu.dma_semaphore, #tpu.memory_space<semaphore_mem>>
        %dma_start3A = arith.constant 0 : i32
        %dma_start3A_30 = tpu.memref_slice %arg11[%add3A_19, %dma_start3A] : memref<10240x48xf32, #tpu.memory_space<vmem_shared>> -> memref<128x48xf32, #tpu.memory_space<vmem_shared>>
        %dma_start3A_31 = arith.constant 0 : i32
        %dma_start3A_32 = tpu.memref_slice %arg11[%add3A_19, %dma_start3A_31] : memref<10240x48xf32, #tpu.memory_space<vmem_shared>> -> memref<128x48xf32, #tpu.memory_space<vmem_shared>>
        tpu.enqueue_dma source(%arg10 : memref<128x48xf32, #tpu.memory_space<vmem>>) target(%dma_start3A_32 : memref<128x48xf32, #tpu.memory_space<vmem_shared>>) target_semaphore(%run_scoped3A : memref<!tpu.dma_semaphore, #tpu.memory_space<semaphore_mem>>)
        %dma_wait3A = arith.constant 0 : i32
        %dma_wait3A_33 = tpu.memref_slice %arg11[%add3A_19, %dma_wait3A] : memref<10240x48xf32, #tpu.memory_space<vmem_shared>> -> memref<128x48xf32, #tpu.memory_space<vmem_shared>>
        %dma_wait3A_34 = arith.constant 0 : i32
        %dma_wait3A_35 = tpu.memref_slice %arg11[%add3A_19, %dma_wait3A_34] : memref<10240x48xf32, #tpu.memory_space<vmem_shared>> -> memref<128x48xf32, #tpu.memory_space<vmem_shared>>
        tpu.wait_dma2 semaphore(%run_scoped3A : memref<!tpu.dma_semaphore, #tpu.memory_space<semaphore_mem>>) src(%arg10 : memref<128x48xf32, #tpu.memory_space<vmem>>) dst(%dma_wait3A_35 : memref<128x48xf32, #tpu.memory_space<vmem_shared>>)
        tpu.yield
      }) : () -> ()
      %barrier3A = arith.constant 0 : index
      tpu.barrier barrier_id(%barrier3A)
      %scan3A = arith.constant 0 : i32
      %scan3A_20 = arith.constant 0 : i32
      %scan3A_21 = arith.constant 157 : i32
      %scan3A_22 = arith.addi %scan3A_20, %scan3A_21 : i32
      %scan3A_23 = arith.constant 1 : i32
      scf.for %scan3A_30 = %scan3A_20 to %scan3A_22 step %scan3A_23  : i32 {
        "tpu.region"() ({
          %run_scoped3A = tpu.sem_alloc : memref<!tpu.dma_semaphore, #tpu.memory_space<semaphore_mem>>
          %dma_start3A = arith.constant 0 : i32
          %dma_start3A_31 = tpu.memref_slice %arg7[%scan3A_30, %dma_start3A] : memref<157x128xi32, #tpu.memory_space<vmem>> -> memref<1x128xi32, #tpu.memory_space<vmem>>
          %dma_start3A_32 = tpu.memref_squeeze %dma_start3A_31 : memref<1x128xi32, #tpu.memory_space<vmem>> -> memref<128xi32, #tpu.memory_space<vmem>>
          %dma_start3A_33 = arith.constant 0 : i32
          %dma_start3A_34 = arith.constant 0 : i32
          %dma_start3A_35 = tpu.memref_slice %arg4[%dma_start3A_33, %dma_start3A_34] : memref<10240x48xf32, #tpu.memory_space<hbm>> -> memref<10240x48xf32, #tpu.memory_space<hbm>>
          tpu.enqueue_indirect_dma source(%dma_start3A_35 : memref<10240x48xf32, #tpu.memory_space<hbm>>) target(%arg9 : memref<128x48xf32, #tpu.memory_space<vmem>>) offsets(%dma_start3A_32 : memref<128xi32, #tpu.memory_space<vmem>>) semaphore(%run_scoped3A : memref<!tpu.dma_semaphore, #tpu.memory_space<semaphore_mem>>)
          %dma_wait3A = arith.constant 0 : i32
          %dma_wait3A_36 = tpu.memref_slice %arg7[%scan3A_30, %dma_wait3A] : memref<157x128xi32, #tpu.memory_space<vmem>> -> memref<1x128xi32, #tpu.memory_space<vmem>>
          %dma_wait3A_37 = tpu.memref_squeeze %dma_wait3A_36 : memref<1x128xi32, #tpu.memory_space<vmem>> -> memref<128xi32, #tpu.memory_space<vmem>>
          %dma_wait3A_38 = arith.constant 0 : i32
          %dma_wait3A_39 = arith.constant 0 : i32
          %dma_wait3A_40 = tpu.memref_slice %arg4[%dma_wait3A_38, %dma_wait3A_39] : memref<10240x48xf32, #tpu.memory_space<hbm>> -> memref<10240x48xf32, #tpu.memory_space<hbm>>
          tpu.wait_indirect_dma semaphore(%run_scoped3A : memref<!tpu.dma_semaphore, #tpu.memory_space<semaphore_mem>>) src(%dma_wait3A_40 : memref<10240x48xf32, #tpu.memory_space<hbm>>) dst(%arg9 : memref<128x48xf32, #tpu.memory_space<vmem>>)
          tpu.yield
        }) : () -> ()
        "tpu.region"() ({
          %run_scoped3A = tpu.sem_alloc : memref<!tpu.dma_semaphore, #tpu.memory_space<semaphore_mem>>
          %dma_start3A = arith.constant 0 : i32
          %dma_start3A_31 = tpu.memref_slice %arg8[%scan3A_30, %dma_start3A] : memref<157x128xi32, #tpu.memory_space<vmem>> -> memref<1x128xi32, #tpu.memory_space<vmem>>
          %dma_start3A_32 = tpu.memref_squeeze %dma_start3A_31 : memref<1x128xi32, #tpu.memory_space<vmem>> -> memref<128xi32, #tpu.memory_space<vmem>>
          %dma_start3A_33 = arith.constant 0 : i32
          %dma_start3A_34 = arith.constant 0 : i32
          %dma_start3A_35 = tpu.memref_slice %arg11[%dma_start3A_33, %dma_start3A_34] : memref<10240x48xf32, #tpu.memory_space<vmem_shared>> -> memref<10240x48xf32, #tpu.memory_space<vmem_shared>>
          tpu.enqueue_indirect_dma source(%arg9 : memref<128x48xf32, #tpu.memory_space<vmem>>) target(%dma_start3A_35 : memref<10240x48xf32, #tpu.memory_space<vmem_shared>>) offsets(%dma_start3A_32 : memref<128xi32, #tpu.memory_space<vmem>>) semaphore(%run_scoped3A : memref<!tpu.dma_semaphore, #tpu.memory_space<semaphore_mem>>) {add = true}
          %dma_wait3A = arith.constant 0 : i32
          %dma_wait3A_36 = tpu.memref_slice %arg8[%scan3A_30, %dma_wait3A] : memref<157x128xi32, #tpu.memory_space<vmem>> -> memref<1x128xi32, #tpu.memory_space<vmem>>
          %dma_wait3A_37 = tpu.memref_squeeze %dma_wait3A_36 : memref<1x128xi32, #tpu.memory_space<vmem>> -> memref<128xi32, #tpu.memory_space<vmem>>
          %dma_wait3A_38 = arith.constant 0 : i32
          %dma_wait3A_39 = arith.constant 0 : i32
          %dma_wait3A_40 = tpu.memref_slice %arg11[%dma_wait3A_38, %dma_wait3A_39] : memref<10240x48xf32, #tpu.memory_space<vmem_shared>> -> memref<10240x48xf32, #tpu.memory_space<vmem_shared>>
          tpu.wait_indirect_dma semaphore(%run_scoped3A : memref<!tpu.dma_semaphore, #tpu.memory_space<semaphore_mem>>) src(%arg9 : memref<128x48xf32, #tpu.memory_space<vmem>>) dst(%dma_wait3A_40 : memref<10240x48xf32, #tpu.memory_space<vmem_shared>>)
          tpu.yield
        }) : () -> ()
      }
      %scan3A_24 = arith.constant 157 : i32
      %barrier3A_25 = arith.constant 0 : index
      tpu.barrier barrier_id(%barrier3A_25)
      %mul3A_26 = arith.constant 640 : i32
      %mul3A_27 = arith.muli %arg1, %mul3A_26 : i32
      %mul3A_28 = arith.constant 640 : i32
      %mul3A_29 = arith.muli %arg1, %mul3A_28 : i32
      "tpu.region"() ({
        %run_scoped3A = tpu.sem_alloc : memref<!tpu.dma_semaphore, #tpu.memory_space<semaphore_mem>>
        %dma_start3A = arith.constant 0 : i32
        %dma_start3A_30 = tpu.memref_slice %arg6[%mul3A_29, %dma_start3A] : memref<10240x48xf32, #tpu.memory_space<hbm>> -> memref<640x48xf32, #tpu.memory_space<hbm>>
        %dma_start3A_31 = arith.constant 0 : i32
        %dma_start3A_32 = tpu.memref_slice %arg11[%mul3A_27, %dma_start3A_31] : memref<10240x48xf32, #tpu.memory_space<vmem_shared>> -> memref<640x48xf32, #tpu.memory_space<vmem_shared>>
        tpu.enqueue_dma source(%dma_start3A_32 : memref<640x48xf32, #tpu.memory_space<vmem_shared>>) target(%dma_start3A_30 : memref<640x48xf32, #tpu.memory_space<hbm>>) target_semaphore(%run_scoped3A : memref<!tpu.dma_semaphore, #tpu.memory_space<semaphore_mem>>)
        %dma_wait3A = arith.constant 0 : i32
        %dma_wait3A_33 = tpu.memref_slice %arg6[%mul3A_29, %dma_wait3A] : memref<10240x48xf32, #tpu.memory_space<hbm>> -> memref<640x48xf32, #tpu.memory_space<hbm>>
        %dma_wait3A_34 = arith.constant 0 : i32
        %dma_wait3A_35 = tpu.memref_slice %arg11[%mul3A_27, %dma_wait3A_34] : memref<10240x48xf32, #tpu.memory_space<vmem_shared>> -> memref<640x48xf32, #tpu.memory_space<vmem_shared>>
        tpu.wait_dma2 semaphore(%run_scoped3A : memref<!tpu.dma_semaphore, #tpu.memory_space<semaphore_mem>>) src(%dma_wait3A_35 : memref<640x48xf32, #tpu.memory_space<vmem_shared>>) dst(%dma_wait3A_33 : memref<640x48xf32, #tpu.memory_space<hbm>>)
        tpu.yield
      }) : () -> ()
    } else {
    }
    return
  }
}

#map = affine_map<(d0, d1) -> (0, 0, 0)>
#map1 = affine_map<(d0, d1) -> (0, 0)>
module attributes {stable_mosaic.version = 14 : i64} {
  func.func @_sc_round(%arg0: i32, %arg1: i32, %arg2: memref<16x157x128xi32, #tpu.memory_space<hbm>>, %arg3: memref<16x157x128xi32, #tpu.memory_space<hbm>>, %arg4: memref<10240x48xf32, #tpu.memory_space<hbm>>, %arg5: memref<128x48xf32, #tpu.memory_space<hbm>>, %arg6: memref<10240x48xf32, #tpu.memory_space<hbm>>, %arg7: memref<157x128xi32, #tpu.memory_space<vmem>>, %arg8: memref<157x128xi32, #tpu.memory_space<vmem>>, %arg9: memref<128x48xf32, #tpu.memory_space<vmem>>, %arg10: memref<128x48xf32, #tpu.memory_space<vmem>>, %arg11: memref<10240x48xf32, #tpu.memory_space<vmem_shared>>) attributes {dimension_semantics = [#tpu.dimension_semantics<core_parallel>, #tpu.dimension_semantics<subcore_parallel>], iteration_bounds = array<i64: 2, 16>, scalar_prefetch = 0 : i64, scratch_operands = 5 : i64, tpu.core_type = #tpu.core_type<sc_vector_subcore>, window_params = [{transform_indices = #map}, {transform_indices = #map}, {transform_indices = #map1}, {transform_indices = #map1}, {transform_indices = #map1}]} {
    %eq3A = arith.constant 0 : i32
    %eq3A_0 = arith.cmpi eq, %arg0, %eq3A : i32
    %convert_element_type3A = arith.extui %eq3A_0 : i1 to i32
    %cond3A = arith.constant 0 : i32
    %cond3A_1 = arith.cmpi ne, %convert_element_type3A, %cond3A : i32
    scf.if %cond3A_1 {
      "tpu.region"() ({
        %run_scoped3A = tpu.sem_alloc : memref<!tpu.dma_semaphore, #tpu.memory_space<semaphore_mem>>
        %dma_start3A = arith.constant 0 : i32
        %dma_start3A_30 = arith.constant 0 : i32
        %dma_start3A_31 = tpu.memref_slice %arg2[%arg1, %dma_start3A, %dma_start3A_30] : memref<16x157x128xi32, #tpu.memory_space<hbm>> -> memref<1x157x128xi32, #tpu.memory_space<hbm>>
        %dma_start3A_32 = tpu.memref_squeeze %dma_start3A_31 : memref<1x157x128xi32, #tpu.memory_space<hbm>> -> memref<157x128xi32, #tpu.memory_space<hbm>>
        %dma_start3A_33 = arith.constant 0 : i32
        %dma_start3A_34 = arith.constant 0 : i32
        %dma_start3A_35 = tpu.memref_slice %arg2[%arg1, %dma_start3A_33, %dma_start3A_34] : memref<16x157x128xi32, #tpu.memory_space<hbm>> -> memref<1x157x128xi32, #tpu.memory_space<hbm>>
        %dma_start3A_36 = tpu.memref_squeeze %dma_start3A_35 : memref<1x157x128xi32, #tpu.memory_space<hbm>> -> memref<157x128xi32, #tpu.memory_space<hbm>>
        tpu.enqueue_dma source(%dma_start3A_36 : memref<157x128xi32, #tpu.memory_space<hbm>>) target(%arg7 : memref<157x128xi32, #tpu.memory_space<vmem>>) target_semaphore(%run_scoped3A : memref<!tpu.dma_semaphore, #tpu.memory_space<semaphore_mem>>)
        %dma_wait3A = arith.constant 0 : i32
        %dma_wait3A_37 = arith.constant 0 : i32
        %dma_wait3A_38 = tpu.memref_slice %arg2[%arg1, %dma_wait3A, %dma_wait3A_37] : memref<16x157x128xi32, #tpu.memory_space<hbm>> -> memref<1x157x128xi32, #tpu.memory_space<hbm>>
        %dma_wait3A_39 = tpu.memref_squeeze %dma_wait3A_38 : memref<1x157x128xi32, #tpu.memory_space<hbm>> -> memref<157x128xi32, #tpu.memory_space<hbm>>
        %dma_wait3A_40 = arith.constant 0 : i32
        %dma_wait3A_41 = arith.constant 0 : i32
        %dma_wait3A_42 = tpu.memref_slice %arg2[%arg1, %dma_wait3A_40, %dma_wait3A_41] : memref<16x157x128xi32, #tpu.memory_space<hbm>> -> memref<1x157x128xi32, #tpu.memory_space<hbm>>
        %dma_wait3A_43 = tpu.memref_squeeze %dma_wait3A_42 : memref<1x157x128xi32, #tpu.memory_space<hbm>> -> memref<157x128xi32, #tpu.memory_space<hbm>>
        tpu.wait_dma2 semaphore(%run_scoped3A : memref<!tpu.dma_semaphore, #tpu.memory_space<semaphore_mem>>) src(%dma_wait3A_43 : memref<157x128xi32, #tpu.memory_space<hbm>>) dst(%arg7 : memref<157x128xi32, #tpu.memory_space<vmem>>)
        tpu.yield
      }) : () -> ()
      "tpu.region"() ({
        %run_scoped3A = tpu.sem_alloc : memref<!tpu.dma_semaphore, #tpu.memory_space<semaphore_mem>>
        %dma_start3A = arith.constant 0 : i32
        %dma_start3A_30 = arith.constant 0 : i32
        %dma_start3A_31 = tpu.memref_slice %arg3[%arg1, %dma_start3A, %dma_start3A_30] : memref<16x157x128xi32, #tpu.memory_space<hbm>> -> memref<1x157x128xi32, #tpu.memory_space<hbm>>
        %dma_start3A_32 = tpu.memref_squeeze %dma_start3A_31 : memref<1x157x128xi32, #tpu.memory_space<hbm>> -> memref<157x128xi32, #tpu.memory_space<hbm>>
        %dma_start3A_33 = arith.constant 0 : i32
        %dma_start3A_34 = arith.constant 0 : i32
        %dma_start3A_35 = tpu.memref_slice %arg3[%arg1, %dma_start3A_33, %dma_start3A_34] : memref<16x157x128xi32, #tpu.memory_space<hbm>> -> memref<1x157x128xi32, #tpu.memory_space<hbm>>
        %dma_start3A_36 = tpu.memref_squeeze %dma_start3A_35 : memref<1x157x128xi32, #tpu.memory_space<hbm>> -> memref<157x128xi32, #tpu.memory_space<hbm>>
        tpu.enqueue_dma source(%dma_start3A_36 : memref<157x128xi32, #tpu.memory_space<hbm>>) target(%arg8 : memref<157x128xi32, #tpu.memory_space<vmem>>) target_semaphore(%run_scoped3A : memref<!tpu.dma_semaphore, #tpu.memory_space<semaphore_mem>>)
        %dma_wait3A = arith.constant 0 : i32
        %dma_wait3A_37 = arith.constant 0 : i32
        %dma_wait3A_38 = tpu.memref_slice %arg3[%arg1, %dma_wait3A, %dma_wait3A_37] : memref<16x157x128xi32, #tpu.memory_space<hbm>> -> memref<1x157x128xi32, #tpu.memory_space<hbm>>
        %dma_wait3A_39 = tpu.memref_squeeze %dma_wait3A_38 : memref<1x157x128xi32, #tpu.memory_space<hbm>> -> memref<157x128xi32, #tpu.memory_space<hbm>>
        %dma_wait3A_40 = arith.constant 0 : i32
        %dma_wait3A_41 = arith.constant 0 : i32
        %dma_wait3A_42 = tpu.memref_slice %arg3[%arg1, %dma_wait3A_40, %dma_wait3A_41] : memref<16x157x128xi32, #tpu.memory_space<hbm>> -> memref<1x157x128xi32, #tpu.memory_space<hbm>>
        %dma_wait3A_43 = tpu.memref_squeeze %dma_wait3A_42 : memref<1x157x128xi32, #tpu.memory_space<hbm>> -> memref<157x128xi32, #tpu.memory_space<hbm>>
        tpu.wait_dma2 semaphore(%run_scoped3A : memref<!tpu.dma_semaphore, #tpu.memory_space<semaphore_mem>>) src(%dma_wait3A_43 : memref<157x128xi32, #tpu.memory_space<hbm>>) dst(%arg8 : memref<157x128xi32, #tpu.memory_space<vmem>>)
        tpu.yield
      }) : () -> ()
      "tpu.region"() ({
        %run_scoped3A = tpu.sem_alloc : memref<!tpu.dma_semaphore, #tpu.memory_space<semaphore_mem>>
        tpu.enqueue_dma source(%arg5 : memref<128x48xf32, #tpu.memory_space<hbm>>) target(%arg10 : memref<128x48xf32, #tpu.memory_space<vmem>>) target_semaphore(%run_scoped3A : memref<!tpu.dma_semaphore, #tpu.memory_space<semaphore_mem>>)
        tpu.wait_dma2 semaphore(%run_scoped3A : memref<!tpu.dma_semaphore, #tpu.memory_space<semaphore_mem>>) src(%arg5 : memref<128x48xf32, #tpu.memory_space<hbm>>) dst(%arg10 : memref<128x48xf32, #tpu.memory_space<vmem>>)
        tpu.yield
      }) : () -> ()
      %mul3A = arith.constant 640 : i32
      %mul3A_2 = arith.muli %arg1, %mul3A : i32
      %add3A = arith.constant 0 : i32
      %add3A_3 = arith.addi %mul3A_2, %add3A : i32
      "tpu.region"() ({
        %run_scoped3A = tpu.sem_alloc : memref<!tpu.dma_semaphore, #tpu.memory_space<semaphore_mem>>
        %dma_start3A = arith.constant 0 : i32
        %dma_start3A_30 = tpu.memref_slice %arg11[%add3A_3, %dma_start3A] : memref<10240x48xf32, #tpu.memory_space<vmem_shared>> -> memref<128x48xf32, #tpu.memory_space<vmem_shared>>
        %dma_start3A_31 = arith.constant 0 : i32
        %dma_start3A_32 = tpu.memref_slice %arg11[%add3A_3, %dma_start3A_31] : memref<10240x48xf32, #tpu.memory_space<vmem_shared>> -> memref<128x48xf32, #tpu.memory_space<vmem_shared>>
        tpu.enqueue_dma source(%arg10 : memref<128x48xf32, #tpu.memory_space<vmem>>) target(%dma_start3A_32 : memref<128x48xf32, #tpu.memory_space<vmem_shared>>) target_semaphore(%run_scoped3A : memref<!tpu.dma_semaphore, #tpu.memory_space<semaphore_mem>>)
        %dma_wait3A = arith.constant 0 : i32
        %dma_wait3A_33 = tpu.memref_slice %arg11[%add3A_3, %dma_wait3A] : memref<10240x48xf32, #tpu.memory_space<vmem_shared>> -> memref<128x48xf32, #tpu.memory_space<vmem_shared>>
        %dma_wait3A_34 = arith.constant 0 : i32
        %dma_wait3A_35 = tpu.memref_slice %arg11[%add3A_3, %dma_wait3A_34] : memref<10240x48xf32, #tpu.memory_space<vmem_shared>> -> memref<128x48xf32, #tpu.memory_space<vmem_shared>>
        tpu.wait_dma2 semaphore(%run_scoped3A : memref<!tpu.dma_semaphore, #tpu.memory_space<semaphore_mem>>) src(%arg10 : memref<128x48xf32, #tpu.memory_space<vmem>>) dst(%dma_wait3A_35 : memref<128x48xf32, #tpu.memory_space<vmem_shared>>)
        tpu.yield
      }) : () -> ()
      %mul3A_4 = arith.constant 640 : i32
      %mul3A_5 = arith.muli %arg1, %mul3A_4 : i32
      %add3A_6 = arith.constant 128 : i32
      %add3A_7 = arith.addi %mul3A_5, %add3A_6 : i32
      "tpu.region"() ({
        %run_scoped3A = tpu.sem_alloc : memref<!tpu.dma_semaphore, #tpu.memory_space<semaphore_mem>>
        %dma_start3A = arith.constant 0 : i32
        %dma_start3A_30 = tpu.memref_slice %arg11[%add3A_7, %dma_start3A] : memref<10240x48xf32, #tpu.memory_space<vmem_shared>> -> memref<128x48xf32, #tpu.memory_space<vmem_shared>>
        %dma_start3A_31 = arith.constant 0 : i32
        %dma_start3A_32 = tpu.memref_slice %arg11[%add3A_7, %dma_start3A_31] : memref<10240x48xf32, #tpu.memory_space<vmem_shared>> -> memref<128x48xf32, #tpu.memory_space<vmem_shared>>
        tpu.enqueue_dma source(%arg10 : memref<128x48xf32, #tpu.memory_space<vmem>>) target(%dma_start3A_32 : memref<128x48xf32, #tpu.memory_space<vmem_shared>>) target_semaphore(%run_scoped3A : memref<!tpu.dma_semaphore, #tpu.memory_space<semaphore_mem>>)
        %dma_wait3A = arith.constant 0 : i32
        %dma_wait3A_33 = tpu.memref_slice %arg11[%add3A_7, %dma_wait3A] : memref<10240x48xf32, #tpu.memory_space<vmem_shared>> -> memref<128x48xf32, #tpu.memory_space<vmem_shared>>
        %dma_wait3A_34 = arith.constant 0 : i32
        %dma_wait3A_35 = tpu.memref_slice %arg11[%add3A_7, %dma_wait3A_34] : memref<10240x48xf32, #tpu.memory_space<vmem_shared>> -> memref<128x48xf32, #tpu.memory_space<vmem_shared>>
        tpu.wait_dma2 semaphore(%run_scoped3A : memref<!tpu.dma_semaphore, #tpu.memory_space<semaphore_mem>>) src(%arg10 : memref<128x48xf32, #tpu.memory_space<vmem>>) dst(%dma_wait3A_35 : memref<128x48xf32, #tpu.memory_space<vmem_shared>>)
        tpu.yield
      }) : () -> ()
      %mul3A_8 = arith.constant 640 : i32
      %mul3A_9 = arith.muli %arg1, %mul3A_8 : i32
      %add3A_10 = arith.constant 256 : i32
      %add3A_11 = arith.addi %mul3A_9, %add3A_10 : i32
      "tpu.region"() ({
        %run_scoped3A = tpu.sem_alloc : memref<!tpu.dma_semaphore, #tpu.memory_space<semaphore_mem>>
        %dma_start3A = arith.constant 0 : i32
        %dma_start3A_30 = tpu.memref_slice %arg11[%add3A_11, %dma_start3A] : memref<10240x48xf32, #tpu.memory_space<vmem_shared>> -> memref<128x48xf32, #tpu.memory_space<vmem_shared>>
        %dma_start3A_31 = arith.constant 0 : i32
        %dma_start3A_32 = tpu.memref_slice %arg11[%add3A_11, %dma_start3A_31] : memref<10240x48xf32, #tpu.memory_space<vmem_shared>> -> memref<128x48xf32, #tpu.memory_space<vmem_shared>>
        tpu.enqueue_dma source(%arg10 : memref<128x48xf32, #tpu.memory_space<vmem>>) target(%dma_start3A_32 : memref<128x48xf32, #tpu.memory_space<vmem_shared>>) target_semaphore(%run_scoped3A : memref<!tpu.dma_semaphore, #tpu.memory_space<semaphore_mem>>)
        %dma_wait3A = arith.constant 0 : i32
        %dma_wait3A_33 = tpu.memref_slice %arg11[%add3A_11, %dma_wait3A] : memref<10240x48xf32, #tpu.memory_space<vmem_shared>> -> memref<128x48xf32, #tpu.memory_space<vmem_shared>>
        %dma_wait3A_34 = arith.constant 0 : i32
        %dma_wait3A_35 = tpu.memref_slice %arg11[%add3A_11, %dma_wait3A_34] : memref<10240x48xf32, #tpu.memory_space<vmem_shared>> -> memref<128x48xf32, #tpu.memory_space<vmem_shared>>
        tpu.wait_dma2 semaphore(%run_scoped3A : memref<!tpu.dma_semaphore, #tpu.memory_space<semaphore_mem>>) src(%arg10 : memref<128x48xf32, #tpu.memory_space<vmem>>) dst(%dma_wait3A_35 : memref<128x48xf32, #tpu.memory_space<vmem_shared>>)
        tpu.yield
      }) : () -> ()
      %mul3A_12 = arith.constant 640 : i32
      %mul3A_13 = arith.muli %arg1, %mul3A_12 : i32
      %add3A_14 = arith.constant 384 : i32
      %add3A_15 = arith.addi %mul3A_13, %add3A_14 : i32
      "tpu.region"() ({
        %run_scoped3A = tpu.sem_alloc : memref<!tpu.dma_semaphore, #tpu.memory_space<semaphore_mem>>
        %dma_start3A = arith.constant 0 : i32
        %dma_start3A_30 = tpu.memref_slice %arg11[%add3A_15, %dma_start3A] : memref<10240x48xf32, #tpu.memory_space<vmem_shared>> -> memref<128x48xf32, #tpu.memory_space<vmem_shared>>
        %dma_start3A_31 = arith.constant 0 : i32
        %dma_start3A_32 = tpu.memref_slice %arg11[%add3A_15, %dma_start3A_31] : memref<10240x48xf32, #tpu.memory_space<vmem_shared>> -> memref<128x48xf32, #tpu.memory_space<vmem_shared>>
        tpu.enqueue_dma source(%arg10 : memref<128x48xf32, #tpu.memory_space<vmem>>) target(%dma_start3A_32 : memref<128x48xf32, #tpu.memory_space<vmem_shared>>) target_semaphore(%run_scoped3A : memref<!tpu.dma_semaphore, #tpu.memory_space<semaphore_mem>>)
        %dma_wait3A = arith.constant 0 : i32
        %dma_wait3A_33 = tpu.memref_slice %arg11[%add3A_15, %dma_wait3A] : memref<10240x48xf32, #tpu.memory_space<vmem_shared>> -> memref<128x48xf32, #tpu.memory_space<vmem_shared>>
        %dma_wait3A_34 = arith.constant 0 : i32
        %dma_wait3A_35 = tpu.memref_slice %arg11[%add3A_15, %dma_wait3A_34] : memref<10240x48xf32, #tpu.memory_space<vmem_shared>> -> memref<128x48xf32, #tpu.memory_space<vmem_shared>>
        tpu.wait_dma2 semaphore(%run_scoped3A : memref<!tpu.dma_semaphore, #tpu.memory_space<semaphore_mem>>) src(%arg10 : memref<128x48xf32, #tpu.memory_space<vmem>>) dst(%dma_wait3A_35 : memref<128x48xf32, #tpu.memory_space<vmem_shared>>)
        tpu.yield
      }) : () -> ()
      %mul3A_16 = arith.constant 640 : i32
      %mul3A_17 = arith.muli %arg1, %mul3A_16 : i32
      %add3A_18 = arith.constant 512 : i32
      %add3A_19 = arith.addi %mul3A_17, %add3A_18 : i32
      "tpu.region"() ({
        %run_scoped3A = tpu.sem_alloc : memref<!tpu.dma_semaphore, #tpu.memory_space<semaphore_mem>>
        %dma_start3A = arith.constant 0 : i32
        %dma_start3A_30 = tpu.memref_slice %arg11[%add3A_19, %dma_start3A] : memref<10240x48xf32, #tpu.memory_space<vmem_shared>> -> memref<128x48xf32, #tpu.memory_space<vmem_shared>>
        %dma_start3A_31 = arith.constant 0 : i32
        %dma_start3A_32 = tpu.memref_slice %arg11[%add3A_19, %dma_start3A_31] : memref<10240x48xf32, #tpu.memory_space<vmem_shared>> -> memref<128x48xf32, #tpu.memory_space<vmem_shared>>
        tpu.enqueue_dma source(%arg10 : memref<128x48xf32, #tpu.memory_space<vmem>>) target(%dma_start3A_32 : memref<128x48xf32, #tpu.memory_space<vmem_shared>>) target_semaphore(%run_scoped3A : memref<!tpu.dma_semaphore, #tpu.memory_space<semaphore_mem>>)
        %dma_wait3A = arith.constant 0 : i32
        %dma_wait3A_33 = tpu.memref_slice %arg11[%add3A_19, %dma_wait3A] : memref<10240x48xf32, #tpu.memory_space<vmem_shared>> -> memref<128x48xf32, #tpu.memory_space<vmem_shared>>
        %dma_wait3A_34 = arith.constant 0 : i32
        %dma_wait3A_35 = tpu.memref_slice %arg11[%add3A_19, %dma_wait3A_34] : memref<10240x48xf32, #tpu.memory_space<vmem_shared>> -> memref<128x48xf32, #tpu.memory_space<vmem_shared>>
        tpu.wait_dma2 semaphore(%run_scoped3A : memref<!tpu.dma_semaphore, #tpu.memory_space<semaphore_mem>>) src(%arg10 : memref<128x48xf32, #tpu.memory_space<vmem>>) dst(%dma_wait3A_35 : memref<128x48xf32, #tpu.memory_space<vmem_shared>>)
        tpu.yield
      }) : () -> ()
      %barrier3A = arith.constant 0 : index
      tpu.barrier barrier_id(%barrier3A)
      %scan3A = arith.constant 0 : i32
      %scan3A_20 = arith.constant 0 : i32
      %scan3A_21 = arith.constant 157 : i32
      %scan3A_22 = arith.addi %scan3A_20, %scan3A_21 : i32
      %scan3A_23 = arith.constant 1 : i32
      scf.for %scan3A_30 = %scan3A_20 to %scan3A_22 step %scan3A_23  : i32 {
        "tpu.region"() ({
          %run_scoped3A = tpu.sem_alloc : memref<!tpu.dma_semaphore, #tpu.memory_space<semaphore_mem>>
          %dma_start3A = arith.constant 0 : i32
          %dma_start3A_31 = tpu.memref_slice %arg7[%scan3A_30, %dma_start3A] : memref<157x128xi32, #tpu.memory_space<vmem>> -> memref<1x128xi32, #tpu.memory_space<vmem>>
          %dma_start3A_32 = tpu.memref_squeeze %dma_start3A_31 : memref<1x128xi32, #tpu.memory_space<vmem>> -> memref<128xi32, #tpu.memory_space<vmem>>
          %dma_start3A_33 = arith.constant 0 : i32
          %dma_start3A_34 = arith.constant 0 : i32
          %dma_start3A_35 = tpu.memref_slice %arg4[%dma_start3A_33, %dma_start3A_34] : memref<10240x48xf32, #tpu.memory_space<hbm>> -> memref<10240x48xf32, #tpu.memory_space<hbm>>
          tpu.enqueue_indirect_dma source(%dma_start3A_35 : memref<10240x48xf32, #tpu.memory_space<hbm>>) target(%arg9 : memref<128x48xf32, #tpu.memory_space<vmem>>) offsets(%dma_start3A_32 : memref<128xi32, #tpu.memory_space<vmem>>) semaphore(%run_scoped3A : memref<!tpu.dma_semaphore, #tpu.memory_space<semaphore_mem>>)
          %dma_wait3A = arith.constant 0 : i32
          %dma_wait3A_36 = tpu.memref_slice %arg7[%scan3A_30, %dma_wait3A] : memref<157x128xi32, #tpu.memory_space<vmem>> -> memref<1x128xi32, #tpu.memory_space<vmem>>
          %dma_wait3A_37 = tpu.memref_squeeze %dma_wait3A_36 : memref<1x128xi32, #tpu.memory_space<vmem>> -> memref<128xi32, #tpu.memory_space<vmem>>
          %dma_wait3A_38 = arith.constant 0 : i32
          %dma_wait3A_39 = arith.constant 0 : i32
          %dma_wait3A_40 = tpu.memref_slice %arg4[%dma_wait3A_38, %dma_wait3A_39] : memref<10240x48xf32, #tpu.memory_space<hbm>> -> memref<10240x48xf32, #tpu.memory_space<hbm>>
          tpu.wait_indirect_dma semaphore(%run_scoped3A : memref<!tpu.dma_semaphore, #tpu.memory_space<semaphore_mem>>) src(%dma_wait3A_40 : memref<10240x48xf32, #tpu.memory_space<hbm>>) dst(%arg9 : memref<128x48xf32, #tpu.memory_space<vmem>>)
          tpu.yield
        }) : () -> ()
        "tpu.region"() ({
          %run_scoped3A = tpu.sem_alloc : memref<!tpu.dma_semaphore, #tpu.memory_space<semaphore_mem>>
          %dma_start3A = arith.constant 0 : i32
          %dma_start3A_31 = tpu.memref_slice %arg8[%scan3A_30, %dma_start3A] : memref<157x128xi32, #tpu.memory_space<vmem>> -> memref<1x128xi32, #tpu.memory_space<vmem>>
          %dma_start3A_32 = tpu.memref_squeeze %dma_start3A_31 : memref<1x128xi32, #tpu.memory_space<vmem>> -> memref<128xi32, #tpu.memory_space<vmem>>
          %dma_start3A_33 = arith.constant 0 : i32
          %dma_start3A_34 = arith.constant 0 : i32
          %dma_start3A_35 = tpu.memref_slice %arg11[%dma_start3A_33, %dma_start3A_34] : memref<10240x48xf32, #tpu.memory_space<vmem_shared>> -> memref<10240x48xf32, #tpu.memory_space<vmem_shared>>
          tpu.enqueue_indirect_dma source(%arg9 : memref<128x48xf32, #tpu.memory_space<vmem>>) target(%dma_start3A_35 : memref<10240x48xf32, #tpu.memory_space<vmem_shared>>) offsets(%dma_start3A_32 : memref<128xi32, #tpu.memory_space<vmem>>) semaphore(%run_scoped3A : memref<!tpu.dma_semaphore, #tpu.memory_space<semaphore_mem>>) {add = true}
          %dma_wait3A = arith.constant 0 : i32
          %dma_wait3A_36 = tpu.memref_slice %arg8[%scan3A_30, %dma_wait3A] : memref<157x128xi32, #tpu.memory_space<vmem>> -> memref<1x128xi32, #tpu.memory_space<vmem>>
          %dma_wait3A_37 = tpu.memref_squeeze %dma_wait3A_36 : memref<1x128xi32, #tpu.memory_space<vmem>> -> memref<128xi32, #tpu.memory_space<vmem>>
          %dma_wait3A_38 = arith.constant 0 : i32
          %dma_wait3A_39 = arith.constant 0 : i32
          %dma_wait3A_40 = tpu.memref_slice %arg11[%dma_wait3A_38, %dma_wait3A_39] : memref<10240x48xf32, #tpu.memory_space<vmem_shared>> -> memref<10240x48xf32, #tpu.memory_space<vmem_shared>>
          tpu.wait_indirect_dma semaphore(%run_scoped3A : memref<!tpu.dma_semaphore, #tpu.memory_space<semaphore_mem>>) src(%arg9 : memref<128x48xf32, #tpu.memory_space<vmem>>) dst(%dma_wait3A_40 : memref<10240x48xf32, #tpu.memory_space<vmem_shared>>)
          tpu.yield
        }) : () -> ()
      }
      %scan3A_24 = arith.constant 157 : i32
      %barrier3A_25 = arith.constant 0 : index
      tpu.barrier barrier_id(%barrier3A_25)
      %mul3A_26 = arith.constant 640 : i32
      %mul3A_27 = arith.muli %arg1, %mul3A_26 : i32
      %mul3A_28 = arith.constant 640 : i32
      %mul3A_29 = arith.muli %arg1, %mul3A_28 : i32
      "tpu.region"() ({
        %run_scoped3A = tpu.sem_alloc : memref<!tpu.dma_semaphore, #tpu.memory_space<semaphore_mem>>
        %dma_start3A = arith.constant 0 : i32
        %dma_start3A_30 = tpu.memref_slice %arg6[%mul3A_29, %dma_start3A] : memref<10240x48xf32, #tpu.memory_space<hbm>> -> memref<640x48xf32, #tpu.memory_space<hbm>>
        %dma_start3A_31 = arith.constant 0 : i32
        %dma_start3A_32 = tpu.memref_slice %arg11[%mul3A_27, %dma_start3A_31] : memref<10240x48xf32, #tpu.memory_space<vmem_shared>> -> memref<640x48xf32, #tpu.memory_space<vmem_shared>>
        tpu.enqueue_dma source(%dma_start3A_32 : memref<640x48xf32, #tpu.memory_space<vmem_shared>>) target(%dma_start3A_30 : memref<640x48xf32, #tpu.memory_space<hbm>>) target_semaphore(%run_scoped3A : memref<!tpu.dma_semaphore, #tpu.memory_space<semaphore_mem>>)
        %dma_wait3A = arith.constant 0 : i32
        %dma_wait3A_33 = tpu.memref_slice %arg6[%mul3A_29, %dma_wait3A] : memref<10240x48xf32, #tpu.memory_space<hbm>> -> memref<640x48xf32, #tpu.memory_space<hbm>>
        %dma_wait3A_34 = arith.constant 0 : i32
        %dma_wait3A_35 = tpu.memref_slice %arg11[%mul3A_27, %dma_wait3A_34] : memref<10240x48xf32, #tpu.memory_space<vmem_shared>> -> memref<640x48xf32, #tpu.memory_space<vmem_shared>>
        tpu.wait_dma2 semaphore(%run_scoped3A : memref<!tpu.dma_semaphore, #tpu.memory_space<semaphore_mem>>) src(%dma_wait3A_35 : memref<640x48xf32, #tpu.memory_space<vmem_shared>>) dst(%dma_wait3A_33 : memref<640x48xf32, #tpu.memory_space<hbm>>)
        tpu.yield
      }) : () -> ()
    } else {
    }
    return
  }
}

#map = affine_map<(d0, d1) -> (0, 0, 0)>
#map1 = affine_map<(d0, d1) -> (0, 0)>
module attributes {stable_mosaic.version = 14 : i64} {
  func.func @_sc_round(%arg0: i32, %arg1: i32, %arg2: memref<16x157x128xi32, #tpu.memory_space<hbm>>, %arg3: memref<16x157x128xi32, #tpu.memory_space<hbm>>, %arg4: memref<10240x48xf32, #tpu.memory_space<hbm>>, %arg5: memref<128x48xf32, #tpu.memory_space<hbm>>, %arg6: memref<10240x48xf32, #tpu.memory_space<hbm>>, %arg7: memref<157x128xi32, #tpu.memory_space<vmem>>, %arg8: memref<157x128xi32, #tpu.memory_space<vmem>>, %arg9: memref<128x48xf32, #tpu.memory_space<vmem>>, %arg10: memref<128x48xf32, #tpu.memory_space<vmem>>, %arg11: memref<10240x48xf32, #tpu.memory_space<vmem_shared>>) attributes {dimension_semantics = [#tpu.dimension_semantics<core_parallel>, #tpu.dimension_semantics<subcore_parallel>], iteration_bounds = array<i64: 2, 16>, scalar_prefetch = 0 : i64, scratch_operands = 5 : i64, tpu.core_type = #tpu.core_type<sc_vector_subcore>, window_params = [{transform_indices = #map}, {transform_indices = #map}, {transform_indices = #map1}, {transform_indices = #map1}, {transform_indices = #map1}]} {
    %eq3A = arith.constant 0 : i32
    %eq3A_0 = arith.cmpi eq, %arg0, %eq3A : i32
    %convert_element_type3A = arith.extui %eq3A_0 : i1 to i32
    %cond3A = arith.constant 0 : i32
    %cond3A_1 = arith.cmpi ne, %convert_element_type3A, %cond3A : i32
    scf.if %cond3A_1 {
      "tpu.region"() ({
        %run_scoped3A = tpu.sem_alloc : memref<!tpu.dma_semaphore, #tpu.memory_space<semaphore_mem>>
        %dma_start3A = arith.constant 0 : i32
        %dma_start3A_30 = arith.constant 0 : i32
        %dma_start3A_31 = tpu.memref_slice %arg2[%arg1, %dma_start3A, %dma_start3A_30] : memref<16x157x128xi32, #tpu.memory_space<hbm>> -> memref<1x157x128xi32, #tpu.memory_space<hbm>>
        %dma_start3A_32 = tpu.memref_squeeze %dma_start3A_31 : memref<1x157x128xi32, #tpu.memory_space<hbm>> -> memref<157x128xi32, #tpu.memory_space<hbm>>
        %dma_start3A_33 = arith.constant 0 : i32
        %dma_start3A_34 = arith.constant 0 : i32
        %dma_start3A_35 = tpu.memref_slice %arg2[%arg1, %dma_start3A_33, %dma_start3A_34] : memref<16x157x128xi32, #tpu.memory_space<hbm>> -> memref<1x157x128xi32, #tpu.memory_space<hbm>>
        %dma_start3A_36 = tpu.memref_squeeze %dma_start3A_35 : memref<1x157x128xi32, #tpu.memory_space<hbm>> -> memref<157x128xi32, #tpu.memory_space<hbm>>
        tpu.enqueue_dma source(%dma_start3A_36 : memref<157x128xi32, #tpu.memory_space<hbm>>) target(%arg7 : memref<157x128xi32, #tpu.memory_space<vmem>>) target_semaphore(%run_scoped3A : memref<!tpu.dma_semaphore, #tpu.memory_space<semaphore_mem>>)
        %dma_wait3A = arith.constant 0 : i32
        %dma_wait3A_37 = arith.constant 0 : i32
        %dma_wait3A_38 = tpu.memref_slice %arg2[%arg1, %dma_wait3A, %dma_wait3A_37] : memref<16x157x128xi32, #tpu.memory_space<hbm>> -> memref<1x157x128xi32, #tpu.memory_space<hbm>>
        %dma_wait3A_39 = tpu.memref_squeeze %dma_wait3A_38 : memref<1x157x128xi32, #tpu.memory_space<hbm>> -> memref<157x128xi32, #tpu.memory_space<hbm>>
        %dma_wait3A_40 = arith.constant 0 : i32
        %dma_wait3A_41 = arith.constant 0 : i32
        %dma_wait3A_42 = tpu.memref_slice %arg2[%arg1, %dma_wait3A_40, %dma_wait3A_41] : memref<16x157x128xi32, #tpu.memory_space<hbm>> -> memref<1x157x128xi32, #tpu.memory_space<hbm>>
        %dma_wait3A_43 = tpu.memref_squeeze %dma_wait3A_42 : memref<1x157x128xi32, #tpu.memory_space<hbm>> -> memref<157x128xi32, #tpu.memory_space<hbm>>
        tpu.wait_dma2 semaphore(%run_scoped3A : memref<!tpu.dma_semaphore, #tpu.memory_space<semaphore_mem>>) src(%dma_wait3A_43 : memref<157x128xi32, #tpu.memory_space<hbm>>) dst(%arg7 : memref<157x128xi32, #tpu.memory_space<vmem>>)
        tpu.yield
      }) : () -> ()
      "tpu.region"() ({
        %run_scoped3A = tpu.sem_alloc : memref<!tpu.dma_semaphore, #tpu.memory_space<semaphore_mem>>
        %dma_start3A = arith.constant 0 : i32
        %dma_start3A_30 = arith.constant 0 : i32
        %dma_start3A_31 = tpu.memref_slice %arg3[%arg1, %dma_start3A, %dma_start3A_30] : memref<16x157x128xi32, #tpu.memory_space<hbm>> -> memref<1x157x128xi32, #tpu.memory_space<hbm>>
        %dma_start3A_32 = tpu.memref_squeeze %dma_start3A_31 : memref<1x157x128xi32, #tpu.memory_space<hbm>> -> memref<157x128xi32, #tpu.memory_space<hbm>>
        %dma_start3A_33 = arith.constant 0 : i32
        %dma_start3A_34 = arith.constant 0 : i32
        %dma_start3A_35 = tpu.memref_slice %arg3[%arg1, %dma_start3A_33, %dma_start3A_34] : memref<16x157x128xi32, #tpu.memory_space<hbm>> -> memref<1x157x128xi32, #tpu.memory_space<hbm>>
        %dma_start3A_36 = tpu.memref_squeeze %dma_start3A_35 : memref<1x157x128xi32, #tpu.memory_space<hbm>> -> memref<157x128xi32, #tpu.memory_space<hbm>>
        tpu.enqueue_dma source(%dma_start3A_36 : memref<157x128xi32, #tpu.memory_space<hbm>>) target(%arg8 : memref<157x128xi32, #tpu.memory_space<vmem>>) target_semaphore(%run_scoped3A : memref<!tpu.dma_semaphore, #tpu.memory_space<semaphore_mem>>)
        %dma_wait3A = arith.constant 0 : i32
        %dma_wait3A_37 = arith.constant 0 : i32
        %dma_wait3A_38 = tpu.memref_slice %arg3[%arg1, %dma_wait3A, %dma_wait3A_37] : memref<16x157x128xi32, #tpu.memory_space<hbm>> -> memref<1x157x128xi32, #tpu.memory_space<hbm>>
        %dma_wait3A_39 = tpu.memref_squeeze %dma_wait3A_38 : memref<1x157x128xi32, #tpu.memory_space<hbm>> -> memref<157x128xi32, #tpu.memory_space<hbm>>
        %dma_wait3A_40 = arith.constant 0 : i32
        %dma_wait3A_41 = arith.constant 0 : i32
        %dma_wait3A_42 = tpu.memref_slice %arg3[%arg1, %dma_wait3A_40, %dma_wait3A_41] : memref<16x157x128xi32, #tpu.memory_space<hbm>> -> memref<1x157x128xi32, #tpu.memory_space<hbm>>
        %dma_wait3A_43 = tpu.memref_squeeze %dma_wait3A_42 : memref<1x157x128xi32, #tpu.memory_space<hbm>> -> memref<157x128xi32, #tpu.memory_space<hbm>>
        tpu.wait_dma2 semaphore(%run_scoped3A : memref<!tpu.dma_semaphore, #tpu.memory_space<semaphore_mem>>) src(%dma_wait3A_43 : memref<157x128xi32, #tpu.memory_space<hbm>>) dst(%arg8 : memref<157x128xi32, #tpu.memory_space<vmem>>)
        tpu.yield
      }) : () -> ()
      "tpu.region"() ({
        %run_scoped3A = tpu.sem_alloc : memref<!tpu.dma_semaphore, #tpu.memory_space<semaphore_mem>>
        tpu.enqueue_dma source(%arg5 : memref<128x48xf32, #tpu.memory_space<hbm>>) target(%arg10 : memref<128x48xf32, #tpu.memory_space<vmem>>) target_semaphore(%run_scoped3A : memref<!tpu.dma_semaphore, #tpu.memory_space<semaphore_mem>>)
        tpu.wait_dma2 semaphore(%run_scoped3A : memref<!tpu.dma_semaphore, #tpu.memory_space<semaphore_mem>>) src(%arg5 : memref<128x48xf32, #tpu.memory_space<hbm>>) dst(%arg10 : memref<128x48xf32, #tpu.memory_space<vmem>>)
        tpu.yield
      }) : () -> ()
      %mul3A = arith.constant 640 : i32
      %mul3A_2 = arith.muli %arg1, %mul3A : i32
      %add3A = arith.constant 0 : i32
      %add3A_3 = arith.addi %mul3A_2, %add3A : i32
      "tpu.region"() ({
        %run_scoped3A = tpu.sem_alloc : memref<!tpu.dma_semaphore, #tpu.memory_space<semaphore_mem>>
        %dma_start3A = arith.constant 0 : i32
        %dma_start3A_30 = tpu.memref_slice %arg11[%add3A_3, %dma_start3A] : memref<10240x48xf32, #tpu.memory_space<vmem_shared>> -> memref<128x48xf32, #tpu.memory_space<vmem_shared>>
        %dma_start3A_31 = arith.constant 0 : i32
        %dma_start3A_32 = tpu.memref_slice %arg11[%add3A_3, %dma_start3A_31] : memref<10240x48xf32, #tpu.memory_space<vmem_shared>> -> memref<128x48xf32, #tpu.memory_space<vmem_shared>>
        tpu.enqueue_dma source(%arg10 : memref<128x48xf32, #tpu.memory_space<vmem>>) target(%dma_start3A_32 : memref<128x48xf32, #tpu.memory_space<vmem_shared>>) target_semaphore(%run_scoped3A : memref<!tpu.dma_semaphore, #tpu.memory_space<semaphore_mem>>)
        %dma_wait3A = arith.constant 0 : i32
        %dma_wait3A_33 = tpu.memref_slice %arg11[%add3A_3, %dma_wait3A] : memref<10240x48xf32, #tpu.memory_space<vmem_shared>> -> memref<128x48xf32, #tpu.memory_space<vmem_shared>>
        %dma_wait3A_34 = arith.constant 0 : i32
        %dma_wait3A_35 = tpu.memref_slice %arg11[%add3A_3, %dma_wait3A_34] : memref<10240x48xf32, #tpu.memory_space<vmem_shared>> -> memref<128x48xf32, #tpu.memory_space<vmem_shared>>
        tpu.wait_dma2 semaphore(%run_scoped3A : memref<!tpu.dma_semaphore, #tpu.memory_space<semaphore_mem>>) src(%arg10 : memref<128x48xf32, #tpu.memory_space<vmem>>) dst(%dma_wait3A_35 : memref<128x48xf32, #tpu.memory_space<vmem_shared>>)
        tpu.yield
      }) : () -> ()
      %mul3A_4 = arith.constant 640 : i32
      %mul3A_5 = arith.muli %arg1, %mul3A_4 : i32
      %add3A_6 = arith.constant 128 : i32
      %add3A_7 = arith.addi %mul3A_5, %add3A_6 : i32
      "tpu.region"() ({
        %run_scoped3A = tpu.sem_alloc : memref<!tpu.dma_semaphore, #tpu.memory_space<semaphore_mem>>
        %dma_start3A = arith.constant 0 : i32
        %dma_start3A_30 = tpu.memref_slice %arg11[%add3A_7, %dma_start3A] : memref<10240x48xf32, #tpu.memory_space<vmem_shared>> -> memref<128x48xf32, #tpu.memory_space<vmem_shared>>
        %dma_start3A_31 = arith.constant 0 : i32
        %dma_start3A_32 = tpu.memref_slice %arg11[%add3A_7, %dma_start3A_31] : memref<10240x48xf32, #tpu.memory_space<vmem_shared>> -> memref<128x48xf32, #tpu.memory_space<vmem_shared>>
        tpu.enqueue_dma source(%arg10 : memref<128x48xf32, #tpu.memory_space<vmem>>) target(%dma_start3A_32 : memref<128x48xf32, #tpu.memory_space<vmem_shared>>) target_semaphore(%run_scoped3A : memref<!tpu.dma_semaphore, #tpu.memory_space<semaphore_mem>>)
        %dma_wait3A = arith.constant 0 : i32
        %dma_wait3A_33 = tpu.memref_slice %arg11[%add3A_7, %dma_wait3A] : memref<10240x48xf32, #tpu.memory_space<vmem_shared>> -> memref<128x48xf32, #tpu.memory_space<vmem_shared>>
        %dma_wait3A_34 = arith.constant 0 : i32
        %dma_wait3A_35 = tpu.memref_slice %arg11[%add3A_7, %dma_wait3A_34] : memref<10240x48xf32, #tpu.memory_space<vmem_shared>> -> memref<128x48xf32, #tpu.memory_space<vmem_shared>>
        tpu.wait_dma2 semaphore(%run_scoped3A : memref<!tpu.dma_semaphore, #tpu.memory_space<semaphore_mem>>) src(%arg10 : memref<128x48xf32, #tpu.memory_space<vmem>>) dst(%dma_wait3A_35 : memref<128x48xf32, #tpu.memory_space<vmem_shared>>)
        tpu.yield
      }) : () -> ()
      %mul3A_8 = arith.constant 640 : i32
      %mul3A_9 = arith.muli %arg1, %mul3A_8 : i32
      %add3A_10 = arith.constant 256 : i32
      %add3A_11 = arith.addi %mul3A_9, %add3A_10 : i32
      "tpu.region"() ({
        %run_scoped3A = tpu.sem_alloc : memref<!tpu.dma_semaphore, #tpu.memory_space<semaphore_mem>>
        %dma_start3A = arith.constant 0 : i32
        %dma_start3A_30 = tpu.memref_slice %arg11[%add3A_11, %dma_start3A] : memref<10240x48xf32, #tpu.memory_space<vmem_shared>> -> memref<128x48xf32, #tpu.memory_space<vmem_shared>>
        %dma_start3A_31 = arith.constant 0 : i32
        %dma_start3A_32 = tpu.memref_slice %arg11[%add3A_11, %dma_start3A_31] : memref<10240x48xf32, #tpu.memory_space<vmem_shared>> -> memref<128x48xf32, #tpu.memory_space<vmem_shared>>
        tpu.enqueue_dma source(%arg10 : memref<128x48xf32, #tpu.memory_space<vmem>>) target(%dma_start3A_32 : memref<128x48xf32, #tpu.memory_space<vmem_shared>>) target_semaphore(%run_scoped3A : memref<!tpu.dma_semaphore, #tpu.memory_space<semaphore_mem>>)
        %dma_wait3A = arith.constant 0 : i32
        %dma_wait3A_33 = tpu.memref_slice %arg11[%add3A_11, %dma_wait3A] : memref<10240x48xf32, #tpu.memory_space<vmem_shared>> -> memref<128x48xf32, #tpu.memory_space<vmem_shared>>
        %dma_wait3A_34 = arith.constant 0 : i32
        %dma_wait3A_35 = tpu.memref_slice %arg11[%add3A_11, %dma_wait3A_34] : memref<10240x48xf32, #tpu.memory_space<vmem_shared>> -> memref<128x48xf32, #tpu.memory_space<vmem_shared>>
        tpu.wait_dma2 semaphore(%run_scoped3A : memref<!tpu.dma_semaphore, #tpu.memory_space<semaphore_mem>>) src(%arg10 : memref<128x48xf32, #tpu.memory_space<vmem>>) dst(%dma_wait3A_35 : memref<128x48xf32, #tpu.memory_space<vmem_shared>>)
        tpu.yield
      }) : () -> ()
      %mul3A_12 = arith.constant 640 : i32
      %mul3A_13 = arith.muli %arg1, %mul3A_12 : i32
      %add3A_14 = arith.constant 384 : i32
      %add3A_15 = arith.addi %mul3A_13, %add3A_14 : i32
      "tpu.region"() ({
        %run_scoped3A = tpu.sem_alloc : memref<!tpu.dma_semaphore, #tpu.memory_space<semaphore_mem>>
        %dma_start3A = arith.constant 0 : i32
        %dma_start3A_30 = tpu.memref_slice %arg11[%add3A_15, %dma_start3A] : memref<10240x48xf32, #tpu.memory_space<vmem_shared>> -> memref<128x48xf32, #tpu.memory_space<vmem_shared>>
        %dma_start3A_31 = arith.constant 0 : i32
        %dma_start3A_32 = tpu.memref_slice %arg11[%add3A_15, %dma_start3A_31] : memref<10240x48xf32, #tpu.memory_space<vmem_shared>> -> memref<128x48xf32, #tpu.memory_space<vmem_shared>>
        tpu.enqueue_dma source(%arg10 : memref<128x48xf32, #tpu.memory_space<vmem>>) target(%dma_start3A_32 : memref<128x48xf32, #tpu.memory_space<vmem_shared>>) target_semaphore(%run_scoped3A : memref<!tpu.dma_semaphore, #tpu.memory_space<semaphore_mem>>)
        %dma_wait3A = arith.constant 0 : i32
        %dma_wait3A_33 = tpu.memref_slice %arg11[%add3A_15, %dma_wait3A] : memref<10240x48xf32, #tpu.memory_space<vmem_shared>> -> memref<128x48xf32, #tpu.memory_space<vmem_shared>>
        %dma_wait3A_34 = arith.constant 0 : i32
        %dma_wait3A_35 = tpu.memref_slice %arg11[%add3A_15, %dma_wait3A_34] : memref<10240x48xf32, #tpu.memory_space<vmem_shared>> -> memref<128x48xf32, #tpu.memory_space<vmem_shared>>
        tpu.wait_dma2 semaphore(%run_scoped3A : memref<!tpu.dma_semaphore, #tpu.memory_space<semaphore_mem>>) src(%arg10 : memref<128x48xf32, #tpu.memory_space<vmem>>) dst(%dma_wait3A_35 : memref<128x48xf32, #tpu.memory_space<vmem_shared>>)
        tpu.yield
      }) : () -> ()
      %mul3A_16 = arith.constant 640 : i32
      %mul3A_17 = arith.muli %arg1, %mul3A_16 : i32
      %add3A_18 = arith.constant 512 : i32
      %add3A_19 = arith.addi %mul3A_17, %add3A_18 : i32
      "tpu.region"() ({
        %run_scoped3A = tpu.sem_alloc : memref<!tpu.dma_semaphore, #tpu.memory_space<semaphore_mem>>
        %dma_start3A = arith.constant 0 : i32
        %dma_start3A_30 = tpu.memref_slice %arg11[%add3A_19, %dma_start3A] : memref<10240x48xf32, #tpu.memory_space<vmem_shared>> -> memref<128x48xf32, #tpu.memory_space<vmem_shared>>
        %dma_start3A_31 = arith.constant 0 : i32
        %dma_start3A_32 = tpu.memref_slice %arg11[%add3A_19, %dma_start3A_31] : memref<10240x48xf32, #tpu.memory_space<vmem_shared>> -> memref<128x48xf32, #tpu.memory_space<vmem_shared>>
        tpu.enqueue_dma source(%arg10 : memref<128x48xf32, #tpu.memory_space<vmem>>) target(%dma_start3A_32 : memref<128x48xf32, #tpu.memory_space<vmem_shared>>) target_semaphore(%run_scoped3A : memref<!tpu.dma_semaphore, #tpu.memory_space<semaphore_mem>>)
        %dma_wait3A = arith.constant 0 : i32
        %dma_wait3A_33 = tpu.memref_slice %arg11[%add3A_19, %dma_wait3A] : memref<10240x48xf32, #tpu.memory_space<vmem_shared>> -> memref<128x48xf32, #tpu.memory_space<vmem_shared>>
        %dma_wait3A_34 = arith.constant 0 : i32
        %dma_wait3A_35 = tpu.memref_slice %arg11[%add3A_19, %dma_wait3A_34] : memref<10240x48xf32, #tpu.memory_space<vmem_shared>> -> memref<128x48xf32, #tpu.memory_space<vmem_shared>>
        tpu.wait_dma2 semaphore(%run_scoped3A : memref<!tpu.dma_semaphore, #tpu.memory_space<semaphore_mem>>) src(%arg10 : memref<128x48xf32, #tpu.memory_space<vmem>>) dst(%dma_wait3A_35 : memref<128x48xf32, #tpu.memory_space<vmem_shared>>)
        tpu.yield
      }) : () -> ()
      %barrier3A = arith.constant 0 : index
      tpu.barrier barrier_id(%barrier3A)
      %scan3A = arith.constant 0 : i32
      %scan3A_20 = arith.constant 0 : i32
      %scan3A_21 = arith.constant 157 : i32
      %scan3A_22 = arith.addi %scan3A_20, %scan3A_21 : i32
      %scan3A_23 = arith.constant 1 : i32
      scf.for %scan3A_30 = %scan3A_20 to %scan3A_22 step %scan3A_23  : i32 {
        "tpu.region"() ({
          %run_scoped3A = tpu.sem_alloc : memref<!tpu.dma_semaphore, #tpu.memory_space<semaphore_mem>>
          %dma_start3A = arith.constant 0 : i32
          %dma_start3A_31 = tpu.memref_slice %arg7[%scan3A_30, %dma_start3A] : memref<157x128xi32, #tpu.memory_space<vmem>> -> memref<1x128xi32, #tpu.memory_space<vmem>>
          %dma_start3A_32 = tpu.memref_squeeze %dma_start3A_31 : memref<1x128xi32, #tpu.memory_space<vmem>> -> memref<128xi32, #tpu.memory_space<vmem>>
          %dma_start3A_33 = arith.constant 0 : i32
          %dma_start3A_34 = arith.constant 0 : i32
          %dma_start3A_35 = tpu.memref_slice %arg4[%dma_start3A_33, %dma_start3A_34] : memref<10240x48xf32, #tpu.memory_space<hbm>> -> memref<10240x48xf32, #tpu.memory_space<hbm>>
          tpu.enqueue_indirect_dma source(%dma_start3A_35 : memref<10240x48xf32, #tpu.memory_space<hbm>>) target(%arg9 : memref<128x48xf32, #tpu.memory_space<vmem>>) offsets(%dma_start3A_32 : memref<128xi32, #tpu.memory_space<vmem>>) semaphore(%run_scoped3A : memref<!tpu.dma_semaphore, #tpu.memory_space<semaphore_mem>>)
          %dma_wait3A = arith.constant 0 : i32
          %dma_wait3A_36 = tpu.memref_slice %arg7[%scan3A_30, %dma_wait3A] : memref<157x128xi32, #tpu.memory_space<vmem>> -> memref<1x128xi32, #tpu.memory_space<vmem>>
          %dma_wait3A_37 = tpu.memref_squeeze %dma_wait3A_36 : memref<1x128xi32, #tpu.memory_space<vmem>> -> memref<128xi32, #tpu.memory_space<vmem>>
          %dma_wait3A_38 = arith.constant 0 : i32
          %dma_wait3A_39 = arith.constant 0 : i32
          %dma_wait3A_40 = tpu.memref_slice %arg4[%dma_wait3A_38, %dma_wait3A_39] : memref<10240x48xf32, #tpu.memory_space<hbm>> -> memref<10240x48xf32, #tpu.memory_space<hbm>>
          tpu.wait_indirect_dma semaphore(%run_scoped3A : memref<!tpu.dma_semaphore, #tpu.memory_space<semaphore_mem>>) src(%dma_wait3A_40 : memref<10240x48xf32, #tpu.memory_space<hbm>>) dst(%arg9 : memref<128x48xf32, #tpu.memory_space<vmem>>)
          tpu.yield
        }) : () -> ()
        "tpu.region"() ({
          %run_scoped3A = tpu.sem_alloc : memref<!tpu.dma_semaphore, #tpu.memory_space<semaphore_mem>>
          %dma_start3A = arith.constant 0 : i32
          %dma_start3A_31 = tpu.memref_slice %arg8[%scan3A_30, %dma_start3A] : memref<157x128xi32, #tpu.memory_space<vmem>> -> memref<1x128xi32, #tpu.memory_space<vmem>>
          %dma_start3A_32 = tpu.memref_squeeze %dma_start3A_31 : memref<1x128xi32, #tpu.memory_space<vmem>> -> memref<128xi32, #tpu.memory_space<vmem>>
          %dma_start3A_33 = arith.constant 0 : i32
          %dma_start3A_34 = arith.constant 0 : i32
          %dma_start3A_35 = tpu.memref_slice %arg11[%dma_start3A_33, %dma_start3A_34] : memref<10240x48xf32, #tpu.memory_space<vmem_shared>> -> memref<10240x48xf32, #tpu.memory_space<vmem_shared>>
          tpu.enqueue_indirect_dma source(%arg9 : memref<128x48xf32, #tpu.memory_space<vmem>>) target(%dma_start3A_35 : memref<10240x48xf32, #tpu.memory_space<vmem_shared>>) offsets(%dma_start3A_32 : memref<128xi32, #tpu.memory_space<vmem>>) semaphore(%run_scoped3A : memref<!tpu.dma_semaphore, #tpu.memory_space<semaphore_mem>>) {add = true}
          %dma_wait3A = arith.constant 0 : i32
          %dma_wait3A_36 = tpu.memref_slice %arg8[%scan3A_30, %dma_wait3A] : memref<157x128xi32, #tpu.memory_space<vmem>> -> memref<1x128xi32, #tpu.memory_space<vmem>>
          %dma_wait3A_37 = tpu.memref_squeeze %dma_wait3A_36 : memref<1x128xi32, #tpu.memory_space<vmem>> -> memref<128xi32, #tpu.memory_space<vmem>>
          %dma_wait3A_38 = arith.constant 0 : i32
          %dma_wait3A_39 = arith.constant 0 : i32
          %dma_wait3A_40 = tpu.memref_slice %arg11[%dma_wait3A_38, %dma_wait3A_39] : memref<10240x48xf32, #tpu.memory_space<vmem_shared>> -> memref<10240x48xf32, #tpu.memory_space<vmem_shared>>
          tpu.wait_indirect_dma semaphore(%run_scoped3A : memref<!tpu.dma_semaphore, #tpu.memory_space<semaphore_mem>>) src(%arg9 : memref<128x48xf32, #tpu.memory_space<vmem>>) dst(%dma_wait3A_40 : memref<10240x48xf32, #tpu.memory_space<vmem_shared>>)
          tpu.yield
        }) : () -> ()
      }
      %scan3A_24 = arith.constant 157 : i32
      %barrier3A_25 = arith.constant 0 : index
      tpu.barrier barrier_id(%barrier3A_25)
      %mul3A_26 = arith.constant 640 : i32
      %mul3A_27 = arith.muli %arg1, %mul3A_26 : i32
      %mul3A_28 = arith.constant 640 : i32
      %mul3A_29 = arith.muli %arg1, %mul3A_28 : i32
      "tpu.region"() ({
        %run_scoped3A = tpu.sem_alloc : memref<!tpu.dma_semaphore, #tpu.memory_space<semaphore_mem>>
        %dma_start3A = arith.constant 0 : i32
        %dma_start3A_30 = tpu.memref_slice %arg6[%mul3A_29, %dma_start3A] : memref<10240x48xf32, #tpu.memory_space<hbm>> -> memref<640x48xf32, #tpu.memory_space<hbm>>
        %dma_start3A_31 = arith.constant 0 : i32
        %dma_start3A_32 = tpu.memref_slice %arg11[%mul3A_27, %dma_start3A_31] : memref<10240x48xf32, #tpu.memory_space<vmem_shared>> -> memref<640x48xf32, #tpu.memory_space<vmem_shared>>
        tpu.enqueue_dma source(%dma_start3A_32 : memref<640x48xf32, #tpu.memory_space<vmem_shared>>) target(%dma_start3A_30 : memref<640x48xf32, #tpu.memory_space<hbm>>) target_semaphore(%run_scoped3A : memref<!tpu.dma_semaphore, #tpu.memory_space<semaphore_mem>>)
        %dma_wait3A = arith.constant 0 : i32
        %dma_wait3A_33 = tpu.memref_slice %arg6[%mul3A_29, %dma_wait3A] : memref<10240x48xf32, #tpu.memory_space<hbm>> -> memref<640x48xf32, #tpu.memory_space<hbm>>
        %dma_wait3A_34 = arith.constant 0 : i32
        %dma_wait3A_35 = tpu.memref_slice %arg11[%mul3A_27, %dma_wait3A_34] : memref<10240x48xf32, #tpu.memory_space<vmem_shared>> -> memref<640x48xf32, #tpu.memory_space<vmem_shared>>
        tpu.wait_dma2 semaphore(%run_scoped3A : memref<!tpu.dma_semaphore, #tpu.memory_space<semaphore_mem>>) src(%dma_wait3A_35 : memref<640x48xf32, #tpu.memory_space<vmem_shared>>) dst(%dma_wait3A_33 : memref<640x48xf32, #tpu.memory_space<hbm>>)
        tpu.yield
      }) : () -> ()
    } else {
    }
    return
  }
}

module attributes {stable_mosaic.version = 14 : i64} {
  func.func @_mlp_body(%arg0: i32, %arg1: memref<1024x128xf32, #tpu.memory_space<vmem>>, %arg2: memref<128x128xf32, #tpu.memory_space<vmem>>, %arg3: memref<1x128xf32, #tpu.memory_space<vmem>>, %arg4: memref<128x48xf32, #tpu.memory_space<vmem>>, %arg5: memref<1x48xf32, #tpu.memory_space<vmem>>, %arg6: memref<1024x8xf32, #tpu.memory_space<vmem>>, %arg7: memref<1024x48xf32, #tpu.memory_space<vmem>>, %arg8: memref<1024x48xf32, #tpu.memory_space<vmem>>, %arg9: memref<1024x48xf32, #tpu.memory_space<vmem>>) attributes {dimension_semantics = [#tpu.dimension_semantics<arbitrary>], iteration_bounds = array<i64: 10>, scalar_prefetch = 0 : i64, scratch_operands = 0 : i64, tpu.core_type = #tpu.core_type<tc>, window_params = [{transform_indices = @transform_0, window_bounds = array<i64: 1024, 128>}, {pipeline_mode = #tpu.pipeline_mode<synchronous>, transform_indices = @transform_1, window_bounds = array<i64: 128, 128>}, {pipeline_mode = #tpu.pipeline_mode<synchronous>, transform_indices = @transform_2, window_bounds = array<i64: 1, 128>}, {pipeline_mode = #tpu.pipeline_mode<synchronous>, transform_indices = @transform_3, window_bounds = array<i64: 128, 48>}, {pipeline_mode = #tpu.pipeline_mode<synchronous>, transform_indices = @transform_4, window_bounds = array<i64: 1, 48>}, {transform_indices = @transform_5, window_bounds = array<i64: 1024, 8>}, {transform_indices = @transform_6, window_bounds = array<i64: 1024, 48>}, {transform_indices = @transform_7, window_bounds = array<i64: 1024, 48>}, {transform_indices = @transform_8, window_bounds = array<i64: 1024, 48>}]} {
    %get3A = arith.constant 0 : index
    %get3A_0 = arith.constant 0 : index
    %get3A_1 = vector.load %arg1[%get3A, %get3A_0] : memref<1024x128xf32, #tpu.memory_space<vmem>>, vector<1024x128xf32>
    %get3A_2 = arith.constant 0 : index
    %get3A_3 = arith.constant 0 : index
    %get3A_4 = vector.load %arg2[%get3A_2, %get3A_3] : memref<128x128xf32, #tpu.memory_space<vmem>>, vector<128x128xf32>
    %dot_general3A = arith.constant dense<0.000000e+00> : vector<1024x128xf32>
    %dot_general3A_5 = tpu.matmul %get3A_1, %get3A_4, %dot_general3A {dimension_numbers = #tpu.dot_dimension_numbers<[1], [0], [0], [1], [0, 0, 1, 1], [], []>, transpose_lhs_hint = false} : vector<1024x128xf32>, vector<128x128xf32>, vector<1024x128xf32> -> vector<1024x128xf32>
    %get3A_6 = arith.constant 0 : index
    %get3A_7 = arith.constant 0 : index
    %get3A_8 = vector.load %arg3[%get3A_6, %get3A_7] : memref<1x128xf32, #tpu.memory_space<vmem>>, vector<1x128xf32>
    %add3A = vector.broadcast %get3A_8 : vector<1x128xf32> to vector<1024x128xf32>
    %add3A_9 = arith.addf %dot_general3A_5, %add3A : vector<1024x128xf32>
    %max3A = arith.constant 0.000000e+00 : f32
    %max3A_10 = vector.broadcast %max3A : f32 to vector<1024x128xf32>
    %max3A_11 = arith.maximumf %add3A_9, %max3A_10 : vector<1024x128xf32>
    %get3A_12 = arith.constant 0 : index
    %get3A_13 = arith.constant 0 : index
    %get3A_14 = vector.load %arg4[%get3A_12, %get3A_13] : memref<128x48xf32, #tpu.memory_space<vmem>>, vector<128x48xf32>
    %dot_general3A_15 = arith.constant dense<0.000000e+00> : vector<1024x48xf32>
    %dot_general3A_16 = tpu.matmul %max3A_11, %get3A_14, %dot_general3A_15 {dimension_numbers = #tpu.dot_dimension_numbers<[1], [0], [0], [1], [0, 0, 1, 1], [], []>, transpose_lhs_hint = false} : vector<1024x128xf32>, vector<128x48xf32>, vector<1024x48xf32> -> vector<1024x48xf32>
    %get3A_17 = arith.constant 0 : index
    %get3A_18 = arith.constant 0 : index
    %get3A_19 = vector.load %arg5[%get3A_17, %get3A_18] : memref<1x48xf32, #tpu.memory_space<vmem>>, vector<1x48xf32>
    %add3A_20 = vector.broadcast %get3A_19 : vector<1x48xf32> to vector<1024x48xf32>
    %add3A_21 = arith.addf %dot_general3A_16, %add3A_20 : vector<1024x48xf32>
    %get3A_22 = arith.constant 0 : index
    %get3A_23 = arith.constant 0 : index
    %get3A_24 = vector.load %arg6[%get3A_22, %get3A_23] : memref<1024x8xf32, #tpu.memory_space<vmem>>, vector<1024x8xf32>
    %slice3A = vector.extract_strided_slice %get3A_24 {offsets = [0, 0], sizes = [1024, 1], strides = [1, 1]} : vector<1024x8xf32> to vector<1024x1xf32>
    %gt3A = arith.constant 0.000000e+00 : f32
    %gt3A_25 = vector.broadcast %gt3A : f32 to vector<1024x1xf32>
    %gt3A_26 = arith.cmpf ogt, %slice3A, %gt3A_25 : vector<1024x1xf32>
    %max3A_27 = arith.constant 9.99999996E-13 : f32
    %max3A_28 = vector.broadcast %max3A_27 : f32 to vector<1024x1xf32>
    %max3A_29 = arith.maximumf %slice3A, %max3A_28 : vector<1024x1xf32>
    %rsqrt3A = math.rsqrt %max3A_29 : vector<1024x1xf32>
    %jit3A = arith.constant 0.000000e+00 : f32
    %broadcast_in_dim3A = vector.broadcast %jit3A : f32 to vector<1024x1xf32>
    %select_n3A = arith.select %gt3A_26, %rsqrt3A, %broadcast_in_dim3A : vector<1024x1xi1>, vector<1024x1xf32>
    %broadcast_in_dim3A_30 = arith.constant 1.000000e+00 : f32
    %broadcast_in_dim3A_31 = vector.broadcast %broadcast_in_dim3A_30 : f32 to vector<1x48xf32>
    %mul3A = vector.broadcast %select_n3A : vector<1024x1xf32> to vector<1024x48xf32>
    %mul3A_32 = vector.broadcast %broadcast_in_dim3A_31 : vector<1x48xf32> to vector<1024x48xf32>
    %mul3A_33 = arith.mulf %mul3A, %mul3A_32 : vector<1024x48xf32>
    %swap3A = arith.constant 0 : index
    %swap3A_34 = arith.constant 0 : index
    %swap3A_35 = vector.load %arg7[%swap3A, %swap3A_34] : memref<1024x48xf32, #tpu.memory_space<vmem>>, vector<1024x48xf32>
    tpu.vector_store %arg7[%swap3A, %swap3A_34], %add3A_21 {strides = array<i32>} : memref<1024x48xf32, #tpu.memory_space<vmem>>, vector<1024x48xf32>,
    %swap3A_36 = arith.constant 0 : index
    %swap3A_37 = arith.constant 0 : index
    %swap3A_38 = vector.load %arg8[%swap3A_36, %swap3A_37] : memref<1024x48xf32, #tpu.memory_space<vmem>>, vector<1024x48xf32>
    tpu.vector_store %arg8[%swap3A_36, %swap3A_37], %mul3A_33 {strides = array<i32>} : memref<1024x48xf32, #tpu.memory_space<vmem>>, vector<1024x48xf32>,
    %mul3A_39 = arith.mulf %add3A_21, %mul3A_33 : vector<1024x48xf32>
    %swap3A_40 = arith.constant 0 : index
    %swap3A_41 = arith.constant 0 : index
    %swap3A_42 = vector.load %arg9[%swap3A_40, %swap3A_41] : memref<1024x48xf32, #tpu.memory_space<vmem>>, vector<1024x48xf32>
    tpu.vector_store %arg9[%swap3A_40, %swap3A_41], %mul3A_39 {strides = array<i32>} : memref<1024x48xf32, #tpu.memory_space<vmem>>, vector<1024x48xf32>,
    return
  }
  func.func @transform_0(%arg0: i32) -> (i32, i32) {
    %c0_i32 = arith.constant 0 : i32
    %c0_i32_0 = arith.constant 0 : i32
    return %arg0, %c0_i32 : i32, i32
  }
  func.func @transform_1(%arg0: i32) -> (i32, i32) {
    %c0_i32 = arith.constant 0 : i32
    %c0_i32_0 = arith.constant 0 : i32
    %c0_i32_1 = arith.constant 0 : i32
    return %c0_i32, %c0_i32_0 : i32, i32
  }
  func.func @transform_2(%arg0: i32) -> (i32, i32) {
    %c0_i32 = arith.constant 0 : i32
    %c0_i32_0 = arith.constant 0 : i32
    %c0_i32_1 = arith.constant 0 : i32
    return %c0_i32, %c0_i32_0 : i32, i32
  }
  func.func @transform_3(%arg0: i32) -> (i32, i32) {
    %c0_i32 = arith.constant 0 : i32
    %c0_i32_0 = arith.constant 0 : i32
    %c0_i32_1 = arith.constant 0 : i32
    return %c0_i32, %c0_i32_0 : i32, i32
  }
  func.func @transform_4(%arg0: i32) -> (i32, i32) {
    %c0_i32 = arith.constant 0 : i32
    %c0_i32_0 = arith.constant 0 : i32
    %c0_i32_1 = arith.constant 0 : i32
    return %c0_i32, %c0_i32_0 : i32, i32
  }
  func.func @transform_5(%arg0: i32) -> (i32, i32) {
    %c0_i32 = arith.constant 0 : i32
    %c0_i32_0 = arith.constant 0 : i32
    return %arg0, %c0_i32 : i32, i32
  }
  func.func @transform_6(%arg0: i32) -> (i32, i32) {
    %c0_i32 = arith.constant 0 : i32
    %c0_i32_0 = arith.constant 0 : i32
    return %arg0, %c0_i32 : i32, i32
  }
  func.func @transform_7(%arg0: i32) -> (i32, i32) {
    %c0_i32 = arith.constant 0 : i32
    %c0_i32_0 = arith.constant 0 : i32
    return %arg0, %c0_i32 : i32, i32
  }
  func.func @transform_8(%arg0: i32) -> (i32, i32) {
    %c0_i32 = arith.constant 0 : i32
    %c0_i32_0 = arith.constant 0 : i32
    return %arg0, %c0_i32 : i32, i32
  }
}

module attributes {stable_mosaic.version = 14 : i64} {
  func.func @_round1_body(%arg0: i32, %arg1: memref<1024x48xf32, #tpu.memory_space<vmem>>, %arg2: memref<1024x48xf32, #tpu.memory_space<vmem>>, %arg3: memref<1024x48xf32, #tpu.memory_space<vmem>>, %arg4: memref<2xf32, #tpu.memory_space<smem>>, %arg5: memref<1024x48xf32, #tpu.memory_space<vmem>>, %arg6: memref<1024x48xf32, #tpu.memory_space<vmem>>, %arg7: memref<1024x48xf32, #tpu.memory_space<vmem>>) attributes {dimension_semantics = [#tpu.dimension_semantics<arbitrary>], iteration_bounds = array<i64: 10>, scalar_prefetch = 0 : i64, scratch_operands = 0 : i64, tpu.core_type = #tpu.core_type<tc>, window_params = [{transform_indices = @transform_0, window_bounds = array<i64: 1024, 48>}, {transform_indices = @transform_1, window_bounds = array<i64: 1024, 48>}, {transform_indices = @transform_2, window_bounds = array<i64: 1024, 48>}, {transform_indices = @transform_3, window_bounds = array<i64: 2>}, {transform_indices = @transform_4, window_bounds = array<i64: 1024, 48>}, {transform_indices = @transform_5, window_bounds = array<i64: 1024, 48>}, {transform_indices = @transform_6, window_bounds = array<i64: 1024, 48>}]} {
    %get3A = arith.constant 0 : index
    %get3A_0 = arith.constant 0 : index
    %get3A_1 = vector.load %arg3[%get3A, %get3A_0] : memref<1024x48xf32, #tpu.memory_space<vmem>>, vector<1024x48xf32>
    %neg3A = arith.constant 0.000000e+00 : f32
    %neg3A_2 = vector.broadcast %neg3A : f32 to vector<1024x48xf32>
    %neg3A_3 = arith.subf %neg3A_2, %get3A_1 : vector<1024x48xf32>
    %get3A_4 = arith.constant 0 : index
    %get3A_5 = arith.constant 0 : index
    %get3A_6 = vector.load %arg1[%get3A_4, %get3A_5] : memref<1024x48xf32, #tpu.memory_space<vmem>>, vector<1024x48xf32>
    %mul3A = arith.mulf %neg3A_3, %get3A_6 : vector<1024x48xf32>
    %swap3A = arith.constant 0 : index
    %swap3A_7 = arith.constant 0 : index
    %swap3A_8 = vector.load %arg5[%swap3A, %swap3A_7] : memref<1024x48xf32, #tpu.memory_space<vmem>>, vector<1024x48xf32>
    tpu.vector_store %arg5[%swap3A, %swap3A_7], %mul3A {strides = array<i32>} : memref<1024x48xf32, #tpu.memory_space<vmem>>, vector<1024x48xf32>,
    %get3A_9 = arith.constant 0 : index
    %get3A_10 = memref.load %arg4[%get3A_9] : memref<2xf32, #tpu.memory_space<smem>>
    %get3A_11 = arith.constant 0 : index
    %get3A_12 = arith.constant 0 : index
    %get3A_13 = vector.load %arg2[%get3A_11, %get3A_12] : memref<1024x48xf32, #tpu.memory_space<vmem>>, vector<1024x48xf32>
    %mul3A_14 = vector.broadcast %get3A_10 : f32 to vector<1024x48xf32>
    %mul3A_15 = arith.mulf %mul3A_14, %get3A_13 : vector<1024x48xf32>
    %get3A_16 = arith.constant 1 : index
    %get3A_17 = memref.load %arg4[%get3A_16] : memref<2xf32, #tpu.memory_space<smem>>
    %mul3A_18 = vector.broadcast %get3A_17 : f32 to vector<1024x48xf32>
    %mul3A_19 = arith.mulf %mul3A_18, %mul3A : vector<1024x48xf32>
    %add3A = arith.addf %mul3A_15, %mul3A_19 : vector<1024x48xf32>
    %swap3A_20 = arith.constant 0 : index
    %swap3A_21 = arith.constant 0 : index
    %swap3A_22 = vector.load %arg6[%swap3A_20, %swap3A_21] : memref<1024x48xf32, #tpu.memory_space<vmem>>, vector<1024x48xf32>
    tpu.vector_store %arg6[%swap3A_20, %swap3A_21], %add3A {strides = array<i32>} : memref<1024x48xf32, #tpu.memory_space<vmem>>, vector<1024x48xf32>,
    %get3A_23 = arith.constant 0 : index
    %get3A_24 = arith.constant 0 : index
    %get3A_25 = vector.load %arg3[%get3A_23, %get3A_24] : memref<1024x48xf32, #tpu.memory_space<vmem>>, vector<1024x48xf32>
    %mul3A_26 = arith.mulf %get3A_25, %mul3A : vector<1024x48xf32>
    %swap3A_27 = arith.constant 0 : index
    %swap3A_28 = arith.constant 0 : index
    %swap3A_29 = vector.load %arg7[%swap3A_27, %swap3A_28] : memref<1024x48xf32, #tpu.memory_space<vmem>>, vector<1024x48xf32>
    tpu.vector_store %arg7[%swap3A_27, %swap3A_28], %mul3A_26 {strides = array<i32>} : memref<1024x48xf32, #tpu.memory_space<vmem>>, vector<1024x48xf32>,
    return
  }
  func.func @transform_0(%arg0: i32) -> (i32, i32) {
    %c0_i32 = arith.constant 0 : i32
    %c0_i32_0 = arith.constant 0 : i32
    return %arg0, %c0_i32 : i32, i32
  }
  func.func @transform_1(%arg0: i32) -> (i32, i32) {
    %c0_i32 = arith.constant 0 : i32
    %c0_i32_0 = arith.constant 0 : i32
    return %arg0, %c0_i32 : i32, i32
  }
  func.func @transform_2(%arg0: i32) -> (i32, i32) {
    %c0_i32 = arith.constant 0 : i32
    %c0_i32_0 = arith.constant 0 : i32
    return %arg0, %c0_i32 : i32, i32
  }
  func.func @transform_3(%arg0: i32) -> i32 {
    %c0_i32 = arith.constant 0 : i32
    %c0_i32_0 = arith.constant 0 : i32
    return %c0_i32 : i32
  }
  func.func @transform_4(%arg0: i32) -> (i32, i32) {
    %c0_i32 = arith.constant 0 : i32
    %c0_i32_0 = arith.constant 0 : i32
    return %arg0, %c0_i32 : i32, i32
  }
  func.func @transform_5(%arg0: i32) -> (i32, i32) {
    %c0_i32 = arith.constant 0 : i32
    %c0_i32_0 = arith.constant 0 : i32
    return %arg0, %c0_i32 : i32, i32
  }
  func.func @transform_6(%arg0: i32) -> (i32, i32) {
    %c0_i32 = arith.constant 0 : i32
    %c0_i32_0 = arith.constant 0 : i32
    return %arg0, %c0_i32 : i32, i32
  }
}

module attributes {stable_mosaic.version = 14 : i64} {
  func.func @_roundk_body(%arg0: i32, %arg1: memref<1024x48xf32, #tpu.memory_space<vmem>>, %arg2: memref<1024x48xf32, #tpu.memory_space<vmem>>, %arg3: memref<1024x48xf32, #tpu.memory_space<vmem>>, %arg4: memref<1024x48xf32, #tpu.memory_space<vmem>>, %arg5: memref<1xf32, #tpu.memory_space<smem>>, %arg6: memref<1024x48xf32, #tpu.memory_space<vmem>>, %arg7: memref<1024x48xf32, #tpu.memory_space<vmem>>, %arg8: memref<1024x48xf32, #tpu.memory_space<vmem>>) attributes {dimension_semantics = [#tpu.dimension_semantics<arbitrary>], iteration_bounds = array<i64: 10>, scalar_prefetch = 0 : i64, scratch_operands = 0 : i64, tpu.core_type = #tpu.core_type<tc>, window_params = [{transform_indices = @transform_0, window_bounds = array<i64: 1024, 48>}, {transform_indices = @transform_1, window_bounds = array<i64: 1024, 48>}, {transform_indices = @transform_2, window_bounds = array<i64: 1024, 48>}, {transform_indices = @transform_3, window_bounds = array<i64: 1024, 48>}, {transform_indices = @transform_4, window_bounds = array<i64: 1>}, {transform_indices = @transform_5, window_bounds = array<i64: 1024, 48>}, {transform_indices = @transform_6, window_bounds = array<i64: 1024, 48>}, {transform_indices = @transform_7, window_bounds = array<i64: 1024, 48>}]} {
    %get3A = arith.constant 0 : index
    %get3A_0 = arith.constant 0 : index
    %get3A_1 = vector.load %arg4[%get3A, %get3A_0] : memref<1024x48xf32, #tpu.memory_space<vmem>>, vector<1024x48xf32>
    %mul3A = arith.constant -2.000000e+00 : f32
    %mul3A_2 = vector.broadcast %mul3A : f32 to vector<1024x48xf32>
    %mul3A_3 = arith.mulf %mul3A_2, %get3A_1 : vector<1024x48xf32>
    %get3A_4 = arith.constant 0 : index
    %get3A_5 = arith.constant 0 : index
    %get3A_6 = vector.load %arg1[%get3A_4, %get3A_5] : memref<1024x48xf32, #tpu.memory_space<vmem>>, vector<1024x48xf32>
    %mul3A_7 = arith.mulf %mul3A_3, %get3A_6 : vector<1024x48xf32>
    %get3A_8 = arith.constant 0 : index
    %get3A_9 = arith.constant 0 : index
    %get3A_10 = vector.load %arg2[%get3A_8, %get3A_9] : memref<1024x48xf32, #tpu.memory_space<vmem>>, vector<1024x48xf32>
    %sub3A = arith.subf %mul3A_7, %get3A_10 : vector<1024x48xf32>
    %swap3A = arith.constant 0 : index
    %swap3A_11 = arith.constant 0 : index
    %swap3A_12 = vector.load %arg6[%swap3A, %swap3A_11] : memref<1024x48xf32, #tpu.memory_space<vmem>>, vector<1024x48xf32>
    tpu.vector_store %arg6[%swap3A, %swap3A_11], %sub3A {strides = array<i32>} : memref<1024x48xf32, #tpu.memory_space<vmem>>, vector<1024x48xf32>,
    %get3A_13 = arith.constant 0 : index
    %get3A_14 = arith.constant 0 : index
    %get3A_15 = vector.load %arg3[%get3A_13, %get3A_14] : memref<1024x48xf32, #tpu.memory_space<vmem>>, vector<1024x48xf32>
    %get3A_16 = arith.constant 0 : index
    %get3A_17 = memref.load %arg5[%get3A_16] : memref<1xf32, #tpu.memory_space<smem>>
    %mul3A_18 = vector.broadcast %get3A_17 : f32 to vector<1024x48xf32>
    %mul3A_19 = arith.mulf %mul3A_18, %sub3A : vector<1024x48xf32>
    %add3A = arith.addf %get3A_15, %mul3A_19 : vector<1024x48xf32>
    %swap3A_20 = arith.constant 0 : index
    %swap3A_21 = arith.constant 0 : index
    %swap3A_22 = vector.load %arg7[%swap3A_20, %swap3A_21] : memref<1024x48xf32, #tpu.memory_space<vmem>>, vector<1024x48xf32>
    tpu.vector_store %arg7[%swap3A_20, %swap3A_21], %add3A {strides = array<i32>} : memref<1024x48xf32, #tpu.memory_space<vmem>>, vector<1024x48xf32>,
    %get3A_23 = arith.constant 0 : index
    %get3A_24 = arith.constant 0 : index
    %get3A_25 = vector.load %arg4[%get3A_23, %get3A_24] : memref<1024x48xf32, #tpu.memory_space<vmem>>, vector<1024x48xf32>
    %mul3A_26 = arith.mulf %get3A_25, %sub3A : vector<1024x48xf32>
    %swap3A_27 = arith.constant 0 : index
    %swap3A_28 = arith.constant 0 : index
    %swap3A_29 = vector.load %arg8[%swap3A_27, %swap3A_28] : memref<1024x48xf32, #tpu.memory_space<vmem>>, vector<1024x48xf32>
    tpu.vector_store %arg8[%swap3A_27, %swap3A_28], %mul3A_26 {strides = array<i32>} : memref<1024x48xf32, #tpu.memory_space<vmem>>, vector<1024x48xf32>,
    return
  }
  func.func @transform_0(%arg0: i32) -> (i32, i32) {
    %c0_i32 = arith.constant 0 : i32
    %c0_i32_0 = arith.constant 0 : i32
    return %arg0, %c0_i32 : i32, i32
  }
  func.func @transform_1(%arg0: i32) -> (i32, i32) {
    %c0_i32 = arith.constant 0 : i32
    %c0_i32_0 = arith.constant 0 : i32
    return %arg0, %c0_i32 : i32, i32
  }
  func.func @transform_2(%arg0: i32) -> (i32, i32) {
    %c0_i32 = arith.constant 0 : i32
    %c0_i32_0 = arith.constant 0 : i32
    return %arg0, %c0_i32 : i32, i32
  }
  func.func @transform_3(%arg0: i32) -> (i32, i32) {
    %c0_i32 = arith.constant 0 : i32
    %c0_i32_0 = arith.constant 0 : i32
    return %arg0, %c0_i32 : i32, i32
  }
  func.func @transform_4(%arg0: i32) -> i32 {
    %c0_i32 = arith.constant 0 : i32
    %c0_i32_0 = arith.constant 0 : i32
    return %c0_i32 : i32
  }
  func.func @transform_5(%arg0: i32) -> (i32, i32) {
    %c0_i32 = arith.constant 0 : i32
    %c0_i32_0 = arith.constant 0 : i32
    return %arg0, %c0_i32 : i32, i32
  }
  func.func @transform_6(%arg0: i32) -> (i32, i32) {
    %c0_i32 = arith.constant 0 : i32
    %c0_i32_0 = arith.constant 0 : i32
    return %arg0, %c0_i32 : i32, i32
  }
  func.func @transform_7(%arg0: i32) -> (i32, i32) {
    %c0_i32 = arith.constant 0 : i32
    %c0_i32_0 = arith.constant 0 : i32
    return %arg0, %c0_i32 : i32, i32
  }
}

module attributes {stable_mosaic.version = 14 : i64} {
  func.func @_roundk_body(%arg0: i32, %arg1: memref<1024x48xf32, #tpu.memory_space<vmem>>, %arg2: memref<1024x48xf32, #tpu.memory_space<vmem>>, %arg3: memref<1024x48xf32, #tpu.memory_space<vmem>>, %arg4: memref<1024x48xf32, #tpu.memory_space<vmem>>, %arg5: memref<1xf32, #tpu.memory_space<smem>>, %arg6: memref<1024x48xf32, #tpu.memory_space<vmem>>, %arg7: memref<1024x48xf32, #tpu.memory_space<vmem>>, %arg8: memref<1024x48xf32, #tpu.memory_space<vmem>>) attributes {dimension_semantics = [#tpu.dimension_semantics<arbitrary>], iteration_bounds = array<i64: 10>, scalar_prefetch = 0 : i64, scratch_operands = 0 : i64, tpu.core_type = #tpu.core_type<tc>, window_params = [{transform_indices = @transform_0, window_bounds = array<i64: 1024, 48>}, {transform_indices = @transform_1, window_bounds = array<i64: 1024, 48>}, {transform_indices = @transform_2, window_bounds = array<i64: 1024, 48>}, {transform_indices = @transform_3, window_bounds = array<i64: 1024, 48>}, {transform_indices = @transform_4, window_bounds = array<i64: 1>}, {transform_indices = @transform_5, window_bounds = array<i64: 1024, 48>}, {transform_indices = @transform_6, window_bounds = array<i64: 1024, 48>}, {transform_indices = @transform_7, window_bounds = array<i64: 1024, 48>}]} {
    %get3A = arith.constant 0 : index
    %get3A_0 = arith.constant 0 : index
    %get3A_1 = vector.load %arg4[%get3A, %get3A_0] : memref<1024x48xf32, #tpu.memory_space<vmem>>, vector<1024x48xf32>
    %mul3A = arith.constant -2.000000e+00 : f32
    %mul3A_2 = vector.broadcast %mul3A : f32 to vector<1024x48xf32>
    %mul3A_3 = arith.mulf %mul3A_2, %get3A_1 : vector<1024x48xf32>
    %get3A_4 = arith.constant 0 : index
    %get3A_5 = arith.constant 0 : index
    %get3A_6 = vector.load %arg1[%get3A_4, %get3A_5] : memref<1024x48xf32, #tpu.memory_space<vmem>>, vector<1024x48xf32>
    %mul3A_7 = arith.mulf %mul3A_3, %get3A_6 : vector<1024x48xf32>
    %get3A_8 = arith.constant 0 : index
    %get3A_9 = arith.constant 0 : index
    %get3A_10 = vector.load %arg2[%get3A_8, %get3A_9] : memref<1024x48xf32, #tpu.memory_space<vmem>>, vector<1024x48xf32>
    %sub3A = arith.subf %mul3A_7, %get3A_10 : vector<1024x48xf32>
    %swap3A = arith.constant 0 : index
    %swap3A_11 = arith.constant 0 : index
    %swap3A_12 = vector.load %arg6[%swap3A, %swap3A_11] : memref<1024x48xf32, #tpu.memory_space<vmem>>, vector<1024x48xf32>
    tpu.vector_store %arg6[%swap3A, %swap3A_11], %sub3A {strides = array<i32>} : memref<1024x48xf32, #tpu.memory_space<vmem>>, vector<1024x48xf32>,
    %get3A_13 = arith.constant 0 : index
    %get3A_14 = arith.constant 0 : index
    %get3A_15 = vector.load %arg3[%get3A_13, %get3A_14] : memref<1024x48xf32, #tpu.memory_space<vmem>>, vector<1024x48xf32>
    %get3A_16 = arith.constant 0 : index
    %get3A_17 = memref.load %arg5[%get3A_16] : memref<1xf32, #tpu.memory_space<smem>>
    %mul3A_18 = vector.broadcast %get3A_17 : f32 to vector<1024x48xf32>
    %mul3A_19 = arith.mulf %mul3A_18, %sub3A : vector<1024x48xf32>
    %add3A = arith.addf %get3A_15, %mul3A_19 : vector<1024x48xf32>
    %swap3A_20 = arith.constant 0 : index
    %swap3A_21 = arith.constant 0 : index
    %swap3A_22 = vector.load %arg7[%swap3A_20, %swap3A_21] : memref<1024x48xf32, #tpu.memory_space<vmem>>, vector<1024x48xf32>
    tpu.vector_store %arg7[%swap3A_20, %swap3A_21], %add3A {strides = array<i32>} : memref<1024x48xf32, #tpu.memory_space<vmem>>, vector<1024x48xf32>,
    %get3A_23 = arith.constant 0 : index
    %get3A_24 = arith.constant 0 : index
    %get3A_25 = vector.load %arg4[%get3A_23, %get3A_24] : memref<1024x48xf32, #tpu.memory_space<vmem>>, vector<1024x48xf32>
    %mul3A_26 = arith.mulf %get3A_25, %sub3A : vector<1024x48xf32>
    %swap3A_27 = arith.constant 0 : index
    %swap3A_28 = arith.constant 0 : index
    %swap3A_29 = vector.load %arg8[%swap3A_27, %swap3A_28] : memref<1024x48xf32, #tpu.memory_space<vmem>>, vector<1024x48xf32>
    tpu.vector_store %arg8[%swap3A_27, %swap3A_28], %mul3A_26 {strides = array<i32>} : memref<1024x48xf32, #tpu.memory_space<vmem>>, vector<1024x48xf32>,
    return
  }
  func.func @transform_0(%arg0: i32) -> (i32, i32) {
    %c0_i32 = arith.constant 0 : i32
    %c0_i32_0 = arith.constant 0 : i32
    return %arg0, %c0_i32 : i32, i32
  }
  func.func @transform_1(%arg0: i32) -> (i32, i32) {
    %c0_i32 = arith.constant 0 : i32
    %c0_i32_0 = arith.constant 0 : i32
    return %arg0, %c0_i32 : i32, i32
  }
  func.func @transform_2(%arg0: i32) -> (i32, i32) {
    %c0_i32 = arith.constant 0 : i32
    %c0_i32_0 = arith.constant 0 : i32
    return %arg0, %c0_i32 : i32, i32
  }
  func.func @transform_3(%arg0: i32) -> (i32, i32) {
    %c0_i32 = arith.constant 0 : i32
    %c0_i32_0 = arith.constant 0 : i32
    return %arg0, %c0_i32 : i32, i32
  }
  func.func @transform_4(%arg0: i32) -> i32 {
    %c0_i32 = arith.constant 0 : i32
    %c0_i32_0 = arith.constant 0 : i32
    return %c0_i32 : i32
  }
  func.func @transform_5(%arg0: i32) -> (i32, i32) {
    %c0_i32 = arith.constant 0 : i32
    %c0_i32_0 = arith.constant 0 : i32
    return %arg0, %c0_i32 : i32, i32
  }
  func.func @transform_6(%arg0: i32) -> (i32, i32) {
    %c0_i32 = arith.constant 0 : i32
    %c0_i32_0 = arith.constant 0 : i32
    return %arg0, %c0_i32 : i32, i32
  }
  func.func @transform_7(%arg0: i32) -> (i32, i32) {
    %c0_i32 = arith.constant 0 : i32
    %c0_i32_0 = arith.constant 0 : i32
    return %arg0, %c0_i32 : i32, i32
  }
}

module attributes {stable_mosaic.version = 14 : i64} {
  func.func @_roundk_body(%arg0: i32, %arg1: memref<1024x48xf32, #tpu.memory_space<vmem>>, %arg2: memref<1024x48xf32, #tpu.memory_space<vmem>>, %arg3: memref<1024x48xf32, #tpu.memory_space<vmem>>, %arg4: memref<1024x48xf32, #tpu.memory_space<vmem>>, %arg5: memref<1xf32, #tpu.memory_space<smem>>, %arg6: memref<1024x48xf32, #tpu.memory_space<vmem>>, %arg7: memref<1024x48xf32, #tpu.memory_space<vmem>>, %arg8: memref<1024x48xf32, #tpu.memory_space<vmem>>) attributes {dimension_semantics = [#tpu.dimension_semantics<arbitrary>], iteration_bounds = array<i64: 10>, scalar_prefetch = 0 : i64, scratch_operands = 0 : i64, tpu.core_type = #tpu.core_type<tc>, window_params = [{transform_indices = @transform_0, window_bounds = array<i64: 1024, 48>}, {transform_indices = @transform_1, window_bounds = array<i64: 1024, 48>}, {transform_indices = @transform_2, window_bounds = array<i64: 1024, 48>}, {transform_indices = @transform_3, window_bounds = array<i64: 1024, 48>}, {transform_indices = @transform_4, window_bounds = array<i64: 1>}, {transform_indices = @transform_5, window_bounds = array<i64: 1024, 48>}, {transform_indices = @transform_6, window_bounds = array<i64: 1024, 48>}, {transform_indices = @transform_7, window_bounds = array<i64: 1024, 48>}]} {
    %get3A = arith.constant 0 : index
    %get3A_0 = arith.constant 0 : index
    %get3A_1 = vector.load %arg4[%get3A, %get3A_0] : memref<1024x48xf32, #tpu.memory_space<vmem>>, vector<1024x48xf32>
    %mul3A = arith.constant -2.000000e+00 : f32
    %mul3A_2 = vector.broadcast %mul3A : f32 to vector<1024x48xf32>
    %mul3A_3 = arith.mulf %mul3A_2, %get3A_1 : vector<1024x48xf32>
    %get3A_4 = arith.constant 0 : index
    %get3A_5 = arith.constant 0 : index
    %get3A_6 = vector.load %arg1[%get3A_4, %get3A_5] : memref<1024x48xf32, #tpu.memory_space<vmem>>, vector<1024x48xf32>
    %mul3A_7 = arith.mulf %mul3A_3, %get3A_6 : vector<1024x48xf32>
    %get3A_8 = arith.constant 0 : index
    %get3A_9 = arith.constant 0 : index
    %get3A_10 = vector.load %arg2[%get3A_8, %get3A_9] : memref<1024x48xf32, #tpu.memory_space<vmem>>, vector<1024x48xf32>
    %sub3A = arith.subf %mul3A_7, %get3A_10 : vector<1024x48xf32>
    %swap3A = arith.constant 0 : index
    %swap3A_11 = arith.constant 0 : index
    %swap3A_12 = vector.load %arg6[%swap3A, %swap3A_11] : memref<1024x48xf32, #tpu.memory_space<vmem>>, vector<1024x48xf32>
    tpu.vector_store %arg6[%swap3A, %swap3A_11], %sub3A {strides = array<i32>} : memref<1024x48xf32, #tpu.memory_space<vmem>>, vector<1024x48xf32>,
    %get3A_13 = arith.constant 0 : index
    %get3A_14 = arith.constant 0 : index
    %get3A_15 = vector.load %arg3[%get3A_13, %get3A_14] : memref<1024x48xf32, #tpu.memory_space<vmem>>, vector<1024x48xf32>
    %get3A_16 = arith.constant 0 : index
    %get3A_17 = memref.load %arg5[%get3A_16] : memref<1xf32, #tpu.memory_space<smem>>
    %mul3A_18 = vector.broadcast %get3A_17 : f32 to vector<1024x48xf32>
    %mul3A_19 = arith.mulf %mul3A_18, %sub3A : vector<1024x48xf32>
    %add3A = arith.addf %get3A_15, %mul3A_19 : vector<1024x48xf32>
    %swap3A_20 = arith.constant 0 : index
    %swap3A_21 = arith.constant 0 : index
    %swap3A_22 = vector.load %arg7[%swap3A_20, %swap3A_21] : memref<1024x48xf32, #tpu.memory_space<vmem>>, vector<1024x48xf32>
    tpu.vector_store %arg7[%swap3A_20, %swap3A_21], %add3A {strides = array<i32>} : memref<1024x48xf32, #tpu.memory_space<vmem>>, vector<1024x48xf32>,
    %get3A_23 = arith.constant 0 : index
    %get3A_24 = arith.constant 0 : index
    %get3A_25 = vector.load %arg4[%get3A_23, %get3A_24] : memref<1024x48xf32, #tpu.memory_space<vmem>>, vector<1024x48xf32>
    %mul3A_26 = arith.mulf %get3A_25, %sub3A : vector<1024x48xf32>
    %swap3A_27 = arith.constant 0 : index
    %swap3A_28 = arith.constant 0 : index
    %swap3A_29 = vector.load %arg8[%swap3A_27, %swap3A_28] : memref<1024x48xf32, #tpu.memory_space<vmem>>, vector<1024x48xf32>
    tpu.vector_store %arg8[%swap3A_27, %swap3A_28], %mul3A_26 {strides = array<i32>} : memref<1024x48xf32, #tpu.memory_space<vmem>>, vector<1024x48xf32>,
    return
  }
  func.func @transform_0(%arg0: i32) -> (i32, i32) {
    %c0_i32 = arith.constant 0 : i32
    %c0_i32_0 = arith.constant 0 : i32
    return %arg0, %c0_i32 : i32, i32
  }
  func.func @transform_1(%arg0: i32) -> (i32, i32) {
    %c0_i32 = arith.constant 0 : i32
    %c0_i32_0 = arith.constant 0 : i32
    return %arg0, %c0_i32 : i32, i32
  }
  func.func @transform_2(%arg0: i32) -> (i32, i32) {
    %c0_i32 = arith.constant 0 : i32
    %c0_i32_0 = arith.constant 0 : i32
    return %arg0, %c0_i32 : i32, i32
  }
  func.func @transform_3(%arg0: i32) -> (i32, i32) {
    %c0_i32 = arith.constant 0 : i32
    %c0_i32_0 = arith.constant 0 : i32
    return %arg0, %c0_i32 : i32, i32
  }
  func.func @transform_4(%arg0: i32) -> i32 {
    %c0_i32 = arith.constant 0 : i32
    %c0_i32_0 = arith.constant 0 : i32
    return %c0_i32 : i32
  }
  func.func @transform_5(%arg0: i32) -> (i32, i32) {
    %c0_i32 = arith.constant 0 : i32
    %c0_i32_0 = arith.constant 0 : i32
    return %arg0, %c0_i32 : i32, i32
  }
  func.func @transform_6(%arg0: i32) -> (i32, i32) {
    %c0_i32 = arith.constant 0 : i32
    %c0_i32_0 = arith.constant 0 : i32
    return %arg0, %c0_i32 : i32, i32
  }
  func.func @transform_7(%arg0: i32) -> (i32, i32) {
    %c0_i32 = arith.constant 0 : i32
    %c0_i32_0 = arith.constant 0 : i32
    return %arg0, %c0_i32 : i32, i32
  }
}

</mosaic_0001>

<sc_bundles>
// kernel: kernel.24.cloned.1.call-start
scs
__scs_entry_jumppad:
0x0: {  	(pc) =	sbr.rel $0x88, $3  }
0x1: {  	(tag) =	ssettag $0x0;
	lr =	simm.s32 $0x1  }
0x2: {  	[smem:$0x3F9A] =	sst lr;
	_ =	strace $0xD0000000  }
0x3: {  	_ = 	snop  }
0x4: {  	_ = 	snop  }
0x5: {  	_ = 	snop  }
0x6: {  	_ = 	snop  }
0x7: {  	_ = 	snop  }
__scs_overlays_trampoline_lowered:
0x8: {  	[smem:$0x3FA9] =	sst s0  }
0x9: {  	[smem:$0x3FAA] =	sst s1  }
0xa: {  	[smem:$0x3FAB] =	sst s2  }
0xb: {  	[smem:$0x3FAC] =	sst s3  }
0xc: {  	[smem:$0x3FAD] =	sst s4  }
0xd: {  	[smem:$0x3FAE] =	sst s5  }
0xe: {  	[smem:$0x3FAF] =	sst s6  }
0xf: {  	[smem:$0x3FB0] =	sst s7  }
0x10: {  	[smem:$0x3FB1] =	sst s8  }
0x11: {  	[smem:$0x3FB2] =	sst s9;
	s0 =	simm.s32 @!p0 $0x0  }
0x12: {  	s1 =	sld [smem:$0x3F98];
	s0 =	simm.s32 @p0 $0x1  }
0x13: {  	[smem:$0x3FB3] =	sst s0;
	s0 =	simm.s32 @!p1 $0x0  }
0x14: {  	s2 =	sld [smem:$0x3F97];
	s0 =	simm.s32 @p1 $0x1  }
0x15: {  	[smem:$0x3FB4] =	sst s0;
	s0 =	simm.s32 @!p2 $0x0  }
0x16: {  	s3 =	sld [smem:$0x3FDB];
	s0 =	simm.s32 @p2 $0x1  }
0x17: {  	s4 =	simm.s32 $0x1BF5;
	[smem:$0x3FB6] =	sst s0  }
0x18: {  	s0 =	sld [smem:$0x3F99];
	_ =	swait.ge [sflag:s4], $0x0  }
0x19: {  	s7 =	sld [smem:$0x3F9A]  }
0x1a: {  	s8 =	sadd.s32 $0xFFFFE003, lr  }
0x1b: {  	s9 =	sadd.s32 $0xFFFFFEF7, lr;
	s5 =	simm.s32 $0xFFFFFFFF;
	p2 =	slt.u32 s8, $0xFFFFF086  }
0x1c: {  	p1 =	slt.u32 s9, $0xF7A;
	s5 =	simm.s32 @!p2 $0x0  }
0x1d: {  	s5 =	simm.s32 @p1 $0x1;
	p0 =	seq.s32 s7, s2  }
0x1e: {  	s7 =	smul.u32 @!p0 $0xF7A, s2;
	p2 =	seq.s32 @!p0 s5, $0x0  }
0x1f: {  	s9 =	smul.u32 $0xF7A, s1;
	s8 =	simm.s32 @!p0 $0x1BF5;
	p2 =	por !p2, p0  }
0x20: {  	[sflag:s8] =	ssyncset.s32 @!p0 $0xFFFFF086;
	s6 =	sadd.s32 @!p0 s3, s7;
	s7 =	simm.s32 @!p0 $0x108  }
0x21: {  	s3 =	sadd.s32 s3, s9;
	s6 =	sadd.s32 @!p0 $0x88, s6;
	s7 =	simm.s32 @p2 $0x1082  }
0x22: {  	[simem:s7], [sflag:s8] =	dma.local @!p0 [hbm:s6], $0xF7A  }
0x23: {  	s9 =	sor.u32 $0xD0000000, s2;
	s6 =	simm.s32 $0x108;
	_ =	swait.ge @!p0 [sflag:s8], $0x0  }
0x24: {  	s3 =	sadd.s32 $0x88, s3;
	s6 =	simm.s32 @!p1 $0x1082;
	[sflag:s4] =	ssyncset.s32 $0xFFFFF086  }
0x25: {  	[simem:s6], [sflag:s4] =	dma.local [hbm:s3], $0xF7A  }
0x26: {  	[smem:$0x3F9A] =	sst s1;
	(tag) =	ssettag s2;
	_ =	strace s9  }
0x27: {  	s1 =	sld [smem:$0x3FAA]  }
0x28: {  	s2 =	sld [smem:$0x3FAB]  }
0x29: {  	s4 =	sld [smem:$0x3FAD]  }
0x2a: {  	p0 =	seq.s32 s5, $0x0;
	s5 =	sld [smem:$0x3FAE]  }
0x2b: {  	s6 =	sld [smem:$0x3FAF]  }
0x2c: {  	s7 =	sld [smem:$0x3FB0]  }
0x2d: {  	s3 =	simm.s32 $0x108;
	s8 =	sld [smem:$0x3FB1]  }
0x2e: {  	s3 =	simm.s32 @!p0 $0x1082;
	s9 =	sld [smem:$0x3FB2]  }
0x2f: {  	lr =	sadd.s32 s0, s3;
	s0 =	sld [smem:$0x3FA9]  }
0x30: {  	s3 =	sld [smem:$0x3FAC]  }
0x31: {  	[smem:$0x3FB5] =	sst s10  }
0x32: {  	s10 =	sld [smem:$0x3FB3];
	_ =	sdelay $0x3  }
0x33: {  	p0 =	seq.s32 s10, $0x1;
	s10 =	sld [smem:$0x3FB5];
	_ =	sdelay $0x3  }
0x34: {  	[smem:$0x3FB5] =	sst s10  }
0x35: {  	s10 =	sld [smem:$0x3FB4];
	_ =	sdelay $0x3  }
0x36: {  	p1 =	seq.s32 s10, $0x1;
	s10 =	sld [smem:$0x3FB5];
	_ =	sdelay $0x3  }
0x37: {  	[smem:$0x3FB5] =	sst s10  }
0x38: {  	s10 =	sld [smem:$0x3FB6]  }
0x39: {  	_ = 	snop;
	(pc) =	sbr.ind lr, $3  }
0x3a: {  	_ = 	snop  }
0x3b: {  	_ = 	snop  }
0x3c: {  	p2 =	seq.s32 s10, $0x1;
	s10 =	sld [smem:$0x3FB5]  }
0x3d: {  	_ =	shalt  }
0x3e: {  	_ =	shalt  }
0x3f: {  	_ =	shalt  }
0x40: {  	_ =	shalt  }
0x41: {  	_ =	shalt  }
0x42: {  	_ =	shalt  }
0x43: {  	_ =	shalt  }
0x44: {  	_ =	shalt  }
0x45: {  	_ =	shalt  }
0x46: {  	_ =	shalt  }
0x47: {  	_ =	shalt  }
0x48: {  	_ =	shalt  }
0x49: {  	_ =	shalt  }
0x4a: {  	_ =	shalt  }
0x4b: {  	_ =	shalt  }
0x4c: {  	_ =	shalt  }
0x4d: {  	_ =	shalt  }
0x4e: {  	_ =	shalt  }
0x4f: {  	_ =	shalt  }
0x50: {  	_ =	shalt  }
0x51: {  	_ =	shalt  }
0x52: {  	_ =	shalt  }
0x53: {  	_ =	shalt  }
0x54: {  	_ =	shalt  }
0x55: {  	_ =	shalt  }
0x56: {  	_ =	shalt  }
0x57: {  	_ =	shalt  }
0x58: {  	_ =	shalt  }
0x59: {  	_ =	shalt  }
0x5a: {  	_ =	shalt  }
0x5b: {  	_ =	shalt  }
0x5c: {  	_ =	shalt  }
0x5d: {  	_ =	shalt  }
0x5e: {  	_ =	shalt  }
0x5f: {  	_ =	shalt  }
0x60: {  	_ =	shalt  }
0x61: {  	_ =	shalt  }
0x62: {  	_ =	shalt  }
0x63: {  	_ =	shalt  }
0x64: {  	_ =	shalt  }
0x65: {  	_ =	shalt  }
0x66: {  	_ =	shalt  }
0x67: {  	_ =	shalt  }
0x68: {  	_ =	shalt  }
0x69: {  	_ =	shalt  }
0x6a: {  	_ =	shalt  }
0x6b: {  	_ =	shalt  }
0x6c: {  	_ =	shalt  }
0x6d: {  	_ =	shalt  }
0x6e: {  	_ =	shalt  }
0x6f: {  	_ =	shalt  }
0x70: {  	_ =	shalt  }
0x71: {  	_ =	shalt  }
0x72: {  	_ =	shalt  }
0x73: {  	_ =	shalt  }
0x74: {  	_ =	shalt  }
0x75: {  	_ =	shalt  }
0x76: {  	_ =	shalt  }
0x77: {  	_ =	shalt  }
0x78: {  	_ =	shalt  }
0x79: {  	_ =	shalt  }
0x7a: {  	_ =	shalt  }
0x7b: {  	_ =	shalt  }
0x7c: {  	_ =	shalt  }
0x7d: {  	_ =	shalt  }
0x7e: {  	_ =	shalt  }
0x7f: {  	_ =	shalt  }
0x80: {  	_ =	shalt  }
0x81: {  	_ =	shalt  }
0x82: {  	_ =	shalt  }
0x83: {  	_ =	shalt  }
0x84: {  	_ =	shalt  }
0x85: {  	_ =	shalt  }
0x86: {  	_ =	shalt  }
0x87: {  	_ =	shalt  }
.Lfunc_end0:
.L_simem_size_0:
called_computation_lowered:
.L_overlay_start_0:
0x88: {  	s2 =	sld [smem:$0x3FD9]  }
0x89: {  	s3 =	sld [smem:$0x3FFE];
	_ =	sdelay $0x1  }
0x8a: {  	s1 =	srdreg.scid  }
0x8b: {  	s0 =	sand.u32 $0x1, s1  }
0x8c: {  	s16 =	sshll.u32 s0, $0xA;
	s2 =	sadd.s32 s3, s2  }
0x8d: {  	s2 =	sadd.s32 s2, s16  }
0x8e: {  	[smem:$0x3FC1] =	sst s2  }
0x8f: {  	_ = 	snop  }
0x90: {  	(tm) =	ssettm $0x1  }
0x91: {  	s17 =	sld [smem:$0x3FFB];
	_ =	sdelay $0x3  }
0x92: {  	_ =	strace s17  }
0x93: {  	s2 =	sld [smem:$0x3FFC];
	_ =	sdelay $0x3  }
0x94: {  	_ =	strace s2  }
0x95: {  	s2 =	sld [smem:$0x3FFD];
	_ =	sdelay $0x3  }
0x96: {  	_ =	strace s2  }
0x97: {  	_ =	strace $0x8FFFFFFF  }
0x98: {  	s18 =	sld [smem:$0x3FDB];
	_ =	sdelay $0x1  }
0x99: {  	s19 =	simm.s32 $_scs_section_size  }
0x9a: {  	s4 =	simm.s32 $_size__tile_overlayer_lowered;
	s5 =	simm.s32 $_tile_overlayer_lowered  }
0x9b: {  	s22 =	simm.s32 $0x1BFF;
	s21 =	sshll.u32 s5, $0x1;
	s2 =	sadd.s32 s19, s18  }
0x9c: {  	s6 =	simm.s32 $0x0;
	s20 =	sshll.u32 s4, $0x1;
	s4 =	sadd.s32 s21, s2  }
0x9d: {  	[timem:s6], [sflag:s22] =	dma.local [hbm:s4], s20  }
0x9e: {  	_ =	swait.ge [sflag:s22], s20  }
0x9f: {  	s3 =	ssub.s32 $0x0, s20;
	[sflag:s22] =	ssyncset.done $0x0  }
0xa0: {  	[sflag:s22] =	ssyncadd.s32 s3;
	_ =	sdelay $0x1  }
0xa1: {  	s23 =	simm.s32 $0x1B8B  }
0xa2: {  	_ =	swait.ge [sflag:s23], $0x1  }
0xa3: {  	[sflag:s23] =	ssyncset.done $0x0  }
0xa4: {  	s25 =	simm.s32 $0x1B8E;
	s24 =	sld [smem:$0x3FFE];
	[sflag:s23] =	ssyncadd.s32 $0xFFFFFFFF  }
0xa5: {  	s26 =	simm.s32 $execute0_lowered;
	[smem:$0x3FD2] =	sst s25  }
0xa6: {  	s4 =	sshll.u32 s26, $0x1;
	_ =	strace $0x80000046;
	[dreg:$0x1] =	wrdreg $0xFFFFFFFF  }
0xa7: {  	s28 =	simm.s32 $_size_execute0_lowered;
	s2 =	sadd.s32 s2, s4;
	[dreg:$0x0] =	wrdreg $0x0  }
0xa8: {  	s4 =	sshll.u32 s28, $0x1;
	[dreg:$0x2] =	wrdreg s2  }
0xa9: {  	[dreg:$0x3] =	wrdreg s4  }
0xaa: {  	[dreg:$0x4] =	wrdreg $0xC0  }
0xab: {  	_ =	task [dreg:s6], $0x5FFFF  }
0xac: {  	[dreg:$0x1] =	wrdreg $0xFFFFFFFF  }
0xad: {  	[dreg:$0x0] =	wrdreg $0x60  }
0xae: {  	[dreg:$0x2] =	wrdreg s24  }
0xaf: {  	[dreg:$0x3] =	wrdreg $0x56800  }
0xb0: {  	[dreg:$0x4] =	wrdreg $0x9  }
0xb1: {  	_ =	task.clear_ibuf [dreg:s6], $0x5FFFF;
	_ =	strace $0x90000046  }
0xb2: {  	s29 =	simm.s32 $0x9;
	_ =	strace $0x80000048  }
0xb3: {  	_ =	swait.ge [sflag:s29], $0x1  }
0xb4: {  	[sflag:s29] =	ssyncadd.s32 $0xFFFFFFFF  }
0xb5: {  	_ =	strace $0x90000048  }
0xb6: {  	_ =	sfence  }
0xb7: {  	s30 =	sld [smem:$0x0];
	_ =	sdelay $0x2  }
0xb8: {  	s31 =	sshll.u32 s1, $0xD;
	s1 =	sshrl.u32 s1, $0x2  }
0xb9: {  	s3 =	sand.u32 $0x4000, s31;
	s1 =	sadd.s32 s1, s30  }
0xba: {  	s0 =	sor.u32 s3, s0;
	s1 =	sshll.u32 s1, $0x11  }
0xbb: {  	s0 =	sor.u32 s1, s0  }
0xbc: {  	s0 =	sadd.s32 $0x8F2B, s0  }
0xbd: {  	[sflag:s0] =	ssyncadd.remote.s32 $0x1  }
0xbe: {  	_ =	sfence.sel $0xFFFF  }
0xbf: {  	[dreg:$0x0] =	wrdreg $0xFFFFFFFF;
	(pc) =	sbr.abs _section_cstart, $3  }
0xc0: {  	[dreg:$0x1] =	wrdreg $0xFFFFFFFF  }
0xc1: {  	_ =	task.clear_ibuf [dreg:s6], $0x2FFFF;
	_ =	strace $0x9FFFFFFF  }
0xc2: {  	(tm) =	ssettm $0x7FFFFFFF  }
0xc3: {  	_ =	shalt  }
tec
execute0_lowered:
.L_overlay_start_1:
0x0: {  	(tag) =	ssettag $0x1  }
0x1: {  	s1 =	srdreg.scid  }
0x2: {  	s1 =	sand.u32 $0x1, s1  }
0x3: {  	p0 =	seq.s32 s1, $0x1  }
.Ltmp0:
0x4: {  	_ = 	snop;
	(pc) =	sbr.rel @p0 .LBB2_4-.Ltmp0, $4  }
0x5: {  	s4 =	rddreg [dreg:$0x0]  }
0x6: {  	s2 =	rddreg [dreg:$0x1];
	s6 =	simm.s32 $0x0  }
0x7: {  	[smem:$0x7FF] =	sst s6  }
0x8: {  	s0 =	rddreg [dreg:$0x2];
	_ =	strace $0x80000047;
	s1 =	stileid.u32  }
0x9: {  	s3 =	smul.u32 $0x9D0, s1  }
0xa: {  	s5 =	sadd.s32 $0x7600, s4  }
0xb: {  	s3 =	sadd.s32 s5, s3  }
0xc: {  	[tilespmem:s6], [sflag:$0x1] =	stream.linear.gather [hbm4b:s3+s6], $0x4E80, $0x38;
	[tilespmem:$0x6A80] =	vst v63  }
0xd: {  	s3 =	simm.s32 $0x1  }
0xe: {  	_ =	swait.ge [sflag:s3], $0x4E80  }
0xf: {  	[sflag:s3] =	ssyncset.done $0x0  }
0x10: {  	s7 =	sadd.s32 $0x7400, s4;
	s5 =	simm.s32 $0x4E80;
	[sflag:s3] =	ssyncadd.s32 $0xFFFFB180  }
0x11: {  	[tilespmem:s5], [sflag:$0x1] =	stream.linear.gather [hbm4b:s7+s6], $0x400, $0x38;
	[tilespmem:$0x6A80] =	vst v63  }
0x12: {  	_ =	swait.ge [sflag:s3], $0x400  }
0x13: {  	[sflag:s3] =	ssyncset.done $0x0  }
0x14: {  	s24 =	sadd.s32 $0x11400, s4;
	s8 =	simm.s32 $0x5280;
	[sflag:s3] =	ssyncadd.s32 $0xFFFFFC00  }
0x15: {  	[tilespmem:s8], [sflag:$0x1] =	stream.linear.gather [hbm4b:s24+s6], $0x400, $0x38;
	[tilespmem:$0x6A80] =	vst v63  }
0x16: {  	s25 =	smul.u32 $0x1400, s1;
	_ =	swait.ge [sflag:s3], $0x400  }
0x17: {  	[sflag:s3] =	ssyncset.done $0x0  }
0x18: {  	s9 =	smul.u32 $0x5000, s1;
	s6 =	sadd.s32 s25, s2;
	[sflag:s3] =	ssyncadd.s32 $0xFFFFFC00  }
0x19: {  	[spmem:s6] =	stream.linear.scatter [tilespmem:s8], [sflag:$0x1], $0x400, $0x38;
	[tilespmem:$0x6A80] =	vst v63  }
0x1a: {  	s9 =	sshrl.u32 s9, $0x2;
	_ =	swait.ge [sflag:s3], $0x400  }
0x1b: {  	s9 =	sadd.s32 s9, s2;
	[sflag:s3] =	ssyncset.done $0x0  }
0x1c: {  	s10 =	sadd.s32 $0x400, s9;
	[sflag:s3] =	ssyncadd.s32 $0xFFFFFC00  }
0x1d: {  	[spmem:s10] =	stream.linear.scatter [tilespmem:s8], [sflag:$0x1], $0x400, $0x38;
	[tilespmem:$0x6A80] =	vst v63  }
0x1e: {  	_ =	swait.ge [sflag:s3], $0x400  }
0x1f: {  	[sflag:s3] =	ssyncset.done $0x0  }
0x20: {  	s26 =	sadd.s32 $0x800, s9;
	[sflag:s3] =	ssyncadd.s32 $0xFFFFFC00  }
0x21: {  	[spmem:s26] =	stream.linear.scatter [tilespmem:s8], [sflag:$0x1], $0x400, $0x38;
	[tilespmem:$0x6A80] =	vst v63  }
0x22: {  	_ =	swait.ge [sflag:s3], $0x400  }
0x23: {  	[sflag:s3] =	ssyncset.done $0x0  }
0x24: {  	s28 =	sadd.s32 $0xC00, s9;
	[sflag:s3] =	ssyncadd.s32 $0xFFFFFC00  }
0x25: {  	[spmem:s28] =	stream.linear.scatter [tilespmem:s8], [sflag:$0x1], $0x400, $0x38;
	[tilespmem:$0x6A80] =	vst v63  }
0x26: {  	_ =	swait.ge [sflag:s3], $0x400  }
0x27: {  	[sflag:s3] =	ssyncset.done $0x0  }
0x28: {  	s9 =	sadd.s32 $0x1000, s9;
	[sflag:s3] =	ssyncadd.s32 $0xFFFFFC00  }
0x29: {  	[spmem:s9] =	stream.linear.scatter [tilespmem:s8], [sflag:$0x1], $0x400, $0x38;
	[tilespmem:$0x6A80] =	vst v63  }
0x2a: {  	_ =	swait.ge [sflag:s3], $0x400  }
0x2b: {  	[sflag:s3] =	ssyncset.done $0x0  }
0x2c: {  	s30 =	simm.s32 $0x0;
	[sflag:s3] =	ssyncadd.s32 $0xFFFFFC00  }
0x2d: {  	s29 =	sshrl.u32 s25, $0x3;
	s7 =	simm.s32 $0x80;
	[bflag:$0x0] =	sbarrier.arrive $0xFFFF  }
0x2e: {  	[spmem:s2] =	stream.indirect.scatter.add.f32 [tilespmem:s5], [sflag:$0x1], $0x8, s30, s7, $0xb8;
	[tilespmem:$0x6A80] =	vst v63  }
0x2f: {  	s31 =	sadd.s32 s29, s4;
	_ =	swait.ge [sflag:s3], $0x400  }
0x30: {  	s4 =	sadd.s32 $0x11600, s31;
	s8 =	simm.s32 $0x200;
	[sflag:s3] =	ssyncset.done $0x0  }
.LBB2_2:
0x31: {  	s9 =	sshra.s32 s8, $0x2;
	[sflag:s3] =	ssyncadd.s32 $0xFFFFFC00;
	p0 =	sne.s32 s8, $0x13800  }
0x32: {  	[spmem:s2] =	stream.indirect.scatter.add.f32 [tilespmem:s5], [sflag:$0x1], $0x8, s9, s7, $0xb8;
	[tilespmem:$0x6A80] =	vst v63  }
.Ltmp1:
0x33: {  	_ = 	snop;
	(pc) =	sbr.rel @p0 .LBB2_2-.Ltmp1, $4  }
0x34: {  	_ = 	snop  }
0x35: {  	s8 =	sadd.s32 $0x200, s8  }
0x36: {  	_ =	swait.ge [sflag:s3], $0x400  }
0x37: {  	[sflag:s3] =	ssyncset.done $0x0  }
0x38: {  	[sflag:s3] =	ssyncadd.s32 $0xFFFFFC00;
	s2 =	sshll.u32 s1, $0x6;
	s30 =	sshrl.u32 s6, $0x3  }
0x39: {  	s31 =	simm.s32 $0x1;
	[bflag:$0x0] =	sbarrier.arrive $0xFFFF;
	s2 =	sor.u32 $0x1C01, s2  }
0x3a: {  	[hbm:s4], [sflag:s2] =	dma.local [spmem:s30], $0x280  }
0x3b: {  	_ =	swait.ge [sflag:s31], $0x280  }
0x3c: {  	[sflag:s31] =	ssyncset.done $0x0  }
0x3d: {  	[sflag:s31] =	ssyncadd.s32 $0xFFFFFD80  }
.LBB2_4:
0x3e: {  	_ =	sfence.sel $0x180000  }
0x3f: {  	[bflag:$0x0] =	sbarrier.arrive $0xFFFF  }
0x40: {  	p0 =	sne.s32 s1, $0x0;
	_ =	strace $0x90000047  }
0x41: {  	s0 =	sadd.s32 @!p0 $0x100000, s0;
	[bflag:$0x2] =	sbarrier.arrive $0xFFFF  }
0x42: {  	[sflag:s0] =	ssyncadd.tile.s32 @!p0 $0x1;
	_ =	shalt  }
.Lfunc_end2:
_tile_overlayer_lowered:
.L_overlay_start_2:
0x43: {  	(tag) =	ssettag $0x2  }
0x44: {  	s0 =	rddreg [dreg:$0x0];
	s2 =	stileid.u32  }
0x45: {  	s1 =	rddreg [dreg:$0x1];
	p0 =	sne.s32 s2, $0x0  }
0x46: {  	s3 =	rddreg [dreg:$0x2];
	[bflag:$0x3] =	sbarrier.arrive $0xFFFF;
	s2 =	simm.s32 @!p0 $0x1C01  }
0x47: {  	[timem:s3], [sflag:s2] =	dma.local @!p0 [hbm:s0], s1  }
0x48: {  	s0 =	simm.s32 @!p0 $0x1  }
0x49: {  	_ =	swait.ge @!p0 [sflag:s0], s1  }
0x4a: {  	s1 =	ssub.s32 @!p0 $0x0, s1;
	[sflag:s0] =	ssyncset.done @!p0 $0x0  }
0x4b: {  	[sflag:s0] =	ssyncadd.s32 @!p0 s1  }
0x4c: {  	[bflag:$0x3] =	sbarrier.arrive $0xFFFF  }
0x4d: {  	_ =	shalt  }

// kernel: kernel.27.cloned.1.call-start
scs
__scs_entry_jumppad:
0x0: {  	(pc) =	sbr.rel $0x88, $3  }
0x1: {  	(tag) =	ssettag $0x0;
	lr =	simm.s32 $0x1  }
0x2: {  	[smem:$0x3F9A] =	sst lr;
	_ =	strace $0xD0000000  }
0x3: {  	_ = 	snop  }
0x4: {  	_ = 	snop  }
0x5: {  	_ = 	snop  }
0x6: {  	_ = 	snop  }
0x7: {  	_ = 	snop  }
__scs_overlays_trampoline_lowered:
0x8: {  	[smem:$0x3FA9] =	sst s0  }
0x9: {  	[smem:$0x3FAA] =	sst s1  }
0xa: {  	[smem:$0x3FAB] =	sst s2  }
0xb: {  	[smem:$0x3FAC] =	sst s3  }
0xc: {  	[smem:$0x3FAD] =	sst s4  }
0xd: {  	[smem:$0x3FAE] =	sst s5  }
0xe: {  	[smem:$0x3FAF] =	sst s6  }
0xf: {  	[smem:$0x3FB0] =	sst s7  }
0x10: {  	[smem:$0x3FB1] =	sst s8  }
0x11: {  	[smem:$0x3FB2] =	sst s9;
	s0 =	simm.s32 @!p0 $0x0  }
0x12: {  	s1 =	sld [smem:$0x3F98];
	s0 =	simm.s32 @p0 $0x1  }
0x13: {  	[smem:$0x3FB3] =	sst s0;
	s0 =	simm.s32 @!p1 $0x0  }
0x14: {  	s2 =	sld [smem:$0x3F97];
	s0 =	simm.s32 @p1 $0x1  }
0x15: {  	[smem:$0x3FB4] =	sst s0;
	s0 =	simm.s32 @!p2 $0x0  }
0x16: {  	s3 =	sld [smem:$0x3FDB];
	s0 =	simm.s32 @p2 $0x1  }
0x17: {  	s4 =	simm.s32 $0x1BF5;
	[smem:$0x3FB6] =	sst s0  }
0x18: {  	s0 =	sld [smem:$0x3F99];
	_ =	swait.ge [sflag:s4], $0x0  }
0x19: {  	s7 =	sld [smem:$0x3F9A]  }
0x1a: {  	s8 =	sadd.s32 $0xFFFFE003, lr  }
0x1b: {  	s9 =	sadd.s32 $0xFFFFFEF7, lr;
	s5 =	simm.s32 $0xFFFFFFFF;
	p2 =	slt.u32 s8, $0xFFFFF086  }
0x1c: {  	p1 =	slt.u32 s9, $0xF7A;
	s5 =	simm.s32 @!p2 $0x0  }
0x1d: {  	s5 =	simm.s32 @p1 $0x1;
	p0 =	seq.s32 s7, s2  }
0x1e: {  	s7 =	smul.u32 @!p0 $0xF7A, s2;
	p2 =	seq.s32 @!p0 s5, $0x0  }
0x1f: {  	s9 =	smul.u32 $0xF7A, s1;
	s8 =	simm.s32 @!p0 $0x1BF5;
	p2 =	por !p2, p0  }
0x20: {  	[sflag:s8] =	ssyncset.s32 @!p0 $0xFFFFF086;
	s6 =	sadd.s32 @!p0 s3, s7;
	s7 =	simm.s32 @!p0 $0x108  }
0x21: {  	s3 =	sadd.s32 s3, s9;
	s6 =	sadd.s32 @!p0 $0x88, s6;
	s7 =	simm.s32 @p2 $0x1082  }
0x22: {  	[simem:s7], [sflag:s8] =	dma.local @!p0 [hbm:s6], $0xF7A  }
0x23: {  	s9 =	sor.u32 $0xD0000000, s2;
	s6 =	simm.s32 $0x108;
	_ =	swait.ge @!p0 [sflag:s8], $0x0  }
0x24: {  	s3 =	sadd.s32 $0x88, s3;
	s6 =	simm.s32 @!p1 $0x1082;
	[sflag:s4] =	ssyncset.s32 $0xFFFFF086  }
0x25: {  	[simem:s6], [sflag:s4] =	dma.local [hbm:s3], $0xF7A  }
0x26: {  	[smem:$0x3F9A] =	sst s1;
	(tag) =	ssettag s2;
	_ =	strace s9  }
0x27: {  	s1 =	sld [smem:$0x3FAA]  }
0x28: {  	s2 =	sld [smem:$0x3FAB]  }
0x29: {  	s4 =	sld [smem:$0x3FAD]  }
0x2a: {  	p0 =	seq.s32 s5, $0x0;
	s5 =	sld [smem:$0x3FAE]  }
0x2b: {  	s6 =	sld [smem:$0x3FAF]  }
0x2c: {  	s7 =	sld [smem:$0x3FB0]  }
0x2d: {  	s3 =	simm.s32 $0x108;
	s8 =	sld [smem:$0x3FB1]  }
0x2e: {  	s3 =	simm.s32 @!p0 $0x1082;
	s9 =	sld [smem:$0x3FB2]  }
0x2f: {  	lr =	sadd.s32 s0, s3;
	s0 =	sld [smem:$0x3FA9]  }
0x30: {  	s3 =	sld [smem:$0x3FAC]  }
0x31: {  	[smem:$0x3FB5] =	sst s10  }
0x32: {  	s10 =	sld [smem:$0x3FB3];
	_ =	sdelay $0x3  }
0x33: {  	p0 =	seq.s32 s10, $0x1;
	s10 =	sld [smem:$0x3FB5];
	_ =	sdelay $0x3  }
0x34: {  	[smem:$0x3FB5] =	sst s10  }
0x35: {  	s10 =	sld [smem:$0x3FB4];
	_ =	sdelay $0x3  }
0x36: {  	p1 =	seq.s32 s10, $0x1;
	s10 =	sld [smem:$0x3FB5];
	_ =	sdelay $0x3  }
0x37: {  	[smem:$0x3FB5] =	sst s10  }
0x38: {  	s10 =	sld [smem:$0x3FB6]  }
0x39: {  	_ = 	snop;
	(pc) =	sbr.ind lr, $3  }
0x3a: {  	_ = 	snop  }
0x3b: {  	_ = 	snop  }
0x3c: {  	p2 =	seq.s32 s10, $0x1;
	s10 =	sld [smem:$0x3FB5]  }
0x3d: {  	_ =	shalt  }
0x3e: {  	_ =	shalt  }
0x3f: {  	_ =	shalt  }
0x40: {  	_ =	shalt  }
0x41: {  	_ =	shalt  }
0x42: {  	_ =	shalt  }
0x43: {  	_ =	shalt  }
0x44: {  	_ =	shalt  }
0x45: {  	_ =	shalt  }
0x46: {  	_ =	shalt  }
0x47: {  	_ =	shalt  }
0x48: {  	_ =	shalt  }
0x49: {  	_ =	shalt  }
0x4a: {  	_ =	shalt  }
0x4b: {  	_ =	shalt  }
0x4c: {  	_ =	shalt  }
0x4d: {  	_ =	shalt  }
0x4e: {  	_ =	shalt  }
0x4f: {  	_ =	shalt  }
0x50: {  	_ =	shalt  }
0x51: {  	_ =	shalt  }
0x52: {  	_ =	shalt  }
0x53: {  	_ =	shalt  }
0x54: {  	_ =	shalt  }
0x55: {  	_ =	shalt  }
0x56: {  	_ =	shalt  }
0x57: {  	_ =	shalt  }
0x58: {  	_ =	shalt  }
0x59: {  	_ =	shalt  }
0x5a: {  	_ =	shalt  }
0x5b: {  	_ =	shalt  }
0x5c: {  	_ =	shalt  }
0x5d: {  	_ =	shalt  }
0x5e: {  	_ =	shalt  }
0x5f: {  	_ =	shalt  }
0x60: {  	_ =	shalt  }
0x61: {  	_ =	shalt  }
0x62: {  	_ =	shalt  }
0x63: {  	_ =	shalt  }
0x64: {  	_ =	shalt  }
0x65: {  	_ =	shalt  }
0x66: {  	_ =	shalt  }
0x67: {  	_ =	shalt  }
0x68: {  	_ =	shalt  }
0x69: {  	_ =	shalt  }
0x6a: {  	_ =	shalt  }
0x6b: {  	_ =	shalt  }
0x6c: {  	_ =	shalt  }
0x6d: {  	_ =	shalt  }
0x6e: {  	_ =	shalt  }
0x6f: {  	_ =	shalt  }
0x70: {  	_ =	shalt  }
0x71: {  	_ =	shalt  }
0x72: {  	_ =	shalt  }
0x73: {  	_ =	shalt  }
0x74: {  	_ =	shalt  }
0x75: {  	_ =	shalt  }
0x76: {  	_ =	shalt  }
0x77: {  	_ =	shalt  }
0x78: {  	_ =	shalt  }
0x79: {  	_ =	shalt  }
0x7a: {  	_ =	shalt  }
0x7b: {  	_ =	shalt  }
0x7c: {  	_ =	shalt  }
0x7d: {  	_ =	shalt  }
0x7e: {  	_ =	shalt  }
0x7f: {  	_ =	shalt  }
0x80: {  	_ =	shalt  }
0x81: {  	_ =	shalt  }
0x82: {  	_ =	shalt  }
0x83: {  	_ =	shalt  }
0x84: {  	_ =	shalt  }
0x85: {  	_ =	shalt  }
0x86: {  	_ =	shalt  }
0x87: {  	_ =	shalt  }
.Lfunc_end0:
.L_simem_size_0:
called_computation.1_lowered:
.L_overlay_start_0:
0x88: {  	s2 =	sld [smem:$0x3FD9]  }
0x89: {  	s3 =	sld [smem:$0x3FFE];
	_ =	sdelay $0x1  }
0x8a: {  	s1 =	srdreg.scid  }
0x8b: {  	s0 =	sand.u32 $0x1, s1  }
0x8c: {  	s17 =	sshll.u32 s0, $0xA;
	s2 =	sadd.s32 s3, s2  }
0x8d: {  	s2 =	sadd.s32 s2, s17  }
0x8e: {  	[smem:$0x3FC1] =	sst s2  }
0x8f: {  	_ = 	snop  }
0x90: {  	s2 =	sld [smem:$0x3FD0];
	(tm) =	ssettm $0x1  }
0x91: {  	s18 =	sld [smem:$0x3FFB];
	_ =	sdelay $0x3  }
0x92: {  	_ =	strace s18  }
0x93: {  	s3 =	sld [smem:$0x3FFC];
	_ =	sdelay $0x3  }
0x94: {  	_ =	strace s3  }
0x95: {  	s3 =	sld [smem:$0x3FFD];
	_ =	sdelay $0x3  }
0x96: {  	_ =	strace s3  }
0x97: {  	_ =	strace $0x8FFFFFFF  }
0x98: {  	s19 =	sld [smem:$0x3FDB];
	_ =	sdelay $0x1  }
0x99: {  	s4 =	simm.s32 $_scs_section_size  }
0x9a: {  	s5 =	simm.s32 $_size__tile_overlayer_lowered;
	s6 =	simm.s32 $_tile_overlayer_lowered  }
0x9b: {  	s22 =	simm.s32 $0x1BFF;
	s21 =	sshll.u32 s6, $0x1;
	s3 =	sadd.s32 s4, s19  }
0x9c: {  	s7 =	simm.s32 $0x0;
	s20 =	sshll.u32 s5, $0x1;
	s5 =	sadd.s32 s21, s3  }
0x9d: {  	[timem:s7], [sflag:s22] =	dma.local [hbm:s5], s20  }
0x9e: {  	_ =	swait.ge [sflag:s22], s20  }
0x9f: {  	s4 =	ssub.s32 $0x0, s20;
	[sflag:s22] =	ssyncset.done $0x0  }
0xa0: {  	[sflag:s22] =	ssyncadd.s32 s4;
	_ =	sdelay $0x1  }
0xa1: {  	s23 =	simm.s32 $0x1B8B  }
0xa2: {  	_ =	swait.ge [sflag:s23], $0x1  }
0xa3: {  	[sflag:s23] =	ssyncset.done $0x0  }
0xa4: {  	s25 =	simm.s32 $0x1B8E;
	s24 =	sld [smem:$0x3FFE];
	[sflag:s23] =	ssyncadd.s32 $0xFFFFFFFF  }
0xa5: {  	s26 =	simm.s32 $execute0_lowered;
	[smem:$0x3FD2] =	sst s25  }
0xa6: {  	s5 =	sshll.u32 s26, $0x1;
	_ =	strace $0x80000049;
	[dreg:$0x1] =	wrdreg $0xFFFFFFFF  }
0xa7: {  	s28 =	simm.s32 $_size_execute0_lowered;
	s3 =	sadd.s32 s3, s5;
	[dreg:$0x0] =	wrdreg $0x0  }
0xa8: {  	s5 =	sshll.u32 s28, $0x1;
	[dreg:$0x2] =	wrdreg s3  }
0xa9: {  	[dreg:$0x3] =	wrdreg s5  }
0xaa: {  	[dreg:$0x4] =	wrdreg $0xC0  }
0xab: {  	_ =	task [dreg:s7], $0x5FFFF  }
0xac: {  	[dreg:$0x1] =	wrdreg $0xFFFFFFFF  }
0xad: {  	[dreg:$0x0] =	wrdreg $0x60  }
0xae: {  	[dreg:$0x2] =	wrdreg s2  }
0xaf: {  	[dreg:$0x3] =	wrdreg s24  }
0xb0: {  	[dreg:$0x4] =	wrdreg $0xCD000  }
0xb1: {  	[dreg:$0x5] =	wrdreg $0x9  }
0xb2: {  	_ =	task.clear_ibuf [dreg:s7], $0x6FFFF;
	_ =	strace $0x90000049  }
0xb3: {  	s29 =	simm.s32 $0x9;
	_ =	strace $0x8000004B  }
0xb4: {  	_ =	swait.ge [sflag:s29], $0x1  }
0xb5: {  	[sflag:s29] =	ssyncadd.s32 $0xFFFFFFFF  }
0xb6: {  	_ =	strace $0x9000004B  }
0xb7: {  	_ =	sfence  }
0xb8: {  	s30 =	sld [smem:$0x0];
	_ =	sdelay $0x2  }
0xb9: {  	s31 =	sshll.u32 s1, $0xD;
	s1 =	sshrl.u32 s1, $0x2  }
0xba: {  	s3 =	sand.u32 $0x4000, s31;
	s1 =	sadd.s32 s1, s30  }
0xbb: {  	s0 =	sor.u32 s3, s0;
	s1 =	sshll.u32 s1, $0x11  }
0xbc: {  	s0 =	sor.u32 s1, s0  }
0xbd: {  	s0 =	sadd.s32 $0x8F2B, s0  }
0xbe: {  	[sflag:s0] =	ssyncadd.remote.s32 $0x1  }
0xbf: {  	_ =	sfence.sel $0xFFFF  }
0xc0: {  	[dreg:$0x0] =	wrdreg $0xFFFFFFFF;
	(pc) =	sbr.abs _section_cstart, $3  }
0xc1: {  	[dreg:$0x1] =	wrdreg $0xFFFFFFFF  }
0xc2: {  	_ =	task.clear_ibuf [dreg:s7], $0x2FFFF;
	_ =	strace $0x9FFFFFFF  }
0xc3: {  	(tm) =	ssettm $0x7FFFFFFF  }
tec
execute0_lowered:
.L_overlay_start_1:
0x0: {  	(tag) =	ssettag $0x1  }
0x1: {  	s1 =	srdreg.scid  }
0x2: {  	s1 =	sand.u32 $0x1, s1  }
0x3: {  	p0 =	seq.s32 s1, $0x1  }
.Ltmp0:
0x4: {  	s3 =	rddreg [dreg:$0x0];
	(pc) =	sbr.rel @p0 .LBB2_4-.Ltmp0, $4  }
0x5: {  	s5 =	rddreg [dreg:$0x1]  }
0x6: {  	s2 =	rddreg [dreg:$0x2];
	s4 =	simm.s32 $0x0  }
0x7: {  	[smem:$0x7FF] =	sst s4  }
0x8: {  	s0 =	rddreg [dreg:$0x3];
	_ =	strace $0x8000004A;
	s1 =	stileid.u32  }
0x9: {  	s6 =	smul.u32 $0x9D0, s1;
	_ =	sdelay $0x1  }
0xa: {  	s3 =	sadd.s32 s3, s6  }
0xb: {  	[tilespmem:s4], [sflag:$0x1] =	stream.linear.gather [hbm4b:s3+s4], $0x4E80, $0x38;
	[tilespmem:$0x14500] =	vst v63  }
0xc: {  	s3 =	simm.s32 $0x1  }
0xd: {  	_ =	swait.ge [sflag:s3], $0x4E80  }
0xe: {  	s7 =	sadd.s32 $0x7600, s5;
	[sflag:s3] =	ssyncset.done $0x0  }
0xf: {  	s23 =	simm.s32 $0x4E80;
	s6 =	sadd.s32 s7, s6;
	[sflag:s3] =	ssyncadd.s32 $0xFFFFB180  }
0x10: {  	[tilespmem:s23], [sflag:$0x1] =	stream.linear.gather [hbm4b:s6+s4], $0x4E80, $0x38;
	[tilespmem:$0x14500] =	vst v63  }
0x11: {  	_ =	swait.ge [sflag:s3], $0x4E80  }
0x12: {  	[sflag:s3] =	ssyncset.done $0x0  }
0x13: {  	s24 =	sadd.s32 $0x70400, s5;
	s25 =	simm.s32 $0xB500;
	[sflag:s3] =	ssyncadd.s32 $0xFFFFB180  }
0x14: {  	[tilespmem:s25], [sflag:$0x1] =	stream.linear.gather [hbm4b:s24+s4], $0x1800, $0x38;
	[tilespmem:$0x14500] =	vst v63  }
0x15: {  	s9 =	smul.u32 $0x7800, s1;
	_ =	swait.ge [sflag:s3], $0x1800  }
0x16: {  	[sflag:s3] =	ssyncset.done $0x0  }
0x17: {  	s26 =	smul.u32 $0x1E000, s1;
	s4 =	sadd.s32 s9, s2;
	[sflag:s3] =	ssyncadd.s32 $0xFFFFE800  }
0x18: {  	[spmem:s4] =	stream.linear.scatter [tilespmem:s25], [sflag:$0x1], $0x1800, $0x38;
	[tilespmem:$0x14500] =	vst v63  }
0x19: {  	s6 =	sshrl.u32 s26, $0x2;
	_ =	swait.ge [sflag:s3], $0x1800  }
0x1a: {  	s6 =	sadd.s32 s6, s2;
	[sflag:s3] =	ssyncset.done $0x0  }
0x1b: {  	s8 =	sadd.s32 $0x1800, s6;
	[sflag:s3] =	ssyncadd.s32 $0xFFFFE800  }
0x1c: {  	[spmem:s8] =	stream.linear.scatter [tilespmem:s25], [sflag:$0x1], $0x1800, $0x38;
	[tilespmem:$0x14500] =	vst v63  }
0x1d: {  	_ =	swait.ge [sflag:s3], $0x1800  }
0x1e: {  	[sflag:s3] =	ssyncset.done $0x0  }
0x1f: {  	s28 =	sadd.s32 $0x3000, s6;
	[sflag:s3] =	ssyncadd.s32 $0xFFFFE800  }
0x20: {  	[spmem:s28] =	stream.linear.scatter [tilespmem:s25], [sflag:$0x1], $0x1800, $0x38;
	[tilespmem:$0x14500] =	vst v63  }
0x21: {  	_ =	swait.ge [sflag:s3], $0x1800  }
0x22: {  	[sflag:s3] =	ssyncset.done $0x0  }
0x23: {  	s29 =	sadd.s32 $0x4800, s6;
	[sflag:s3] =	ssyncadd.s32 $0xFFFFE800  }
0x24: {  	[spmem:s29] =	stream.linear.scatter [tilespmem:s25], [sflag:$0x1], $0x1800, $0x38;
	[tilespmem:$0x14500] =	vst v63  }
0x25: {  	_ =	swait.ge [sflag:s3], $0x1800  }
0x26: {  	[sflag:s3] =	ssyncset.done $0x0  }
0x27: {  	s6 =	sadd.s32 $0x6000, s6;
	[sflag:s3] =	ssyncadd.s32 $0xFFFFE800  }
0x28: {  	[spmem:s6] =	stream.linear.scatter [tilespmem:s25], [sflag:$0x1], $0x1800, $0x38;
	[tilespmem:$0x14500] =	vst v63  }
0x29: {  	_ =	swait.ge [sflag:s3], $0x1800  }
0x2a: {  	[sflag:s3] =	ssyncset.done $0x0  }
0x2b: {  	s10 =	simm.s32 $0x0;
	s7 =	simm.s32 $0x9D00;
	[sflag:s3] =	ssyncadd.s32 $0xFFFFE800  }
0x2c: {  	s8 =	sadd.s32 $0x61400, s5;
	s6 =	simm.s32 $0x80;
	[bflag:$0x0] =	sbarrier.arrive $0xFFFF  }
0x2d: {  	[tilespmem:s7], [sflag:$0x1] =	stream.indirect.gather [hbm4b:s8+s6], $0x30, s10, s6, $0xb8;
	[tilespmem:$0x14500] =	vst v63  }
0x2e: {  	_ =	swait.ge [sflag:s3], $0x1800  }
0x2f: {  	[sflag:s3] =	ssyncset.done $0x0  }
0x30: {  	s31 =	simm.s32 $0x4E80;
	s9 =	sshrl.u32 s9, $0x3;
	[sflag:s3] =	ssyncadd.s32 $0xFFFFE800  }
0x31: {  	[spmem:s2] =	stream.indirect.scatter.add.f32 [tilespmem:s7], [sflag:$0x1], $0x30, s31, s6, $0xb8;
	[tilespmem:$0x14500] =	vst v63  }
0x32: {  	s30 =	sadd.s32 s9, s5;
	s9 =	simm.s32 $0x200;
	_ =	swait.ge [sflag:s3], $0x1800  }
0x33: {  	s5 =	sadd.s32 $0x70800, s30;
	s10 =	simm.s32 $0x400;
	[sflag:s3] =	ssyncset.done $0x0  }
.LBB2_2:
0x34: {  	s11 =	sshra.s32 s9, $0x2  }
0x35: {  	[sflag:s3] =	ssyncadd.s32 $0xFFFFE800;
	s9 =	smov.u32 s10;
	s12 =	sadd.s32 $0x200, s10  }
0x36: {  	[tilespmem:s7], [sflag:$0x1] =	stream.indirect.gather [hbm4b:s8+s6], $0x30, s11, s6, $0xb8;
	[tilespmem:$0x14500] =	vst v63  }
0x37: {  	p0 =	sne.s32 s10, $0x13800;
	_ =	swait.ge [sflag:s3], $0x1800  }
.Ltmp1:
0x38: {  	[sflag:s3] =	ssyncset.done $0x0;
	(pc) =	sbr.rel @p0 .LBB2_2-.Ltmp1, $4  }
0x39: {  	s10 =	sadd.s32 $0x4E80, s11;
	[sflag:s3] =	ssyncadd.s32 $0xFFFFE800  }
0x3a: {  	[spmem:s2] =	stream.indirect.scatter.add.f32 [tilespmem:s7], [sflag:$0x1], $0x30, s10, s6, $0xb8;
	[tilespmem:$0x14500] =	vst v63  }
0x3b: {  	_ =	swait.ge [sflag:s3], $0x1800  }
0x3c: {  	s10 =	smov.u32 s12;
	[sflag:s3] =	ssyncset.done $0x0  }
0x3d: {  	s9 =	sshra.s32 s9, $0x2;
	[sflag:s3] =	ssyncadd.s32 $0xFFFFE800  }
0x3e: {  	[tilespmem:s7], [sflag:$0x1] =	stream.indirect.gather [hbm4b:s8+s6], $0x30, s9, s6, $0xb8;
	[tilespmem:$0x14500] =	vst v63  }
0x3f: {  	_ =	swait.ge [sflag:s3], $0x1800  }
0x40: {  	[sflag:s3] =	ssyncset.done $0x0  }
0x41: {  	s28 =	sadd.s32 $0x4E80, s9;
	[sflag:s3] =	ssyncadd.s32 $0xFFFFE800  }
0x42: {  	[spmem:s2] =	stream.indirect.scatter.add.f32 [tilespmem:s7], [sflag:$0x1], $0x30, s28, s6, $0xb8;
	[tilespmem:$0x14500] =	vst v63  }
0x43: {  	_ =	swait.ge [sflag:s3], $0x1800  }
0x44: {  	[sflag:s3] =	ssyncset.done $0x0  }
0x45: {  	s29 =	sshll.u32 s1, $0x6;
	s30 =	sshrl.u32 s4, $0x3;
	[sflag:s3] =	ssyncadd.s32 $0xFFFFE800  }
0x46: {  	s31 =	simm.s32 $0x1;
	s2 =	sor.u32 $0x1C01, s29;
	[bflag:$0x0] =	sbarrier.arrive $0xFFFF  }
0x47: {  	[hbm:s5], [sflag:s2] =	dma.local [spmem:s30], $0xF00  }
0x48: {  	_ =	swait.ge [sflag:s31], $0xF00  }
0x49: {  	[sflag:s31] =	ssyncset.done $0x0  }
0x4a: {  	[sflag:s31] =	ssyncadd.s32 $0xFFFFF100  }
.LBB2_4:
0x4b: {  	_ =	sfence.sel $0x180000  }
0x4c: {  	[bflag:$0x0] =	sbarrier.arrive $0xFFFF  }
0x4d: {  	p0 =	sne.s32 s1, $0x0;
	_ =	strace $0x9000004A  }
0x4e: {  	s0 =	sadd.s32 @!p0 $0x100000, s0;
	[bflag:$0x2] =	sbarrier.arrive $0xFFFF  }
0x4f: {  	[sflag:s0] =	ssyncadd.tile.s32 @!p0 $0x1;
	_ =	shalt  }
.Lfunc_end2:
_tile_overlayer_lowered:
.L_overlay_start_2:
0x50: {  	(tag) =	ssettag $0x2  }
0x51: {  	s0 =	rddreg [dreg:$0x0];
	s2 =	stileid.u32  }
0x52: {  	s1 =	rddreg [dreg:$0x1];
	p0 =	sne.s32 s2, $0x0  }
0x53: {  	s3 =	rddreg [dreg:$0x2];
	[bflag:$0x3] =	sbarrier.arrive $0xFFFF;
	s2 =	simm.s32 @!p0 $0x1C01  }
0x54: {  	[timem:s3], [sflag:s2] =	dma.local @!p0 [hbm:s0], s1  }
0x55: {  	s0 =	simm.s32 @!p0 $0x1  }
0x56: {  	_ =	swait.ge @!p0 [sflag:s0], s1  }
0x57: {  	s1 =	ssub.s32 @!p0 $0x0, s1;
	[sflag:s0] =	ssyncset.done @!p0 $0x0  }
0x58: {  	[sflag:s0] =	ssyncadd.s32 @!p0 s1  }
0x59: {  	[bflag:$0x3] =	sbarrier.arrive $0xFFFF  }
0x5a: {  	_ =	shalt  }

// kernel: kernel.30.cloned.1.call-start
scs
__scs_entry_jumppad:
0x0: {  	(pc) =	sbr.rel $0x88, $3  }
0x1: {  	(tag) =	ssettag $0x0;
	lr =	simm.s32 $0x1  }
0x2: {  	[smem:$0x3F9A] =	sst lr;
	_ =	strace $0xD0000000  }
0x3: {  	_ = 	snop  }
0x4: {  	_ = 	snop  }
0x5: {  	_ = 	snop  }
0x6: {  	_ = 	snop  }
0x7: {  	_ = 	snop  }
__scs_overlays_trampoline_lowered:
0x8: {  	[smem:$0x3FA9] =	sst s0  }
0x9: {  	[smem:$0x3FAA] =	sst s1  }
0xa: {  	[smem:$0x3FAB] =	sst s2  }
0xb: {  	[smem:$0x3FAC] =	sst s3  }
0xc: {  	[smem:$0x3FAD] =	sst s4  }
0xd: {  	[smem:$0x3FAE] =	sst s5  }
0xe: {  	[smem:$0x3FAF] =	sst s6  }
0xf: {  	[smem:$0x3FB0] =	sst s7  }
0x10: {  	[smem:$0x3FB1] =	sst s8  }
0x11: {  	[smem:$0x3FB2] =	sst s9;
	s0 =	simm.s32 @!p0 $0x0  }
0x12: {  	s1 =	sld [smem:$0x3F98];
	s0 =	simm.s32 @p0 $0x1  }
0x13: {  	[smem:$0x3FB3] =	sst s0;
	s0 =	simm.s32 @!p1 $0x0  }
0x14: {  	s2 =	sld [smem:$0x3F97];
	s0 =	simm.s32 @p1 $0x1  }
0x15: {  	[smem:$0x3FB4] =	sst s0;
	s0 =	simm.s32 @!p2 $0x0  }
0x16: {  	s3 =	sld [smem:$0x3FDB];
	s0 =	simm.s32 @p2 $0x1  }
0x17: {  	s4 =	simm.s32 $0x1BF5;
	[smem:$0x3FB6] =	sst s0  }
0x18: {  	s0 =	sld [smem:$0x3F99];
	_ =	swait.ge [sflag:s4], $0x0  }
0x19: {  	s7 =	sld [smem:$0x3F9A]  }
0x1a: {  	s8 =	sadd.s32 $0xFFFFE003, lr  }
0x1b: {  	s9 =	sadd.s32 $0xFFFFFEF7, lr;
	s5 =	simm.s32 $0xFFFFFFFF;
	p2 =	slt.u32 s8, $0xFFFFF086  }
0x1c: {  	p1 =	slt.u32 s9, $0xF7A;
	s5 =	simm.s32 @!p2 $0x0  }
0x1d: {  	s5 =	simm.s32 @p1 $0x1;
	p0 =	seq.s32 s7, s2  }
0x1e: {  	s7 =	smul.u32 @!p0 $0xF7A, s2;
	p2 =	seq.s32 @!p0 s5, $0x0  }
0x1f: {  	s9 =	smul.u32 $0xF7A, s1;
	s8 =	simm.s32 @!p0 $0x1BF5;
	p2 =	por !p2, p0  }
0x20: {  	[sflag:s8] =	ssyncset.s32 @!p0 $0xFFFFF086;
	s6 =	sadd.s32 @!p0 s3, s7;
	s7 =	simm.s32 @!p0 $0x108  }
0x21: {  	s3 =	sadd.s32 s3, s9;
	s6 =	sadd.s32 @!p0 $0x88, s6;
	s7 =	simm.s32 @p2 $0x1082  }
0x22: {  	[simem:s7], [sflag:s8] =	dma.local @!p0 [hbm:s6], $0xF7A  }
0x23: {  	s9 =	sor.u32 $0xD0000000, s2;
	s6 =	simm.s32 $0x108;
	_ =	swait.ge @!p0 [sflag:s8], $0x0  }
0x24: {  	s3 =	sadd.s32 $0x88, s3;
	s6 =	simm.s32 @!p1 $0x1082;
	[sflag:s4] =	ssyncset.s32 $0xFFFFF086  }
0x25: {  	[simem:s6], [sflag:s4] =	dma.local [hbm:s3], $0xF7A  }
0x26: {  	[smem:$0x3F9A] =	sst s1;
	(tag) =	ssettag s2;
	_ =	strace s9  }
0x27: {  	s1 =	sld [smem:$0x3FAA]  }
0x28: {  	s2 =	sld [smem:$0x3FAB]  }
0x29: {  	s4 =	sld [smem:$0x3FAD]  }
0x2a: {  	p0 =	seq.s32 s5, $0x0;
	s5 =	sld [smem:$0x3FAE]  }
0x2b: {  	s6 =	sld [smem:$0x3FAF]  }
0x2c: {  	s7 =	sld [smem:$0x3FB0]  }
0x2d: {  	s3 =	simm.s32 $0x108;
	s8 =	sld [smem:$0x3FB1]  }
0x2e: {  	s3 =	simm.s32 @!p0 $0x1082;
	s9 =	sld [smem:$0x3FB2]  }
0x2f: {  	lr =	sadd.s32 s0, s3;
	s0 =	sld [smem:$0x3FA9]  }
0x30: {  	s3 =	sld [smem:$0x3FAC]  }
0x31: {  	[smem:$0x3FB5] =	sst s10  }
0x32: {  	s10 =	sld [smem:$0x3FB3];
	_ =	sdelay $0x3  }
0x33: {  	p0 =	seq.s32 s10, $0x1;
	s10 =	sld [smem:$0x3FB5];
	_ =	sdelay $0x3  }
0x34: {  	[smem:$0x3FB5] =	sst s10  }
0x35: {  	s10 =	sld [smem:$0x3FB4];
	_ =	sdelay $0x3  }
0x36: {  	p1 =	seq.s32 s10, $0x1;
	s10 =	sld [smem:$0x3FB5];
	_ =	sdelay $0x3  }
0x37: {  	[smem:$0x3FB5] =	sst s10  }
0x38: {  	s10 =	sld [smem:$0x3FB6]  }
0x39: {  	_ = 	snop;
	(pc) =	sbr.ind lr, $3  }
0x3a: {  	_ = 	snop  }
0x3b: {  	_ = 	snop  }
0x3c: {  	p2 =	seq.s32 s10, $0x1;
	s10 =	sld [smem:$0x3FB5]  }
0x3d: {  	_ =	shalt  }
0x3e: {  	_ =	shalt  }
0x3f: {  	_ =	shalt  }
0x40: {  	_ =	shalt  }
0x41: {  	_ =	shalt  }
0x42: {  	_ =	shalt  }
0x43: {  	_ =	shalt  }
0x44: {  	_ =	shalt  }
0x45: {  	_ =	shalt  }
0x46: {  	_ =	shalt  }
0x47: {  	_ =	shalt  }
0x48: {  	_ =	shalt  }
0x49: {  	_ =	shalt  }
0x4a: {  	_ =	shalt  }
0x4b: {  	_ =	shalt  }
0x4c: {  	_ =	shalt  }
0x4d: {  	_ =	shalt  }
0x4e: {  	_ =	shalt  }
0x4f: {  	_ =	shalt  }
0x50: {  	_ =	shalt  }
0x51: {  	_ =	shalt  }
0x52: {  	_ =	shalt  }
0x53: {  	_ =	shalt  }
0x54: {  	_ =	shalt  }
0x55: {  	_ =	shalt  }
0x56: {  	_ =	shalt  }
0x57: {  	_ =	shalt  }
0x58: {  	_ =	shalt  }
0x59: {  	_ =	shalt  }
0x5a: {  	_ =	shalt  }
0x5b: {  	_ =	shalt  }
0x5c: {  	_ =	shalt  }
0x5d: {  	_ =	shalt  }
0x5e: {  	_ =	shalt  }
0x5f: {  	_ =	shalt  }
0x60: {  	_ =	shalt  }
0x61: {  	_ =	shalt  }
0x62: {  	_ =	shalt  }
0x63: {  	_ =	shalt  }
0x64: {  	_ =	shalt  }
0x65: {  	_ =	shalt  }
0x66: {  	_ =	shalt  }
0x67: {  	_ =	shalt  }
0x68: {  	_ =	shalt  }
0x69: {  	_ =	shalt  }
0x6a: {  	_ =	shalt  }
0x6b: {  	_ =	shalt  }
0x6c: {  	_ =	shalt  }
0x6d: {  	_ =	shalt  }
0x6e: {  	_ =	shalt  }
0x6f: {  	_ =	shalt  }
0x70: {  	_ =	shalt  }
0x71: {  	_ =	shalt  }
0x72: {  	_ =	shalt  }
0x73: {  	_ =	shalt  }
0x74: {  	_ =	shalt  }
0x75: {  	_ =	shalt  }
0x76: {  	_ =	shalt  }
0x77: {  	_ =	shalt  }
0x78: {  	_ =	shalt  }
0x79: {  	_ =	shalt  }
0x7a: {  	_ =	shalt  }
0x7b: {  	_ =	shalt  }
0x7c: {  	_ =	shalt  }
0x7d: {  	_ =	shalt  }
0x7e: {  	_ =	shalt  }
0x7f: {  	_ =	shalt  }
0x80: {  	_ =	shalt  }
0x81: {  	_ =	shalt  }
0x82: {  	_ =	shalt  }
0x83: {  	_ =	shalt  }
0x84: {  	_ =	shalt  }
0x85: {  	_ =	shalt  }
0x86: {  	_ =	shalt  }
0x87: {  	_ =	shalt  }
.Lfunc_end0:
.L_simem_size_0:
called_computation.2_lowered:
.L_overlay_start_0:
0x88: {  	s2 =	sld [smem:$0x3FD9]  }
0x89: {  	s3 =	sld [smem:$0x3FFE];
	_ =	sdelay $0x1  }
0x8a: {  	s1 =	srdreg.scid  }
0x8b: {  	s0 =	sand.u32 $0x1, s1  }
0x8c: {  	s17 =	sshll.u32 s0, $0xA;
	s2 =	sadd.s32 s3, s2  }
0x8d: {  	s2 =	sadd.s32 s2, s17  }
0x8e: {  	[smem:$0x3FC1] =	sst s2  }
0x8f: {  	_ = 	snop  }
0x90: {  	s2 =	sld [smem:$0x3FD0];
	(tm) =	ssettm $0x1  }
0x91: {  	s18 =	sld [smem:$0x3FFB];
	_ =	sdelay $0x3  }
0x92: {  	_ =	strace s18  }
0x93: {  	s3 =	sld [smem:$0x3FFC];
	_ =	sdelay $0x3  }
0x94: {  	_ =	strace s3  }
0x95: {  	s3 =	sld [smem:$0x3FFD];
	_ =	sdelay $0x3  }
0x96: {  	_ =	strace s3  }
0x97: {  	_ =	strace $0x8FFFFFFF  }
0x98: {  	s19 =	sld [smem:$0x3FDB];
	_ =	sdelay $0x1  }
0x99: {  	s4 =	simm.s32 $_scs_section_size  }
0x9a: {  	s5 =	simm.s32 $_size__tile_overlayer_lowered;
	s6 =	simm.s32 $_tile_overlayer_lowered  }
0x9b: {  	s22 =	simm.s32 $0x1BFF;
	s21 =	sshll.u32 s6, $0x1;
	s3 =	sadd.s32 s4, s19  }
0x9c: {  	s7 =	simm.s32 $0x0;
	s20 =	sshll.u32 s5, $0x1;
	s5 =	sadd.s32 s21, s3  }
0x9d: {  	[timem:s7], [sflag:s22] =	dma.local [hbm:s5], s20  }
0x9e: {  	_ =	swait.ge [sflag:s22], s20  }
0x9f: {  	s4 =	ssub.s32 $0x0, s20;
	[sflag:s22] =	ssyncset.done $0x0  }
0xa0: {  	[sflag:s22] =	ssyncadd.s32 s4;
	_ =	sdelay $0x1  }
0xa1: {  	s23 =	simm.s32 $0x1B8B  }
0xa2: {  	_ =	swait.ge [sflag:s23], $0x1  }
0xa3: {  	[sflag:s23] =	ssyncset.done $0x0  }
0xa4: {  	s25 =	simm.s32 $0x1B8E;
	s24 =	sld [smem:$0x3FFE];
	[sflag:s23] =	ssyncadd.s32 $0xFFFFFFFF  }
0xa5: {  	s26 =	simm.s32 $execute0_lowered;
	[smem:$0x3FD2] =	sst s25  }
0xa6: {  	s5 =	sshll.u32 s26, $0x1;
	_ =	strace $0x8000004C;
	[dreg:$0x1] =	wrdreg $0xFFFFFFFF  }
0xa7: {  	s28 =	simm.s32 $_size_execute0_lowered;
	s3 =	sadd.s32 s3, s5;
	[dreg:$0x0] =	wrdreg $0x0  }
0xa8: {  	s5 =	sshll.u32 s28, $0x1;
	[dreg:$0x2] =	wrdreg s3  }
0xa9: {  	[dreg:$0x3] =	wrdreg s5  }
0xaa: {  	[dreg:$0x4] =	wrdreg $0xC0  }
0xab: {  	_ =	task [dreg:s7], $0x5FFFF  }
0xac: {  	[dreg:$0x1] =	wrdreg $0xFFFFFFFF  }
0xad: {  	[dreg:$0x0] =	wrdreg $0x60  }
0xae: {  	[dreg:$0x2] =	wrdreg s2  }
0xaf: {  	[dreg:$0x3] =	wrdreg s24  }
0xb0: {  	[dreg:$0x4] =	wrdreg $0xCD000  }
0xb1: {  	[dreg:$0x5] =	wrdreg $0x9  }
0xb2: {  	_ =	task.clear_ibuf [dreg:s7], $0x6FFFF;
	_ =	strace $0x9000004C  }
0xb3: {  	s29 =	simm.s32 $0x9;
	_ =	strace $0x8000004E  }
0xb4: {  	_ =	swait.ge [sflag:s29], $0x1  }
0xb5: {  	[sflag:s29] =	ssyncadd.s32 $0xFFFFFFFF  }
0xb6: {  	_ =	strace $0x9000004E  }
0xb7: {  	_ =	sfence  }
0xb8: {  	s30 =	sld [smem:$0x0];
	_ =	sdelay $0x2  }
0xb9: {  	s31 =	sshll.u32 s1, $0xD;
	s1 =	sshrl.u32 s1, $0x2  }
0xba: {  	s3 =	sand.u32 $0x4000, s31;
	s1 =	sadd.s32 s1, s30  }
0xbb: {  	s0 =	sor.u32 s3, s0;
	s1 =	sshll.u32 s1, $0x11  }
0xbc: {  	s0 =	sor.u32 s1, s0  }
0xbd: {  	s0 =	sadd.s32 $0x8F2B, s0  }
0xbe: {  	[sflag:s0] =	ssyncadd.remote.s32 $0x1  }
0xbf: {  	_ =	sfence.sel $0xFFFF  }
0xc0: {  	[dreg:$0x0] =	wrdreg $0xFFFFFFFF;
	(pc) =	sbr.abs _section_cstart, $3  }
0xc1: {  	[dreg:$0x1] =	wrdreg $0xFFFFFFFF  }
0xc2: {  	_ =	task.clear_ibuf [dreg:s7], $0x2FFFF;
	_ =	strace $0x9FFFFFFF  }
0xc3: {  	(tm) =	ssettm $0x7FFFFFFF  }
tec
execute0_lowered:
.L_overlay_start_1:
0x0: {  	(tag) =	ssettag $0x1  }
0x1: {  	s1 =	srdreg.scid  }
0x2: {  	s1 =	sand.u32 $0x1, s1  }
0x3: {  	p0 =	seq.s32 s1, $0x1  }
.Ltmp0:
0x4: {  	s3 =	rddreg [dreg:$0x0];
	(pc) =	sbr.rel @p0 .LBB2_4-.Ltmp0, $4  }
0x5: {  	s5 =	rddreg [dreg:$0x1]  }
0x6: {  	s2 =	rddreg [dreg:$0x2];
	s4 =	simm.s32 $0x0  }
0x7: {  	[smem:$0x7FF] =	sst s4  }
0x8: {  	s0 =	rddreg [dreg:$0x3];
	_ =	strace $0x8000004D;
	s1 =	stileid.u32  }
0x9: {  	s6 =	smul.u32 $0x9D0, s1;
	_ =	sdelay $0x1  }
0xa: {  	s3 =	sadd.s32 s3, s6  }
0xb: {  	[tilespmem:s4], [sflag:$0x1] =	stream.linear.gather [hbm4b:s3+s4], $0x4E80, $0x38;
	[tilespmem:$0x14500] =	vst v63  }
0xc: {  	s3 =	simm.s32 $0x1  }
0xd: {  	_ =	swait.ge [sflag:s3], $0x4E80  }
0xe: {  	s7 =	sadd.s32 $0x7600, s5;
	[sflag:s3] =	ssyncset.done $0x0  }
0xf: {  	s23 =	simm.s32 $0x4E80;
	s6 =	sadd.s32 s7, s6;
	[sflag:s3] =	ssyncadd.s32 $0xFFFFB180  }
0x10: {  	[tilespmem:s23], [sflag:$0x1] =	stream.linear.gather [hbm4b:s6+s4], $0x4E80, $0x38;
	[tilespmem:$0x14500] =	vst v63  }
0x11: {  	_ =	swait.ge [sflag:s3], $0x4E80  }
0x12: {  	[sflag:s3] =	ssyncset.done $0x0  }
0x13: {  	s24 =	sadd.s32 $0x70400, s5;
	s25 =	simm.s32 $0xB500;
	[sflag:s3] =	ssyncadd.s32 $0xFFFFB180  }
0x14: {  	[tilespmem:s25], [sflag:$0x1] =	stream.linear.gather [hbm4b:s24+s4], $0x1800, $0x38;
	[tilespmem:$0x14500] =	vst v63  }
0x15: {  	s9 =	smul.u32 $0x7800, s1;
	_ =	swait.ge [sflag:s3], $0x1800  }
0x16: {  	[sflag:s3] =	ssyncset.done $0x0  }
0x17: {  	s26 =	smul.u32 $0x1E000, s1;
	s4 =	sadd.s32 s9, s2;
	[sflag:s3] =	ssyncadd.s32 $0xFFFFE800  }
0x18: {  	[spmem:s4] =	stream.linear.scatter [tilespmem:s25], [sflag:$0x1], $0x1800, $0x38;
	[tilespmem:$0x14500] =	vst v63  }
0x19: {  	s6 =	sshrl.u32 s26, $0x2;
	_ =	swait.ge [sflag:s3], $0x1800  }
0x1a: {  	s6 =	sadd.s32 s6, s2;
	[sflag:s3] =	ssyncset.done $0x0  }
0x1b: {  	s8 =	sadd.s32 $0x1800, s6;
	[sflag:s3] =	ssyncadd.s32 $0xFFFFE800  }
0x1c: {  	[spmem:s8] =	stream.linear.scatter [tilespmem:s25], [sflag:$0x1], $0x1800, $0x38;
	[tilespmem:$0x14500] =	vst v63  }
0x1d: {  	_ =	swait.ge [sflag:s3], $0x1800  }
0x1e: {  	[sflag:s3] =	ssyncset.done $0x0  }
0x1f: {  	s28 =	sadd.s32 $0x3000, s6;
	[sflag:s3] =	ssyncadd.s32 $0xFFFFE800  }
0x20: {  	[spmem:s28] =	stream.linear.scatter [tilespmem:s25], [sflag:$0x1], $0x1800, $0x38;
	[tilespmem:$0x14500] =	vst v63  }
0x21: {  	_ =	swait.ge [sflag:s3], $0x1800  }
0x22: {  	[sflag:s3] =	ssyncset.done $0x0  }
0x23: {  	s29 =	sadd.s32 $0x4800, s6;
	[sflag:s3] =	ssyncadd.s32 $0xFFFFE800  }
0x24: {  	[spmem:s29] =	stream.linear.scatter [tilespmem:s25], [sflag:$0x1], $0x1800, $0x38;
	[tilespmem:$0x14500] =	vst v63  }
0x25: {  	_ =	swait.ge [sflag:s3], $0x1800  }
0x26: {  	[sflag:s3] =	ssyncset.done $0x0  }
0x27: {  	s6 =	sadd.s32 $0x6000, s6;
	[sflag:s3] =	ssyncadd.s32 $0xFFFFE800  }
0x28: {  	[spmem:s6] =	stream.linear.scatter [tilespmem:s25], [sflag:$0x1], $0x1800, $0x38;
	[tilespmem:$0x14500] =	vst v63  }
0x29: {  	_ =	swait.ge [sflag:s3], $0x1800  }
0x2a: {  	[sflag:s3] =	ssyncset.done $0x0  }
0x2b: {  	s10 =	simm.s32 $0x0;
	s7 =	simm.s32 $0x9D00;
	[sflag:s3] =	ssyncadd.s32 $0xFFFFE800  }
0x2c: {  	s8 =	sadd.s32 $0x61400, s5;
	s6 =	simm.s32 $0x80;
	[bflag:$0x0] =	sbarrier.arrive $0xFFFF  }
0x2d: {  	[tilespmem:s7], [sflag:$0x1] =	stream.indirect.gather [hbm4b:s8+s6], $0x30, s10, s6, $0xb8;
	[tilespmem:$0x14500] =	vst v63  }
0x2e: {  	_ =	swait.ge [sflag:s3], $0x1800  }
0x2f: {  	[sflag:s3] =	ssyncset.done $0x0  }
0x30: {  	s31 =	simm.s32 $0x4E80;
	s9 =	sshrl.u32 s9, $0x3;
	[sflag:s3] =	ssyncadd.s32 $0xFFFFE800  }
0x31: {  	[spmem:s2] =	stream.indirect.scatter.add.f32 [tilespmem:s7], [sflag:$0x1], $0x30, s31, s6, $0xb8;
	[tilespmem:$0x14500] =	vst v63  }
0x32: {  	s30 =	sadd.s32 s9, s5;
	s9 =	simm.s32 $0x200;
	_ =	swait.ge [sflag:s3], $0x1800  }
0x33: {  	s5 =	sadd.s32 $0x70800, s30;
	s10 =	simm.s32 $0x400;
	[sflag:s3] =	ssyncset.done $0x0  }
.LBB2_2:
0x34: {  	s11 =	sshra.s32 s9, $0x2  }
0x35: {  	[sflag:s3] =	ssyncadd.s32 $0xFFFFE800;
	s9 =	smov.u32 s10;
	s12 =	sadd.s32 $0x200, s10  }
0x36: {  	[tilespmem:s7], [sflag:$0x1] =	stream.indirect.gather [hbm4b:s8+s6], $0x30, s11, s6, $0xb8;
	[tilespmem:$0x14500] =	vst v63  }
0x37: {  	p0 =	sne.s32 s10, $0x13800;
	_ =	swait.ge [sflag:s3], $0x1800  }
.Ltmp1:
0x38: {  	[sflag:s3] =	ssyncset.done $0x0;
	(pc) =	sbr.rel @p0 .LBB2_2-.Ltmp1, $4  }
0x39: {  	s10 =	sadd.s32 $0x4E80, s11;
	[sflag:s3] =	ssyncadd.s32 $0xFFFFE800  }
0x3a: {  	[spmem:s2] =	stream.indirect.scatter.add.f32 [tilespmem:s7], [sflag:$0x1], $0x30, s10, s6, $0xb8;
	[tilespmem:$0x14500] =	vst v63  }
0x3b: {  	_ =	swait.ge [sflag:s3], $0x1800  }
0x3c: {  	s10 =	smov.u32 s12;
	[sflag:s3] =	ssyncset.done $0x0  }
0x3d: {  	s9 =	sshra.s32 s9, $0x2;
	[sflag:s3] =	ssyncadd.s32 $0xFFFFE800  }
0x3e: {  	[tilespmem:s7], [sflag:$0x1] =	stream.indirect.gather [hbm4b:s8+s6], $0x30, s9, s6, $0xb8;
	[tilespmem:$0x14500] =	vst v63  }
0x3f: {  	_ =	swait.ge [sflag:s3], $0x1800  }
0x40: {  	[sflag:s3] =	ssyncset.done $0x0  }
0x41: {  	s28 =	sadd.s32 $0x4E80, s9;
	[sflag:s3] =	ssyncadd.s32 $0xFFFFE800  }
0x42: {  	[spmem:s2] =	stream.indirect.scatter.add.f32 [tilespmem:s7], [sflag:$0x1], $0x30, s28, s6, $0xb8;
	[tilespmem:$0x14500] =	vst v63  }
0x43: {  	_ =	swait.ge [sflag:s3], $0x1800  }
0x44: {  	[sflag:s3] =	ssyncset.done $0x0  }
0x45: {  	s29 =	sshll.u32 s1, $0x6;
	s30 =	sshrl.u32 s4, $0x3;
	[sflag:s3] =	ssyncadd.s32 $0xFFFFE800  }
0x46: {  	s31 =	simm.s32 $0x1;
	s2 =	sor.u32 $0x1C01, s29;
	[bflag:$0x0] =	sbarrier.arrive $0xFFFF  }
0x47: {  	[hbm:s5], [sflag:s2] =	dma.local [spmem:s30], $0xF00  }
0x48: {  	_ =	swait.ge [sflag:s31], $0xF00  }
0x49: {  	[sflag:s31] =	ssyncset.done $0x0  }
0x4a: {  	[sflag:s31] =	ssyncadd.s32 $0xFFFFF100  }
.LBB2_4:
0x4b: {  	_ =	sfence.sel $0x180000  }
0x4c: {  	[bflag:$0x0] =	sbarrier.arrive $0xFFFF  }
0x4d: {  	p0 =	sne.s32 s1, $0x0;
	_ =	strace $0x9000004D  }
0x4e: {  	s0 =	sadd.s32 @!p0 $0x100000, s0;
	[bflag:$0x2] =	sbarrier.arrive $0xFFFF  }
0x4f: {  	[sflag:s0] =	ssyncadd.tile.s32 @!p0 $0x1;
	_ =	shalt  }
.Lfunc_end2:
_tile_overlayer_lowered:
.L_overlay_start_2:
0x50: {  	(tag) =	ssettag $0x2  }
0x51: {  	s0 =	rddreg [dreg:$0x0];
	s2 =	stileid.u32  }
0x52: {  	s1 =	rddreg [dreg:$0x1];
	p0 =	sne.s32 s2, $0x0  }
0x53: {  	s3 =	rddreg [dreg:$0x2];
	[bflag:$0x3] =	sbarrier.arrive $0xFFFF;
	s2 =	simm.s32 @!p0 $0x1C01  }
0x54: {  	[timem:s3], [sflag:s2] =	dma.local @!p0 [hbm:s0], s1  }
0x55: {  	s0 =	simm.s32 @!p0 $0x1  }
0x56: {  	_ =	swait.ge @!p0 [sflag:s0], s1  }
0x57: {  	s1 =	ssub.s32 @!p0 $0x0, s1;
	[sflag:s0] =	ssyncset.done @!p0 $0x0  }
0x58: {  	[sflag:s0] =	ssyncadd.s32 @!p0 s1  }
0x59: {  	[bflag:$0x3] =	sbarrier.arrive $0xFFFF  }
0x5a: {  	_ =	shalt  }

// kernel: kernel.33.cloned.1.call-start
scs
__scs_entry_jumppad:
0x0: {  	(pc) =	sbr.rel $0x88, $3  }
0x1: {  	(tag) =	ssettag $0x0;
	lr =	simm.s32 $0x1  }
0x2: {  	[smem:$0x3F9A] =	sst lr;
	_ =	strace $0xD0000000  }
0x3: {  	_ = 	snop  }
0x4: {  	_ = 	snop  }
0x5: {  	_ = 	snop  }
0x6: {  	_ = 	snop  }
0x7: {  	_ = 	snop  }
__scs_overlays_trampoline_lowered:
0x8: {  	[smem:$0x3FA9] =	sst s0  }
0x9: {  	[smem:$0x3FAA] =	sst s1  }
0xa: {  	[smem:$0x3FAB] =	sst s2  }
0xb: {  	[smem:$0x3FAC] =	sst s3  }
0xc: {  	[smem:$0x3FAD] =	sst s4  }
0xd: {  	[smem:$0x3FAE] =	sst s5  }
0xe: {  	[smem:$0x3FAF] =	sst s6  }
0xf: {  	[smem:$0x3FB0] =	sst s7  }
0x10: {  	[smem:$0x3FB1] =	sst s8  }
0x11: {  	[smem:$0x3FB2] =	sst s9;
	s0 =	simm.s32 @!p0 $0x0  }
0x12: {  	s1 =	sld [smem:$0x3F98];
	s0 =	simm.s32 @p0 $0x1  }
0x13: {  	[smem:$0x3FB3] =	sst s0;
	s0 =	simm.s32 @!p1 $0x0  }
0x14: {  	s2 =	sld [smem:$0x3F97];
	s0 =	simm.s32 @p1 $0x1  }
0x15: {  	[smem:$0x3FB4] =	sst s0;
	s0 =	simm.s32 @!p2 $0x0  }
0x16: {  	s3 =	sld [smem:$0x3FDB];
	s0 =	simm.s32 @p2 $0x1  }
0x17: {  	s4 =	simm.s32 $0x1BF5;
	[smem:$0x3FB6] =	sst s0  }
0x18: {  	s0 =	sld [smem:$0x3F99];
	_ =	swait.ge [sflag:s4], $0x0  }
0x19: {  	s7 =	sld [smem:$0x3F9A]  }
0x1a: {  	s8 =	sadd.s32 $0xFFFFE003, lr  }
0x1b: {  	s9 =	sadd.s32 $0xFFFFFEF7, lr;
	s5 =	simm.s32 $0xFFFFFFFF;
	p2 =	slt.u32 s8, $0xFFFFF086  }
0x1c: {  	p1 =	slt.u32 s9, $0xF7A;
	s5 =	simm.s32 @!p2 $0x0  }
0x1d: {  	s5 =	simm.s32 @p1 $0x1;
	p0 =	seq.s32 s7, s2  }
0x1e: {  	s7 =	smul.u32 @!p0 $0xF7A, s2;
	p2 =	seq.s32 @!p0 s5, $0x0  }
0x1f: {  	s9 =	smul.u32 $0xF7A, s1;
	s8 =	simm.s32 @!p0 $0x1BF5;
	p2 =	por !p2, p0  }
0x20: {  	[sflag:s8] =	ssyncset.s32 @!p0 $0xFFFFF086;
	s6 =	sadd.s32 @!p0 s3, s7;
	s7 =	simm.s32 @!p0 $0x108  }
0x21: {  	s3 =	sadd.s32 s3, s9;
	s6 =	sadd.s32 @!p0 $0x88, s6;
	s7 =	simm.s32 @p2 $0x1082  }
0x22: {  	[simem:s7], [sflag:s8] =	dma.local @!p0 [hbm:s6], $0xF7A  }
0x23: {  	s9 =	sor.u32 $0xD0000000, s2;
	s6 =	simm.s32 $0x108;
	_ =	swait.ge @!p0 [sflag:s8], $0x0  }
0x24: {  	s3 =	sadd.s32 $0x88, s3;
	s6 =	simm.s32 @!p1 $0x1082;
	[sflag:s4] =	ssyncset.s32 $0xFFFFF086  }
0x25: {  	[simem:s6], [sflag:s4] =	dma.local [hbm:s3], $0xF7A  }
0x26: {  	[smem:$0x3F9A] =	sst s1;
	(tag) =	ssettag s2;
	_ =	strace s9  }
0x27: {  	s1 =	sld [smem:$0x3FAA]  }
0x28: {  	s2 =	sld [smem:$0x3FAB]  }
0x29: {  	s4 =	sld [smem:$0x3FAD]  }
0x2a: {  	p0 =	seq.s32 s5, $0x0;
	s5 =	sld [smem:$0x3FAE]  }
0x2b: {  	s6 =	sld [smem:$0x3FAF]  }
0x2c: {  	s7 =	sld [smem:$0x3FB0]  }
0x2d: {  	s3 =	simm.s32 $0x108;
	s8 =	sld [smem:$0x3FB1]  }
0x2e: {  	s3 =	simm.s32 @!p0 $0x1082;
	s9 =	sld [smem:$0x3FB2]  }
0x2f: {  	lr =	sadd.s32 s0, s3;
	s0 =	sld [smem:$0x3FA9]  }
0x30: {  	s3 =	sld [smem:$0x3FAC]  }
0x31: {  	[smem:$0x3FB5] =	sst s10  }
0x32: {  	s10 =	sld [smem:$0x3FB3];
	_ =	sdelay $0x3  }
0x33: {  	p0 =	seq.s32 s10, $0x1;
	s10 =	sld [smem:$0x3FB5];
	_ =	sdelay $0x3  }
0x34: {  	[smem:$0x3FB5] =	sst s10  }
0x35: {  	s10 =	sld [smem:$0x3FB4];
	_ =	sdelay $0x3  }
0x36: {  	p1 =	seq.s32 s10, $0x1;
	s10 =	sld [smem:$0x3FB5];
	_ =	sdelay $0x3  }
0x37: {  	[smem:$0x3FB5] =	sst s10  }
0x38: {  	s10 =	sld [smem:$0x3FB6]  }
0x39: {  	_ = 	snop;
	(pc) =	sbr.ind lr, $3  }
0x3a: {  	_ = 	snop  }
0x3b: {  	_ = 	snop  }
0x3c: {  	p2 =	seq.s32 s10, $0x1;
	s10 =	sld [smem:$0x3FB5]  }
0x3d: {  	_ =	shalt  }
0x3e: {  	_ =	shalt  }
0x3f: {  	_ =	shalt  }
0x40: {  	_ =	shalt  }
0x41: {  	_ =	shalt  }
0x42: {  	_ =	shalt  }
0x43: {  	_ =	shalt  }
0x44: {  	_ =	shalt  }
0x45: {  	_ =	shalt  }
0x46: {  	_ =	shalt  }
0x47: {  	_ =	shalt  }
0x48: {  	_ =	shalt  }
0x49: {  	_ =	shalt  }
0x4a: {  	_ =	shalt  }
0x4b: {  	_ =	shalt  }
0x4c: {  	_ =	shalt  }
0x4d: {  	_ =	shalt  }
0x4e: {  	_ =	shalt  }
0x4f: {  	_ =	shalt  }
0x50: {  	_ =	shalt  }
0x51: {  	_ =	shalt  }
0x52: {  	_ =	shalt  }
0x53: {  	_ =	shalt  }
0x54: {  	_ =	shalt  }
0x55: {  	_ =	shalt  }
0x56: {  	_ =	shalt  }
0x57: {  	_ =	shalt  }
0x58: {  	_ =	shalt  }
0x59: {  	_ =	shalt  }
0x5a: {  	_ =	shalt  }
0x5b: {  	_ =	shalt  }
0x5c: {  	_ =	shalt  }
0x5d: {  	_ =	shalt  }
0x5e: {  	_ =	shalt  }
0x5f: {  	_ =	shalt  }
0x60: {  	_ =	shalt  }
0x61: {  	_ =	shalt  }
0x62: {  	_ =	shalt  }
0x63: {  	_ =	shalt  }
0x64: {  	_ =	shalt  }
0x65: {  	_ =	shalt  }
0x66: {  	_ =	shalt  }
0x67: {  	_ =	shalt  }
0x68: {  	_ =	shalt  }
0x69: {  	_ =	shalt  }
0x6a: {  	_ =	shalt  }
0x6b: {  	_ =	shalt  }
0x6c: {  	_ =	shalt  }
0x6d: {  	_ =	shalt  }
0x6e: {  	_ =	shalt  }
0x6f: {  	_ =	shalt  }
0x70: {  	_ =	shalt  }
0x71: {  	_ =	shalt  }
0x72: {  	_ =	shalt  }
0x73: {  	_ =	shalt  }
0x74: {  	_ =	shalt  }
0x75: {  	_ =	shalt  }
0x76: {  	_ =	shalt  }
0x77: {  	_ =	shalt  }
0x78: {  	_ =	shalt  }
0x79: {  	_ =	shalt  }
0x7a: {  	_ =	shalt  }
0x7b: {  	_ =	shalt  }
0x7c: {  	_ =	shalt  }
0x7d: {  	_ =	shalt  }
0x7e: {  	_ =	shalt  }
0x7f: {  	_ =	shalt  }
0x80: {  	_ =	shalt  }
0x81: {  	_ =	shalt  }
0x82: {  	_ =	shalt  }
0x83: {  	_ =	shalt  }
0x84: {  	_ =	shalt  }
0x85: {  	_ =	shalt  }
0x86: {  	_ =	shalt  }
0x87: {  	_ =	shalt  }
.Lfunc_end0:
.L_simem_size_0:
called_computation.3_lowered:
.L_overlay_start_0:
0x88: {  	s2 =	sld [smem:$0x3FD9]  }
0x89: {  	s3 =	sld [smem:$0x3FFE];
	_ =	sdelay $0x1  }
0x8a: {  	s1 =	srdreg.scid  }
0x8b: {  	s0 =	sand.u32 $0x1, s1  }
0x8c: {  	s17 =	sshll.u32 s0, $0xA;
	s2 =	sadd.s32 s3, s2  }
0x8d: {  	s2 =	sadd.s32 s2, s17  }
0x8e: {  	[smem:$0x3FC1] =	sst s2  }
0x8f: {  	_ = 	snop  }
0x90: {  	s2 =	sld [smem:$0x3FD0];
	(tm) =	ssettm $0x1  }
0x91: {  	s18 =	sld [smem:$0x3FFB];
	_ =	sdelay $0x3  }
0x92: {  	_ =	strace s18  }
0x93: {  	s3 =	sld [smem:$0x3FFC];
	_ =	sdelay $0x3  }
0x94: {  	_ =	strace s3  }
0x95: {  	s3 =	sld [smem:$0x3FFD];
	_ =	sdelay $0x3  }
0x96: {  	_ =	strace s3  }
0x97: {  	_ =	strace $0x8FFFFFFF  }
0x98: {  	s19 =	sld [smem:$0x3FDB];
	_ =	sdelay $0x1  }
0x99: {  	s4 =	simm.s32 $_scs_section_size  }
0x9a: {  	s5 =	simm.s32 $_size__tile_overlayer_lowered;
	s6 =	simm.s32 $_tile_overlayer_lowered  }
0x9b: {  	s22 =	simm.s32 $0x1BFF;
	s21 =	sshll.u32 s6, $0x1;
	s3 =	sadd.s32 s4, s19  }
0x9c: {  	s7 =	simm.s32 $0x0;
	s20 =	sshll.u32 s5, $0x1;
	s5 =	sadd.s32 s21, s3  }
0x9d: {  	[timem:s7], [sflag:s22] =	dma.local [hbm:s5], s20  }
0x9e: {  	_ =	swait.ge [sflag:s22], s20  }
0x9f: {  	s4 =	ssub.s32 $0x0, s20;
	[sflag:s22] =	ssyncset.done $0x0  }
0xa0: {  	[sflag:s22] =	ssyncadd.s32 s4;
	_ =	sdelay $0x1  }
0xa1: {  	s23 =	simm.s32 $0x1B8B  }
0xa2: {  	_ =	swait.ge [sflag:s23], $0x1  }
0xa3: {  	[sflag:s23] =	ssyncset.done $0x0  }
0xa4: {  	s25 =	simm.s32 $0x1B8E;
	s24 =	sld [smem:$0x3FFE];
	[sflag:s23] =	ssyncadd.s32 $0xFFFFFFFF  }
0xa5: {  	s26 =	simm.s32 $execute0_lowered;
	[smem:$0x3FD2] =	sst s25  }
0xa6: {  	s5 =	sshll.u32 s26, $0x1;
	_ =	strace $0x8000004F;
	[dreg:$0x1] =	wrdreg $0xFFFFFFFF  }
0xa7: {  	s28 =	simm.s32 $_size_execute0_lowered;
	s3 =	sadd.s32 s3, s5;
	[dreg:$0x0] =	wrdreg $0x0  }
0xa8: {  	s5 =	sshll.u32 s28, $0x1;
	[dreg:$0x2] =	wrdreg s3  }
0xa9: {  	[dreg:$0x3] =	wrdreg s5  }
0xaa: {  	[dreg:$0x4] =	wrdreg $0xC0  }
0xab: {  	_ =	task [dreg:s7], $0x5FFFF  }
0xac: {  	[dreg:$0x1] =	wrdreg $0xFFFFFFFF  }
0xad: {  	[dreg:$0x0] =	wrdreg $0x60  }
0xae: {  	[dreg:$0x2] =	wrdreg s2  }
0xaf: {  	[dreg:$0x3] =	wrdreg s24  }
0xb0: {  	[dreg:$0x4] =	wrdreg $0xCD000  }
0xb1: {  	[dreg:$0x5] =	wrdreg $0x9  }
0xb2: {  	_ =	task.clear_ibuf [dreg:s7], $0x6FFFF;
	_ =	strace $0x9000004F  }
0xb3: {  	s29 =	simm.s32 $0x9;
	_ =	strace $0x80000051  }
0xb4: {  	_ =	swait.ge [sflag:s29], $0x1  }
0xb5: {  	[sflag:s29] =	ssyncadd.s32 $0xFFFFFFFF  }
0xb6: {  	_ =	strace $0x90000051  }
0xb7: {  	_ =	sfence  }
0xb8: {  	s30 =	sld [smem:$0x0];
	_ =	sdelay $0x2  }
0xb9: {  	s31 =	sshll.u32 s1, $0xD;
	s1 =	sshrl.u32 s1, $0x2  }
0xba: {  	s3 =	sand.u32 $0x4000, s31;
	s1 =	sadd.s32 s1, s30  }
0xbb: {  	s0 =	sor.u32 s3, s0;
	s1 =	sshll.u32 s1, $0x11  }
0xbc: {  	s0 =	sor.u32 s1, s0  }
0xbd: {  	s0 =	sadd.s32 $0x8F2B, s0  }
0xbe: {  	[sflag:s0] =	ssyncadd.remote.s32 $0x1  }
0xbf: {  	_ =	sfence.sel $0xFFFF  }
0xc0: {  	[dreg:$0x0] =	wrdreg $0xFFFFFFFF;
	(pc) =	sbr.abs _section_cstart, $3  }
0xc1: {  	[dreg:$0x1] =	wrdreg $0xFFFFFFFF  }
0xc2: {  	_ =	task.clear_ibuf [dreg:s7], $0x2FFFF;
	_ =	strace $0x9FFFFFFF  }
0xc3: {  	(tm) =	ssettm $0x7FFFFFFF  }
tec
execute0_lowered:
.L_overlay_start_1:
0x0: {  	(tag) =	ssettag $0x1  }
0x1: {  	s1 =	srdreg.scid  }
0x2: {  	s1 =	sand.u32 $0x1, s1  }
0x3: {  	p0 =	seq.s32 s1, $0x1  }
.Ltmp0:
0x4: {  	s3 =	rddreg [dreg:$0x0];
	(pc) =	sbr.rel @p0 .LBB2_4-.Ltmp0, $4  }
0x5: {  	s5 =	rddreg [dreg:$0x1]  }
0x6: {  	s2 =	rddreg [dreg:$0x2];
	s4 =	simm.s32 $0x0  }
0x7: {  	[smem:$0x7FF] =	sst s4  }
0x8: {  	s0 =	rddreg [dreg:$0x3];
	_ =	strace $0x80000050;
	s1 =	stileid.u32  }
0x9: {  	s6 =	smul.u32 $0x9D0, s1;
	_ =	sdelay $0x1  }
0xa: {  	s3 =	sadd.s32 s3, s6  }
0xb: {  	[tilespmem:s4], [sflag:$0x1] =	stream.linear.gather [hbm4b:s3+s4], $0x4E80, $0x38;
	[tilespmem:$0x14500] =	vst v63  }
0xc: {  	s3 =	simm.s32 $0x1  }
0xd: {  	_ =	swait.ge [sflag:s3], $0x4E80  }
0xe: {  	s7 =	sadd.s32 $0x7600, s5;
	[sflag:s3] =	ssyncset.done $0x0  }
0xf: {  	s23 =	simm.s32 $0x4E80;
	s6 =	sadd.s32 s7, s6;
	[sflag:s3] =	ssyncadd.s32 $0xFFFFB180  }
0x10: {  	[tilespmem:s23], [sflag:$0x1] =	stream.linear.gather [hbm4b:s6+s4], $0x4E80, $0x38;
	[tilespmem:$0x14500] =	vst v63  }
0x11: {  	_ =	swait.ge [sflag:s3], $0x4E80  }
0x12: {  	[sflag:s3] =	ssyncset.done $0x0  }
0x13: {  	s24 =	sadd.s32 $0x70400, s5;
	s25 =	simm.s32 $0xB500;
	[sflag:s3] =	ssyncadd.s32 $0xFFFFB180  }
0x14: {  	[tilespmem:s25], [sflag:$0x1] =	stream.linear.gather [hbm4b:s24+s4], $0x1800, $0x38;
	[tilespmem:$0x14500] =	vst v63  }
0x15: {  	s9 =	smul.u32 $0x7800, s1;
	_ =	swait.ge [sflag:s3], $0x1800  }
0x16: {  	[sflag:s3] =	ssyncset.done $0x0  }
0x17: {  	s26 =	smul.u32 $0x1E000, s1;
	s4 =	sadd.s32 s9, s2;
	[sflag:s3] =	ssyncadd.s32 $0xFFFFE800  }
0x18: {  	[spmem:s4] =	stream.linear.scatter [tilespmem:s25], [sflag:$0x1], $0x1800, $0x38;
	[tilespmem:$0x14500] =	vst v63  }
0x19: {  	s6 =	sshrl.u32 s26, $0x2;
	_ =	swait.ge [sflag:s3], $0x1800  }
0x1a: {  	s6 =	sadd.s32 s6, s2;
	[sflag:s3] =	ssyncset.done $0x0  }
0x1b: {  	s8 =	sadd.s32 $0x1800, s6;
	[sflag:s3] =	ssyncadd.s32 $0xFFFFE800  }
0x1c: {  	[spmem:s8] =	stream.linear.scatter [tilespmem:s25], [sflag:$0x1], $0x1800, $0x38;
	[tilespmem:$0x14500] =	vst v63  }
0x1d: {  	_ =	swait.ge [sflag:s3], $0x1800  }
0x1e: {  	[sflag:s3] =	ssyncset.done $0x0  }
0x1f: {  	s28 =	sadd.s32 $0x3000, s6;
	[sflag:s3] =	ssyncadd.s32 $0xFFFFE800  }
0x20: {  	[spmem:s28] =	stream.linear.scatter [tilespmem:s25], [sflag:$0x1], $0x1800, $0x38;
	[tilespmem:$0x14500] =	vst v63  }
0x21: {  	_ =	swait.ge [sflag:s3], $0x1800  }
0x22: {  	[sflag:s3] =	ssyncset.done $0x0  }
0x23: {  	s29 =	sadd.s32 $0x4800, s6;
	[sflag:s3] =	ssyncadd.s32 $0xFFFFE800  }
0x24: {  	[spmem:s29] =	stream.linear.scatter [tilespmem:s25], [sflag:$0x1], $0x1800, $0x38;
	[tilespmem:$0x14500] =	vst v63  }
0x25: {  	_ =	swait.ge [sflag:s3], $0x1800  }
0x26: {  	[sflag:s3] =	ssyncset.done $0x0  }
0x27: {  	s6 =	sadd.s32 $0x6000, s6;
	[sflag:s3] =	ssyncadd.s32 $0xFFFFE800  }
0x28: {  	[spmem:s6] =	stream.linear.scatter [tilespmem:s25], [sflag:$0x1], $0x1800, $0x38;
	[tilespmem:$0x14500] =	vst v63  }
0x29: {  	_ =	swait.ge [sflag:s3], $0x1800  }
0x2a: {  	[sflag:s3] =	ssyncset.done $0x0  }
0x2b: {  	s10 =	simm.s32 $0x0;
	s7 =	simm.s32 $0x9D00;
	[sflag:s3] =	ssyncadd.s32 $0xFFFFE800  }
0x2c: {  	s8 =	sadd.s32 $0x61400, s5;
	s6 =	simm.s32 $0x80;
	[bflag:$0x0] =	sbarrier.arrive $0xFFFF  }
0x2d: {  	[tilespmem:s7], [sflag:$0x1] =	stream.indirect.gather [hbm4b:s8+s6], $0x30, s10, s6, $0xb8;
	[tilespmem:$0x14500] =	vst v63  }
0x2e: {  	_ =	swait.ge [sflag:s3], $0x1800  }
0x2f: {  	[sflag:s3] =	ssyncset.done $0x0  }
0x30: {  	s31 =	simm.s32 $0x4E80;
	s9 =	sshrl.u32 s9, $0x3;
	[sflag:s3] =	ssyncadd.s32 $0xFFFFE800  }
0x31: {  	[spmem:s2] =	stream.indirect.scatter.add.f32 [tilespmem:s7], [sflag:$0x1], $0x30, s31, s6, $0xb8;
	[tilespmem:$0x14500] =	vst v63  }
0x32: {  	s30 =	sadd.s32 s9, s5;
	s9 =	simm.s32 $0x200;
	_ =	swait.ge [sflag:s3], $0x1800  }
0x33: {  	s5 =	sadd.s32 $0x70800, s30;
	s10 =	simm.s32 $0x400;
	[sflag:s3] =	ssyncset.done $0x0  }
.LBB2_2:
0x34: {  	s11 =	sshra.s32 s9, $0x2  }
0x35: {  	[sflag:s3] =	ssyncadd.s32 $0xFFFFE800;
	s9 =	smov.u32 s10;
	s12 =	sadd.s32 $0x200, s10  }
0x36: {  	[tilespmem:s7], [sflag:$0x1] =	stream.indirect.gather [hbm4b:s8+s6], $0x30, s11, s6, $0xb8;
	[tilespmem:$0x14500] =	vst v63  }
0x37: {  	p0 =	sne.s32 s10, $0x13800;
	_ =	swait.ge [sflag:s3], $0x1800  }
.Ltmp1:
0x38: {  	[sflag:s3] =	ssyncset.done $0x0;
	(pc) =	sbr.rel @p0 .LBB2_2-.Ltmp1, $4  }
0x39: {  	s10 =	sadd.s32 $0x4E80, s11;
	[sflag:s3] =	ssyncadd.s32 $0xFFFFE800  }
0x3a: {  	[spmem:s2] =	stream.indirect.scatter.add.f32 [tilespmem:s7], [sflag:$0x1], $0x30, s10, s6, $0xb8;
	[tilespmem:$0x14500] =	vst v63  }
0x3b: {  	_ =	swait.ge [sflag:s3], $0x1800  }
0x3c: {  	s10 =	smov.u32 s12;
	[sflag:s3] =	ssyncset.done $0x0  }
0x3d: {  	s9 =	sshra.s32 s9, $0x2;
	[sflag:s3] =	ssyncadd.s32 $0xFFFFE800  }
0x3e: {  	[tilespmem:s7], [sflag:$0x1] =	stream.indirect.gather [hbm4b:s8+s6], $0x30, s9, s6, $0xb8;
	[tilespmem:$0x14500] =	vst v63  }
0x3f: {  	_ =	swait.ge [sflag:s3], $0x1800  }
0x40: {  	[sflag:s3] =	ssyncset.done $0x0  }
0x41: {  	s28 =	sadd.s32 $0x4E80, s9;
	[sflag:s3] =	ssyncadd.s32 $0xFFFFE800  }
0x42: {  	[spmem:s2] =	stream.indirect.scatter.add.f32 [tilespmem:s7], [sflag:$0x1], $0x30, s28, s6, $0xb8;
	[tilespmem:$0x14500] =	vst v63  }
0x43: {  	_ =	swait.ge [sflag:s3], $0x1800  }
0x44: {  	[sflag:s3] =	ssyncset.done $0x0  }
0x45: {  	s29 =	sshll.u32 s1, $0x6;
	s30 =	sshrl.u32 s4, $0x3;
	[sflag:s3] =	ssyncadd.s32 $0xFFFFE800  }
0x46: {  	s31 =	simm.s32 $0x1;
	s2 =	sor.u32 $0x1C01, s29;
	[bflag:$0x0] =	sbarrier.arrive $0xFFFF  }
0x47: {  	[hbm:s5], [sflag:s2] =	dma.local [spmem:s30], $0xF00  }
0x48: {  	_ =	swait.ge [sflag:s31], $0xF00  }
0x49: {  	[sflag:s31] =	ssyncset.done $0x0  }
0x4a: {  	[sflag:s31] =	ssyncadd.s32 $0xFFFFF100  }
.LBB2_4:
0x4b: {  	_ =	sfence.sel $0x180000  }
0x4c: {  	[bflag:$0x0] =	sbarrier.arrive $0xFFFF  }
0x4d: {  	p0 =	sne.s32 s1, $0x0;
	_ =	strace $0x90000050  }
0x4e: {  	s0 =	sadd.s32 @!p0 $0x100000, s0;
	[bflag:$0x2] =	sbarrier.arrive $0xFFFF  }
0x4f: {  	[sflag:s0] =	ssyncadd.tile.s32 @!p0 $0x1;
	_ =	shalt  }
.Lfunc_end2:
_tile_overlayer_lowered:
.L_overlay_start_2:
0x50: {  	(tag) =	ssettag $0x2  }
0x51: {  	s0 =	rddreg [dreg:$0x0];
	s2 =	stileid.u32  }
0x52: {  	s1 =	rddreg [dreg:$0x1];
	p0 =	sne.s32 s2, $0x0  }
0x53: {  	s3 =	rddreg [dreg:$0x2];
	[bflag:$0x3] =	sbarrier.arrive $0xFFFF;
	s2 =	simm.s32 @!p0 $0x1C01  }
0x54: {  	[timem:s3], [sflag:s2] =	dma.local @!p0 [hbm:s0], s1  }
0x55: {  	s0 =	simm.s32 @!p0 $0x1  }
0x56: {  	_ =	swait.ge @!p0 [sflag:s0], s1  }
0x57: {  	s1 =	ssub.s32 @!p0 $0x0, s1;
	[sflag:s0] =	ssyncset.done @!p0 $0x0  }
0x58: {  	[sflag:s0] =	ssyncadd.s32 @!p0 s1  }
0x59: {  	[bflag:$0x3] =	sbarrier.arrive $0xFFFF  }
0x5a: {  	_ =	shalt  }

// kernel: kernel.36.cloned.1.call-start
scs
__scs_entry_jumppad:
0x0: {  	(pc) =	sbr.rel $0x88, $3  }
0x1: {  	(tag) =	ssettag $0x0;
	lr =	simm.s32 $0x1  }
0x2: {  	[smem:$0x3F9A] =	sst lr;
	_ =	strace $0xD0000000  }
0x3: {  	_ = 	snop  }
0x4: {  	_ = 	snop  }
0x5: {  	_ = 	snop  }
0x6: {  	_ = 	snop  }
0x7: {  	_ = 	snop  }
__scs_overlays_trampoline_lowered:
0x8: {  	[smem:$0x3FA9] =	sst s0  }
0x9: {  	[smem:$0x3FAA] =	sst s1  }
0xa: {  	[smem:$0x3FAB] =	sst s2  }
0xb: {  	[smem:$0x3FAC] =	sst s3  }
0xc: {  	[smem:$0x3FAD] =	sst s4  }
0xd: {  	[smem:$0x3FAE] =	sst s5  }
0xe: {  	[smem:$0x3FAF] =	sst s6  }
0xf: {  	[smem:$0x3FB0] =	sst s7  }
0x10: {  	[smem:$0x3FB1] =	sst s8  }
0x11: {  	[smem:$0x3FB2] =	sst s9;
	s0 =	simm.s32 @!p0 $0x0  }
0x12: {  	s1 =	sld [smem:$0x3F98];
	s0 =	simm.s32 @p0 $0x1  }
0x13: {  	[smem:$0x3FB3] =	sst s0;
	s0 =	simm.s32 @!p1 $0x0  }
0x14: {  	s2 =	sld [smem:$0x3F97];
	s0 =	simm.s32 @p1 $0x1  }
0x15: {  	[smem:$0x3FB4] =	sst s0;
	s0 =	simm.s32 @!p2 $0x0  }
0x16: {  	s3 =	sld [smem:$0x3FDB];
	s0 =	simm.s32 @p2 $0x1  }
0x17: {  	s4 =	simm.s32 $0x1BF5;
	[smem:$0x3FB6] =	sst s0  }
0x18: {  	s0 =	sld [smem:$0x3F99];
	_ =	swait.ge [sflag:s4], $0x0  }
0x19: {  	s7 =	sld [smem:$0x3F9A]  }
0x1a: {  	s8 =	sadd.s32 $0xFFFFE003, lr  }
0x1b: {  	s9 =	sadd.s32 $0xFFFFFEF7, lr;
	s5 =	simm.s32 $0xFFFFFFFF;
	p2 =	slt.u32 s8, $0xFFFFF086  }
0x1c: {  	p1 =	slt.u32 s9, $0xF7A;
	s5 =	simm.s32 @!p2 $0x0  }
0x1d: {  	s5 =	simm.s32 @p1 $0x1;
	p0 =	seq.s32 s7, s2  }
0x1e: {  	s7 =	smul.u32 @!p0 $0xF7A, s2;
	p2 =	seq.s32 @!p0 s5, $0x0  }
0x1f: {  	s9 =	smul.u32 $0xF7A, s1;
	s8 =	simm.s32 @!p0 $0x1BF5;
	p2 =	por !p2, p0  }
0x20: {  	[sflag:s8] =	ssyncset.s32 @!p0 $0xFFFFF086;
	s6 =	sadd.s32 @!p0 s3, s7;
	s7 =	simm.s32 @!p0 $0x108  }
0x21: {  	s3 =	sadd.s32 s3, s9;
	s6 =	sadd.s32 @!p0 $0x88, s6;
	s7 =	simm.s32 @p2 $0x1082  }
0x22: {  	[simem:s7], [sflag:s8] =	dma.local @!p0 [hbm:s6], $0xF7A  }
0x23: {  	s9 =	sor.u32 $0xD0000000, s2;
	s6 =	simm.s32 $0x108;
	_ =	swait.ge @!p0 [sflag:s8], $0x0  }
0x24: {  	s3 =	sadd.s32 $0x88, s3;
	s6 =	simm.s32 @!p1 $0x1082;
	[sflag:s4] =	ssyncset.s32 $0xFFFFF086  }
0x25: {  	[simem:s6], [sflag:s4] =	dma.local [hbm:s3], $0xF7A  }
0x26: {  	[smem:$0x3F9A] =	sst s1;
	(tag) =	ssettag s2;
	_ =	strace s9  }
0x27: {  	s1 =	sld [smem:$0x3FAA]  }
0x28: {  	s2 =	sld [smem:$0x3FAB]  }
0x29: {  	s4 =	sld [smem:$0x3FAD]  }
0x2a: {  	p0 =	seq.s32 s5, $0x0;
	s5 =	sld [smem:$0x3FAE]  }
0x2b: {  	s6 =	sld [smem:$0x3FAF]  }
0x2c: {  	s7 =	sld [smem:$0x3FB0]  }
0x2d: {  	s3 =	simm.s32 $0x108;
	s8 =	sld [smem:$0x3FB1]  }
0x2e: {  	s3 =	simm.s32 @!p0 $0x1082;
	s9 =	sld [smem:$0x3FB2]  }
0x2f: {  	lr =	sadd.s32 s0, s3;
	s0 =	sld [smem:$0x3FA9]  }
0x30: {  	s3 =	sld [smem:$0x3FAC]  }
0x31: {  	[smem:$0x3FB5] =	sst s10  }
0x32: {  	s10 =	sld [smem:$0x3FB3];
	_ =	sdelay $0x3  }
0x33: {  	p0 =	seq.s32 s10, $0x1;
	s10 =	sld [smem:$0x3FB5];
	_ =	sdelay $0x3  }
0x34: {  	[smem:$0x3FB5] =	sst s10  }
0x35: {  	s10 =	sld [smem:$0x3FB4];
	_ =	sdelay $0x3  }
0x36: {  	p1 =	seq.s32 s10, $0x1;
	s10 =	sld [smem:$0x3FB5];
	_ =	sdelay $0x3  }
0x37: {  	[smem:$0x3FB5] =	sst s10  }
0x38: {  	s10 =	sld [smem:$0x3FB6]  }
0x39: {  	_ = 	snop;
	(pc) =	sbr.ind lr, $3  }
0x3a: {  	_ = 	snop  }
0x3b: {  	_ = 	snop  }
0x3c: {  	p2 =	seq.s32 s10, $0x1;
	s10 =	sld [smem:$0x3FB5]  }
0x3d: {  	_ =	shalt  }
0x3e: {  	_ =	shalt  }
0x3f: {  	_ =	shalt  }
0x40: {  	_ =	shalt  }
0x41: {  	_ =	shalt  }
0x42: {  	_ =	shalt  }
0x43: {  	_ =	shalt  }
0x44: {  	_ =	shalt  }
0x45: {  	_ =	shalt  }
0x46: {  	_ =	shalt  }
0x47: {  	_ =	shalt  }
0x48: {  	_ =	shalt  }
0x49: {  	_ =	shalt  }
0x4a: {  	_ =	shalt  }
0x4b: {  	_ =	shalt  }
0x4c: {  	_ =	shalt  }
0x4d: {  	_ =	shalt  }
0x4e: {  	_ =	shalt  }
0x4f: {  	_ =	shalt  }
0x50: {  	_ =	shalt  }
0x51: {  	_ =	shalt  }
0x52: {  	_ =	shalt  }
0x53: {  	_ =	shalt  }
0x54: {  	_ =	shalt  }
0x55: {  	_ =	shalt  }
0x56: {  	_ =	shalt  }
0x57: {  	_ =	shalt  }
0x58: {  	_ =	shalt  }
0x59: {  	_ =	shalt  }
0x5a: {  	_ =	shalt  }
0x5b: {  	_ =	shalt  }
0x5c: {  	_ =	shalt  }
0x5d: {  	_ =	shalt  }
0x5e: {  	_ =	shalt  }
0x5f: {  	_ =	shalt  }
0x60: {  	_ =	shalt  }
0x61: {  	_ =	shalt  }
0x62: {  	_ =	shalt  }
0x63: {  	_ =	shalt  }
0x64: {  	_ =	shalt  }
0x65: {  	_ =	shalt  }
0x66: {  	_ =	shalt  }
0x67: {  	_ =	shalt  }
0x68: {  	_ =	shalt  }
0x69: {  	_ =	shalt  }
0x6a: {  	_ =	shalt  }
0x6b: {  	_ =	shalt  }
0x6c: {  	_ =	shalt  }
0x6d: {  	_ =	shalt  }
0x6e: {  	_ =	shalt  }
0x6f: {  	_ =	shalt  }
0x70: {  	_ =	shalt  }
0x71: {  	_ =	shalt  }
0x72: {  	_ =	shalt  }
0x73: {  	_ =	shalt  }
0x74: {  	_ =	shalt  }
0x75: {  	_ =	shalt  }
0x76: {  	_ =	shalt  }
0x77: {  	_ =	shalt  }
0x78: {  	_ =	shalt  }
0x79: {  	_ =	shalt  }
0x7a: {  	_ =	shalt  }
0x7b: {  	_ =	shalt  }
0x7c: {  	_ =	shalt  }
0x7d: {  	_ =	shalt  }
0x7e: {  	_ =	shalt  }
0x7f: {  	_ =	shalt  }
0x80: {  	_ =	shalt  }
0x81: {  	_ =	shalt  }
0x82: {  	_ =	shalt  }
0x83: {  	_ =	shalt  }
0x84: {  	_ =	shalt  }
0x85: {  	_ =	shalt  }
0x86: {  	_ =	shalt  }
0x87: {  	_ =	shalt  }
.Lfunc_end0:
.L_simem_size_0:
called_computation.4_lowered:
.L_overlay_start_0:
0x88: {  	s2 =	sld [smem:$0x3FD9]  }
0x89: {  	s3 =	sld [smem:$0x3FFE];
	_ =	sdelay $0x1  }
0x8a: {  	s1 =	srdreg.scid  }
0x8b: {  	s0 =	sand.u32 $0x1, s1  }
0x8c: {  	s17 =	sshll.u32 s0, $0xA;
	s2 =	sadd.s32 s3, s2  }
0x8d: {  	s2 =	sadd.s32 s2, s17  }
0x8e: {  	[smem:$0x3FC1] =	sst s2  }
0x8f: {  	_ = 	snop  }
0x90: {  	s2 =	sld [smem:$0x3FD0];
	(tm) =	ssettm $0x1  }
0x91: {  	s18 =	sld [smem:$0x3FFB];
	_ =	sdelay $0x3  }
0x92: {  	_ =	strace s18  }
0x93: {  	s3 =	sld [smem:$0x3FFC];
	_ =	sdelay $0x3  }
0x94: {  	_ =	strace s3  }
0x95: {  	s3 =	sld [smem:$0x3FFD];
	_ =	sdelay $0x3  }
0x96: {  	_ =	strace s3  }
0x97: {  	_ =	strace $0x8FFFFFFF  }
0x98: {  	s19 =	sld [smem:$0x3FDB];
	_ =	sdelay $0x1  }
0x99: {  	s4 =	simm.s32 $_scs_section_size  }
0x9a: {  	s5 =	simm.s32 $_size__tile_overlayer_lowered;
	s6 =	simm.s32 $_tile_overlayer_lowered  }
0x9b: {  	s22 =	simm.s32 $0x1BFF;
	s21 =	sshll.u32 s6, $0x1;
	s3 =	sadd.s32 s4, s19  }
0x9c: {  	s7 =	simm.s32 $0x0;
	s20 =	sshll.u32 s5, $0x1;
	s5 =	sadd.s32 s21, s3  }
0x9d: {  	[timem:s7], [sflag:s22] =	dma.local [hbm:s5], s20  }
0x9e: {  	_ =	swait.ge [sflag:s22], s20  }
0x9f: {  	s4 =	ssub.s32 $0x0, s20;
	[sflag:s22] =	ssyncset.done $0x0  }
0xa0: {  	[sflag:s22] =	ssyncadd.s32 s4;
	_ =	sdelay $0x1  }
0xa1: {  	s23 =	simm.s32 $0x1B8B  }
0xa2: {  	_ =	swait.ge [sflag:s23], $0x1  }
0xa3: {  	[sflag:s23] =	ssyncset.done $0x0  }
0xa4: {  	s25 =	simm.s32 $0x1B8E;
	s24 =	sld [smem:$0x3FFE];
	[sflag:s23] =	ssyncadd.s32 $0xFFFFFFFF  }
0xa5: {  	s26 =	simm.s32 $execute0_lowered;
	[smem:$0x3FD2] =	sst s25  }
0xa6: {  	s5 =	sshll.u32 s26, $0x1;
	_ =	strace $0x80000052;
	[dreg:$0x1] =	wrdreg $0xFFFFFFFF  }
0xa7: {  	s28 =	simm.s32 $_size_execute0_lowered;
	s3 =	sadd.s32 s3, s5;
	[dreg:$0x0] =	wrdreg $0x0  }
0xa8: {  	s5 =	sshll.u32 s28, $0x1;
	[dreg:$0x2] =	wrdreg s3  }
0xa9: {  	[dreg:$0x3] =	wrdreg s5  }
0xaa: {  	[dreg:$0x4] =	wrdreg $0xC0  }
0xab: {  	_ =	task [dreg:s7], $0x5FFFF  }
0xac: {  	[dreg:$0x1] =	wrdreg $0xFFFFFFFF  }
0xad: {  	[dreg:$0x0] =	wrdreg $0x60  }
0xae: {  	[dreg:$0x2] =	wrdreg s2  }
0xaf: {  	[dreg:$0x3] =	wrdreg s24  }
0xb0: {  	[dreg:$0x4] =	wrdreg $0xCD000  }
0xb1: {  	[dreg:$0x5] =	wrdreg $0x9  }
0xb2: {  	_ =	task.clear_ibuf [dreg:s7], $0x6FFFF;
	_ =	strace $0x90000052  }
0xb3: {  	s29 =	simm.s32 $0x9;
	_ =	strace $0x80000054  }
0xb4: {  	_ =	swait.ge [sflag:s29], $0x1  }
0xb5: {  	[sflag:s29] =	ssyncadd.s32 $0xFFFFFFFF  }
0xb6: {  	_ =	strace $0x90000054  }
0xb7: {  	_ =	sfence  }
0xb8: {  	s30 =	sld [smem:$0x0];
	_ =	sdelay $0x2  }
0xb9: {  	s31 =	sshll.u32 s1, $0xD;
	s1 =	sshrl.u32 s1, $0x2  }
0xba: {  	s3 =	sand.u32 $0x4000, s31;
	s1 =	sadd.s32 s1, s30  }
0xbb: {  	s0 =	sor.u32 s3, s0;
	s1 =	sshll.u32 s1, $0x11  }
0xbc: {  	s0 =	sor.u32 s1, s0  }
0xbd: {  	s0 =	sadd.s32 $0x8F2B, s0  }
0xbe: {  	[sflag:s0] =	ssyncadd.remote.s32 $0x1  }
0xbf: {  	_ =	sfence.sel $0xFFFF  }
0xc0: {  	[dreg:$0x0] =	wrdreg $0xFFFFFFFF;
	(pc) =	sbr.abs _section_cstart, $3  }
0xc1: {  	[dreg:$0x1] =	wrdreg $0xFFFFFFFF  }
0xc2: {  	_ =	task.clear_ibuf [dreg:s7], $0x2FFFF;
	_ =	strace $0x9FFFFFFF  }
0xc3: {  	(tm) =	ssettm $0x7FFFFFFF  }
tec
execute0_lowered:
.L_overlay_start_1:
0x0: {  	(tag) =	ssettag $0x1  }
0x1: {  	s1 =	srdreg.scid  }
0x2: {  	s1 =	sand.u32 $0x1, s1  }
0x3: {  	p0 =	seq.s32 s1, $0x1  }
.Ltmp0:
0x4: {  	s3 =	rddreg [dreg:$0x0];
	(pc) =	sbr.rel @p0 .LBB2_4-.Ltmp0, $4  }
0x5: {  	s5 =	rddreg [dreg:$0x1]  }
0x6: {  	s2 =	rddreg [dreg:$0x2];
	s4 =	simm.s32 $0x0  }
0x7: {  	[smem:$0x7FF] =	sst s4  }
0x8: {  	s0 =	rddreg [dreg:$0x3];
	_ =	strace $0x80000053;
	s1 =	stileid.u32  }
0x9: {  	s6 =	smul.u32 $0x9D0, s1;
	_ =	sdelay $0x1  }
0xa: {  	s3 =	sadd.s32 s3, s6  }
0xb: {  	[tilespmem:s4], [sflag:$0x1] =	stream.linear.gather [hbm4b:s3+s4], $0x4E80, $0x38;
	[tilespmem:$0x14500] =	vst v63  }
0xc: {  	s3 =	simm.s32 $0x1  }
0xd: {  	_ =	swait.ge [sflag:s3], $0x4E80  }
0xe: {  	s7 =	sadd.s32 $0x7600, s5;
	[sflag:s3] =	ssyncset.done $0x0  }
0xf: {  	s23 =	simm.s32 $0x4E80;
	s6 =	sadd.s32 s7, s6;
	[sflag:s3] =	ssyncadd.s32 $0xFFFFB180  }
0x10: {  	[tilespmem:s23], [sflag:$0x1] =	stream.linear.gather [hbm4b:s6+s4], $0x4E80, $0x38;
	[tilespmem:$0x14500] =	vst v63  }
0x11: {  	_ =	swait.ge [sflag:s3], $0x4E80  }
0x12: {  	[sflag:s3] =	ssyncset.done $0x0  }
0x13: {  	s24 =	sadd.s32 $0x70400, s5;
	s25 =	simm.s32 $0xB500;
	[sflag:s3] =	ssyncadd.s32 $0xFFFFB180  }
0x14: {  	[tilespmem:s25], [sflag:$0x1] =	stream.linear.gather [hbm4b:s24+s4], $0x1800, $0x38;
	[tilespmem:$0x14500] =	vst v63  }
0x15: {  	s9 =	smul.u32 $0x7800, s1;
	_ =	swait.ge [sflag:s3], $0x1800  }
0x16: {  	[sflag:s3] =	ssyncset.done $0x0  }
0x17: {  	s26 =	smul.u32 $0x1E000, s1;
	s4 =	sadd.s32 s9, s2;
	[sflag:s3] =	ssyncadd.s32 $0xFFFFE800  }
0x18: {  	[spmem:s4] =	stream.linear.scatter [tilespmem:s25], [sflag:$0x1], $0x1800, $0x38;
	[tilespmem:$0x14500] =	vst v63  }
0x19: {  	s6 =	sshrl.u32 s26, $0x2;
	_ =	swait.ge [sflag:s3], $0x1800  }
0x1a: {  	s6 =	sadd.s32 s6, s2;
	[sflag:s3] =	ssyncset.done $0x0  }
0x1b: {  	s8 =	sadd.s32 $0x1800, s6;
	[sflag:s3] =	ssyncadd.s32 $0xFFFFE800  }
0x1c: {  	[spmem:s8] =	stream.linear.scatter [tilespmem:s25], [sflag:$0x1], $0x1800, $0x38;
	[tilespmem:$0x14500] =	vst v63  }
0x1d: {  	_ =	swait.ge [sflag:s3], $0x1800  }
0x1e: {  	[sflag:s3] =	ssyncset.done $0x0  }
0x1f: {  	s28 =	sadd.s32 $0x3000, s6;
	[sflag:s3] =	ssyncadd.s32 $0xFFFFE800  }
0x20: {  	[spmem:s28] =	stream.linear.scatter [tilespmem:s25], [sflag:$0x1], $0x1800, $0x38;
	[tilespmem:$0x14500] =	vst v63  }
0x21: {  	_ =	swait.ge [sflag:s3], $0x1800  }
0x22: {  	[sflag:s3] =	ssyncset.done $0x0  }
0x23: {  	s29 =	sadd.s32 $0x4800, s6;
	[sflag:s3] =	ssyncadd.s32 $0xFFFFE800  }
0x24: {  	[spmem:s29] =	stream.linear.scatter [tilespmem:s25], [sflag:$0x1], $0x1800, $0x38;
	[tilespmem:$0x14500] =	vst v63  }
0x25: {  	_ =	swait.ge [sflag:s3], $0x1800  }
0x26: {  	[sflag:s3] =	ssyncset.done $0x0  }
0x27: {  	s6 =	sadd.s32 $0x6000, s6;
	[sflag:s3] =	ssyncadd.s32 $0xFFFFE800  }
0x28: {  	[spmem:s6] =	stream.linear.scatter [tilespmem:s25], [sflag:$0x1], $0x1800, $0x38;
	[tilespmem:$0x14500] =	vst v63  }
0x29: {  	_ =	swait.ge [sflag:s3], $0x1800  }
0x2a: {  	[sflag:s3] =	ssyncset.done $0x0  }
0x2b: {  	s10 =	simm.s32 $0x0;
	s7 =	simm.s32 $0x9D00;
	[sflag:s3] =	ssyncadd.s32 $0xFFFFE800  }
0x2c: {  	s8 =	sadd.s32 $0x61400, s5;
	s6 =	simm.s32 $0x80;
	[bflag:$0x0] =	sbarrier.arrive $0xFFFF  }
0x2d: {  	[tilespmem:s7], [sflag:$0x1] =	stream.indirect.gather [hbm4b:s8+s6], $0x30, s10, s6, $0xb8;
	[tilespmem:$0x14500] =	vst v63  }
0x2e: {  	_ =	swait.ge [sflag:s3], $0x1800  }
0x2f: {  	[sflag:s3] =	ssyncset.done $0x0  }
0x30: {  	s31 =	simm.s32 $0x4E80;
	s9 =	sshrl.u32 s9, $0x3;
	[sflag:s3] =	ssyncadd.s32 $0xFFFFE800  }
0x31: {  	[spmem:s2] =	stream.indirect.scatter.add.f32 [tilespmem:s7], [sflag:$0x1], $0x30, s31, s6, $0xb8;
	[tilespmem:$0x14500] =	vst v63  }
0x32: {  	s30 =	sadd.s32 s9, s5;
	s9 =	simm.s32 $0x200;
	_ =	swait.ge [sflag:s3], $0x1800  }
0x33: {  	s5 =	sadd.s32 $0x70800, s30;
	s10 =	simm.s32 $0x400;
	[sflag:s3] =	ssyncset.done $0x0  }
.LBB2_2:
0x34: {  	s11 =	sshra.s32 s9, $0x2  }
0x35: {  	[sflag:s3] =	ssyncadd.s32 $0xFFFFE800;
	s9 =	smov.u32 s10;
	s12 =	sadd.s32 $0x200, s10  }
0x36: {  	[tilespmem:s7], [sflag:$0x1] =	stream.indirect.gather [hbm4b:s8+s6], $0x30, s11, s6, $0xb8;
	[tilespmem:$0x14500] =	vst v63  }
0x37: {  	p0 =	sne.s32 s10, $0x13800;
	_ =	swait.ge [sflag:s3], $0x1800  }
.Ltmp1:
0x38: {  	[sflag:s3] =	ssyncset.done $0x0;
	(pc) =	sbr.rel @p0 .LBB2_2-.Ltmp1, $4  }
0x39: {  	s10 =	sadd.s32 $0x4E80, s11;
	[sflag:s3] =	ssyncadd.s32 $0xFFFFE800  }
0x3a: {  	[spmem:s2] =	stream.indirect.scatter.add.f32 [tilespmem:s7], [sflag:$0x1], $0x30, s10, s6, $0xb8;
	[tilespmem:$0x14500] =	vst v63  }
0x3b: {  	_ =	swait.ge [sflag:s3], $0x1800  }
0x3c: {  	s10 =	smov.u32 s12;
	[sflag:s3] =	ssyncset.done $0x0  }
0x3d: {  	s9 =	sshra.s32 s9, $0x2;
	[sflag:s3] =	ssyncadd.s32 $0xFFFFE800  }
0x3e: {  	[tilespmem:s7], [sflag:$0x1] =	stream.indirect.gather [hbm4b:s8+s6], $0x30, s9, s6, $0xb8;
	[tilespmem:$0x14500] =	vst v63  }
0x3f: {  	_ =	swait.ge [sflag:s3], $0x1800  }
0x40: {  	[sflag:s3] =	ssyncset.done $0x0  }
0x41: {  	s28 =	sadd.s32 $0x4E80, s9;
	[sflag:s3] =	ssyncadd.s32 $0xFFFFE800  }
0x42: {  	[spmem:s2] =	stream.indirect.scatter.add.f32 [tilespmem:s7], [sflag:$0x1], $0x30, s28, s6, $0xb8;
	[tilespmem:$0x14500] =	vst v63  }
0x43: {  	_ =	swait.ge [sflag:s3], $0x1800  }
0x44: {  	[sflag:s3] =	ssyncset.done $0x0  }
0x45: {  	s29 =	sshll.u32 s1, $0x6;
	s30 =	sshrl.u32 s4, $0x3;
	[sflag:s3] =	ssyncadd.s32 $0xFFFFE800  }
0x46: {  	s31 =	simm.s32 $0x1;
	s2 =	sor.u32 $0x1C01, s29;
	[bflag:$0x0] =	sbarrier.arrive $0xFFFF  }
0x47: {  	[hbm:s5], [sflag:s2] =	dma.local [spmem:s30], $0xF00  }
0x48: {  	_ =	swait.ge [sflag:s31], $0xF00  }
0x49: {  	[sflag:s31] =	ssyncset.done $0x0  }
0x4a: {  	[sflag:s31] =	ssyncadd.s32 $0xFFFFF100  }
.LBB2_4:
0x4b: {  	_ =	sfence.sel $0x180000  }
0x4c: {  	[bflag:$0x0] =	sbarrier.arrive $0xFFFF  }
0x4d: {  	p0 =	sne.s32 s1, $0x0;
	_ =	strace $0x90000053  }
0x4e: {  	s0 =	sadd.s32 @!p0 $0x100000, s0;
	[bflag:$0x2] =	sbarrier.arrive $0xFFFF  }
0x4f: {  	[sflag:s0] =	ssyncadd.tile.s32 @!p0 $0x1;
	_ =	shalt  }
.Lfunc_end2:
_tile_overlayer_lowered:
.L_overlay_start_2:
0x50: {  	(tag) =	ssettag $0x2  }
0x51: {  	s0 =	rddreg [dreg:$0x0];
	s2 =	stileid.u32  }
0x52: {  	s1 =	rddreg [dreg:$0x1];
	p0 =	sne.s32 s2, $0x0  }
0x53: {  	s3 =	rddreg [dreg:$0x2];
	[bflag:$0x3] =	sbarrier.arrive $0xFFFF;
	s2 =	simm.s32 @!p0 $0x1C01  }
0x54: {  	[timem:s3], [sflag:s2] =	dma.local @!p0 [hbm:s0], s1  }
0x55: {  	s0 =	simm.s32 @!p0 $0x1  }
0x56: {  	_ =	swait.ge @!p0 [sflag:s0], s1  }
0x57: {  	s1 =	ssub.s32 @!p0 $0x0, s1;
	[sflag:s0] =	ssyncset.done @!p0 $0x0  }
0x58: {  	[sflag:s0] =	ssyncadd.s32 @!p0 s1  }
0x59: {  	[bflag:$0x3] =	sbarrier.arrive $0xFFFF  }
0x5a: {  	_ =	shalt  }

// kernel: kernel.39.cloned.1.call-start
scs
__scs_entry_jumppad:
0x0: {  	(pc) =	sbr.rel $0x88, $3  }
0x1: {  	(tag) =	ssettag $0x0;
	lr =	simm.s32 $0x1  }
0x2: {  	[smem:$0x3F9A] =	sst lr;
	_ =	strace $0xD0000000  }
0x3: {  	_ = 	snop  }
0x4: {  	_ = 	snop  }
0x5: {  	_ = 	snop  }
0x6: {  	_ = 	snop  }
0x7: {  	_ = 	snop  }
__scs_overlays_trampoline_lowered:
0x8: {  	[smem:$0x3FA9] =	sst s0  }
0x9: {  	[smem:$0x3FAA] =	sst s1  }
0xa: {  	[smem:$0x3FAB] =	sst s2  }
0xb: {  	[smem:$0x3FAC] =	sst s3  }
0xc: {  	[smem:$0x3FAD] =	sst s4  }
0xd: {  	[smem:$0x3FAE] =	sst s5  }
0xe: {  	[smem:$0x3FAF] =	sst s6  }
0xf: {  	[smem:$0x3FB0] =	sst s7  }
0x10: {  	[smem:$0x3FB1] =	sst s8  }
0x11: {  	[smem:$0x3FB2] =	sst s9;
	s0 =	simm.s32 @!p0 $0x0  }
0x12: {  	s1 =	sld [smem:$0x3F98];
	s0 =	simm.s32 @p0 $0x1  }
0x13: {  	[smem:$0x3FB3] =	sst s0;
	s0 =	simm.s32 @!p1 $0x0  }
0x14: {  	s2 =	sld [smem:$0x3F97];
	s0 =	simm.s32 @p1 $0x1  }
0x15: {  	[smem:$0x3FB4] =	sst s0;
	s0 =	simm.s32 @!p2 $0x0  }
0x16: {  	s3 =	sld [smem:$0x3FDB];
	s0 =	simm.s32 @p2 $0x1  }
0x17: {  	s4 =	simm.s32 $0x1BF5;
	[smem:$0x3FB6] =	sst s0  }
0x18: {  	s0 =	sld [smem:$0x3F99];
	_ =	swait.ge [sflag:s4], $0x0  }
0x19: {  	s7 =	sld [smem:$0x3F9A]  }
0x1a: {  	s8 =	sadd.s32 $0xFFFFE003, lr  }
0x1b: {  	s9 =	sadd.s32 $0xFFFFFEF7, lr;
	s5 =	simm.s32 $0xFFFFFFFF;
	p2 =	slt.u32 s8, $0xFFFFF086  }
0x1c: {  	p1 =	slt.u32 s9, $0xF7A;
	s5 =	simm.s32 @!p2 $0x0  }
0x1d: {  	s5 =	simm.s32 @p1 $0x1;
	p0 =	seq.s32 s7, s2  }
0x1e: {  	s7 =	smul.u32 @!p0 $0xF7A, s2;
	p2 =	seq.s32 @!p0 s5, $0x0  }
0x1f: {  	s9 =	smul.u32 $0xF7A, s1;
	s8 =	simm.s32 @!p0 $0x1BF5;
	p2 =	por !p2, p0  }
0x20: {  	[sflag:s8] =	ssyncset.s32 @!p0 $0xFFFFF086;
	s6 =	sadd.s32 @!p0 s3, s7;
	s7 =	simm.s32 @!p0 $0x108  }
0x21: {  	s3 =	sadd.s32 s3, s9;
	s6 =	sadd.s32 @!p0 $0x88, s6;
	s7 =	simm.s32 @p2 $0x1082  }
0x22: {  	[simem:s7], [sflag:s8] =	dma.local @!p0 [hbm:s6], $0xF7A  }
0x23: {  	s9 =	sor.u32 $0xD0000000, s2;
	s6 =	simm.s32 $0x108;
	_ =	swait.ge @!p0 [sflag:s8], $0x0  }
0x24: {  	s3 =	sadd.s32 $0x88, s3;
	s6 =	simm.s32 @!p1 $0x1082;
	[sflag:s4] =	ssyncset.s32 $0xFFFFF086  }
0x25: {  	[simem:s6], [sflag:s4] =	dma.local [hbm:s3], $0xF7A  }
0x26: {  	[smem:$0x3F9A] =	sst s1;
	(tag) =	ssettag s2;
	_ =	strace s9  }
0x27: {  	s1 =	sld [smem:$0x3FAA]  }
0x28: {  	s2 =	sld [smem:$0x3FAB]  }
0x29: {  	s4 =	sld [smem:$0x3FAD]  }
0x2a: {  	p0 =	seq.s32 s5, $0x0;
	s5 =	sld [smem:$0x3FAE]  }
0x2b: {  	s6 =	sld [smem:$0x3FAF]  }
0x2c: {  	s7 =	sld [smem:$0x3FB0]  }
0x2d: {  	s3 =	simm.s32 $0x108;
	s8 =	sld [smem:$0x3FB1]  }
0x2e: {  	s3 =	simm.s32 @!p0 $0x1082;
	s9 =	sld [smem:$0x3FB2]  }
0x2f: {  	lr =	sadd.s32 s0, s3;
	s0 =	sld [smem:$0x3FA9]  }
0x30: {  	s3 =	sld [smem:$0x3FAC]  }
0x31: {  	[smem:$0x3FB5] =	sst s10  }
0x32: {  	s10 =	sld [smem:$0x3FB3];
	_ =	sdelay $0x3  }
0x33: {  	p0 =	seq.s32 s10, $0x1;
	s10 =	sld [smem:$0x3FB5];
	_ =	sdelay $0x3  }
0x34: {  	[smem:$0x3FB5] =	sst s10  }
0x35: {  	s10 =	sld [smem:$0x3FB4];
	_ =	sdelay $0x3  }
0x36: {  	p1 =	seq.s32 s10, $0x1;
	s10 =	sld [smem:$0x3FB5];
	_ =	sdelay $0x3  }
0x37: {  	[smem:$0x3FB5] =	sst s10  }
0x38: {  	s10 =	sld [smem:$0x3FB6]  }
0x39: {  	_ = 	snop;
	(pc) =	sbr.ind lr, $3  }
0x3a: {  	_ = 	snop  }
0x3b: {  	_ = 	snop  }
0x3c: {  	p2 =	seq.s32 s10, $0x1;
	s10 =	sld [smem:$0x3FB5]  }
0x3d: {  	_ =	shalt  }
0x3e: {  	_ =	shalt  }
0x3f: {  	_ =	shalt  }
0x40: {  	_ =	shalt  }
0x41: {  	_ =	shalt  }
0x42: {  	_ =	shalt  }
0x43: {  	_ =	shalt  }
0x44: {  	_ =	shalt  }
0x45: {  	_ =	shalt  }
0x46: {  	_ =	shalt  }
0x47: {  	_ =	shalt  }
0x48: {  	_ =	shalt  }
0x49: {  	_ =	shalt  }
0x4a: {  	_ =	shalt  }
0x4b: {  	_ =	shalt  }
0x4c: {  	_ =	shalt  }
0x4d: {  	_ =	shalt  }
0x4e: {  	_ =	shalt  }
0x4f: {  	_ =	shalt  }
0x50: {  	_ =	shalt  }
0x51: {  	_ =	shalt  }
0x52: {  	_ =	shalt  }
0x53: {  	_ =	shalt  }
0x54: {  	_ =	shalt  }
0x55: {  	_ =	shalt  }
0x56: {  	_ =	shalt  }
0x57: {  	_ =	shalt  }
0x58: {  	_ =	shalt  }
0x59: {  	_ =	shalt  }
0x5a: {  	_ =	shalt  }
0x5b: {  	_ =	shalt  }
0x5c: {  	_ =	shalt  }
0x5d: {  	_ =	shalt  }
0x5e: {  	_ =	shalt  }
0x5f: {  	_ =	shalt  }
0x60: {  	_ =	shalt  }
0x61: {  	_ =	shalt  }
0x62: {  	_ =	shalt  }
0x63: {  	_ =	shalt  }
0x64: {  	_ =	shalt  }
0x65: {  	_ =	shalt  }
0x66: {  	_ =	shalt  }
0x67: {  	_ =	shalt  }
0x68: {  	_ =	shalt  }
0x69: {  	_ =	shalt  }
0x6a: {  	_ =	shalt  }
0x6b: {  	_ =	shalt  }
0x6c: {  	_ =	shalt  }
0x6d: {  	_ =	shalt  }
0x6e: {  	_ =	shalt  }
0x6f: {  	_ =	shalt  }
0x70: {  	_ =	shalt  }
0x71: {  	_ =	shalt  }
0x72: {  	_ =	shalt  }
0x73: {  	_ =	shalt  }
0x74: {  	_ =	shalt  }
0x75: {  	_ =	shalt  }
0x76: {  	_ =	shalt  }
0x77: {  	_ =	shalt  }
0x78: {  	_ =	shalt  }
0x79: {  	_ =	shalt  }
0x7a: {  	_ =	shalt  }
0x7b: {  	_ =	shalt  }
0x7c: {  	_ =	shalt  }
0x7d: {  	_ =	shalt  }
0x7e: {  	_ =	shalt  }
0x7f: {  	_ =	shalt  }
0x80: {  	_ =	shalt  }
0x81: {  	_ =	shalt  }
0x82: {  	_ =	shalt  }
0x83: {  	_ =	shalt  }
0x84: {  	_ =	shalt  }
0x85: {  	_ =	shalt  }
0x86: {  	_ =	shalt  }
0x87: {  	_ =	shalt  }
.Lfunc_end0:
.L_simem_size_0:
called_computation.5_lowered:
.L_overlay_start_0:
0x88: {  	s2 =	sld [smem:$0x3FD9]  }
0x89: {  	s3 =	sld [smem:$0x3FFE];
	_ =	sdelay $0x1  }
0x8a: {  	s1 =	srdreg.scid  }
0x8b: {  	s0 =	sand.u32 $0x1, s1  }
0x8c: {  	s17 =	sshll.u32 s0, $0xA;
	s2 =	sadd.s32 s3, s2  }
0x8d: {  	s2 =	sadd.s32 s2, s17  }
0x8e: {  	[smem:$0x3FC1] =	sst s2  }
0x8f: {  	_ = 	snop  }
0x90: {  	s2 =	sld [smem:$0x3FD0];
	(tm) =	ssettm $0x1  }
0x91: {  	s18 =	sld [smem:$0x3FFB];
	_ =	sdelay $0x3  }
0x92: {  	_ =	strace s18  }
0x93: {  	s3 =	sld [smem:$0x3FFC];
	_ =	sdelay $0x3  }
0x94: {  	_ =	strace s3  }
0x95: {  	s3 =	sld [smem:$0x3FFD];
	_ =	sdelay $0x3  }
0x96: {  	_ =	strace s3  }
0x97: {  	_ =	strace $0x8FFFFFFF  }
0x98: {  	s19 =	sld [smem:$0x3FDB];
	_ =	sdelay $0x1  }
0x99: {  	s4 =	simm.s32 $_scs_section_size  }
0x9a: {  	s5 =	simm.s32 $_size__tile_overlayer_lowered;
	s6 =	simm.s32 $_tile_overlayer_lowered  }
0x9b: {  	s22 =	simm.s32 $0x1BFF;
	s21 =	sshll.u32 s6, $0x1;
	s3 =	sadd.s32 s4, s19  }
0x9c: {  	s7 =	simm.s32 $0x0;
	s20 =	sshll.u32 s5, $0x1;
	s5 =	sadd.s32 s21, s3  }
0x9d: {  	[timem:s7], [sflag:s22] =	dma.local [hbm:s5], s20  }
0x9e: {  	_ =	swait.ge [sflag:s22], s20  }
0x9f: {  	s4 =	ssub.s32 $0x0, s20;
	[sflag:s22] =	ssyncset.done $0x0  }
0xa0: {  	[sflag:s22] =	ssyncadd.s32 s4;
	_ =	sdelay $0x1  }
0xa1: {  	s23 =	simm.s32 $0x1B8B  }
0xa2: {  	_ =	swait.ge [sflag:s23], $0x1  }
0xa3: {  	[sflag:s23] =	ssyncset.done $0x0  }
0xa4: {  	s25 =	simm.s32 $0x1B8E;
	s24 =	sld [smem:$0x3FFE];
	[sflag:s23] =	ssyncadd.s32 $0xFFFFFFFF  }
0xa5: {  	s26 =	simm.s32 $execute0_lowered;
	[smem:$0x3FD2] =	sst s25  }
0xa6: {  	s5 =	sshll.u32 s26, $0x1;
	_ =	strace $0x80000055;
	[dreg:$0x1] =	wrdreg $0xFFFFFFFF  }
0xa7: {  	s28 =	simm.s32 $_size_execute0_lowered;
	s3 =	sadd.s32 s3, s5;
	[dreg:$0x0] =	wrdreg $0x0  }
0xa8: {  	s5 =	sshll.u32 s28, $0x1;
	[dreg:$0x2] =	wrdreg s3  }
0xa9: {  	[dreg:$0x3] =	wrdreg s5  }
0xaa: {  	[dreg:$0x4] =	wrdreg $0xC0  }
0xab: {  	_ =	task [dreg:s7], $0x5FFFF  }
0xac: {  	[dreg:$0x1] =	wrdreg $0xFFFFFFFF  }
0xad: {  	[dreg:$0x0] =	wrdreg $0x60  }
0xae: {  	[dreg:$0x2] =	wrdreg s2  }
0xaf: {  	[dreg:$0x3] =	wrdreg s24  }
0xb0: {  	[dreg:$0x4] =	wrdreg $0xCD000  }
0xb1: {  	[dreg:$0x5] =	wrdreg $0x9  }
0xb2: {  	_ =	task.clear_ibuf [dreg:s7], $0x6FFFF;
	_ =	strace $0x90000055  }
0xb3: {  	s29 =	simm.s32 $0x9;
	_ =	strace $0x80000057  }
0xb4: {  	_ =	swait.ge [sflag:s29], $0x1  }
0xb5: {  	[sflag:s29] =	ssyncadd.s32 $0xFFFFFFFF  }
0xb6: {  	_ =	strace $0x90000057  }
0xb7: {  	_ =	sfence  }
0xb8: {  	s30 =	sld [smem:$0x0];
	_ =	sdelay $0x2  }
0xb9: {  	s31 =	sshll.u32 s1, $0xD;
	s1 =	sshrl.u32 s1, $0x2  }
0xba: {  	s3 =	sand.u32 $0x4000, s31;
	s1 =	sadd.s32 s1, s30  }
0xbb: {  	s0 =	sor.u32 s3, s0;
	s1 =	sshll.u32 s1, $0x11  }
0xbc: {  	s0 =	sor.u32 s1, s0  }
0xbd: {  	s0 =	sadd.s32 $0x8F2B, s0  }
0xbe: {  	[sflag:s0] =	ssyncadd.remote.s32 $0x1  }
0xbf: {  	_ =	sfence.sel $0xFFFF  }
0xc0: {  	[dreg:$0x0] =	wrdreg $0xFFFFFFFF;
	(pc) =	sbr.abs _section_cstart, $3  }
0xc1: {  	[dreg:$0x1] =	wrdreg $0xFFFFFFFF  }
0xc2: {  	_ =	task.clear_ibuf [dreg:s7], $0x2FFFF;
	_ =	strace $0x9FFFFFFF  }
0xc3: {  	(tm) =	ssettm $0x7FFFFFFF  }
tec
execute0_lowered:
.L_overlay_start_1:
0x0: {  	(tag) =	ssettag $0x1  }
0x1: {  	s1 =	srdreg.scid  }
0x2: {  	s1 =	sand.u32 $0x1, s1  }
0x3: {  	p0 =	seq.s32 s1, $0x1  }
.Ltmp0:
0x4: {  	s3 =	rddreg [dreg:$0x0];
	(pc) =	sbr.rel @p0 .LBB2_4-.Ltmp0, $4  }
0x5: {  	s5 =	rddreg [dreg:$0x1]  }
0x6: {  	s2 =	rddreg [dreg:$0x2];
	s4 =	simm.s32 $0x0  }
0x7: {  	[smem:$0x7FF] =	sst s4  }
0x8: {  	s0 =	rddreg [dreg:$0x3];
	_ =	strace $0x80000056;
	s1 =	stileid.u32  }
0x9: {  	s6 =	smul.u32 $0x9D0, s1;
	_ =	sdelay $0x1  }
0xa: {  	s3 =	sadd.s32 s3, s6  }
0xb: {  	[tilespmem:s4], [sflag:$0x1] =	stream.linear.gather [hbm4b:s3+s4], $0x4E80, $0x38;
	[tilespmem:$0x14500] =	vst v63  }
0xc: {  	s3 =	simm.s32 $0x1  }
0xd: {  	_ =	swait.ge [sflag:s3], $0x4E80  }
0xe: {  	s7 =	sadd.s32 $0x7600, s5;
	[sflag:s3] =	ssyncset.done $0x0  }
0xf: {  	s23 =	simm.s32 $0x4E80;
	s6 =	sadd.s32 s7, s6;
	[sflag:s3] =	ssyncadd.s32 $0xFFFFB180  }
0x10: {  	[tilespmem:s23], [sflag:$0x1] =	stream.linear.gather [hbm4b:s6+s4], $0x4E80, $0x38;
	[tilespmem:$0x14500] =	vst v63  }
0x11: {  	_ =	swait.ge [sflag:s3], $0x4E80  }
0x12: {  	[sflag:s3] =	ssyncset.done $0x0  }
0x13: {  	s24 =	sadd.s32 $0x70400, s5;
	s25 =	simm.s32 $0xB500;
	[sflag:s3] =	ssyncadd.s32 $0xFFFFB180  }
0x14: {  	[tilespmem:s25], [sflag:$0x1] =	stream.linear.gather [hbm4b:s24+s4], $0x1800, $0x38;
	[tilespmem:$0x14500] =	vst v63  }
0x15: {  	s9 =	smul.u32 $0x7800, s1;
	_ =	swait.ge [sflag:s3], $0x1800  }
0x16: {  	[sflag:s3] =	ssyncset.done $0x0  }
0x17: {  	s26 =	smul.u32 $0x1E000, s1;
	s4 =	sadd.s32 s9, s2;
	[sflag:s3] =	ssyncadd.s32 $0xFFFFE800  }
0x18: {  	[spmem:s4] =	stream.linear.scatter [tilespmem:s25], [sflag:$0x1], $0x1800, $0x38;
	[tilespmem:$0x14500] =	vst v63  }
0x19: {  	s6 =	sshrl.u32 s26, $0x2;
	_ =	swait.ge [sflag:s3], $0x1800  }
0x1a: {  	s6 =	sadd.s32 s6, s2;
	[sflag:s3] =	ssyncset.done $0x0  }
0x1b: {  	s8 =	sadd.s32 $0x1800, s6;
	[sflag:s3] =	ssyncadd.s32 $0xFFFFE800  }
0x1c: {  	[spmem:s8] =	stream.linear.scatter [tilespmem:s25], [sflag:$0x1], $0x1800, $0x38;
	[tilespmem:$0x14500] =	vst v63  }
0x1d: {  	_ =	swait.ge [sflag:s3], $0x1800  }
0x1e: {  	[sflag:s3] =	ssyncset.done $0x0  }
0x1f: {  	s28 =	sadd.s32 $0x3000, s6;
	[sflag:s3] =	ssyncadd.s32 $0xFFFFE800  }
0x20: {  	[spmem:s28] =	stream.linear.scatter [tilespmem:s25], [sflag:$0x1], $0x1800, $0x38;
	[tilespmem:$0x14500] =	vst v63  }
0x21: {  	_ =	swait.ge [sflag:s3], $0x1800  }
0x22: {  	[sflag:s3] =	ssyncset.done $0x0  }
0x23: {  	s29 =	sadd.s32 $0x4800, s6;
	[sflag:s3] =	ssyncadd.s32 $0xFFFFE800  }
0x24: {  	[spmem:s29] =	stream.linear.scatter [tilespmem:s25], [sflag:$0x1], $0x1800, $0x38;
	[tilespmem:$0x14500] =	vst v63  }
0x25: {  	_ =	swait.ge [sflag:s3], $0x1800  }
0x26: {  	[sflag:s3] =	ssyncset.done $0x0  }
0x27: {  	s6 =	sadd.s32 $0x6000, s6;
	[sflag:s3] =	ssyncadd.s32 $0xFFFFE800  }
0x28: {  	[spmem:s6] =	stream.linear.scatter [tilespmem:s25], [sflag:$0x1], $0x1800, $0x38;
	[tilespmem:$0x14500] =	vst v63  }
0x29: {  	_ =	swait.ge [sflag:s3], $0x1800  }
0x2a: {  	[sflag:s3] =	ssyncset.done $0x0  }
0x2b: {  	s10 =	simm.s32 $0x0;
	s7 =	simm.s32 $0x9D00;
	[sflag:s3] =	ssyncadd.s32 $0xFFFFE800  }
0x2c: {  	s8 =	sadd.s32 $0x61400, s5;
	s6 =	simm.s32 $0x80;
	[bflag:$0x0] =	sbarrier.arrive $0xFFFF  }
0x2d: {  	[tilespmem:s7], [sflag:$0x1] =	stream.indirect.gather [hbm4b:s8+s6], $0x30, s10, s6, $0xb8;
	[tilespmem:$0x14500] =	vst v63  }
0x2e: {  	_ =	swait.ge [sflag:s3], $0x1800  }
0x2f: {  	[sflag:s3] =	ssyncset.done $0x0  }
0x30: {  	s31 =	simm.s32 $0x4E80;
	s9 =	sshrl.u32 s9, $0x3;
	[sflag:s3] =	ssyncadd.s32 $0xFFFFE800  }
0x31: {  	[spmem:s2] =	stream.indirect.scatter.add.f32 [tilespmem:s7], [sflag:$0x1], $0x30, s31, s6, $0xb8;
	[tilespmem:$0x14500] =	vst v63  }
0x32: {  	s30 =	sadd.s32 s9, s5;
	s9 =	simm.s32 $0x200;
	_ =	swait.ge [sflag:s3], $0x1800  }
0x33: {  	s5 =	sadd.s32 $0x70800, s30;
	s10 =	simm.s32 $0x400;
	[sflag:s3] =	ssyncset.done $0x0  }
.LBB2_2:
0x34: {  	s11 =	sshra.s32 s9, $0x2  }
0x35: {  	[sflag:s3] =	ssyncadd.s32 $0xFFFFE800;
	s9 =	smov.u32 s10;
	s12 =	sadd.s32 $0x200, s10  }
0x36: {  	[tilespmem:s7], [sflag:$0x1] =	stream.indirect.gather [hbm4b:s8+s6], $0x30, s11, s6, $0xb8;
	[tilespmem:$0x14500] =	vst v63  }
0x37: {  	p0 =	sne.s32 s10, $0x13800;
	_ =	swait.ge [sflag:s3], $0x1800  }
.Ltmp1:
0x38: {  	[sflag:s3] =	ssyncset.done $0x0;
	(pc) =	sbr.rel @p0 .LBB2_2-.Ltmp1, $4  }
0x39: {  	s10 =	sadd.s32 $0x4E80, s11;
	[sflag:s3] =	ssyncadd.s32 $0xFFFFE800  }
0x3a: {  	[spmem:s2] =	stream.indirect.scatter.add.f32 [tilespmem:s7], [sflag:$0x1], $0x30, s10, s6, $0xb8;
	[tilespmem:$0x14500] =	vst v63  }
0x3b: {  	_ =	swait.ge [sflag:s3], $0x1800  }
0x3c: {  	s10 =	smov.u32 s12;
	[sflag:s3] =	ssyncset.done $0x0  }
0x3d: {  	s9 =	sshra.s32 s9, $0x2;
	[sflag:s3] =	ssyncadd.s32 $0xFFFFE800  }
0x3e: {  	[tilespmem:s7], [sflag:$0x1] =	stream.indirect.gather [hbm4b:s8+s6], $0x30, s9, s6, $0xb8;
	[tilespmem:$0x14500] =	vst v63  }
0x3f: {  	_ =	swait.ge [sflag:s3], $0x1800  }
0x40: {  	[sflag:s3] =	ssyncset.done $0x0  }
0x41: {  	s28 =	sadd.s32 $0x4E80, s9;
	[sflag:s3] =	ssyncadd.s32 $0xFFFFE800  }
0x42: {  	[spmem:s2] =	stream.indirect.scatter.add.f32 [tilespmem:s7], [sflag:$0x1], $0x30, s28, s6, $0xb8;
	[tilespmem:$0x14500] =	vst v63  }
0x43: {  	_ =	swait.ge [sflag:s3], $0x1800  }
0x44: {  	[sflag:s3] =	ssyncset.done $0x0  }
0x45: {  	s29 =	sshll.u32 s1, $0x6;
	s30 =	sshrl.u32 s4, $0x3;
	[sflag:s3] =	ssyncadd.s32 $0xFFFFE800  }
0x46: {  	s31 =	simm.s32 $0x1;
	s2 =	sor.u32 $0x1C01, s29;
	[bflag:$0x0] =	sbarrier.arrive $0xFFFF  }
0x47: {  	[hbm:s5], [sflag:s2] =	dma.local [spmem:s30], $0xF00  }
0x48: {  	_ =	swait.ge [sflag:s31], $0xF00  }
0x49: {  	[sflag:s31] =	ssyncset.done $0x0  }
0x4a: {  	[sflag:s31] =	ssyncadd.s32 $0xFFFFF100  }
.LBB2_4:
0x4b: {  	_ =	sfence.sel $0x180000  }
0x4c: {  	[bflag:$0x0] =	sbarrier.arrive $0xFFFF  }
0x4d: {  	p0 =	sne.s32 s1, $0x0;
	_ =	strace $0x90000056  }
0x4e: {  	s0 =	sadd.s32 @!p0 $0x100000, s0;
	[bflag:$0x2] =	sbarrier.arrive $0xFFFF  }
0x4f: {  	[sflag:s0] =	ssyncadd.tile.s32 @!p0 $0x1;
	_ =	shalt  }
.Lfunc_end2:
_tile_overlayer_lowered:
.L_overlay_start_2:
0x50: {  	(tag) =	ssettag $0x2  }
0x51: {  	s0 =	rddreg [dreg:$0x0];
	s2 =	stileid.u32  }
0x52: {  	s1 =	rddreg [dreg:$0x1];
	p0 =	sne.s32 s2, $0x0  }
0x53: {  	s3 =	rddreg [dreg:$0x2];
	[bflag:$0x3] =	sbarrier.arrive $0xFFFF;
	s2 =	simm.s32 @!p0 $0x1C01  }
0x54: {  	[timem:s3], [sflag:s2] =	dma.local @!p0 [hbm:s0], s1  }
0x55: {  	s0 =	simm.s32 @!p0 $0x1  }
0x56: {  	_ =	swait.ge @!p0 [sflag:s0], s1  }
0x57: {  	s1 =	ssub.s32 @!p0 $0x0, s1;
	[sflag:s0] =	ssyncset.done @!p0 $0x0  }
0x58: {  	[sflag:s0] =	ssyncadd.s32 @!p0 s1  }
0x59: {  	[bflag:$0x3] =	sbarrier.arrive $0xFFFF  }
0x5a: {  	_ =	shalt  }

// kernel: kernel.42.cloned.1.call-start
scs
__scs_entry_jumppad:
0x0: {  	(pc) =	sbr.rel $0x88, $3  }
0x1: {  	(tag) =	ssettag $0x0;
	lr =	simm.s32 $0x1  }
0x2: {  	[smem:$0x3F9A] =	sst lr;
	_ =	strace $0xD0000000  }
0x3: {  	_ = 	snop  }
0x4: {  	_ = 	snop  }
0x5: {  	_ = 	snop  }
0x6: {  	_ = 	snop  }
0x7: {  	_ = 	snop  }
__scs_overlays_trampoline_lowered:
0x8: {  	[smem:$0x3FA9] =	sst s0  }
0x9: {  	[smem:$0x3FAA] =	sst s1  }
0xa: {  	[smem:$0x3FAB] =	sst s2  }
0xb: {  	[smem:$0x3FAC] =	sst s3  }
0xc: {  	[smem:$0x3FAD] =	sst s4  }
0xd: {  	[smem:$0x3FAE] =	sst s5  }
0xe: {  	[smem:$0x3FAF] =	sst s6  }
0xf: {  	[smem:$0x3FB0] =	sst s7  }
0x10: {  	[smem:$0x3FB1] =	sst s8  }
0x11: {  	[smem:$0x3FB2] =	sst s9;
	s0 =	simm.s32 @!p0 $0x0  }
0x12: {  	s1 =	sld [smem:$0x3F98];
	s0 =	simm.s32 @p0 $0x1  }
0x13: {  	[smem:$0x3FB3] =	sst s0;
	s0 =	simm.s32 @!p1 $0x0  }
0x14: {  	s2 =	sld [smem:$0x3F97];
	s0 =	simm.s32 @p1 $0x1  }
0x15: {  	[smem:$0x3FB4] =	sst s0;
	s0 =	simm.s32 @!p2 $0x0  }
0x16: {  	s3 =	sld [smem:$0x3FDB];
	s0 =	simm.s32 @p2 $0x1  }
0x17: {  	s4 =	simm.s32 $0x1BF5;
	[smem:$0x3FB6] =	sst s0  }
0x18: {  	s0 =	sld [smem:$0x3F99];
	_ =	swait.ge [sflag:s4], $0x0  }
0x19: {  	s7 =	sld [smem:$0x3F9A]  }
0x1a: {  	s8 =	sadd.s32 $0xFFFFE003, lr  }
0x1b: {  	s9 =	sadd.s32 $0xFFFFFEF7, lr;
	s5 =	simm.s32 $0xFFFFFFFF;
	p2 =	slt.u32 s8, $0xFFFFF086  }
0x1c: {  	p1 =	slt.u32 s9, $0xF7A;
	s5 =	simm.s32 @!p2 $0x0  }
0x1d: {  	s5 =	simm.s32 @p1 $0x1;
	p0 =	seq.s32 s7, s2  }
0x1e: {  	s7 =	smul.u32 @!p0 $0xF7A, s2;
	p2 =	seq.s32 @!p0 s5, $0x0  }
0x1f: {  	s9 =	smul.u32 $0xF7A, s1;
	s8 =	simm.s32 @!p0 $0x1BF5;
	p2 =	por !p2, p0  }
0x20: {  	[sflag:s8] =	ssyncset.s32 @!p0 $0xFFFFF086;
	s6 =	sadd.s32 @!p0 s3, s7;
	s7 =	simm.s32 @!p0 $0x108  }
0x21: {  	s3 =	sadd.s32 s3, s9;
	s6 =	sadd.s32 @!p0 $0x88, s6;
	s7 =	simm.s32 @p2 $0x1082  }
0x22: {  	[simem:s7], [sflag:s8] =	dma.local @!p0 [hbm:s6], $0xF7A  }
0x23: {  	s9 =	sor.u32 $0xD0000000, s2;
	s6 =	simm.s32 $0x108;
	_ =	swait.ge @!p0 [sflag:s8], $0x0  }
0x24: {  	s3 =	sadd.s32 $0x88, s3;
	s6 =	simm.s32 @!p1 $0x1082;
	[sflag:s4] =	ssyncset.s32 $0xFFFFF086  }
0x25: {  	[simem:s6], [sflag:s4] =	dma.local [hbm:s3], $0xF7A  }
0x26: {  	[smem:$0x3F9A] =	sst s1;
	(tag) =	ssettag s2;
	_ =	strace s9  }
0x27: {  	s1 =	sld [smem:$0x3FAA]  }
0x28: {  	s2 =	sld [smem:$0x3FAB]  }
0x29: {  	s4 =	sld [smem:$0x3FAD]  }
0x2a: {  	p0 =	seq.s32 s5, $0x0;
	s5 =	sld [smem:$0x3FAE]  }
0x2b: {  	s6 =	sld [smem:$0x3FAF]  }
0x2c: {  	s7 =	sld [smem:$0x3FB0]  }
0x2d: {  	s3 =	simm.s32 $0x108;
	s8 =	sld [smem:$0x3FB1]  }
0x2e: {  	s3 =	simm.s32 @!p0 $0x1082;
	s9 =	sld [smem:$0x3FB2]  }
0x2f: {  	lr =	sadd.s32 s0, s3;
	s0 =	sld [smem:$0x3FA9]  }
0x30: {  	s3 =	sld [smem:$0x3FAC]  }
0x31: {  	[smem:$0x3FB5] =	sst s10  }
0x32: {  	s10 =	sld [smem:$0x3FB3];
	_ =	sdelay $0x3  }
0x33: {  	p0 =	seq.s32 s10, $0x1;
	s10 =	sld [smem:$0x3FB5];
	_ =	sdelay $0x3  }
0x34: {  	[smem:$0x3FB5] =	sst s10  }
0x35: {  	s10 =	sld [smem:$0x3FB4];
	_ =	sdelay $0x3  }
0x36: {  	p1 =	seq.s32 s10, $0x1;
	s10 =	sld [smem:$0x3FB5];
	_ =	sdelay $0x3  }
0x37: {  	[smem:$0x3FB5] =	sst s10  }
0x38: {  	s10 =	sld [smem:$0x3FB6]  }
0x39: {  	_ = 	snop;
	(pc) =	sbr.ind lr, $3  }
0x3a: {  	_ = 	snop  }
0x3b: {  	_ = 	snop  }
0x3c: {  	p2 =	seq.s32 s10, $0x1;
	s10 =	sld [smem:$0x3FB5]  }
0x3d: {  	_ =	shalt  }
0x3e: {  	_ =	shalt  }
0x3f: {  	_ =	shalt  }
0x40: {  	_ =	shalt  }
0x41: {  	_ =	shalt  }
0x42: {  	_ =	shalt  }
0x43: {  	_ =	shalt  }
0x44: {  	_ =	shalt  }
0x45: {  	_ =	shalt  }
0x46: {  	_ =	shalt  }
0x47: {  	_ =	shalt  }
0x48: {  	_ =	shalt  }
0x49: {  	_ =	shalt  }
0x4a: {  	_ =	shalt  }
0x4b: {  	_ =	shalt  }
0x4c: {  	_ =	shalt  }
0x4d: {  	_ =	shalt  }
0x4e: {  	_ =	shalt  }
0x4f: {  	_ =	shalt  }
0x50: {  	_ =	shalt  }
0x51: {  	_ =	shalt  }
0x52: {  	_ =	shalt  }
0x53: {  	_ =	shalt  }
0x54: {  	_ =	shalt  }
0x55: {  	_ =	shalt  }
0x56: {  	_ =	shalt  }
0x57: {  	_ =	shalt  }
0x58: {  	_ =	shalt  }
0x59: {  	_ =	shalt  }
0x5a: {  	_ =	shalt  }
0x5b: {  	_ =	shalt  }
0x5c: {  	_ =	shalt  }
0x5d: {  	_ =	shalt  }
0x5e: {  	_ =	shalt  }
0x5f: {  	_ =	shalt  }
0x60: {  	_ =	shalt  }
0x61: {  	_ =	shalt  }
0x62: {  	_ =	shalt  }
0x63: {  	_ =	shalt  }
0x64: {  	_ =	shalt  }
0x65: {  	_ =	shalt  }
0x66: {  	_ =	shalt  }
0x67: {  	_ =	shalt  }
0x68: {  	_ =	shalt  }
0x69: {  	_ =	shalt  }
0x6a: {  	_ =	shalt  }
0x6b: {  	_ =	shalt  }
0x6c: {  	_ =	shalt  }
0x6d: {  	_ =	shalt  }
0x6e: {  	_ =	shalt  }
0x6f: {  	_ =	shalt  }
0x70: {  	_ =	shalt  }
0x71: {  	_ =	shalt  }
0x72: {  	_ =	shalt  }
0x73: {  	_ =	shalt  }
0x74: {  	_ =	shalt  }
0x75: {  	_ =	shalt  }
0x76: {  	_ =	shalt  }
0x77: {  	_ =	shalt  }
0x78: {  	_ =	shalt  }
0x79: {  	_ =	shalt  }
0x7a: {  	_ =	shalt  }
0x7b: {  	_ =	shalt  }
0x7c: {  	_ =	shalt  }
0x7d: {  	_ =	shalt  }
0x7e: {  	_ =	shalt  }
0x7f: {  	_ =	shalt  }
0x80: {  	_ =	shalt  }
0x81: {  	_ =	shalt  }
0x82: {  	_ =	shalt  }
0x83: {  	_ =	shalt  }
0x84: {  	_ =	shalt  }
0x85: {  	_ =	shalt  }
0x86: {  	_ =	shalt  }
0x87: {  	_ =	shalt  }
.Lfunc_end0:
.L_simem_size_0:
called_computation.6_lowered:
.L_overlay_start_0:
0x88: {  	s2 =	sld [smem:$0x3FD9]  }
0x89: {  	s3 =	sld [smem:$0x3FFE];
	_ =	sdelay $0x1  }
0x8a: {  	s1 =	srdreg.scid  }
0x8b: {  	s0 =	sand.u32 $0x1, s1  }
0x8c: {  	s17 =	sshll.u32 s0, $0xA;
	s2 =	sadd.s32 s3, s2  }
0x8d: {  	s2 =	sadd.s32 s2, s17  }
0x8e: {  	[smem:$0x3FC1] =	sst s2  }
0x8f: {  	_ = 	snop  }
0x90: {  	s2 =	sld [smem:$0x3FD0];
	(tm) =	ssettm $0x1  }
0x91: {  	s18 =	sld [smem:$0x3FFB];
	_ =	sdelay $0x3  }
0x92: {  	_ =	strace s18  }
0x93: {  	s3 =	sld [smem:$0x3FFC];
	_ =	sdelay $0x3  }
0x94: {  	_ =	strace s3  }
0x95: {  	s3 =	sld [smem:$0x3FFD];
	_ =	sdelay $0x3  }
0x96: {  	_ =	strace s3  }
0x97: {  	_ =	strace $0x8FFFFFFF  }
0x98: {  	s19 =	sld [smem:$0x3FDB];
	_ =	sdelay $0x1  }
0x99: {  	s4 =	simm.s32 $_scs_section_size  }
0x9a: {  	s5 =	simm.s32 $_size__tile_overlayer_lowered;
	s6 =	simm.s32 $_tile_overlayer_lowered  }
0x9b: {  	s22 =	simm.s32 $0x1BFF;
	s21 =	sshll.u32 s6, $0x1;
	s3 =	sadd.s32 s4, s19  }
0x9c: {  	s7 =	simm.s32 $0x0;
	s20 =	sshll.u32 s5, $0x1;
	s5 =	sadd.s32 s21, s3  }
0x9d: {  	[timem:s7], [sflag:s22] =	dma.local [hbm:s5], s20  }
0x9e: {  	_ =	swait.ge [sflag:s22], s20  }
0x9f: {  	s4 =	ssub.s32 $0x0, s20;
	[sflag:s22] =	ssyncset.done $0x0  }
0xa0: {  	[sflag:s22] =	ssyncadd.s32 s4;
	_ =	sdelay $0x1  }
0xa1: {  	s23 =	simm.s32 $0x1B8B  }
0xa2: {  	_ =	swait.ge [sflag:s23], $0x1  }
0xa3: {  	[sflag:s23] =	ssyncset.done $0x0  }
0xa4: {  	s25 =	simm.s32 $0x1B8E;
	s24 =	sld [smem:$0x3FFE];
	[sflag:s23] =	ssyncadd.s32 $0xFFFFFFFF  }
0xa5: {  	s26 =	simm.s32 $execute0_lowered;
	[smem:$0x3FD2] =	sst s25  }
0xa6: {  	s5 =	sshll.u32 s26, $0x1;
	_ =	strace $0x80000058;
	[dreg:$0x1] =	wrdreg $0xFFFFFFFF  }
0xa7: {  	s28 =	simm.s32 $_size_execute0_lowered;
	s3 =	sadd.s32 s3, s5;
	[dreg:$0x0] =	wrdreg $0x0  }
0xa8: {  	s5 =	sshll.u32 s28, $0x1;
	[dreg:$0x2] =	wrdreg s3  }
0xa9: {  	[dreg:$0x3] =	wrdreg s5  }
0xaa: {  	[dreg:$0x4] =	wrdreg $0xC0  }
0xab: {  	_ =	task [dreg:s7], $0x5FFFF  }
0xac: {  	[dreg:$0x1] =	wrdreg $0xFFFFFFFF  }
0xad: {  	[dreg:$0x0] =	wrdreg $0x60  }
0xae: {  	[dreg:$0x2] =	wrdreg s2  }
0xaf: {  	[dreg:$0x3] =	wrdreg s24  }
0xb0: {  	[dreg:$0x4] =	wrdreg $0xCD000  }
0xb1: {  	[dreg:$0x5] =	wrdreg $0x9  }
0xb2: {  	_ =	task.clear_ibuf [dreg:s7], $0x6FFFF;
	_ =	strace $0x90000058  }
0xb3: {  	s29 =	simm.s32 $0x9;
	_ =	strace $0x8000005A  }
0xb4: {  	_ =	swait.ge [sflag:s29], $0x1  }
0xb5: {  	[sflag:s29] =	ssyncadd.s32 $0xFFFFFFFF  }
0xb6: {  	_ =	strace $0x9000005A  }
0xb7: {  	_ =	sfence  }
0xb8: {  	s30 =	sld [smem:$0x0];
	_ =	sdelay $0x2  }
0xb9: {  	s31 =	sshll.u32 s1, $0xD;
	s1 =	sshrl.u32 s1, $0x2  }
0xba: {  	s3 =	sand.u32 $0x4000, s31;
	s1 =	sadd.s32 s1, s30  }
0xbb: {  	s0 =	sor.u32 s3, s0;
	s1 =	sshll.u32 s1, $0x11  }
0xbc: {  	s0 =	sor.u32 s1, s0  }
0xbd: {  	s0 =	sadd.s32 $0x8F2B, s0  }
0xbe: {  	[sflag:s0] =	ssyncadd.remote.s32 $0x1  }
0xbf: {  	_ =	sfence.sel $0xFFFF  }
0xc0: {  	[dreg:$0x0] =	wrdreg $0xFFFFFFFF;
	(pc) =	sbr.abs _section_cstart, $3  }
0xc1: {  	[dreg:$0x1] =	wrdreg $0xFFFFFFFF  }
0xc2: {  	_ =	task.clear_ibuf [dreg:s7], $0x2FFFF;
	_ =	strace $0x9FFFFFFF  }
0xc3: {  	(tm) =	ssettm $0x7FFFFFFF  }
tec
execute0_lowered:
.L_overlay_start_1:
0x0: {  	(tag) =	ssettag $0x1  }
0x1: {  	s1 =	srdreg.scid  }
0x2: {  	s1 =	sand.u32 $0x1, s1  }
0x3: {  	p0 =	seq.s32 s1, $0x1  }
.Ltmp0:
0x4: {  	s3 =	rddreg [dreg:$0x0];
	(pc) =	sbr.rel @p0 .LBB2_4-.Ltmp0, $4  }
0x5: {  	s5 =	rddreg [dreg:$0x1]  }
0x6: {  	s2 =	rddreg [dreg:$0x2];
	s4 =	simm.s32 $0x0  }
0x7: {  	[smem:$0x7FF] =	sst s4  }
0x8: {  	s0 =	rddreg [dreg:$0x3];
	_ =	strace $0x80000059;
	s1 =	stileid.u32  }
0x9: {  	s6 =	smul.u32 $0x9D0, s1;
	_ =	sdelay $0x1  }
0xa: {  	s3 =	sadd.s32 s3, s6  }
0xb: {  	[tilespmem:s4], [sflag:$0x1] =	stream.linear.gather [hbm4b:s3+s4], $0x4E80, $0x38;
	[tilespmem:$0x14500] =	vst v63  }
0xc: {  	s3 =	simm.s32 $0x1  }
0xd: {  	_ =	swait.ge [sflag:s3], $0x4E80  }
0xe: {  	s7 =	sadd.s32 $0x7600, s5;
	[sflag:s3] =	ssyncset.done $0x0  }
0xf: {  	s23 =	simm.s32 $0x4E80;
	s6 =	sadd.s32 s7, s6;
	[sflag:s3] =	ssyncadd.s32 $0xFFFFB180  }
0x10: {  	[tilespmem:s23], [sflag:$0x1] =	stream.linear.gather [hbm4b:s6+s4], $0x4E80, $0x38;
	[tilespmem:$0x14500] =	vst v63  }
0x11: {  	_ =	swait.ge [sflag:s3], $0x4E80  }
0x12: {  	[sflag:s3] =	ssyncset.done $0x0  }
0x13: {  	s24 =	sadd.s32 $0x70400, s5;
	s25 =	simm.s32 $0xB500;
	[sflag:s3] =	ssyncadd.s32 $0xFFFFB180  }
0x14: {  	[tilespmem:s25], [sflag:$0x1] =	stream.linear.gather [hbm4b:s24+s4], $0x1800, $0x38;
	[tilespmem:$0x14500] =	vst v63  }
0x15: {  	s9 =	smul.u32 $0x7800, s1;
	_ =	swait.ge [sflag:s3], $0x1800  }
0x16: {  	[sflag:s3] =	ssyncset.done $0x0  }
0x17: {  	s26 =	smul.u32 $0x1E000, s1;
	s4 =	sadd.s32 s9, s2;
	[sflag:s3] =	ssyncadd.s32 $0xFFFFE800  }
0x18: {  	[spmem:s4] =	stream.linear.scatter [tilespmem:s25], [sflag:$0x1], $0x1800, $0x38;
	[tilespmem:$0x14500] =	vst v63  }
0x19: {  	s6 =	sshrl.u32 s26, $0x2;
	_ =	swait.ge [sflag:s3], $0x1800  }
0x1a: {  	s6 =	sadd.s32 s6, s2;
	[sflag:s3] =	ssyncset.done $0x0  }
0x1b: {  	s8 =	sadd.s32 $0x1800, s6;
	[sflag:s3] =	ssyncadd.s32 $0xFFFFE800  }
0x1c: {  	[spmem:s8] =	stream.linear.scatter [tilespmem:s25], [sflag:$0x1], $0x1800, $0x38;
	[tilespmem:$0x14500] =	vst v63  }
0x1d: {  	_ =	swait.ge [sflag:s3], $0x1800  }
0x1e: {  	[sflag:s3] =	ssyncset.done $0x0  }
0x1f: {  	s28 =	sadd.s32 $0x3000, s6;
	[sflag:s3] =	ssyncadd.s32 $0xFFFFE800  }
0x20: {  	[spmem:s28] =	stream.linear.scatter [tilespmem:s25], [sflag:$0x1], $0x1800, $0x38;
	[tilespmem:$0x14500] =	vst v63  }
0x21: {  	_ =	swait.ge [sflag:s3], $0x1800  }
0x22: {  	[sflag:s3] =	ssyncset.done $0x0  }
0x23: {  	s29 =	sadd.s32 $0x4800, s6;
	[sflag:s3] =	ssyncadd.s32 $0xFFFFE800  }
0x24: {  	[spmem:s29] =	stream.linear.scatter [tilespmem:s25], [sflag:$0x1], $0x1800, $0x38;
	[tilespmem:$0x14500] =	vst v63  }
0x25: {  	_ =	swait.ge [sflag:s3], $0x1800  }
0x26: {  	[sflag:s3] =	ssyncset.done $0x0  }
0x27: {  	s6 =	sadd.s32 $0x6000, s6;
	[sflag:s3] =	ssyncadd.s32 $0xFFFFE800  }
0x28: {  	[spmem:s6] =	stream.linear.scatter [tilespmem:s25], [sflag:$0x1], $0x1800, $0x38;
	[tilespmem:$0x14500] =	vst v63  }
0x29: {  	_ =	swait.ge [sflag:s3], $0x1800  }
0x2a: {  	[sflag:s3] =	ssyncset.done $0x0  }
0x2b: {  	s10 =	simm.s32 $0x0;
	s7 =	simm.s32 $0x9D00;
	[sflag:s3] =	ssyncadd.s32 $0xFFFFE800  }
0x2c: {  	s8 =	sadd.s32 $0x61400, s5;
	s6 =	simm.s32 $0x80;
	[bflag:$0x0] =	sbarrier.arrive $0xFFFF  }
0x2d: {  	[tilespmem:s7], [sflag:$0x1] =	stream.indirect.gather [hbm4b:s8+s6], $0x30, s10, s6, $0xb8;
	[tilespmem:$0x14500] =	vst v63  }
0x2e: {  	_ =	swait.ge [sflag:s3], $0x1800  }
0x2f: {  	[sflag:s3] =	ssyncset.done $0x0  }
0x30: {  	s31 =	simm.s32 $0x4E80;
	s9 =	sshrl.u32 s9, $0x3;
	[sflag:s3] =	ssyncadd.s32 $0xFFFFE800  }
0x31: {  	[spmem:s2] =	stream.indirect.scatter.add.f32 [tilespmem:s7], [sflag:$0x1], $0x30, s31, s6, $0xb8;
	[tilespmem:$0x14500] =	vst v63  }
0x32: {  	s30 =	sadd.s32 s9, s5;
	s9 =	simm.s32 $0x200;
	_ =	swait.ge [sflag:s3], $0x1800  }
0x33: {  	s5 =	sadd.s32 $0x70800, s30;
	s10 =	simm.s32 $0x400;
	[sflag:s3] =	ssyncset.done $0x0  }
.LBB2_2:
0x34: {  	s11 =	sshra.s32 s9, $0x2  }
0x35: {  	[sflag:s3] =	ssyncadd.s32 $0xFFFFE800;
	s9 =	smov.u32 s10;
	s12 =	sadd.s32 $0x200, s10  }
0x36: {  	[tilespmem:s7], [sflag:$0x1] =	stream.indirect.gather [hbm4b:s8+s6], $0x30, s11, s6, $0xb8;
	[tilespmem:$0x14500] =	vst v63  }
0x37: {  	p0 =	sne.s32 s10, $0x13800;
	_ =	swait.ge [sflag:s3], $0x1800  }
.Ltmp1:
0x38: {  	[sflag:s3] =	ssyncset.done $0x0;
	(pc) =	sbr.rel @p0 .LBB2_2-.Ltmp1, $4  }
0x39: {  	s10 =	sadd.s32 $0x4E80, s11;
	[sflag:s3] =	ssyncadd.s32 $0xFFFFE800  }
0x3a: {  	[spmem:s2] =	stream.indirect.scatter.add.f32 [tilespmem:s7], [sflag:$0x1], $0x30, s10, s6, $0xb8;
	[tilespmem:$0x14500] =	vst v63  }
0x3b: {  	_ =	swait.ge [sflag:s3], $0x1800  }
0x3c: {  	s10 =	smov.u32 s12;
	[sflag:s3] =	ssyncset.done $0x0  }
0x3d: {  	s9 =	sshra.s32 s9, $0x2;
	[sflag:s3] =	ssyncadd.s32 $0xFFFFE800  }
0x3e: {  	[tilespmem:s7], [sflag:$0x1] =	stream.indirect.gather [hbm4b:s8+s6], $0x30, s9, s6, $0xb8;
	[tilespmem:$0x14500] =	vst v63  }
0x3f: {  	_ =	swait.ge [sflag:s3], $0x1800  }
0x40: {  	[sflag:s3] =	ssyncset.done $0x0  }
0x41: {  	s28 =	sadd.s32 $0x4E80, s9;
	[sflag:s3] =	ssyncadd.s32 $0xFFFFE800  }
0x42: {  	[spmem:s2] =	stream.indirect.scatter.add.f32 [tilespmem:s7], [sflag:$0x1], $0x30, s28, s6, $0xb8;
	[tilespmem:$0x14500] =	vst v63  }
0x43: {  	_ =	swait.ge [sflag:s3], $0x1800  }
0x44: {  	[sflag:s3] =	ssyncset.done $0x0  }
0x45: {  	s29 =	sshll.u32 s1, $0x6;
	s30 =	sshrl.u32 s4, $0x3;
	[sflag:s3] =	ssyncadd.s32 $0xFFFFE800  }
0x46: {  	s31 =	simm.s32 $0x1;
	s2 =	sor.u32 $0x1C01, s29;
	[bflag:$0x0] =	sbarrier.arrive $0xFFFF  }
0x47: {  	[hbm:s5], [sflag:s2] =	dma.local [spmem:s30], $0xF00  }
0x48: {  	_ =	swait.ge [sflag:s31], $0xF00  }
0x49: {  	[sflag:s31] =	ssyncset.done $0x0  }
0x4a: {  	[sflag:s31] =	ssyncadd.s32 $0xFFFFF100  }
.LBB2_4:
0x4b: {  	_ =	sfence.sel $0x180000  }
0x4c: {  	[bflag:$0x0] =	sbarrier.arrive $0xFFFF  }
0x4d: {  	p0 =	sne.s32 s1, $0x0;
	_ =	strace $0x90000059  }
0x4e: {  	s0 =	sadd.s32 @!p0 $0x100000, s0;
	[bflag:$0x2] =	sbarrier.arrive $0xFFFF  }
0x4f: {  	[sflag:s0] =	ssyncadd.tile.s32 @!p0 $0x1;
	_ =	shalt  }
.Lfunc_end2:
_tile_overlayer_lowered:
.L_overlay_start_2:
0x50: {  	(tag) =	ssettag $0x2  }
0x51: {  	s0 =	rddreg [dreg:$0x0];
	s2 =	stileid.u32  }
0x52: {  	s1 =	rddreg [dreg:$0x1];
	p0 =	sne.s32 s2, $0x0  }
0x53: {  	s3 =	rddreg [dreg:$0x2];
	[bflag:$0x3] =	sbarrier.arrive $0xFFFF;
	s2 =	simm.s32 @!p0 $0x1C01  }
0x54: {  	[timem:s3], [sflag:s2] =	dma.local @!p0 [hbm:s0], s1  }
0x55: {  	s0 =	simm.s32 @!p0 $0x1  }
0x56: {  	_ =	swait.ge @!p0 [sflag:s0], s1  }
0x57: {  	s1 =	ssub.s32 @!p0 $0x0, s1;
	[sflag:s0] =	ssyncset.done @!p0 $0x0  }
0x58: {  	[sflag:s0] =	ssyncadd.s32 @!p0 s1  }
0x59: {  	[bflag:$0x3] =	sbarrier.arrive $0xFFFF  }
0x5a: {  	_ =	shalt  }

// kernel: kernel.45.cloned.1.call-start
scs
__scs_entry_jumppad:
0x0: {  	(pc) =	sbr.rel $0x88, $3  }
0x1: {  	(tag) =	ssettag $0x0;
	lr =	simm.s32 $0x1  }
0x2: {  	[smem:$0x3F9A] =	sst lr;
	_ =	strace $0xD0000000  }
0x3: {  	_ = 	snop  }
0x4: {  	_ = 	snop  }
0x5: {  	_ = 	snop  }
0x6: {  	_ = 	snop  }
0x7: {  	_ = 	snop  }
__scs_overlays_trampoline_lowered:
0x8: {  	[smem:$0x3FA9] =	sst s0  }
0x9: {  	[smem:$0x3FAA] =	sst s1  }
0xa: {  	[smem:$0x3FAB] =	sst s2  }
0xb: {  	[smem:$0x3FAC] =	sst s3  }
0xc: {  	[smem:$0x3FAD] =	sst s4  }
0xd: {  	[smem:$0x3FAE] =	sst s5  }
0xe: {  	[smem:$0x3FAF] =	sst s6  }
0xf: {  	[smem:$0x3FB0] =	sst s7  }
0x10: {  	[smem:$0x3FB1] =	sst s8  }
0x11: {  	[smem:$0x3FB2] =	sst s9;
	s0 =	simm.s32 @!p0 $0x0  }
0x12: {  	s1 =	sld [smem:$0x3F98];
	s0 =	simm.s32 @p0 $0x1  }
0x13: {  	[smem:$0x3FB3] =	sst s0;
	s0 =	simm.s32 @!p1 $0x0  }
0x14: {  	s2 =	sld [smem:$0x3F97];
	s0 =	simm.s32 @p1 $0x1  }
0x15: {  	[smem:$0x3FB4] =	sst s0;
	s0 =	simm.s32 @!p2 $0x0  }
0x16: {  	s3 =	sld [smem:$0x3FDB];
	s0 =	simm.s32 @p2 $0x1  }
0x17: {  	s4 =	simm.s32 $0x1BF5;
	[smem:$0x3FB6] =	sst s0  }
0x18: {  	s0 =	sld [smem:$0x3F99];
	_ =	swait.ge [sflag:s4], $0x0  }
0x19: {  	s7 =	sld [smem:$0x3F9A]  }
0x1a: {  	s8 =	sadd.s32 $0xFFFFE003, lr  }
0x1b: {  	s9 =	sadd.s32 $0xFFFFFEF7, lr;
	s5 =	simm.s32 $0xFFFFFFFF;
	p2 =	slt.u32 s8, $0xFFFFF086  }
0x1c: {  	p1 =	slt.u32 s9, $0xF7A;
	s5 =	simm.s32 @!p2 $0x0  }
0x1d: {  	s5 =	simm.s32 @p1 $0x1;
	p0 =	seq.s32 s7, s2  }
0x1e: {  	s7 =	smul.u32 @!p0 $0xF7A, s2;
	p2 =	seq.s32 @!p0 s5, $0x0  }
0x1f: {  	s9 =	smul.u32 $0xF7A, s1;
	s8 =	simm.s32 @!p0 $0x1BF5;
	p2 =	por !p2, p0  }
0x20: {  	[sflag:s8] =	ssyncset.s32 @!p0 $0xFFFFF086;
	s6 =	sadd.s32 @!p0 s3, s7;
	s7 =	simm.s32 @!p0 $0x108  }
0x21: {  	s3 =	sadd.s32 s3, s9;
	s6 =	sadd.s32 @!p0 $0x88, s6;
	s7 =	simm.s32 @p2 $0x1082  }
0x22: {  	[simem:s7], [sflag:s8] =	dma.local @!p0 [hbm:s6], $0xF7A  }
0x23: {  	s9 =	sor.u32 $0xD0000000, s2;
	s6 =	simm.s32 $0x108;
	_ =	swait.ge @!p0 [sflag:s8], $0x0  }
0x24: {  	s3 =	sadd.s32 $0x88, s3;
	s6 =	simm.s32 @!p1 $0x1082;
	[sflag:s4] =	ssyncset.s32 $0xFFFFF086  }
0x25: {  	[simem:s6], [sflag:s4] =	dma.local [hbm:s3], $0xF7A  }
0x26: {  	[smem:$0x3F9A] =	sst s1;
	(tag) =	ssettag s2;
	_ =	strace s9  }
0x27: {  	s1 =	sld [smem:$0x3FAA]  }
0x28: {  	s2 =	sld [smem:$0x3FAB]  }
0x29: {  	s4 =	sld [smem:$0x3FAD]  }
0x2a: {  	p0 =	seq.s32 s5, $0x0;
	s5 =	sld [smem:$0x3FAE]  }
0x2b: {  	s6 =	sld [smem:$0x3FAF]  }
0x2c: {  	s7 =	sld [smem:$0x3FB0]  }
0x2d: {  	s3 =	simm.s32 $0x108;
	s8 =	sld [smem:$0x3FB1]  }
0x2e: {  	s3 =	simm.s32 @!p0 $0x1082;
	s9 =	sld [smem:$0x3FB2]  }
0x2f: {  	lr =	sadd.s32 s0, s3;
	s0 =	sld [smem:$0x3FA9]  }
0x30: {  	s3 =	sld [smem:$0x3FAC]  }
0x31: {  	[smem:$0x3FB5] =	sst s10  }
0x32: {  	s10 =	sld [smem:$0x3FB3];
	_ =	sdelay $0x3  }
0x33: {  	p0 =	seq.s32 s10, $0x1;
	s10 =	sld [smem:$0x3FB5];
	_ =	sdelay $0x3  }
0x34: {  	[smem:$0x3FB5] =	sst s10  }
0x35: {  	s10 =	sld [smem:$0x3FB4];
	_ =	sdelay $0x3  }
0x36: {  	p1 =	seq.s32 s10, $0x1;
	s10 =	sld [smem:$0x3FB5];
	_ =	sdelay $0x3  }
0x37: {  	[smem:$0x3FB5] =	sst s10  }
0x38: {  	s10 =	sld [smem:$0x3FB6]  }
0x39: {  	_ = 	snop;
	(pc) =	sbr.ind lr, $3  }
0x3a: {  	_ = 	snop  }
0x3b: {  	_ = 	snop  }
0x3c: {  	p2 =	seq.s32 s10, $0x1;
	s10 =	sld [smem:$0x3FB5]  }
0x3d: {  	_ =	shalt  }
0x3e: {  	_ =	shalt  }
0x3f: {  	_ =	shalt  }
0x40: {  	_ =	shalt  }
0x41: {  	_ =	shalt  }
0x42: {  	_ =	shalt  }
0x43: {  	_ =	shalt  }
0x44: {  	_ =	shalt  }
0x45: {  	_ =	shalt  }
0x46: {  	_ =	shalt  }
0x47: {  	_ =	shalt  }
0x48: {  	_ =	shalt  }
0x49: {  	_ =	shalt  }
0x4a: {  	_ =	shalt  }
0x4b: {  	_ =	shalt  }
0x4c: {  	_ =	shalt  }
0x4d: {  	_ =	shalt  }
0x4e: {  	_ =	shalt  }
0x4f: {  	_ =	shalt  }
0x50: {  	_ =	shalt  }
0x51: {  	_ =	shalt  }
0x52: {  	_ =	shalt  }
0x53: {  	_ =	shalt  }
0x54: {  	_ =	shalt  }
0x55: {  	_ =	shalt  }
0x56: {  	_ =	shalt  }
0x57: {  	_ =	shalt  }
0x58: {  	_ =	shalt  }
0x59: {  	_ =	shalt  }
0x5a: {  	_ =	shalt  }
0x5b: {  	_ =	shalt  }
0x5c: {  	_ =	shalt  }
0x5d: {  	_ =	shalt  }
0x5e: {  	_ =	shalt  }
0x5f: {  	_ =	shalt  }
0x60: {  	_ =	shalt  }
0x61: {  	_ =	shalt  }
0x62: {  	_ =	shalt  }
0x63: {  	_ =	shalt  }
0x64: {  	_ =	shalt  }
0x65: {  	_ =	shalt  }
0x66: {  	_ =	shalt  }
0x67: {  	_ =	shalt  }
0x68: {  	_ =	shalt  }
0x69: {  	_ =	shalt  }
0x6a: {  	_ =	shalt  }
0x6b: {  	_ =	shalt  }
0x6c: {  	_ =	shalt  }
0x6d: {  	_ =	shalt  }
0x6e: {  	_ =	shalt  }
0x6f: {  	_ =	shalt  }
0x70: {  	_ =	shalt  }
0x71: {  	_ =	shalt  }
0x72: {  	_ =	shalt  }
0x73: {  	_ =	shalt  }
0x74: {  	_ =	shalt  }
0x75: {  	_ =	shalt  }
0x76: {  	_ =	shalt  }
0x77: {  	_ =	shalt  }
0x78: {  	_ =	shalt  }
0x79: {  	_ =	shalt  }
0x7a: {  	_ =	shalt  }
0x7b: {  	_ =	shalt  }
0x7c: {  	_ =	shalt  }
0x7d: {  	_ =	shalt  }
0x7e: {  	_ =	shalt  }
0x7f: {  	_ =	shalt  }
0x80: {  	_ =	shalt  }
0x81: {  	_ =	shalt  }
0x82: {  	_ =	shalt  }
0x83: {  	_ =	shalt  }
0x84: {  	_ =	shalt  }
0x85: {  	_ =	shalt  }
0x86: {  	_ =	shalt  }
0x87: {  	_ =	shalt  }
.Lfunc_end0:
.L_simem_size_0:
called_computation.7_lowered:
.L_overlay_start_0:
0x88: {  	s2 =	sld [smem:$0x3FD9]  }
0x89: {  	s3 =	sld [smem:$0x3FFE];
	_ =	sdelay $0x1  }
0x8a: {  	s1 =	srdreg.scid  }
0x8b: {  	s0 =	sand.u32 $0x1, s1  }
0x8c: {  	s17 =	sshll.u32 s0, $0xA;
	s2 =	sadd.s32 s3, s2  }
0x8d: {  	s2 =	sadd.s32 s2, s17  }
0x8e: {  	[smem:$0x3FC1] =	sst s2  }
0x8f: {  	_ = 	snop  }
0x90: {  	s2 =	sld [smem:$0x3FD0];
	(tm) =	ssettm $0x1  }
0x91: {  	s18 =	sld [smem:$0x3FFB];
	_ =	sdelay $0x3  }
0x92: {  	_ =	strace s18  }
0x93: {  	s3 =	sld [smem:$0x3FFC];
	_ =	sdelay $0x3  }
0x94: {  	_ =	strace s3  }
0x95: {  	s3 =	sld [smem:$0x3FFD];
	_ =	sdelay $0x3  }
0x96: {  	_ =	strace s3  }
0x97: {  	_ =	strace $0x8FFFFFFF  }
0x98: {  	s19 =	sld [smem:$0x3FDB];
	_ =	sdelay $0x1  }
0x99: {  	s4 =	simm.s32 $_scs_section_size  }
0x9a: {  	s5 =	simm.s32 $_size__tile_overlayer_lowered;
	s6 =	simm.s32 $_tile_overlayer_lowered  }
0x9b: {  	s22 =	simm.s32 $0x1BFF;
	s21 =	sshll.u32 s6, $0x1;
	s3 =	sadd.s32 s4, s19  }
0x9c: {  	s7 =	simm.s32 $0x0;
	s20 =	sshll.u32 s5, $0x1;
	s5 =	sadd.s32 s21, s3  }
0x9d: {  	[timem:s7], [sflag:s22] =	dma.local [hbm:s5], s20  }
0x9e: {  	_ =	swait.ge [sflag:s22], s20  }
0x9f: {  	s4 =	ssub.s32 $0x0, s20;
	[sflag:s22] =	ssyncset.done $0x0  }
0xa0: {  	[sflag:s22] =	ssyncadd.s32 s4;
	_ =	sdelay $0x1  }
0xa1: {  	s23 =	simm.s32 $0x1B8B  }
0xa2: {  	_ =	swait.ge [sflag:s23], $0x1  }
0xa3: {  	[sflag:s23] =	ssyncset.done $0x0  }
0xa4: {  	s25 =	simm.s32 $0x1B8E;
	s24 =	sld [smem:$0x3FFE];
	[sflag:s23] =	ssyncadd.s32 $0xFFFFFFFF  }
0xa5: {  	s26 =	simm.s32 $execute0_lowered;
	[smem:$0x3FD2] =	sst s25  }
0xa6: {  	s5 =	sshll.u32 s26, $0x1;
	_ =	strace $0x8000005B;
	[dreg:$0x1] =	wrdreg $0xFFFFFFFF  }
0xa7: {  	s28 =	simm.s32 $_size_execute0_lowered;
	s3 =	sadd.s32 s3, s5;
	[dreg:$0x0] =	wrdreg $0x0  }
0xa8: {  	s5 =	sshll.u32 s28, $0x1;
	[dreg:$0x2] =	wrdreg s3  }
0xa9: {  	[dreg:$0x3] =	wrdreg s5  }
0xaa: {  	[dreg:$0x4] =	wrdreg $0xC0  }
0xab: {  	_ =	task [dreg:s7], $0x5FFFF  }
0xac: {  	[dreg:$0x1] =	wrdreg $0xFFFFFFFF  }
0xad: {  	[dreg:$0x0] =	wrdreg $0x60  }
0xae: {  	[dreg:$0x2] =	wrdreg s2  }
0xaf: {  	[dreg:$0x3] =	wrdreg s24  }
0xb0: {  	[dreg:$0x4] =	wrdreg $0xCD000  }
0xb1: {  	[dreg:$0x5] =	wrdreg $0x9  }
0xb2: {  	_ =	task.clear_ibuf [dreg:s7], $0x6FFFF;
	_ =	strace $0x9000005B  }
0xb3: {  	s29 =	simm.s32 $0x9;
	_ =	strace $0x8000005D  }
0xb4: {  	_ =	swait.ge [sflag:s29], $0x1  }
0xb5: {  	[sflag:s29] =	ssyncadd.s32 $0xFFFFFFFF  }
0xb6: {  	_ =	strace $0x9000005D  }
0xb7: {  	_ =	sfence  }
0xb8: {  	s30 =	sld [smem:$0x0];
	_ =	sdelay $0x2  }
0xb9: {  	s31 =	sshll.u32 s1, $0xD;
	s1 =	sshrl.u32 s1, $0x2  }
0xba: {  	s3 =	sand.u32 $0x4000, s31;
	s1 =	sadd.s32 s1, s30  }
0xbb: {  	s0 =	sor.u32 s3, s0;
	s1 =	sshll.u32 s1, $0x11  }
0xbc: {  	s0 =	sor.u32 s1, s0  }
0xbd: {  	s0 =	sadd.s32 $0x8F2B, s0  }
0xbe: {  	[sflag:s0] =	ssyncadd.remote.s32 $0x1  }
0xbf: {  	_ =	sfence.sel $0xFFFF  }
0xc0: {  	[dreg:$0x0] =	wrdreg $0xFFFFFFFF;
	(pc) =	sbr.abs _section_cstart, $3  }
0xc1: {  	[dreg:$0x1] =	wrdreg $0xFFFFFFFF  }
0xc2: {  	_ =	task.clear_ibuf [dreg:s7], $0x2FFFF;
	_ =	strace $0x9FFFFFFF  }
0xc3: {  	(tm) =	ssettm $0x7FFFFFFF  }
tec
execute0_lowered:
.L_overlay_start_1:
0x0: {  	(tag) =	ssettag $0x1  }
0x1: {  	s1 =	srdreg.scid  }
0x2: {  	s1 =	sand.u32 $0x1, s1  }
0x3: {  	p0 =	seq.s32 s1, $0x1  }
.Ltmp0:
0x4: {  	s3 =	rddreg [dreg:$0x0];
	(pc) =	sbr.rel @p0 .LBB2_4-.Ltmp0, $4  }
0x5: {  	s5 =	rddreg [dreg:$0x1]  }
0x6: {  	s2 =	rddreg [dreg:$0x2];
	s4 =	simm.s32 $0x0  }
0x7: {  	[smem:$0x7FF] =	sst s4  }
0x8: {  	s0 =	rddreg [dreg:$0x3];
	_ =	strace $0x8000005C;
	s1 =	stileid.u32  }
0x9: {  	s6 =	smul.u32 $0x9D0, s1;
	_ =	sdelay $0x1  }
0xa: {  	s3 =	sadd.s32 s3, s6  }
0xb: {  	[tilespmem:s4], [sflag:$0x1] =	stream.linear.gather [hbm4b:s3+s4], $0x4E80, $0x38;
	[tilespmem:$0x14500] =	vst v63  }
0xc: {  	s3 =	simm.s32 $0x1  }
0xd: {  	_ =	swait.ge [sflag:s3], $0x4E80  }
0xe: {  	s7 =	sadd.s32 $0x7600, s5;
	[sflag:s3] =	ssyncset.done $0x0  }
0xf: {  	s23 =	simm.s32 $0x4E80;
	s6 =	sadd.s32 s7, s6;
	[sflag:s3] =	ssyncadd.s32 $0xFFFFB180  }
0x10: {  	[tilespmem:s23], [sflag:$0x1] =	stream.linear.gather [hbm4b:s6+s4], $0x4E80, $0x38;
	[tilespmem:$0x14500] =	vst v63  }
0x11: {  	_ =	swait.ge [sflag:s3], $0x4E80  }
0x12: {  	[sflag:s3] =	ssyncset.done $0x0  }
0x13: {  	s24 =	sadd.s32 $0x70400, s5;
	s25 =	simm.s32 $0xB500;
	[sflag:s3] =	ssyncadd.s32 $0xFFFFB180  }
0x14: {  	[tilespmem:s25], [sflag:$0x1] =	stream.linear.gather [hbm4b:s24+s4], $0x1800, $0x38;
	[tilespmem:$0x14500] =	vst v63  }
0x15: {  	s9 =	smul.u32 $0x7800, s1;
	_ =	swait.ge [sflag:s3], $0x1800  }
0x16: {  	[sflag:s3] =	ssyncset.done $0x0  }
0x17: {  	s26 =	smul.u32 $0x1E000, s1;
	s4 =	sadd.s32 s9, s2;
	[sflag:s3] =	ssyncadd.s32 $0xFFFFE800  }
0x18: {  	[spmem:s4] =	stream.linear.scatter [tilespmem:s25], [sflag:$0x1], $0x1800, $0x38;
	[tilespmem:$0x14500] =	vst v63  }
0x19: {  	s6 =	sshrl.u32 s26, $0x2;
	_ =	swait.ge [sflag:s3], $0x1800  }
0x1a: {  	s6 =	sadd.s32 s6, s2;
	[sflag:s3] =	ssyncset.done $0x0  }
0x1b: {  	s8 =	sadd.s32 $0x1800, s6;
	[sflag:s3] =	ssyncadd.s32 $0xFFFFE800  }
0x1c: {  	[spmem:s8] =	stream.linear.scatter [tilespmem:s25], [sflag:$0x1], $0x1800, $0x38;
	[tilespmem:$0x14500] =	vst v63  }
0x1d: {  	_ =	swait.ge [sflag:s3], $0x1800  }
0x1e: {  	[sflag:s3] =	ssyncset.done $0x0  }
0x1f: {  	s28 =	sadd.s32 $0x3000, s6;
	[sflag:s3] =	ssyncadd.s32 $0xFFFFE800  }
0x20: {  	[spmem:s28] =	stream.linear.scatter [tilespmem:s25], [sflag:$0x1], $0x1800, $0x38;
	[tilespmem:$0x14500] =	vst v63  }
0x21: {  	_ =	swait.ge [sflag:s3], $0x1800  }
0x22: {  	[sflag:s3] =	ssyncset.done $0x0  }
0x23: {  	s29 =	sadd.s32 $0x4800, s6;
	[sflag:s3] =	ssyncadd.s32 $0xFFFFE800  }
0x24: {  	[spmem:s29] =	stream.linear.scatter [tilespmem:s25], [sflag:$0x1], $0x1800, $0x38;
	[tilespmem:$0x14500] =	vst v63  }
0x25: {  	_ =	swait.ge [sflag:s3], $0x1800  }
0x26: {  	[sflag:s3] =	ssyncset.done $0x0  }
0x27: {  	s6 =	sadd.s32 $0x6000, s6;
	[sflag:s3] =	ssyncadd.s32 $0xFFFFE800  }
0x28: {  	[spmem:s6] =	stream.linear.scatter [tilespmem:s25], [sflag:$0x1], $0x1800, $0x38;
	[tilespmem:$0x14500] =	vst v63  }
0x29: {  	_ =	swait.ge [sflag:s3], $0x1800  }
0x2a: {  	[sflag:s3] =	ssyncset.done $0x0  }
0x2b: {  	s10 =	simm.s32 $0x0;
	s7 =	simm.s32 $0x9D00;
	[sflag:s3] =	ssyncadd.s32 $0xFFFFE800  }
0x2c: {  	s8 =	sadd.s32 $0x61400, s5;
	s6 =	simm.s32 $0x80;
	[bflag:$0x0] =	sbarrier.arrive $0xFFFF  }
0x2d: {  	[tilespmem:s7], [sflag:$0x1] =	stream.indirect.gather [hbm4b:s8+s6], $0x30, s10, s6, $0xb8;
	[tilespmem:$0x14500] =	vst v63  }
0x2e: {  	_ =	swait.ge [sflag:s3], $0x1800  }
0x2f: {  	[sflag:s3] =	ssyncset.done $0x0  }
0x30: {  	s31 =	simm.s32 $0x4E80;
	s9 =	sshrl.u32 s9, $0x3;
	[sflag:s3] =	ssyncadd.s32 $0xFFFFE800  }
0x31: {  	[spmem:s2] =	stream.indirect.scatter.add.f32 [tilespmem:s7], [sflag:$0x1], $0x30, s31, s6, $0xb8;
	[tilespmem:$0x14500] =	vst v63  }
0x32: {  	s30 =	sadd.s32 s9, s5;
	s9 =	simm.s32 $0x200;
	_ =	swait.ge [sflag:s3], $0x1800  }
0x33: {  	s5 =	sadd.s32 $0x70800, s30;
	s10 =	simm.s32 $0x400;
	[sflag:s3] =	ssyncset.done $0x0  }
.LBB2_2:
0x34: {  	s11 =	sshra.s32 s9, $0x2  }
0x35: {  	[sflag:s3] =	ssyncadd.s32 $0xFFFFE800;
	s9 =	smov.u32 s10;
	s12 =	sadd.s32 $0x200, s10  }
0x36: {  	[tilespmem:s7], [sflag:$0x1] =	stream.indirect.gather [hbm4b:s8+s6], $0x30, s11, s6, $0xb8;
	[tilespmem:$0x14500] =	vst v63  }
0x37: {  	p0 =	sne.s32 s10, $0x13800;
	_ =	swait.ge [sflag:s3], $0x1800  }
.Ltmp1:
0x38: {  	[sflag:s3] =	ssyncset.done $0x0;
	(pc) =	sbr.rel @p0 .LBB2_2-.Ltmp1, $4  }
0x39: {  	s10 =	sadd.s32 $0x4E80, s11;
	[sflag:s3] =	ssyncadd.s32 $0xFFFFE800  }
0x3a: {  	[spmem:s2] =	stream.indirect.scatter.add.f32 [tilespmem:s7], [sflag:$0x1], $0x30, s10, s6, $0xb8;
	[tilespmem:$0x14500] =	vst v63  }
0x3b: {  	_ =	swait.ge [sflag:s3], $0x1800  }
0x3c: {  	s10 =	smov.u32 s12;
	[sflag:s3] =	ssyncset.done $0x0  }
0x3d: {  	s9 =	sshra.s32 s9, $0x2;
	[sflag:s3] =	ssyncadd.s32 $0xFFFFE800  }
0x3e: {  	[tilespmem:s7], [sflag:$0x1] =	stream.indirect.gather [hbm4b:s8+s6], $0x30, s9, s6, $0xb8;
	[tilespmem:$0x14500] =	vst v63  }
0x3f: {  	_ =	swait.ge [sflag:s3], $0x1800  }
0x40: {  	[sflag:s3] =	ssyncset.done $0x0  }
0x41: {  	s28 =	sadd.s32 $0x4E80, s9;
	[sflag:s3] =	ssyncadd.s32 $0xFFFFE800  }
0x42: {  	[spmem:s2] =	stream.indirect.scatter.add.f32 [tilespmem:s7], [sflag:$0x1], $0x30, s28, s6, $0xb8;
	[tilespmem:$0x14500] =	vst v63  }
0x43: {  	_ =	swait.ge [sflag:s3], $0x1800  }
0x44: {  	[sflag:s3] =	ssyncset.done $0x0  }
0x45: {  	s29 =	sshll.u32 s1, $0x6;
	s30 =	sshrl.u32 s4, $0x3;
	[sflag:s3] =	ssyncadd.s32 $0xFFFFE800  }
0x46: {  	s31 =	simm.s32 $0x1;
	s2 =	sor.u32 $0x1C01, s29;
	[bflag:$0x0] =	sbarrier.arrive $0xFFFF  }
0x47: {  	[hbm:s5], [sflag:s2] =	dma.local [spmem:s30], $0xF00  }
0x48: {  	_ =	swait.ge [sflag:s31], $0xF00  }
0x49: {  	[sflag:s31] =	ssyncset.done $0x0  }
0x4a: {  	[sflag:s31] =	ssyncadd.s32 $0xFFFFF100  }
.LBB2_4:
0x4b: {  	_ =	sfence.sel $0x180000  }
0x4c: {  	[bflag:$0x0] =	sbarrier.arrive $0xFFFF  }
0x4d: {  	p0 =	sne.s32 s1, $0x0;
	_ =	strace $0x9000005C  }
0x4e: {  	s0 =	sadd.s32 @!p0 $0x100000, s0;
	[bflag:$0x2] =	sbarrier.arrive $0xFFFF  }
0x4f: {  	[sflag:s0] =	ssyncadd.tile.s32 @!p0 $0x1;
	_ =	shalt  }
.Lfunc_end2:
_tile_overlayer_lowered:
.L_overlay_start_2:
0x50: {  	(tag) =	ssettag $0x2  }
0x51: {  	s0 =	rddreg [dreg:$0x0];
	s2 =	stileid.u32  }
0x52: {  	s1 =	rddreg [dreg:$0x1];
	p0 =	sne.s32 s2, $0x0  }
0x53: {  	s3 =	rddreg [dreg:$0x2];
	[bflag:$0x3] =	sbarrier.arrive $0xFFFF;
	s2 =	simm.s32 @!p0 $0x1C01  }
0x54: {  	[timem:s3], [sflag:s2] =	dma.local @!p0 [hbm:s0], s1  }
0x55: {  	s0 =	simm.s32 @!p0 $0x1  }
0x56: {  	_ =	swait.ge @!p0 [sflag:s0], s1  }
0x57: {  	s1 =	ssub.s32 @!p0 $0x0, s1;
	[sflag:s0] =	ssyncset.done @!p0 $0x0  }
0x58: {  	[sflag:s0] =	ssyncadd.s32 @!p0 s1  }
0x59: {  	[bflag:$0x3] =	sbarrier.arrive $0xFFFF  }
0x5a: {  	_ =	shalt  }

// kernel: kernel.48.cloned.1.call-start
scs
__scs_entry_jumppad:
0x0: {  	(pc) =	sbr.rel $0x88, $3  }
0x1: {  	(tag) =	ssettag $0x0;
	lr =	simm.s32 $0x1  }
0x2: {  	[smem:$0x3F9A] =	sst lr;
	_ =	strace $0xD0000000  }
0x3: {  	_ = 	snop  }
0x4: {  	_ = 	snop  }
0x5: {  	_ = 	snop  }
0x6: {  	_ = 	snop  }
0x7: {  	_ = 	snop  }
__scs_overlays_trampoline_lowered:
0x8: {  	[smem:$0x3FA9] =	sst s0  }
0x9: {  	[smem:$0x3FAA] =	sst s1  }
0xa: {  	[smem:$0x3FAB] =	sst s2  }
0xb: {  	[smem:$0x3FAC] =	sst s3  }
0xc: {  	[smem:$0x3FAD] =	sst s4  }
0xd: {  	[smem:$0x3FAE] =	sst s5  }
0xe: {  	[smem:$0x3FAF] =	sst s6  }
0xf: {  	[smem:$0x3FB0] =	sst s7  }
0x10: {  	[smem:$0x3FB1] =	sst s8  }
0x11: {  	[smem:$0x3FB2] =	sst s9;
	s0 =	simm.s32 @!p0 $0x0  }
0x12: {  	s1 =	sld [smem:$0x3F98];
	s0 =	simm.s32 @p0 $0x1  }
0x13: {  	[smem:$0x3FB3] =	sst s0;
	s0 =	simm.s32 @!p1 $0x0  }
0x14: {  	s2 =	sld [smem:$0x3F97];
	s0 =	simm.s32 @p1 $0x1  }
0x15: {  	[smem:$0x3FB4] =	sst s0;
	s0 =	simm.s32 @!p2 $0x0  }
0x16: {  	s3 =	sld [smem:$0x3FDB];
	s0 =	simm.s32 @p2 $0x1  }
0x17: {  	s4 =	simm.s32 $0x1BF5;
	[smem:$0x3FB6] =	sst s0  }
0x18: {  	s0 =	sld [smem:$0x3F99];
	_ =	swait.ge [sflag:s4], $0x0  }
0x19: {  	s7 =	sld [smem:$0x3F9A]  }
0x1a: {  	s8 =	sadd.s32 $0xFFFFE003, lr  }
0x1b: {  	s9 =	sadd.s32 $0xFFFFFEF7, lr;
	s5 =	simm.s32 $0xFFFFFFFF;
	p2 =	slt.u32 s8, $0xFFFFF086  }
0x1c: {  	p1 =	slt.u32 s9, $0xF7A;
	s5 =	simm.s32 @!p2 $0x0  }
0x1d: {  	s5 =	simm.s32 @p1 $0x1;
	p0 =	seq.s32 s7, s2  }
0x1e: {  	s7 =	smul.u32 @!p0 $0xF7A, s2;
	p2 =	seq.s32 @!p0 s5, $0x0  }
0x1f: {  	s9 =	smul.u32 $0xF7A, s1;
	s8 =	simm.s32 @!p0 $0x1BF5;
	p2 =	por !p2, p0  }
0x20: {  	[sflag:s8] =	ssyncset.s32 @!p0 $0xFFFFF086;
	s6 =	sadd.s32 @!p0 s3, s7;
	s7 =	simm.s32 @!p0 $0x108  }
0x21: {  	s3 =	sadd.s32 s3, s9;
	s6 =	sadd.s32 @!p0 $0x88, s6;
	s7 =	simm.s32 @p2 $0x1082  }
0x22: {  	[simem:s7], [sflag:s8] =	dma.local @!p0 [hbm:s6], $0xF7A  }
0x23: {  	s9 =	sor.u32 $0xD0000000, s2;
	s6 =	simm.s32 $0x108;
	_ =	swait.ge @!p0 [sflag:s8], $0x0  }
0x24: {  	s3 =	sadd.s32 $0x88, s3;
	s6 =	simm.s32 @!p1 $0x1082;
	[sflag:s4] =	ssyncset.s32 $0xFFFFF086  }
0x25: {  	[simem:s6], [sflag:s4] =	dma.local [hbm:s3], $0xF7A  }
0x26: {  	[smem:$0x3F9A] =	sst s1;
	(tag) =	ssettag s2;
	_ =	strace s9  }
0x27: {  	s1 =	sld [smem:$0x3FAA]  }
0x28: {  	s2 =	sld [smem:$0x3FAB]  }
0x29: {  	s4 =	sld [smem:$0x3FAD]  }
0x2a: {  	p0 =	seq.s32 s5, $0x0;
	s5 =	sld [smem:$0x3FAE]  }
0x2b: {  	s6 =	sld [smem:$0x3FAF]  }
0x2c: {  	s7 =	sld [smem:$0x3FB0]  }
0x2d: {  	s3 =	simm.s32 $0x108;
	s8 =	sld [smem:$0x3FB1]  }
0x2e: {  	s3 =	simm.s32 @!p0 $0x1082;
	s9 =	sld [smem:$0x3FB2]  }
0x2f: {  	lr =	sadd.s32 s0, s3;
	s0 =	sld [smem:$0x3FA9]  }
0x30: {  	s3 =	sld [smem:$0x3FAC]  }
0x31: {  	[smem:$0x3FB5] =	sst s10  }
0x32: {  	s10 =	sld [smem:$0x3FB3];
	_ =	sdelay $0x3  }
0x33: {  	p0 =	seq.s32 s10, $0x1;
	s10 =	sld [smem:$0x3FB5];
	_ =	sdelay $0x3  }
0x34: {  	[smem:$0x3FB5] =	sst s10  }
0x35: {  	s10 =	sld [smem:$0x3FB4];
	_ =	sdelay $0x3  }
0x36: {  	p1 =	seq.s32 s10, $0x1;
	s10 =	sld [smem:$0x3FB5];
	_ =	sdelay $0x3  }
0x37: {  	[smem:$0x3FB5] =	sst s10  }
0x38: {  	s10 =	sld [smem:$0x3FB6]  }
0x39: {  	_ = 	snop;
	(pc) =	sbr.ind lr, $3  }
0x3a: {  	_ = 	snop  }
0x3b: {  	_ = 	snop  }
0x3c: {  	p2 =	seq.s32 s10, $0x1;
	s10 =	sld [smem:$0x3FB5]  }
0x3d: {  	_ =	shalt  }
0x3e: {  	_ =	shalt  }
0x3f: {  	_ =	shalt  }
0x40: {  	_ =	shalt  }
0x41: {  	_ =	shalt  }
0x42: {  	_ =	shalt  }
0x43: {  	_ =	shalt  }
0x44: {  	_ =	shalt  }
0x45: {  	_ =	shalt  }
0x46: {  	_ =	shalt  }
0x47: {  	_ =	shalt  }
0x48: {  	_ =	shalt  }
0x49: {  	_ =	shalt  }
0x4a: {  	_ =	shalt  }
0x4b: {  	_ =	shalt  }
0x4c: {  	_ =	shalt  }
0x4d: {  	_ =	shalt  }
0x4e: {  	_ =	shalt  }
0x4f: {  	_ =	shalt  }
0x50: {  	_ =	shalt  }
0x51: {  	_ =	shalt  }
0x52: {  	_ =	shalt  }
0x53: {  	_ =	shalt  }
0x54: {  	_ =	shalt  }
0x55: {  	_ =	shalt  }
0x56: {  	_ =	shalt  }
0x57: {  	_ =	shalt  }
0x58: {  	_ =	shalt  }
0x59: {  	_ =	shalt  }
0x5a: {  	_ =	shalt  }
0x5b: {  	_ =	shalt  }
0x5c: {  	_ =	shalt  }
0x5d: {  	_ =	shalt  }
0x5e: {  	_ =	shalt  }
0x5f: {  	_ =	shalt  }
0x60: {  	_ =	shalt  }
0x61: {  	_ =	shalt  }
0x62: {  	_ =	shalt  }
0x63: {  	_ =	shalt  }
0x64: {  	_ =	shalt  }
0x65: {  	_ =	shalt  }
0x66: {  	_ =	shalt  }
0x67: {  	_ =	shalt  }
0x68: {  	_ =	shalt  }
0x69: {  	_ =	shalt  }
0x6a: {  	_ =	shalt  }
0x6b: {  	_ =	shalt  }
0x6c: {  	_ =	shalt  }
0x6d: {  	_ =	shalt  }
0x6e: {  	_ =	shalt  }
0x6f: {  	_ =	shalt  }
0x70: {  	_ =	shalt  }
0x71: {  	_ =	shalt  }
0x72: {  	_ =	shalt  }
0x73: {  	_ =	shalt  }
0x74: {  	_ =	shalt  }
0x75: {  	_ =	shalt  }
0x76: {  	_ =	shalt  }
0x77: {  	_ =	shalt  }
0x78: {  	_ =	shalt  }
0x79: {  	_ =	shalt  }
0x7a: {  	_ =	shalt  }
0x7b: {  	_ =	shalt  }
0x7c: {  	_ =	shalt  }
0x7d: {  	_ =	shalt  }
0x7e: {  	_ =	shalt  }
0x7f: {  	_ =	shalt  }
0x80: {  	_ =	shalt  }
0x81: {  	_ =	shalt  }
0x82: {  	_ =	shalt  }
0x83: {  	_ =	shalt  }
0x84: {  	_ =	shalt  }
0x85: {  	_ =	shalt  }
0x86: {  	_ =	shalt  }
0x87: {  	_ =	shalt  }
.Lfunc_end0:
.L_simem_size_0:
called_computation.8_lowered:
.L_overlay_start_0:
0x88: {  	s2 =	sld [smem:$0x3FD9]  }
0x89: {  	s3 =	sld [smem:$0x3FFE];
	_ =	sdelay $0x1  }
0x8a: {  	s1 =	srdreg.scid  }
0x8b: {  	s0 =	sand.u32 $0x1, s1  }
0x8c: {  	s17 =	sshll.u32 s0, $0xA;
	s2 =	sadd.s32 s3, s2  }
0x8d: {  	s2 =	sadd.s32 s2, s17  }
0x8e: {  	[smem:$0x3FC1] =	sst s2  }
0x8f: {  	_ = 	snop  }
0x90: {  	s2 =	sld [smem:$0x3FD0];
	(tm) =	ssettm $0x1  }
0x91: {  	s18 =	sld [smem:$0x3FFB];
	_ =	sdelay $0x3  }
0x92: {  	_ =	strace s18  }
0x93: {  	s3 =	sld [smem:$0x3FFC];
	_ =	sdelay $0x3  }
0x94: {  	_ =	strace s3  }
0x95: {  	s3 =	sld [smem:$0x3FFD];
	_ =	sdelay $0x3  }
0x96: {  	_ =	strace s3  }
0x97: {  	_ =	strace $0x8FFFFFFF  }
0x98: {  	s19 =	sld [smem:$0x3FDB];
	_ =	sdelay $0x1  }
0x99: {  	s4 =	simm.s32 $_scs_section_size  }
0x9a: {  	s5 =	simm.s32 $_size__tile_overlayer_lowered;
	s6 =	simm.s32 $_tile_overlayer_lowered  }
0x9b: {  	s22 =	simm.s32 $0x1BFF;
	s21 =	sshll.u32 s6, $0x1;
	s3 =	sadd.s32 s4, s19  }
0x9c: {  	s7 =	simm.s32 $0x0;
	s20 =	sshll.u32 s5, $0x1;
	s5 =	sadd.s32 s21, s3  }
0x9d: {  	[timem:s7], [sflag:s22] =	dma.local [hbm:s5], s20  }
0x9e: {  	_ =	swait.ge [sflag:s22], s20  }
0x9f: {  	s4 =	ssub.s32 $0x0, s20;
	[sflag:s22] =	ssyncset.done $0x0  }
0xa0: {  	[sflag:s22] =	ssyncadd.s32 s4;
	_ =	sdelay $0x1  }
0xa1: {  	s23 =	simm.s32 $0x1B8B  }
0xa2: {  	_ =	swait.ge [sflag:s23], $0x1  }
0xa3: {  	[sflag:s23] =	ssyncset.done $0x0  }
0xa4: {  	s25 =	simm.s32 $0x1B8E;
	s24 =	sld [smem:$0x3FFE];
	[sflag:s23] =	ssyncadd.s32 $0xFFFFFFFF  }
0xa5: {  	s26 =	simm.s32 $execute0_lowered;
	[smem:$0x3FD2] =	sst s25  }
0xa6: {  	s5 =	sshll.u32 s26, $0x1;
	_ =	strace $0x8000005E;
	[dreg:$0x1] =	wrdreg $0xFFFFFFFF  }
0xa7: {  	s28 =	simm.s32 $_size_execute0_lowered;
	s3 =	sadd.s32 s3, s5;
	[dreg:$0x0] =	wrdreg $0x0  }
0xa8: {  	s5 =	sshll.u32 s28, $0x1;
	[dreg:$0x2] =	wrdreg s3  }
0xa9: {  	[dreg:$0x3] =	wrdreg s5  }
0xaa: {  	[dreg:$0x4] =	wrdreg $0xC0  }
0xab: {  	_ =	task [dreg:s7], $0x5FFFF  }
0xac: {  	[dreg:$0x1] =	wrdreg $0xFFFFFFFF  }
0xad: {  	[dreg:$0x0] =	wrdreg $0x60  }
0xae: {  	[dreg:$0x2] =	wrdreg s2  }
0xaf: {  	[dreg:$0x3] =	wrdreg s24  }
0xb0: {  	[dreg:$0x4] =	wrdreg $0xCD000  }
0xb1: {  	[dreg:$0x5] =	wrdreg $0x9  }
0xb2: {  	_ =	task.clear_ibuf [dreg:s7], $0x6FFFF;
	_ =	strace $0x9000005E  }
0xb3: {  	s29 =	simm.s32 $0x9;
	_ =	strace $0x80000060  }
0xb4: {  	_ =	swait.ge [sflag:s29], $0x1  }
0xb5: {  	[sflag:s29] =	ssyncadd.s32 $0xFFFFFFFF  }
0xb6: {  	_ =	strace $0x90000060  }
0xb7: {  	_ =	sfence  }
0xb8: {  	s30 =	sld [smem:$0x0];
	_ =	sdelay $0x2  }
0xb9: {  	s31 =	sshll.u32 s1, $0xD;
	s1 =	sshrl.u32 s1, $0x2  }
0xba: {  	s3 =	sand.u32 $0x4000, s31;
	s1 =	sadd.s32 s1, s30  }
0xbb: {  	s0 =	sor.u32 s3, s0;
	s1 =	sshll.u32 s1, $0x11  }
0xbc: {  	s0 =	sor.u32 s1, s0  }
0xbd: {  	s0 =	sadd.s32 $0x8F2B, s0  }
0xbe: {  	[sflag:s0] =	ssyncadd.remote.s32 $0x1  }
0xbf: {  	_ =	sfence.sel $0xFFFF  }
0xc0: {  	[dreg:$0x0] =	wrdreg $0xFFFFFFFF;
	(pc) =	sbr.abs _section_cstart, $3  }
0xc1: {  	[dreg:$0x1] =	wrdreg $0xFFFFFFFF  }
0xc2: {  	_ =	task.clear_ibuf [dreg:s7], $0x2FFFF;
	_ =	strace $0x9FFFFFFF  }
0xc3: {  	(tm) =	ssettm $0x7FFFFFFF  }
tec
execute0_lowered:
.L_overlay_start_1:
0x0: {  	(tag) =	ssettag $0x1  }
0x1: {  	s1 =	srdreg.scid  }
0x2: {  	s1 =	sand.u32 $0x1, s1  }
0x3: {  	p0 =	seq.s32 s1, $0x1  }
.Ltmp0:
0x4: {  	s3 =	rddreg [dreg:$0x0];
	(pc) =	sbr.rel @p0 .LBB2_4-.Ltmp0, $4  }
0x5: {  	s5 =	rddreg [dreg:$0x1]  }
0x6: {  	s2 =	rddreg [dreg:$0x2];
	s4 =	simm.s32 $0x0  }
0x7: {  	[smem:$0x7FF] =	sst s4  }
0x8: {  	s0 =	rddreg [dreg:$0x3];
	_ =	strace $0x8000005F;
	s1 =	stileid.u32  }
0x9: {  	s6 =	smul.u32 $0x9D0, s1;
	_ =	sdelay $0x1  }
0xa: {  	s3 =	sadd.s32 s3, s6  }
0xb: {  	[tilespmem:s4], [sflag:$0x1] =	stream.linear.gather [hbm4b:s3+s4], $0x4E80, $0x38;
	[tilespmem:$0x14500] =	vst v63  }
0xc: {  	s3 =	simm.s32 $0x1  }
0xd: {  	_ =	swait.ge [sflag:s3], $0x4E80  }
0xe: {  	s7 =	sadd.s32 $0x7600, s5;
	[sflag:s3] =	ssyncset.done $0x0  }
0xf: {  	s23 =	simm.s32 $0x4E80;
	s6 =	sadd.s32 s7, s6;
	[sflag:s3] =	ssyncadd.s32 $0xFFFFB180  }
0x10: {  	[tilespmem:s23], [sflag:$0x1] =	stream.linear.gather [hbm4b:s6+s4], $0x4E80, $0x38;
	[tilespmem:$0x14500] =	vst v63  }
0x11: {  	_ =	swait.ge [sflag:s3], $0x4E80  }
0x12: {  	[sflag:s3] =	ssyncset.done $0x0  }
0x13: {  	s24 =	sadd.s32 $0x70400, s5;
	s25 =	simm.s32 $0xB500;
	[sflag:s3] =	ssyncadd.s32 $0xFFFFB180  }
0x14: {  	[tilespmem:s25], [sflag:$0x1] =	stream.linear.gather [hbm4b:s24+s4], $0x1800, $0x38;
	[tilespmem:$0x14500] =	vst v63  }
0x15: {  	s9 =	smul.u32 $0x7800, s1;
	_ =	swait.ge [sflag:s3], $0x1800  }
0x16: {  	[sflag:s3] =	ssyncset.done $0x0  }
0x17: {  	s26 =	smul.u32 $0x1E000, s1;
	s4 =	sadd.s32 s9, s2;
	[sflag:s3] =	ssyncadd.s32 $0xFFFFE800  }
0x18: {  	[spmem:s4] =	stream.linear.scatter [tilespmem:s25], [sflag:$0x1], $0x1800, $0x38;
	[tilespmem:$0x14500] =	vst v63  }
0x19: {  	s6 =	sshrl.u32 s26, $0x2;
	_ =	swait.ge [sflag:s3], $0x1800  }
0x1a: {  	s6 =	sadd.s32 s6, s2;
	[sflag:s3] =	ssyncset.done $0x0  }
0x1b: {  	s8 =	sadd.s32 $0x1800, s6;
	[sflag:s3] =	ssyncadd.s32 $0xFFFFE800  }
0x1c: {  	[spmem:s8] =	stream.linear.scatter [tilespmem:s25], [sflag:$0x1], $0x1800, $0x38;
	[tilespmem:$0x14500] =	vst v63  }
0x1d: {  	_ =	swait.ge [sflag:s3], $0x1800  }
0x1e: {  	[sflag:s3] =	ssyncset.done $0x0  }
0x1f: {  	s28 =	sadd.s32 $0x3000, s6;
	[sflag:s3] =	ssyncadd.s32 $0xFFFFE800  }
0x20: {  	[spmem:s28] =	stream.linear.scatter [tilespmem:s25], [sflag:$0x1], $0x1800, $0x38;
	[tilespmem:$0x14500] =	vst v63  }
0x21: {  	_ =	swait.ge [sflag:s3], $0x1800  }
0x22: {  	[sflag:s3] =	ssyncset.done $0x0  }
0x23: {  	s29 =	sadd.s32 $0x4800, s6;
	[sflag:s3] =	ssyncadd.s32 $0xFFFFE800  }
0x24: {  	[spmem:s29] =	stream.linear.scatter [tilespmem:s25], [sflag:$0x1], $0x1800, $0x38;
	[tilespmem:$0x14500] =	vst v63  }
0x25: {  	_ =	swait.ge [sflag:s3], $0x1800  }
0x26: {  	[sflag:s3] =	ssyncset.done $0x0  }
0x27: {  	s6 =	sadd.s32 $0x6000, s6;
	[sflag:s3] =	ssyncadd.s32 $0xFFFFE800  }
0x28: {  	[spmem:s6] =	stream.linear.scatter [tilespmem:s25], [sflag:$0x1], $0x1800, $0x38;
	[tilespmem:$0x14500] =	vst v63  }
0x29: {  	_ =	swait.ge [sflag:s3], $0x1800  }
0x2a: {  	[sflag:s3] =	ssyncset.done $0x0  }
0x2b: {  	s10 =	simm.s32 $0x0;
	s7 =	simm.s32 $0x9D00;
	[sflag:s3] =	ssyncadd.s32 $0xFFFFE800  }
0x2c: {  	s8 =	sadd.s32 $0x61400, s5;
	s6 =	simm.s32 $0x80;
	[bflag:$0x0] =	sbarrier.arrive $0xFFFF  }
0x2d: {  	[tilespmem:s7], [sflag:$0x1] =	stream.indirect.gather [hbm4b:s8+s6], $0x30, s10, s6, $0xb8;
	[tilespmem:$0x14500] =	vst v63  }
0x2e: {  	_ =	swait.ge [sflag:s3], $0x1800  }
0x2f: {  	[sflag:s3] =	ssyncset.done $0x0  }
0x30: {  	s31 =	simm.s32 $0x4E80;
	s9 =	sshrl.u32 s9, $0x3;
	[sflag:s3] =	ssyncadd.s32 $0xFFFFE800  }
0x31: {  	[spmem:s2] =	stream.indirect.scatter.add.f32 [tilespmem:s7], [sflag:$0x1], $0x30, s31, s6, $0xb8;
	[tilespmem:$0x14500] =	vst v63  }
0x32: {  	s30 =	sadd.s32 s9, s5;
	s9 =	simm.s32 $0x200;
	_ =	swait.ge [sflag:s3], $0x1800  }
0x33: {  	s5 =	sadd.s32 $0x70800, s30;
	s10 =	simm.s32 $0x400;
	[sflag:s3] =	ssyncset.done $0x0  }
.LBB2_2:
0x34: {  	s11 =	sshra.s32 s9, $0x2  }
0x35: {  	[sflag:s3] =	ssyncadd.s32 $0xFFFFE800;
	s9 =	smov.u32 s10;
	s12 =	sadd.s32 $0x200, s10  }
0x36: {  	[tilespmem:s7], [sflag:$0x1] =	stream.indirect.gather [hbm4b:s8+s6], $0x30, s11, s6, $0xb8;
	[tilespmem:$0x14500] =	vst v63  }
0x37: {  	p0 =	sne.s32 s10, $0x13800;
	_ =	swait.ge [sflag:s3], $0x1800  }
.Ltmp1:
0x38: {  	[sflag:s3] =	ssyncset.done $0x0;
	(pc) =	sbr.rel @p0 .LBB2_2-.Ltmp1, $4  }
0x39: {  	s10 =	sadd.s32 $0x4E80, s11;
	[sflag:s3] =	ssyncadd.s32 $0xFFFFE800  }
0x3a: {  	[spmem:s2] =	stream.indirect.scatter.add.f32 [tilespmem:s7], [sflag:$0x1], $0x30, s10, s6, $0xb8;
	[tilespmem:$0x14500] =	vst v63  }
0x3b: {  	_ =	swait.ge [sflag:s3], $0x1800  }
0x3c: {  	s10 =	smov.u32 s12;
	[sflag:s3] =	ssyncset.done $0x0  }
0x3d: {  	s9 =	sshra.s32 s9, $0x2;
	[sflag:s3] =	ssyncadd.s32 $0xFFFFE800  }
0x3e: {  	[tilespmem:s7], [sflag:$0x1] =	stream.indirect.gather [hbm4b:s8+s6], $0x30, s9, s6, $0xb8;
	[tilespmem:$0x14500] =	vst v63  }
0x3f: {  	_ =	swait.ge [sflag:s3], $0x1800  }
0x40: {  	[sflag:s3] =	ssyncset.done $0x0  }
0x41: {  	s28 =	sadd.s32 $0x4E80, s9;
	[sflag:s3] =	ssyncadd.s32 $0xFFFFE800  }
0x42: {  	[spmem:s2] =	stream.indirect.scatter.add.f32 [tilespmem:s7], [sflag:$0x1], $0x30, s28, s6, $0xb8;
	[tilespmem:$0x14500] =	vst v63  }
0x43: {  	_ =	swait.ge [sflag:s3], $0x1800  }
0x44: {  	[sflag:s3] =	ssyncset.done $0x0  }
0x45: {  	s29 =	sshll.u32 s1, $0x6;
	s30 =	sshrl.u32 s4, $0x3;
	[sflag:s3] =	ssyncadd.s32 $0xFFFFE800  }
0x46: {  	s31 =	simm.s32 $0x1;
	s2 =	sor.u32 $0x1C01, s29;
	[bflag:$0x0] =	sbarrier.arrive $0xFFFF  }
0x47: {  	[hbm:s5], [sflag:s2] =	dma.local [spmem:s30], $0xF00  }
0x48: {  	_ =	swait.ge [sflag:s31], $0xF00  }
0x49: {  	[sflag:s31] =	ssyncset.done $0x0  }
0x4a: {  	[sflag:s31] =	ssyncadd.s32 $0xFFFFF100  }
.LBB2_4:
0x4b: {  	_ =	sfence.sel $0x180000  }
0x4c: {  	[bflag:$0x0] =	sbarrier.arrive $0xFFFF  }
0x4d: {  	p0 =	sne.s32 s1, $0x0;
	_ =	strace $0x9000005F  }
0x4e: {  	s0 =	sadd.s32 @!p0 $0x100000, s0;
	[bflag:$0x2] =	sbarrier.arrive $0xFFFF  }
0x4f: {  	[sflag:s0] =	ssyncadd.tile.s32 @!p0 $0x1;
	_ =	shalt  }
.Lfunc_end2:
_tile_overlayer_lowered:
.L_overlay_start_2:
0x50: {  	(tag) =	ssettag $0x2  }
0x51: {  	s0 =	rddreg [dreg:$0x0];
	s2 =	stileid.u32  }
0x52: {  	s1 =	rddreg [dreg:$0x1];
	p0 =	sne.s32 s2, $0x0  }
0x53: {  	s3 =	rddreg [dreg:$0x2];
	[bflag:$0x3] =	sbarrier.arrive $0xFFFF;
	s2 =	simm.s32 @!p0 $0x1C01  }
0x54: {  	[timem:s3], [sflag:s2] =	dma.local @!p0 [hbm:s0], s1  }
0x55: {  	s0 =	simm.s32 @!p0 $0x1  }
0x56: {  	_ =	swait.ge @!p0 [sflag:s0], s1  }
0x57: {  	s1 =	ssub.s32 @!p0 $0x0, s1;
	[sflag:s0] =	ssyncset.done @!p0 $0x0  }
0x58: {  	[sflag:s0] =	ssyncadd.s32 @!p0 s1  }
0x59: {  	[bflag:$0x3] =	sbarrier.arrive $0xFFFF  }
0x5a: {  	_ =	shalt  }

// kernel: kernel.51.cloned.1.call-start
scs
__scs_entry_jumppad:
0x0: {  	(pc) =	sbr.rel $0x88, $3  }
0x1: {  	(tag) =	ssettag $0x0;
	lr =	simm.s32 $0x1  }
0x2: {  	[smem:$0x3F9A] =	sst lr;
	_ =	strace $0xD0000000  }
0x3: {  	_ = 	snop  }
0x4: {  	_ = 	snop  }
0x5: {  	_ = 	snop  }
0x6: {  	_ = 	snop  }
0x7: {  	_ = 	snop  }
__scs_overlays_trampoline_lowered:
0x8: {  	[smem:$0x3FA9] =	sst s0  }
0x9: {  	[smem:$0x3FAA] =	sst s1  }
0xa: {  	[smem:$0x3FAB] =	sst s2  }
0xb: {  	[smem:$0x3FAC] =	sst s3  }
0xc: {  	[smem:$0x3FAD] =	sst s4  }
0xd: {  	[smem:$0x3FAE] =	sst s5  }
0xe: {  	[smem:$0x3FAF] =	sst s6  }
0xf: {  	[smem:$0x3FB0] =	sst s7  }
0x10: {  	[smem:$0x3FB1] =	sst s8  }
0x11: {  	[smem:$0x3FB2] =	sst s9;
	s0 =	simm.s32 @!p0 $0x0  }
0x12: {  	s1 =	sld [smem:$0x3F98];
	s0 =	simm.s32 @p0 $0x1  }
0x13: {  	[smem:$0x3FB3] =	sst s0;
	s0 =	simm.s32 @!p1 $0x0  }
0x14: {  	s2 =	sld [smem:$0x3F97];
	s0 =	simm.s32 @p1 $0x1  }
0x15: {  	[smem:$0x3FB4] =	sst s0;
	s0 =	simm.s32 @!p2 $0x0  }
0x16: {  	s3 =	sld [smem:$0x3FDB];
	s0 =	simm.s32 @p2 $0x1  }
0x17: {  	s4 =	simm.s32 $0x1BF5;
	[smem:$0x3FB6] =	sst s0  }
0x18: {  	s0 =	sld [smem:$0x3F99];
	_ =	swait.ge [sflag:s4], $0x0  }
0x19: {  	s7 =	sld [smem:$0x3F9A]  }
0x1a: {  	s8 =	sadd.s32 $0xFFFFE003, lr  }
0x1b: {  	s9 =	sadd.s32 $0xFFFFFEF7, lr;
	s5 =	simm.s32 $0xFFFFFFFF;
	p2 =	slt.u32 s8, $0xFFFFF086  }
0x1c: {  	p1 =	slt.u32 s9, $0xF7A;
	s5 =	simm.s32 @!p2 $0x0  }
0x1d: {  	s5 =	simm.s32 @p1 $0x1;
	p0 =	seq.s32 s7, s2  }
0x1e: {  	s7 =	smul.u32 @!p0 $0xF7A, s2;
	p2 =	seq.s32 @!p0 s5, $0x0  }
0x1f: {  	s9 =	smul.u32 $0xF7A, s1;
	s8 =	simm.s32 @!p0 $0x1BF5;
	p2 =	por !p2, p0  }
0x20: {  	[sflag:s8] =	ssyncset.s32 @!p0 $0xFFFFF086;
	s6 =	sadd.s32 @!p0 s3, s7;
	s7 =	simm.s32 @!p0 $0x108  }
0x21: {  	s3 =	sadd.s32 s3, s9;
	s6 =	sadd.s32 @!p0 $0x88, s6;
	s7 =	simm.s32 @p2 $0x1082  }
0x22: {  	[simem:s7], [sflag:s8] =	dma.local @!p0 [hbm:s6], $0xF7A  }
0x23: {  	s9 =	sor.u32 $0xD0000000, s2;
	s6 =	simm.s32 $0x108;
	_ =	swait.ge @!p0 [sflag:s8], $0x0  }
0x24: {  	s3 =	sadd.s32 $0x88, s3;
	s6 =	simm.s32 @!p1 $0x1082;
	[sflag:s4] =	ssyncset.s32 $0xFFFFF086  }
0x25: {  	[simem:s6], [sflag:s4] =	dma.local [hbm:s3], $0xF7A  }
0x26: {  	[smem:$0x3F9A] =	sst s1;
	(tag) =	ssettag s2;
	_ =	strace s9  }
0x27: {  	s1 =	sld [smem:$0x3FAA]  }
0x28: {  	s2 =	sld [smem:$0x3FAB]  }
0x29: {  	s4 =	sld [smem:$0x3FAD]  }
0x2a: {  	p0 =	seq.s32 s5, $0x0;
	s5 =	sld [smem:$0x3FAE]  }
0x2b: {  	s6 =	sld [smem:$0x3FAF]  }
0x2c: {  	s7 =	sld [smem:$0x3FB0]  }
0x2d: {  	s3 =	simm.s32 $0x108;
	s8 =	sld [smem:$0x3FB1]  }
0x2e: {  	s3 =	simm.s32 @!p0 $0x1082;
	s9 =	sld [smem:$0x3FB2]  }
0x2f: {  	lr =	sadd.s32 s0, s3;
	s0 =	sld [smem:$0x3FA9]  }
0x30: {  	s3 =	sld [smem:$0x3FAC]  }
0x31: {  	[smem:$0x3FB5] =	sst s10  }
0x32: {  	s10 =	sld [smem:$0x3FB3];
	_ =	sdelay $0x3  }
0x33: {  	p0 =	seq.s32 s10, $0x1;
	s10 =	sld [smem:$0x3FB5];
	_ =	sdelay $0x3  }
0x34: {  	[smem:$0x3FB5] =	sst s10  }
0x35: {  	s10 =	sld [smem:$0x3FB4];
	_ =	sdelay $0x3  }
0x36: {  	p1 =	seq.s32 s10, $0x1;
	s10 =	sld [smem:$0x3FB5];
	_ =	sdelay $0x3  }
0x37: {  	[smem:$0x3FB5] =	sst s10  }
0x38: {  	s10 =	sld [smem:$0x3FB6]  }
0x39: {  	_ = 	snop;
	(pc) =	sbr.ind lr, $3  }
0x3a: {  	_ = 	snop  }
0x3b: {  	_ = 	snop  }
0x3c: {  	p2 =	seq.s32 s10, $0x1;
	s10 =	sld [smem:$0x3FB5]  }
0x3d: {  	_ =	shalt  }
0x3e: {  	_ =	shalt  }
0x3f: {  	_ =	shalt  }
0x40: {  	_ =	shalt  }
0x41: {  	_ =	shalt  }
0x42: {  	_ =	shalt  }
0x43: {  	_ =	shalt  }
0x44: {  	_ =	shalt  }
0x45: {  	_ =	shalt  }
0x46: {  	_ =	shalt  }
0x47: {  	_ =	shalt  }
0x48: {  	_ =	shalt  }
0x49: {  	_ =	shalt  }
0x4a: {  	_ =	shalt  }
0x4b: {  	_ =	shalt  }
0x4c: {  	_ =	shalt  }
0x4d: {  	_ =	shalt  }
0x4e: {  	_ =	shalt  }
0x4f: {  	_ =	shalt  }
0x50: {  	_ =	shalt  }
0x51: {  	_ =	shalt  }
0x52: {  	_ =	shalt  }
0x53: {  	_ =	shalt  }
0x54: {  	_ =	shalt  }
0x55: {  	_ =	shalt  }
0x56: {  	_ =	shalt  }
0x57: {  	_ =	shalt  }
0x58: {  	_ =	shalt  }
0x59: {  	_ =	shalt  }
0x5a: {  	_ =	shalt  }
0x5b: {  	_ =	shalt  }
0x5c: {  	_ =	shalt  }
0x5d: {  	_ =	shalt  }
0x5e: {  	_ =	shalt  }
0x5f: {  	_ =	shalt  }
0x60: {  	_ =	shalt  }
0x61: {  	_ =	shalt  }
0x62: {  	_ =	shalt  }
0x63: {  	_ =	shalt  }
0x64: {  	_ =	shalt  }
0x65: {  	_ =	shalt  }
0x66: {  	_ =	shalt  }
0x67: {  	_ =	shalt  }
0x68: {  	_ =	shalt  }
0x69: {  	_ =	shalt  }
0x6a: {  	_ =	shalt  }
0x6b: {  	_ =	shalt  }
0x6c: {  	_ =	shalt  }
0x6d: {  	_ =	shalt  }
0x6e: {  	_ =	shalt  }
0x6f: {  	_ =	shalt  }
0x70: {  	_ =	shalt  }
0x71: {  	_ =	shalt  }
0x72: {  	_ =	shalt  }
0x73: {  	_ =	shalt  }
0x74: {  	_ =	shalt  }
0x75: {  	_ =	shalt  }
0x76: {  	_ =	shalt  }
0x77: {  	_ =	shalt  }
0x78: {  	_ =	shalt  }
0x79: {  	_ =	shalt  }
0x7a: {  	_ =	shalt  }
0x7b: {  	_ =	shalt  }
0x7c: {  	_ =	shalt  }
0x7d: {  	_ =	shalt  }
0x7e: {  	_ =	shalt  }
0x7f: {  	_ =	shalt  }
0x80: {  	_ =	shalt  }
0x81: {  	_ =	shalt  }
0x82: {  	_ =	shalt  }
0x83: {  	_ =	shalt  }
0x84: {  	_ =	shalt  }
0x85: {  	_ =	shalt  }
0x86: {  	_ =	shalt  }
0x87: {  	_ =	shalt  }
.Lfunc_end0:
.L_simem_size_0:
called_computation.9_lowered:
.L_overlay_start_0:
0x88: {  	s2 =	sld [smem:$0x3FD9]  }
0x89: {  	s3 =	sld [smem:$0x3FFE];
	_ =	sdelay $0x1  }
0x8a: {  	s1 =	srdreg.scid  }
0x8b: {  	s0 =	sand.u32 $0x1, s1  }
0x8c: {  	s17 =	sshll.u32 s0, $0xA;
	s2 =	sadd.s32 s3, s2  }
0x8d: {  	s2 =	sadd.s32 s2, s17  }
0x8e: {  	[smem:$0x3FC1] =	sst s2  }
0x8f: {  	_ = 	snop  }
0x90: {  	s2 =	sld [smem:$0x3FD0];
	(tm) =	ssettm $0x1  }
0x91: {  	s18 =	sld [smem:$0x3FFB];
	_ =	sdelay $0x3  }
0x92: {  	_ =	strace s18  }
0x93: {  	s3 =	sld [smem:$0x3FFC];
	_ =	sdelay $0x3  }
0x94: {  	_ =	strace s3  }
0x95: {  	s3 =	sld [smem:$0x3FFD];
	_ =	sdelay $0x3  }
0x96: {  	_ =	strace s3  }
0x97: {  	_ =	strace $0x8FFFFFFF  }
0x98: {  	s19 =	sld [smem:$0x3FDB];
	_ =	sdelay $0x1  }
0x99: {  	s4 =	simm.s32 $_scs_section_size  }
0x9a: {  	s5 =	simm.s32 $_size__tile_overlayer_lowered;
	s6 =	simm.s32 $_tile_overlayer_lowered  }
0x9b: {  	s22 =	simm.s32 $0x1BFF;
	s21 =	sshll.u32 s6, $0x1;
	s3 =	sadd.s32 s4, s19  }
0x9c: {  	s7 =	simm.s32 $0x0;
	s20 =	sshll.u32 s5, $0x1;
	s5 =	sadd.s32 s21, s3  }
0x9d: {  	[timem:s7], [sflag:s22] =	dma.local [hbm:s5], s20  }
0x9e: {  	_ =	swait.ge [sflag:s22], s20  }
0x9f: {  	s4 =	ssub.s32 $0x0, s20;
	[sflag:s22] =	ssyncset.done $0x0  }
0xa0: {  	[sflag:s22] =	ssyncadd.s32 s4;
	_ =	sdelay $0x1  }
0xa1: {  	s23 =	simm.s32 $0x1B8B  }
0xa2: {  	_ =	swait.ge [sflag:s23], $0x1  }
0xa3: {  	[sflag:s23] =	ssyncset.done $0x0  }
0xa4: {  	s25 =	simm.s32 $0x1B8E;
	s24 =	sld [smem:$0x3FFE];
	[sflag:s23] =	ssyncadd.s32 $0xFFFFFFFF  }
0xa5: {  	s26 =	simm.s32 $execute0_lowered;
	[smem:$0x3FD2] =	sst s25  }
0xa6: {  	s5 =	sshll.u32 s26, $0x1;
	_ =	strace $0x80000061;
	[dreg:$0x1] =	wrdreg $0xFFFFFFFF  }
0xa7: {  	s28 =	simm.s32 $_size_execute0_lowered;
	s3 =	sadd.s32 s3, s5;
	[dreg:$0x0] =	wrdreg $0x0  }
0xa8: {  	s5 =	sshll.u32 s28, $0x1;
	[dreg:$0x2] =	wrdreg s3  }
0xa9: {  	[dreg:$0x3] =	wrdreg s5  }
0xaa: {  	[dreg:$0x4] =	wrdreg $0xC0  }
0xab: {  	_ =	task [dreg:s7], $0x5FFFF  }
0xac: {  	[dreg:$0x1] =	wrdreg $0xFFFFFFFF  }
0xad: {  	[dreg:$0x0] =	wrdreg $0x60  }
0xae: {  	[dreg:$0x2] =	wrdreg s2  }
0xaf: {  	[dreg:$0x3] =	wrdreg s24  }
0xb0: {  	[dreg:$0x4] =	wrdreg $0xCD000  }
0xb1: {  	[dreg:$0x5] =	wrdreg $0x9  }
0xb2: {  	_ =	task.clear_ibuf [dreg:s7], $0x6FFFF;
	_ =	strace $0x90000061  }
0xb3: {  	s29 =	simm.s32 $0x9;
	_ =	strace $0x80000063  }
0xb4: {  	_ =	swait.ge [sflag:s29], $0x1  }
0xb5: {  	[sflag:s29] =	ssyncadd.s32 $0xFFFFFFFF  }
0xb6: {  	_ =	strace $0x90000063  }
0xb7: {  	_ =	sfence  }
0xb8: {  	s30 =	sld [smem:$0x0];
	_ =	sdelay $0x2  }
0xb9: {  	s31 =	sshll.u32 s1, $0xD;
	s1 =	sshrl.u32 s1, $0x2  }
0xba: {  	s3 =	sand.u32 $0x4000, s31;
	s1 =	sadd.s32 s1, s30  }
0xbb: {  	s0 =	sor.u32 s3, s0;
	s1 =	sshll.u32 s1, $0x11  }
0xbc: {  	s0 =	sor.u32 s1, s0  }
0xbd: {  	s0 =	sadd.s32 $0x8F2B, s0  }
0xbe: {  	[sflag:s0] =	ssyncadd.remote.s32 $0x1  }
0xbf: {  	_ =	sfence.sel $0xFFFF  }
0xc0: {  	[dreg:$0x0] =	wrdreg $0xFFFFFFFF;
	(pc) =	sbr.abs _section_cstart, $3  }
0xc1: {  	[dreg:$0x1] =	wrdreg $0xFFFFFFFF  }
0xc2: {  	_ =	task.clear_ibuf [dreg:s7], $0x2FFFF;
	_ =	strace $0x9FFFFFFF  }
0xc3: {  	(tm) =	ssettm $0x7FFFFFFF  }
tec
execute0_lowered:
.L_overlay_start_1:
0x0: {  	(tag) =	ssettag $0x1  }
0x1: {  	s1 =	srdreg.scid  }
0x2: {  	s1 =	sand.u32 $0x1, s1  }
0x3: {  	p0 =	seq.s32 s1, $0x1  }
.Ltmp0:
0x4: {  	s3 =	rddreg [dreg:$0x0];
	(pc) =	sbr.rel @p0 .LBB2_4-.Ltmp0, $4  }
0x5: {  	s5 =	rddreg [dreg:$0x1]  }
0x6: {  	s2 =	rddreg [dreg:$0x2];
	s4 =	simm.s32 $0x0  }
0x7: {  	[smem:$0x7FF] =	sst s4  }
0x8: {  	s0 =	rddreg [dreg:$0x3];
	_ =	strace $0x80000062;
	s1 =	stileid.u32  }
0x9: {  	s6 =	smul.u32 $0x9D0, s1;
	_ =	sdelay $0x1  }
0xa: {  	s3 =	sadd.s32 s3, s6  }
0xb: {  	[tilespmem:s4], [sflag:$0x1] =	stream.linear.gather [hbm4b:s3+s4], $0x4E80, $0x38;
	[tilespmem:$0x14500] =	vst v63  }
0xc: {  	s3 =	simm.s32 $0x1  }
0xd: {  	_ =	swait.ge [sflag:s3], $0x4E80  }
0xe: {  	s7 =	sadd.s32 $0x7600, s5;
	[sflag:s3] =	ssyncset.done $0x0  }
0xf: {  	s23 =	simm.s32 $0x4E80;
	s6 =	sadd.s32 s7, s6;
	[sflag:s3] =	ssyncadd.s32 $0xFFFFB180  }
0x10: {  	[tilespmem:s23], [sflag:$0x1] =	stream.linear.gather [hbm4b:s6+s4], $0x4E80, $0x38;
	[tilespmem:$0x14500] =	vst v63  }
0x11: {  	_ =	swait.ge [sflag:s3], $0x4E80  }
0x12: {  	[sflag:s3] =	ssyncset.done $0x0  }
0x13: {  	s24 =	sadd.s32 $0x70400, s5;
	s25 =	simm.s32 $0xB500;
	[sflag:s3] =	ssyncadd.s32 $0xFFFFB180  }
0x14: {  	[tilespmem:s25], [sflag:$0x1] =	stream.linear.gather [hbm4b:s24+s4], $0x1800, $0x38;
	[tilespmem:$0x14500] =	vst v63  }
0x15: {  	s9 =	smul.u32 $0x7800, s1;
	_ =	swait.ge [sflag:s3], $0x1800  }
0x16: {  	[sflag:s3] =	ssyncset.done $0x0  }
0x17: {  	s26 =	smul.u32 $0x1E000, s1;
	s4 =	sadd.s32 s9, s2;
	[sflag:s3] =	ssyncadd.s32 $0xFFFFE800  }
0x18: {  	[spmem:s4] =	stream.linear.scatter [tilespmem:s25], [sflag:$0x1], $0x1800, $0x38;
	[tilespmem:$0x14500] =	vst v63  }
0x19: {  	s6 =	sshrl.u32 s26, $0x2;
	_ =	swait.ge [sflag:s3], $0x1800  }
0x1a: {  	s6 =	sadd.s32 s6, s2;
	[sflag:s3] =	ssyncset.done $0x0  }
0x1b: {  	s8 =	sadd.s32 $0x1800, s6;
	[sflag:s3] =	ssyncadd.s32 $0xFFFFE800  }
0x1c: {  	[spmem:s8] =	stream.linear.scatter [tilespmem:s25], [sflag:$0x1], $0x1800, $0x38;
	[tilespmem:$0x14500] =	vst v63  }
0x1d: {  	_ =	swait.ge [sflag:s3], $0x1800  }
0x1e: {  	[sflag:s3] =	ssyncset.done $0x0  }
0x1f: {  	s28 =	sadd.s32 $0x3000, s6;
	[sflag:s3] =	ssyncadd.s32 $0xFFFFE800  }
0x20: {  	[spmem:s28] =	stream.linear.scatter [tilespmem:s25], [sflag:$0x1], $0x1800, $0x38;
	[tilespmem:$0x14500] =	vst v63  }
0x21: {  	_ =	swait.ge [sflag:s3], $0x1800  }
0x22: {  	[sflag:s3] =	ssyncset.done $0x0  }
0x23: {  	s29 =	sadd.s32 $0x4800, s6;
	[sflag:s3] =	ssyncadd.s32 $0xFFFFE800  }
0x24: {  	[spmem:s29] =	stream.linear.scatter [tilespmem:s25], [sflag:$0x1], $0x1800, $0x38;
	[tilespmem:$0x14500] =	vst v63  }
0x25: {  	_ =	swait.ge [sflag:s3], $0x1800  }
0x26: {  	[sflag:s3] =	ssyncset.done $0x0  }
0x27: {  	s6 =	sadd.s32 $0x6000, s6;
	[sflag:s3] =	ssyncadd.s32 $0xFFFFE800  }
0x28: {  	[spmem:s6] =	stream.linear.scatter [tilespmem:s25], [sflag:$0x1], $0x1800, $0x38;
	[tilespmem:$0x14500] =	vst v63  }
0x29: {  	_ =	swait.ge [sflag:s3], $0x1800  }
0x2a: {  	[sflag:s3] =	ssyncset.done $0x0  }
0x2b: {  	s10 =	simm.s32 $0x0;
	s7 =	simm.s32 $0x9D00;
	[sflag:s3] =	ssyncadd.s32 $0xFFFFE800  }
0x2c: {  	s8 =	sadd.s32 $0x61400, s5;
	s6 =	simm.s32 $0x80;
	[bflag:$0x0] =	sbarrier.arrive $0xFFFF  }
0x2d: {  	[tilespmem:s7], [sflag:$0x1] =	stream.indirect.gather [hbm4b:s8+s6], $0x30, s10, s6, $0xb8;
	[tilespmem:$0x14500] =	vst v63  }
0x2e: {  	_ =	swait.ge [sflag:s3], $0x1800  }
0x2f: {  	[sflag:s3] =	ssyncset.done $0x0  }
0x30: {  	s31 =	simm.s32 $0x4E80;
	s9 =	sshrl.u32 s9, $0x3;
	[sflag:s3] =	ssyncadd.s32 $0xFFFFE800  }
0x31: {  	[spmem:s2] =	stream.indirect.scatter.add.f32 [tilespmem:s7], [sflag:$0x1], $0x30, s31, s6, $0xb8;
	[tilespmem:$0x14500] =	vst v63  }
0x32: {  	s30 =	sadd.s32 s9, s5;
	s9 =	simm.s32 $0x200;
	_ =	swait.ge [sflag:s3], $0x1800  }
0x33: {  	s5 =	sadd.s32 $0x70800, s30;
	s10 =	simm.s32 $0x400;
	[sflag:s3] =	ssyncset.done $0x0  }
.LBB2_2:
0x34: {  	s11 =	sshra.s32 s9, $0x2  }
0x35: {  	[sflag:s3] =	ssyncadd.s32 $0xFFFFE800;
	s9 =	smov.u32 s10;
	s12 =	sadd.s32 $0x200, s10  }
0x36: {  	[tilespmem:s7], [sflag:$0x1] =	stream.indirect.gather [hbm4b:s8+s6], $0x30, s11, s6, $0xb8;
	[tilespmem:$0x14500] =	vst v63  }
0x37: {  	p0 =	sne.s32 s10, $0x13800;
	_ =	swait.ge [sflag:s3], $0x1800  }
.Ltmp1:
0x38: {  	[sflag:s3] =	ssyncset.done $0x0;
	(pc) =	sbr.rel @p0 .LBB2_2-.Ltmp1, $4  }
0x39: {  	s10 =	sadd.s32 $0x4E80, s11;
	[sflag:s3] =	ssyncadd.s32 $0xFFFFE800  }
0x3a: {  	[spmem:s2] =	stream.indirect.scatter.add.f32 [tilespmem:s7], [sflag:$0x1], $0x30, s10, s6, $0xb8;
	[tilespmem:$0x14500] =	vst v63  }
0x3b: {  	_ =	swait.ge [sflag:s3], $0x1800  }
0x3c: {  	s10 =	smov.u32 s12;
	[sflag:s3] =	ssyncset.done $0x0  }
0x3d: {  	s9 =	sshra.s32 s9, $0x2;
	[sflag:s3] =	ssyncadd.s32 $0xFFFFE800  }
0x3e: {  	[tilespmem:s7], [sflag:$0x1] =	stream.indirect.gather [hbm4b:s8+s6], $0x30, s9, s6, $0xb8;
	[tilespmem:$0x14500] =	vst v63  }
0x3f: {  	_ =	swait.ge [sflag:s3], $0x1800  }
0x40: {  	[sflag:s3] =	ssyncset.done $0x0  }
0x41: {  	s28 =	sadd.s32 $0x4E80, s9;
	[sflag:s3] =	ssyncadd.s32 $0xFFFFE800  }
0x42: {  	[spmem:s2] =	stream.indirect.scatter.add.f32 [tilespmem:s7], [sflag:$0x1], $0x30, s28, s6, $0xb8;
	[tilespmem:$0x14500] =	vst v63  }
0x43: {  	_ =	swait.ge [sflag:s3], $0x1800  }
0x44: {  	[sflag:s3] =	ssyncset.done $0x0  }
0x45: {  	s29 =	sshll.u32 s1, $0x6;
	s30 =	sshrl.u32 s4, $0x3;
	[sflag:s3] =	ssyncadd.s32 $0xFFFFE800  }
0x46: {  	s31 =	simm.s32 $0x1;
	s2 =	sor.u32 $0x1C01, s29;
	[bflag:$0x0] =	sbarrier.arrive $0xFFFF  }
0x47: {  	[hbm:s5], [sflag:s2] =	dma.local [spmem:s30], $0xF00  }
0x48: {  	_ =	swait.ge [sflag:s31], $0xF00  }
0x49: {  	[sflag:s31] =	ssyncset.done $0x0  }
0x4a: {  	[sflag:s31] =	ssyncadd.s32 $0xFFFFF100  }
.LBB2_4:
0x4b: {  	_ =	sfence.sel $0x180000  }
0x4c: {  	[bflag:$0x0] =	sbarrier.arrive $0xFFFF  }
0x4d: {  	p0 =	sne.s32 s1, $0x0;
	_ =	strace $0x90000062  }
0x4e: {  	s0 =	sadd.s32 @!p0 $0x100000, s0;
	[bflag:$0x2] =	sbarrier.arrive $0xFFFF  }
0x4f: {  	[sflag:s0] =	ssyncadd.tile.s32 @!p0 $0x1;
	_ =	shalt  }
.Lfunc_end2:
_tile_overlayer_lowered:
.L_overlay_start_2:
0x50: {  	(tag) =	ssettag $0x2  }
0x51: {  	s0 =	rddreg [dreg:$0x0];
	s2 =	stileid.u32  }
0x52: {  	s1 =	rddreg [dreg:$0x1];
	p0 =	sne.s32 s2, $0x0  }
0x53: {  	s3 =	rddreg [dreg:$0x2];
	[bflag:$0x3] =	sbarrier.arrive $0xFFFF;
	s2 =	simm.s32 @!p0 $0x1C01  }
0x54: {  	[timem:s3], [sflag:s2] =	dma.local @!p0 [hbm:s0], s1  }
0x55: {  	s0 =	simm.s32 @!p0 $0x1  }
0x56: {  	_ =	swait.ge @!p0 [sflag:s0], s1  }
0x57: {  	s1 =	ssub.s32 @!p0 $0x0, s1;
	[sflag:s0] =	ssyncset.done @!p0 $0x0  }
0x58: {  	[sflag:s0] =	ssyncadd.s32 @!p0 s1  }
0x59: {  	[bflag:$0x3] =	sbarrier.arrive $0xFFFF  }
0x5a: {  	_ =	shalt  }

// kernel: kernel.54.cloned.1.call-start
scs
__scs_entry_jumppad:
0x0: {  	(pc) =	sbr.rel $0x88, $3  }
0x1: {  	(tag) =	ssettag $0x0;
	lr =	simm.s32 $0x1  }
0x2: {  	[smem:$0x3F9A] =	sst lr;
	_ =	strace $0xD0000000  }
0x3: {  	_ = 	snop  }
0x4: {  	_ = 	snop  }
0x5: {  	_ = 	snop  }
0x6: {  	_ = 	snop  }
0x7: {  	_ = 	snop  }
__scs_overlays_trampoline_lowered:
0x8: {  	[smem:$0x3FA9] =	sst s0  }
0x9: {  	[smem:$0x3FAA] =	sst s1  }
0xa: {  	[smem:$0x3FAB] =	sst s2  }
0xb: {  	[smem:$0x3FAC] =	sst s3  }
0xc: {  	[smem:$0x3FAD] =	sst s4  }
0xd: {  	[smem:$0x3FAE] =	sst s5  }
0xe: {  	[smem:$0x3FAF] =	sst s6  }
0xf: {  	[smem:$0x3FB0] =	sst s7  }
0x10: {  	[smem:$0x3FB1] =	sst s8  }
0x11: {  	[smem:$0x3FB2] =	sst s9;
	s0 =	simm.s32 @!p0 $0x0  }
0x12: {  	s1 =	sld [smem:$0x3F98];
	s0 =	simm.s32 @p0 $0x1  }
0x13: {  	[smem:$0x3FB3] =	sst s0;
	s0 =	simm.s32 @!p1 $0x0  }
0x14: {  	s2 =	sld [smem:$0x3F97];
	s0 =	simm.s32 @p1 $0x1  }
0x15: {  	[smem:$0x3FB4] =	sst s0;
	s0 =	simm.s32 @!p2 $0x0  }
0x16: {  	s3 =	sld [smem:$0x3FDB];
	s0 =	simm.s32 @p2 $0x1  }
0x17: {  	s4 =	simm.s32 $0x1BF5;
	[smem:$0x3FB6] =	sst s0  }
0x18: {  	s0 =	sld [smem:$0x3F99];
	_ =	swait.ge [sflag:s4], $0x0  }
0x19: {  	s7 =	sld [smem:$0x3F9A]  }
0x1a: {  	s8 =	sadd.s32 $0xFFFFE003, lr  }
0x1b: {  	s9 =	sadd.s32 $0xFFFFFEF7, lr;
	s5 =	simm.s32 $0xFFFFFFFF;
	p2 =	slt.u32 s8, $0xFFFFF086  }
0x1c: {  	p1 =	slt.u32 s9, $0xF7A;
	s5 =	simm.s32 @!p2 $0x0  }
0x1d: {  	s5 =	simm.s32 @p1 $0x1;
	p0 =	seq.s32 s7, s2  }
0x1e: {  	s7 =	smul.u32 @!p0 $0xF7A, s2;
	p2 =	seq.s32 @!p0 s5, $0x0  }
0x1f: {  	s9 =	smul.u32 $0xF7A, s1;
	s8 =	simm.s32 @!p0 $0x1BF5;
	p2 =	por !p2, p0  }
0x20: {  	[sflag:s8] =	ssyncset.s32 @!p0 $0xFFFFF086;
	s6 =	sadd.s32 @!p0 s3, s7;
	s7 =	simm.s32 @!p0 $0x108  }
0x21: {  	s3 =	sadd.s32 s3, s9;
	s6 =	sadd.s32 @!p0 $0x88, s6;
	s7 =	simm.s32 @p2 $0x1082  }
0x22: {  	[simem:s7], [sflag:s8] =	dma.local @!p0 [hbm:s6], $0xF7A  }
0x23: {  	s9 =	sor.u32 $0xD0000000, s2;
	s6 =	simm.s32 $0x108;
	_ =	swait.ge @!p0 [sflag:s8], $0x0  }
0x24: {  	s3 =	sadd.s32 $0x88, s3;
	s6 =	simm.s32 @!p1 $0x1082;
	[sflag:s4] =	ssyncset.s32 $0xFFFFF086  }
0x25: {  	[simem:s6], [sflag:s4] =	dma.local [hbm:s3], $0xF7A  }
0x26: {  	[smem:$0x3F9A] =	sst s1;
	(tag) =	ssettag s2;
	_ =	strace s9  }
0x27: {  	s1 =	sld [smem:$0x3FAA]  }
0x28: {  	s2 =	sld [smem:$0x3FAB]  }
0x29: {  	s4 =	sld [smem:$0x3FAD]  }
0x2a: {  	p0 =	seq.s32 s5, $0x0;
	s5 =	sld [smem:$0x3FAE]  }
0x2b: {  	s6 =	sld [smem:$0x3FAF]  }
0x2c: {  	s7 =	sld [smem:$0x3FB0]  }
0x2d: {  	s3 =	simm.s32 $0x108;
	s8 =	sld [smem:$0x3FB1]  }
0x2e: {  	s3 =	simm.s32 @!p0 $0x1082;
	s9 =	sld [smem:$0x3FB2]  }
0x2f: {  	lr =	sadd.s32 s0, s3;
	s0 =	sld [smem:$0x3FA9]  }
0x30: {  	s3 =	sld [smem:$0x3FAC]  }
0x31: {  	[smem:$0x3FB5] =	sst s10  }
0x32: {  	s10 =	sld [smem:$0x3FB3];
	_ =	sdelay $0x3  }
0x33: {  	p0 =	seq.s32 s10, $0x1;
	s10 =	sld [smem:$0x3FB5];
	_ =	sdelay $0x3  }
0x34: {  	[smem:$0x3FB5] =	sst s10  }
0x35: {  	s10 =	sld [smem:$0x3FB4];
	_ =	sdelay $0x3  }
0x36: {  	p1 =	seq.s32 s10, $0x1;
	s10 =	sld [smem:$0x3FB5];
	_ =	sdelay $0x3  }
0x37: {  	[smem:$0x3FB5] =	sst s10  }
0x38: {  	s10 =	sld [smem:$0x3FB6]  }
0x39: {  	_ = 	snop;
	(pc) =	sbr.ind lr, $3  }
0x3a: {  	_ = 	snop  }
0x3b: {  	_ = 	snop  }
0x3c: {  	p2 =	seq.s32 s10, $0x1;
	s10 =	sld [smem:$0x3FB5]  }
0x3d: {  	_ =	shalt  }
0x3e: {  	_ =	shalt  }
0x3f: {  	_ =	shalt  }
0x40: {  	_ =	shalt  }
0x41: {  	_ =	shalt  }
0x42: {  	_ =	shalt  }
0x43: {  	_ =	shalt  }
0x44: {  	_ =	shalt  }
0x45: {  	_ =	shalt  }
0x46: {  	_ =	shalt  }
0x47: {  	_ =	shalt  }
0x48: {  	_ =	shalt  }
0x49: {  	_ =	shalt  }
0x4a: {  	_ =	shalt  }
0x4b: {  	_ =	shalt  }
0x4c: {  	_ =	shalt  }
0x4d: {  	_ =	shalt  }
0x4e: {  	_ =	shalt  }
0x4f: {  	_ =	shalt  }
0x50: {  	_ =	shalt  }
0x51: {  	_ =	shalt  }
0x52: {  	_ =	shalt  }
0x53: {  	_ =	shalt  }
0x54: {  	_ =	shalt  }
0x55: {  	_ =	shalt  }
0x56: {  	_ =	shalt  }
0x57: {  	_ =	shalt  }
0x58: {  	_ =	shalt  }
0x59: {  	_ =	shalt  }
0x5a: {  	_ =	shalt  }
0x5b: {  	_ =	shalt  }
0x5c: {  	_ =	shalt  }
0x5d: {  	_ =	shalt  }
0x5e: {  	_ =	shalt  }
0x5f: {  	_ =	shalt  }
0x60: {  	_ =	shalt  }
0x61: {  	_ =	shalt  }
0x62: {  	_ =	shalt  }
0x63: {  	_ =	shalt  }
0x64: {  	_ =	shalt  }
0x65: {  	_ =	shalt  }
0x66: {  	_ =	shalt  }
0x67: {  	_ =	shalt  }
0x68: {  	_ =	shalt  }
0x69: {  	_ =	shalt  }
0x6a: {  	_ =	shalt  }
0x6b: {  	_ =	shalt  }
0x6c: {  	_ =	shalt  }
0x6d: {  	_ =	shalt  }
0x6e: {  	_ =	shalt  }
0x6f: {  	_ =	shalt  }
0x70: {  	_ =	shalt  }
0x71: {  	_ =	shalt  }
0x72: {  	_ =	shalt  }
0x73: {  	_ =	shalt  }
0x74: {  	_ =	shalt  }
0x75: {  	_ =	shalt  }
0x76: {  	_ =	shalt  }
0x77: {  	_ =	shalt  }
0x78: {  	_ =	shalt  }
0x79: {  	_ =	shalt  }
0x7a: {  	_ =	shalt  }
0x7b: {  	_ =	shalt  }
0x7c: {  	_ =	shalt  }
0x7d: {  	_ =	shalt  }
0x7e: {  	_ =	shalt  }
0x7f: {  	_ =	shalt  }
0x80: {  	_ =	shalt  }
0x81: {  	_ =	shalt  }
0x82: {  	_ =	shalt  }
0x83: {  	_ =	shalt  }
0x84: {  	_ =	shalt  }
0x85: {  	_ =	shalt  }
0x86: {  	_ =	shalt  }
0x87: {  	_ =	shalt  }
.Lfunc_end0:
.L_simem_size_0:
called_computation.10_lowered:
.L_overlay_start_0:
0x88: {  	s2 =	sld [smem:$0x3FD9]  }
0x89: {  	s3 =	sld [smem:$0x3FFE];
	_ =	sdelay $0x1  }
0x8a: {  	s1 =	srdreg.scid  }
0x8b: {  	s0 =	sand.u32 $0x1, s1  }
0x8c: {  	s17 =	sshll.u32 s0, $0xA;
	s2 =	sadd.s32 s3, s2  }
0x8d: {  	s2 =	sadd.s32 s2, s17  }
0x8e: {  	[smem:$0x3FC1] =	sst s2  }
0x8f: {  	_ = 	snop  }
0x90: {  	s2 =	sld [smem:$0x3FD0];
	(tm) =	ssettm $0x1  }
0x91: {  	s18 =	sld [smem:$0x3FFB];
	_ =	sdelay $0x3  }
0x92: {  	_ =	strace s18  }
0x93: {  	s3 =	sld [smem:$0x3FFC];
	_ =	sdelay $0x3  }
0x94: {  	_ =	strace s3  }
0x95: {  	s3 =	sld [smem:$0x3FFD];
	_ =	sdelay $0x3  }
0x96: {  	_ =	strace s3  }
0x97: {  	_ =	strace $0x8FFFFFFF  }
0x98: {  	s19 =	sld [smem:$0x3FDB];
	_ =	sdelay $0x1  }
0x99: {  	s4 =	simm.s32 $_scs_section_size  }
0x9a: {  	s5 =	simm.s32 $_size__tile_overlayer_lowered;
	s6 =	simm.s32 $_tile_overlayer_lowered  }
0x9b: {  	s22 =	simm.s32 $0x1BFF;
	s21 =	sshll.u32 s6, $0x1;
	s3 =	sadd.s32 s4, s19  }
0x9c: {  	s7 =	simm.s32 $0x0;
	s20 =	sshll.u32 s5, $0x1;
	s5 =	sadd.s32 s21, s3  }
0x9d: {  	[timem:s7], [sflag:s22] =	dma.local [hbm:s5], s20  }
0x9e: {  	_ =	swait.ge [sflag:s22], s20  }
0x9f: {  	s4 =	ssub.s32 $0x0, s20;
	[sflag:s22] =	ssyncset.done $0x0  }
0xa0: {  	[sflag:s22] =	ssyncadd.s32 s4;
	_ =	sdelay $0x1  }
0xa1: {  	s23 =	simm.s32 $0x1B8B  }
0xa2: {  	_ =	swait.ge [sflag:s23], $0x1  }
0xa3: {  	[sflag:s23] =	ssyncset.done $0x0  }
0xa4: {  	s25 =	simm.s32 $0x1B8E;
	s24 =	sld [smem:$0x3FFE];
	[sflag:s23] =	ssyncadd.s32 $0xFFFFFFFF  }
0xa5: {  	s26 =	simm.s32 $execute0_lowered;
	[smem:$0x3FD2] =	sst s25  }
0xa6: {  	s5 =	sshll.u32 s26, $0x1;
	_ =	strace $0x80000064;
	[dreg:$0x1] =	wrdreg $0xFFFFFFFF  }
0xa7: {  	s28 =	simm.s32 $_size_execute0_lowered;
	s3 =	sadd.s32 s3, s5;
	[dreg:$0x0] =	wrdreg $0x0  }
0xa8: {  	s5 =	sshll.u32 s28, $0x1;
	[dreg:$0x2] =	wrdreg s3  }
0xa9: {  	[dreg:$0x3] =	wrdreg s5  }
0xaa: {  	[dreg:$0x4] =	wrdreg $0xC0  }
0xab: {  	_ =	task [dreg:s7], $0x5FFFF  }
0xac: {  	[dreg:$0x1] =	wrdreg $0xFFFFFFFF  }
0xad: {  	[dreg:$0x0] =	wrdreg $0x60  }
0xae: {  	[dreg:$0x2] =	wrdreg s2  }
0xaf: {  	[dreg:$0x3] =	wrdreg s24  }
0xb0: {  	[dreg:$0x4] =	wrdreg $0xCD000  }
0xb1: {  	[dreg:$0x5] =	wrdreg $0x9  }
0xb2: {  	_ =	task.clear_ibuf [dreg:s7], $0x6FFFF;
	_ =	strace $0x90000064  }
0xb3: {  	s29 =	simm.s32 $0x9;
	_ =	strace $0x80000066  }
0xb4: {  	_ =	swait.ge [sflag:s29], $0x1  }
0xb5: {  	[sflag:s29] =	ssyncadd.s32 $0xFFFFFFFF  }
0xb6: {  	_ =	strace $0x90000066  }
0xb7: {  	_ =	sfence  }
0xb8: {  	s30 =	sld [smem:$0x0];
	_ =	sdelay $0x2  }
0xb9: {  	s31 =	sshll.u32 s1, $0xD;
	s1 =	sshrl.u32 s1, $0x2  }
0xba: {  	s3 =	sand.u32 $0x4000, s31;
	s1 =	sadd.s32 s1, s30  }
0xbb: {  	s0 =	sor.u32 s3, s0;
	s1 =	sshll.u32 s1, $0x11  }
0xbc: {  	s0 =	sor.u32 s1, s0  }
0xbd: {  	s0 =	sadd.s32 $0x8F2B, s0  }
0xbe: {  	[sflag:s0] =	ssyncadd.remote.s32 $0x1  }
0xbf: {  	_ =	sfence.sel $0xFFFF  }
0xc0: {  	[dreg:$0x0] =	wrdreg $0xFFFFFFFF;
	(pc) =	sbr.abs _section_cstart, $3  }
0xc1: {  	[dreg:$0x1] =	wrdreg $0xFFFFFFFF  }
0xc2: {  	_ =	task.clear_ibuf [dreg:s7], $0x2FFFF;
	_ =	strace $0x9FFFFFFF  }
0xc3: {  	(tm) =	ssettm $0x7FFFFFFF  }
tec
execute0_lowered:
.L_overlay_start_1:
0x0: {  	(tag) =	ssettag $0x1  }
0x1: {  	s1 =	srdreg.scid  }
0x2: {  	s1 =	sand.u32 $0x1, s1  }
0x3: {  	p0 =	seq.s32 s1, $0x1  }
.Ltmp0:
0x4: {  	s3 =	rddreg [dreg:$0x0];
	(pc) =	sbr.rel @p0 .LBB2_4-.Ltmp0, $4  }
0x5: {  	s5 =	rddreg [dreg:$0x1]  }
0x6: {  	s2 =	rddreg [dreg:$0x2];
	s4 =	simm.s32 $0x0  }
0x7: {  	[smem:$0x7FF] =	sst s4  }
0x8: {  	s0 =	rddreg [dreg:$0x3];
	_ =	strace $0x80000065;
	s1 =	stileid.u32  }
0x9: {  	s6 =	smul.u32 $0x9D0, s1;
	_ =	sdelay $0x1  }
0xa: {  	s3 =	sadd.s32 s3, s6  }
0xb: {  	[tilespmem:s4], [sflag:$0x1] =	stream.linear.gather [hbm4b:s3+s4], $0x4E80, $0x38;
	[tilespmem:$0x14500] =	vst v63  }
0xc: {  	s3 =	simm.s32 $0x1  }
0xd: {  	_ =	swait.ge [sflag:s3], $0x4E80  }
0xe: {  	s7 =	sadd.s32 $0x7600, s5;
	[sflag:s3] =	ssyncset.done $0x0  }
0xf: {  	s23 =	simm.s32 $0x4E80;
	s6 =	sadd.s32 s7, s6;
	[sflag:s3] =	ssyncadd.s32 $0xFFFFB180  }
0x10: {  	[tilespmem:s23], [sflag:$0x1] =	stream.linear.gather [hbm4b:s6+s4], $0x4E80, $0x38;
	[tilespmem:$0x14500] =	vst v63  }
0x11: {  	_ =	swait.ge [sflag:s3], $0x4E80  }
0x12: {  	[sflag:s3] =	ssyncset.done $0x0  }
0x13: {  	s24 =	sadd.s32 $0x70400, s5;
	s25 =	simm.s32 $0xB500;
	[sflag:s3] =	ssyncadd.s32 $0xFFFFB180  }
0x14: {  	[tilespmem:s25], [sflag:$0x1] =	stream.linear.gather [hbm4b:s24+s4], $0x1800, $0x38;
	[tilespmem:$0x14500] =	vst v63  }
0x15: {  	s9 =	smul.u32 $0x7800, s1;
	_ =	swait.ge [sflag:s3], $0x1800  }
0x16: {  	[sflag:s3] =	ssyncset.done $0x0  }
0x17: {  	s26 =	smul.u32 $0x1E000, s1;
	s4 =	sadd.s32 s9, s2;
	[sflag:s3] =	ssyncadd.s32 $0xFFFFE800  }
0x18: {  	[spmem:s4] =	stream.linear.scatter [tilespmem:s25], [sflag:$0x1], $0x1800, $0x38;
	[tilespmem:$0x14500] =	vst v63  }
0x19: {  	s6 =	sshrl.u32 s26, $0x2;
	_ =	swait.ge [sflag:s3], $0x1800  }
0x1a: {  	s6 =	sadd.s32 s6, s2;
	[sflag:s3] =	ssyncset.done $0x0  }
0x1b: {  	s8 =	sadd.s32 $0x1800, s6;
	[sflag:s3] =	ssyncadd.s32 $0xFFFFE800  }
0x1c: {  	[spmem:s8] =	stream.linear.scatter [tilespmem:s25], [sflag:$0x1], $0x1800, $0x38;
	[tilespmem:$0x14500] =	vst v63  }
0x1d: {  	_ =	swait.ge [sflag:s3], $0x1800  }
0x1e: {  	[sflag:s3] =	ssyncset.done $0x0  }
0x1f: {  	s28 =	sadd.s32 $0x3000, s6;
	[sflag:s3] =	ssyncadd.s32 $0xFFFFE800  }
0x20: {  	[spmem:s28] =	stream.linear.scatter [tilespmem:s25], [sflag:$0x1], $0x1800, $0x38;
	[tilespmem:$0x14500] =	vst v63  }
0x21: {  	_ =	swait.ge [sflag:s3], $0x1800  }
0x22: {  	[sflag:s3] =	ssyncset.done $0x0  }
0x23: {  	s29 =	sadd.s32 $0x4800, s6;
	[sflag:s3] =	ssyncadd.s32 $0xFFFFE800  }
0x24: {  	[spmem:s29] =	stream.linear.scatter [tilespmem:s25], [sflag:$0x1], $0x1800, $0x38;
	[tilespmem:$0x14500] =	vst v63  }
0x25: {  	_ =	swait.ge [sflag:s3], $0x1800  }
0x26: {  	[sflag:s3] =	ssyncset.done $0x0  }
0x27: {  	s6 =	sadd.s32 $0x6000, s6;
	[sflag:s3] =	ssyncadd.s32 $0xFFFFE800  }
0x28: {  	[spmem:s6] =	stream.linear.scatter [tilespmem:s25], [sflag:$0x1], $0x1800, $0x38;
	[tilespmem:$0x14500] =	vst v63  }
0x29: {  	_ =	swait.ge [sflag:s3], $0x1800  }
0x2a: {  	[sflag:s3] =	ssyncset.done $0x0  }
0x2b: {  	s10 =	simm.s32 $0x0;
	s7 =	simm.s32 $0x9D00;
	[sflag:s3] =	ssyncadd.s32 $0xFFFFE800  }
0x2c: {  	s8 =	sadd.s32 $0x61400, s5;
	s6 =	simm.s32 $0x80;
	[bflag:$0x0] =	sbarrier.arrive $0xFFFF  }
0x2d: {  	[tilespmem:s7], [sflag:$0x1] =	stream.indirect.gather [hbm4b:s8+s6], $0x30, s10, s6, $0xb8;
	[tilespmem:$0x14500] =	vst v63  }
0x2e: {  	_ =	swait.ge [sflag:s3], $0x1800  }
0x2f: {  	[sflag:s3] =	ssyncset.done $0x0  }
0x30: {  	s31 =	simm.s32 $0x4E80;
	s9 =	sshrl.u32 s9, $0x3;
	[sflag:s3] =	ssyncadd.s32 $0xFFFFE800  }
0x31: {  	[spmem:s2] =	stream.indirect.scatter.add.f32 [tilespmem:s7], [sflag:$0x1], $0x30, s31, s6, $0xb8;
	[tilespmem:$0x14500] =	vst v63  }
0x32: {  	s30 =	sadd.s32 s9, s5;
	s9 =	simm.s32 $0x200;
	_ =	swait.ge [sflag:s3], $0x1800  }
0x33: {  	s5 =	sadd.s32 $0x70800, s30;
	s10 =	simm.s32 $0x400;
	[sflag:s3] =	ssyncset.done $0x0  }
.LBB2_2:
0x34: {  	s11 =	sshra.s32 s9, $0x2  }
0x35: {  	[sflag:s3] =	ssyncadd.s32 $0xFFFFE800;
	s9 =	smov.u32 s10;
	s12 =	sadd.s32 $0x200, s10  }
0x36: {  	[tilespmem:s7], [sflag:$0x1] =	stream.indirect.gather [hbm4b:s8+s6], $0x30, s11, s6, $0xb8;
	[tilespmem:$0x14500] =	vst v63  }
0x37: {  	p0 =	sne.s32 s10, $0x13800;
	_ =	swait.ge [sflag:s3], $0x1800  }
.Ltmp1:
0x38: {  	[sflag:s3] =	ssyncset.done $0x0;
	(pc) =	sbr.rel @p0 .LBB2_2-.Ltmp1, $4  }
0x39: {  	s10 =	sadd.s32 $0x4E80, s11;
	[sflag:s3] =	ssyncadd.s32 $0xFFFFE800  }
0x3a: {  	[spmem:s2] =	stream.indirect.scatter.add.f32 [tilespmem:s7], [sflag:$0x1], $0x30, s10, s6, $0xb8;
	[tilespmem:$0x14500] =	vst v63  }
0x3b: {  	_ =	swait.ge [sflag:s3], $0x1800  }
0x3c: {  	s10 =	smov.u32 s12;
	[sflag:s3] =	ssyncset.done $0x0  }
0x3d: {  	s9 =	sshra.s32 s9, $0x2;
	[sflag:s3] =	ssyncadd.s32 $0xFFFFE800  }
0x3e: {  	[tilespmem:s7], [sflag:$0x1] =	stream.indirect.gather [hbm4b:s8+s6], $0x30, s9, s6, $0xb8;
	[tilespmem:$0x14500] =	vst v63  }
0x3f: {  	_ =	swait.ge [sflag:s3], $0x1800  }
0x40: {  	[sflag:s3] =	ssyncset.done $0x0  }
0x41: {  	s28 =	sadd.s32 $0x4E80, s9;
	[sflag:s3] =	ssyncadd.s32 $0xFFFFE800  }
0x42: {  	[spmem:s2] =	stream.indirect.scatter.add.f32 [tilespmem:s7], [sflag:$0x1], $0x30, s28, s6, $0xb8;
	[tilespmem:$0x14500] =	vst v63  }
0x43: {  	_ =	swait.ge [sflag:s3], $0x1800  }
0x44: {  	[sflag:s3] =	ssyncset.done $0x0  }
0x45: {  	s29 =	sshll.u32 s1, $0x6;
	s30 =	sshrl.u32 s4, $0x3;
	[sflag:s3] =	ssyncadd.s32 $0xFFFFE800  }
0x46: {  	s31 =	simm.s32 $0x1;
	s2 =	sor.u32 $0x1C01, s29;
	[bflag:$0x0] =	sbarrier.arrive $0xFFFF  }
0x47: {  	[hbm:s5], [sflag:s2] =	dma.local [spmem:s30], $0xF00  }
0x48: {  	_ =	swait.ge [sflag:s31], $0xF00  }
0x49: {  	[sflag:s31] =	ssyncset.done $0x0  }
0x4a: {  	[sflag:s31] =	ssyncadd.s32 $0xFFFFF100  }
.LBB2_4:
0x4b: {  	_ =	sfence.sel $0x180000  }
0x4c: {  	[bflag:$0x0] =	sbarrier.arrive $0xFFFF  }
0x4d: {  	p0 =	sne.s32 s1, $0x0;
	_ =	strace $0x90000065  }
0x4e: {  	s0 =	sadd.s32 @!p0 $0x100000, s0;
	[bflag:$0x2] =	sbarrier.arrive $0xFFFF  }
0x4f: {  	[sflag:s0] =	ssyncadd.tile.s32 @!p0 $0x1;
	_ =	shalt  }
.Lfunc_end2:
_tile_overlayer_lowered:
.L_overlay_start_2:
0x50: {  	(tag) =	ssettag $0x2  }
0x51: {  	s0 =	rddreg [dreg:$0x0];
	s2 =	stileid.u32  }
0x52: {  	s1 =	rddreg [dreg:$0x1];
	p0 =	sne.s32 s2, $0x0  }
0x53: {  	s3 =	rddreg [dreg:$0x2];
	[bflag:$0x3] =	sbarrier.arrive $0xFFFF;
	s2 =	simm.s32 @!p0 $0x1C01  }
0x54: {  	[timem:s3], [sflag:s2] =	dma.local @!p0 [hbm:s0], s1  }
0x55: {  	s0 =	simm.s32 @!p0 $0x1  }
0x56: {  	_ =	swait.ge @!p0 [sflag:s0], s1  }
0x57: {  	s1 =	ssub.s32 @!p0 $0x0, s1;
	[sflag:s0] =	ssyncset.done @!p0 $0x0  }
0x58: {  	[sflag:s0] =	ssyncadd.s32 @!p0 s1  }
0x59: {  	[bflag:$0x3] =	sbarrier.arrive $0xFFFF  }
0x5a: {  	_ =	shalt  }

</sc_bundles>
